<compile_context>
chip_gen: v7x
topology: tpu7x:2x2x1
jax: 0.10.2.dev20260603
libtpu: 0.0.44.dev20260713+nightly
codegen_flags: <defaults>
</compile_context>

<pallas_src>
import jax
import jax.numpy as jnp
from jax import lax
from jax.experimental import pallas as pl
from jax.experimental.pallas import tpu as pltpu, tpu_sc as plsc

DIM = 64
VOCAB = 1000000
BATCH = 16384

_info = plsc.get_sparse_core_info()
_NC, _NS, _L = _info.num_cores, _info.num_subcores, _info.num_lanes
_NW = _NC * _NS
_BPW = BATCH // _NW
_HALF = _BPW // 2


def _body(target_hbm, context_hbm, emb_hbm, outtab_hbm, out_hbm,
          tidx_s, cidx_s, trows_v, crows_v, res_v, sem):
    wid = lax.axis_index("s") * _NC + lax.axis_index("c")
    base = wid * _BPW

    pltpu.sync_copy(target_hbm.at[pl.ds(base, _BPW)], tidx_s)
    pltpu.sync_copy(context_hbm.at[pl.ds(base, _BPW)], cidx_s)

    lane = lax.iota(jnp.int32, _L)

    for h in range(2):
        off = h * _HALF

        def fire(b, carry):
            tvec = tidx_s[pl.ds(off + b * _L, _L)]
            cvec = cidx_s[pl.ds(off + b * _L, _L)]
            for l in range(_L):
                it = tvec[l]
                ic = cvec[l]
                j = b * _L + l
                pltpu.async_copy(emb_hbm.at[pl.ds(it, 1), :],
                                 trows_v.at[pl.ds(j, 1), :], sem)
                pltpu.async_copy(outtab_hbm.at[pl.ds(ic, 1), :],
                                 crows_v.at[pl.ds(j, 1), :], sem)
            return carry

        lax.fori_loop(0, _HALF // _L, fire, 0)

        def drain(j, carry):
            pltpu.make_async_copy(emb_hbm.at[pl.ds(0, 1), :],
                                  trows_v.at[pl.ds(0, 1), :], sem).wait()
            pltpu.make_async_copy(outtab_hbm.at[pl.ds(0, 1), :],
                                  crows_v.at[pl.ds(0, 1), :], sem).wait()
            return carry

        lax.fori_loop(0, _HALF, drain, 0)

        def group(g, carry):
            row = g * _L + lane
            acc = jnp.zeros((_L,), jnp.float32)
            for d in range(DIM):
                col = jnp.full((_L,), d, jnp.int32)
                tv = plsc.load_gather(trows_v, [row, col])
                cv = plsc.load_gather(crows_v, [row, col])
                acc = acc + tv * cv
            res_v[pl.ds(off + g * _L, _L)] = acc
            return carry

        lax.fori_loop(0, _HALF // _L, group, 0)

    pltpu.sync_copy(res_v, out_hbm.at[pl.ds(base, _BPW)])


def kernel(target, context, embeddings, output):
    mesh = plsc.VectorSubcoreMesh(core_axis_name="c", subcore_axis_name="s")
    f = pl.kernel(
        _body,
        out_type=jax.ShapeDtypeStruct((BATCH,), jnp.float32),
        mesh=mesh,
        scratch_types=[
            pltpu.VMEM((_BPW,), jnp.int32),
            pltpu.VMEM((_BPW,), jnp.int32),
            pltpu.VMEM((_HALF, DIM), jnp.float32),
            pltpu.VMEM((_HALF, DIM), jnp.float32),
            pltpu.VMEM((_BPW,), jnp.float32),
            pltpu.SemaphoreType.DMA,
        ],
        compiler_params=pltpu.CompilerParams(needs_layout_passes=False),
    )
    return f(target.astype(jnp.int32), context.astype(jnp.int32),
             embeddings, output)

# --- scband reference (transcript-rebuilt; emitter-appended) ---
"""Pipeline reference for scband-skip-gram-model-292057776647 (READ-ONLY COPY).

The authoritative reference and input builder live on the scoring server;
editing this copy changes nothing except your own understanding.
"""

import jax, jax.numpy as jnp
import numpy as np

VOCAB = 1000000
DIM = 64
BATCH = 16384

def setup_inputs(seed: int = 0) -> dict:
    key = jax.random.key(seed)
    k1, k2, k3, k4 = jax.random.split(key, 4)
    target = jax.random.randint(k1, (BATCH,), 0, VOCAB, dtype=jnp.int64) if jax.config.jax_enable_x64 else jax.random.randint(k1, (BATCH,), 0, VOCAB, dtype=jnp.int32)
    context = jax.random.randint(k2, (BATCH,), 0, VOCAB, dtype=jnp.int64) if jax.config.jax_enable_x64 else jax.random.randint(k2, (BATCH,), 0, VOCAB, dtype=jnp.int32)
    embeddings = jax.random.normal(k3, (VOCAB, DIM), dtype=jnp.float32)
    output = jax.random.normal(k4, (VOCAB, DIM), dtype=jnp.float32)
    return {"target": target, "context": context, "embeddings": embeddings, "output": output}

def reference(target, context, embeddings, output):
    # SkipGram forward: dot product of input-embedding(target) and output-embedding(context)
    target_emb = jnp.take(embeddings, target, axis=0)   # [B, D]
    context_emb = jnp.take(output, context, axis=0)     # [B, D]
    return jnp.sum(target_emb * context_emb, axis=1)    # [B]

if __name__ == "__main__":
    import jax
    _d = setup_inputs()
    print(jax.jit(kernel)(*tuple(_d.values())))

</pallas_src>

<mosaic_0001>
#map = affine_map<(d0, d1) -> (0)>
#map1 = affine_map<(d0, d1) -> (0, 0)>
module attributes {stable_mosaic.version = 14 : i64} {
  func.func @_body(%arg0: i32, %arg1: i32, %arg2: memref<16384xi32, #tpu.memory_space<hbm>>, %arg3: memref<16384xi32, #tpu.memory_space<hbm>>, %arg4: memref<1000000x64xf32, #tpu.memory_space<hbm>>, %arg5: memref<1000000x64xf32, #tpu.memory_space<hbm>>, %arg6: memref<16384xf32, #tpu.memory_space<hbm>>, %arg7: memref<512xi32, #tpu.memory_space<vmem>>, %arg8: memref<512xi32, #tpu.memory_space<vmem>>, %arg9: memref<256x64xf32, #tpu.memory_space<vmem>>, %arg10: memref<256x64xf32, #tpu.memory_space<vmem>>, %arg11: memref<512xf32, #tpu.memory_space<vmem>>, %arg12: memref<!tpu.dma_semaphore, #tpu.memory_space<semaphore_mem>>) attributes {dimension_semantics = [#tpu.dimension_semantics<core_parallel>, #tpu.dimension_semantics<subcore_parallel>], iteration_bounds = array<i64: 2, 16>, scalar_prefetch = 0 : i64, scratch_operands = 6 : i64, tpu.core_type = #tpu.core_type<sc_vector_subcore>, window_params = [{transform_indices = #map}, {transform_indices = #map}, {transform_indices = #map1}, {transform_indices = #map1}, {transform_indices = #map}]} {
    %mul3A = arith.constant 2 : i32
    %mul3A_0 = arith.muli %arg1, %mul3A : i32
    %add3A = arith.addi %mul3A_0, %arg0 : i32
    %mul3A_1 = arith.constant 512 : i32
    %mul3A_2 = arith.muli %add3A, %mul3A_1 : i32
    "tpu.region"() ({
      %run_scoped3A = tpu.sem_alloc : memref<!tpu.dma_semaphore, #tpu.memory_space<semaphore_mem>>
      %dma_start3A = tpu.memref_slice %arg2[%mul3A_2] : memref<16384xi32, #tpu.memory_space<hbm>> -> memref<512xi32, #tpu.memory_space<hbm>>
      %dma_start3A_38 = tpu.memref_slice %arg2[%mul3A_2] : memref<16384xi32, #tpu.memory_space<hbm>> -> memref<512xi32, #tpu.memory_space<hbm>>
      tpu.enqueue_dma source(%dma_start3A_38 : memref<512xi32, #tpu.memory_space<hbm>>) target(%arg7 : memref<512xi32, #tpu.memory_space<vmem>>) target_semaphore(%run_scoped3A : memref<!tpu.dma_semaphore, #tpu.memory_space<semaphore_mem>>)
      %dma_wait3A = tpu.memref_slice %arg2[%mul3A_2] : memref<16384xi32, #tpu.memory_space<hbm>> -> memref<512xi32, #tpu.memory_space<hbm>>
      %dma_wait3A_39 = tpu.memref_slice %arg2[%mul3A_2] : memref<16384xi32, #tpu.memory_space<hbm>> -> memref<512xi32, #tpu.memory_space<hbm>>
      tpu.wait_dma2 semaphore(%run_scoped3A : memref<!tpu.dma_semaphore, #tpu.memory_space<semaphore_mem>>) src(%dma_wait3A_39 : memref<512xi32, #tpu.memory_space<hbm>>) dst(%arg7 : memref<512xi32, #tpu.memory_space<vmem>>)
      tpu.yield
    }) : () -> ()
    "tpu.region"() ({
      %run_scoped3A = tpu.sem_alloc : memref<!tpu.dma_semaphore, #tpu.memory_space<semaphore_mem>>
      %dma_start3A = tpu.memref_slice %arg3[%mul3A_2] : memref<16384xi32, #tpu.memory_space<hbm>> -> memref<512xi32, #tpu.memory_space<hbm>>
      %dma_start3A_38 = tpu.memref_slice %arg3[%mul3A_2] : memref<16384xi32, #tpu.memory_space<hbm>> -> memref<512xi32, #tpu.memory_space<hbm>>
      tpu.enqueue_dma source(%dma_start3A_38 : memref<512xi32, #tpu.memory_space<hbm>>) target(%arg8 : memref<512xi32, #tpu.memory_space<vmem>>) target_semaphore(%run_scoped3A : memref<!tpu.dma_semaphore, #tpu.memory_space<semaphore_mem>>)
      %dma_wait3A = tpu.memref_slice %arg3[%mul3A_2] : memref<16384xi32, #tpu.memory_space<hbm>> -> memref<512xi32, #tpu.memory_space<hbm>>
      %dma_wait3A_39 = tpu.memref_slice %arg3[%mul3A_2] : memref<16384xi32, #tpu.memory_space<hbm>> -> memref<512xi32, #tpu.memory_space<hbm>>
      tpu.wait_dma2 semaphore(%run_scoped3A : memref<!tpu.dma_semaphore, #tpu.memory_space<semaphore_mem>>) src(%dma_wait3A_39 : memref<512xi32, #tpu.memory_space<hbm>>) dst(%arg8 : memref<512xi32, #tpu.memory_space<vmem>>)
      tpu.yield
    }) : () -> ()
    %iota3A = tpu.iota {dimensions = array<i32: 0>} : vector<16xi32>
    %scan3A = arith.constant 0 : i32
    %scan3A_3 = arith.constant 0 : i32
    %scan3A_4 = arith.constant 16 : i32
    %scan3A_5 = arith.addi %scan3A_3, %scan3A_4 : i32
    %scan3A_6 = arith.constant 1 : i32
    scf.for %scan3A_38 = %scan3A_3 to %scan3A_5 step %scan3A_6  : i32 {
      %mul3A_39 = arith.constant 16 : i32
      %mul3A_40 = arith.muli %scan3A_38, %mul3A_39 : i32
      %add3A_41 = arith.constant 0 : i32
      %add3A_42 = arith.addi %add3A_41, %mul3A_40 : i32
      %get3A = arith.index_cast %add3A_42 : i32 to index
      %get3A_43 = tpu.vector_load %arg7[%get3A] {strides = array<i32>} : memref<512xi32, #tpu.memory_space<vmem>>, vector<16xi32>,
      %mul3A_44 = arith.constant 16 : i32
      %mul3A_45 = arith.muli %scan3A_38, %mul3A_44 : i32
      %add3A_46 = arith.constant 0 : i32
      %add3A_47 = arith.addi %add3A_46, %mul3A_45 : i32
      %get3A_48 = arith.index_cast %add3A_47 : i32 to index
      %get3A_49 = tpu.vector_load %arg8[%get3A_48] {strides = array<i32>} : memref<512xi32, #tpu.memory_space<vmem>>, vector<16xi32>,
      %slice3A = vector.extract_strided_slice %get3A_43 {offsets = [0], sizes = [1], strides = [1]} : vector<16xi32> to vector<1xi32>
      %squeeze3A = vector.extract %slice3A[0] : i32 from vector<1xi32>
      %slice3A_50 = vector.extract_strided_slice %get3A_49 {offsets = [0], sizes = [1], strides = [1]} : vector<16xi32> to vector<1xi32>
      %squeeze3A_51 = vector.extract %slice3A_50[0] : i32 from vector<1xi32>
      %mul3A_52 = arith.constant 16 : i32
      %mul3A_53 = arith.muli %scan3A_38, %mul3A_52 : i32
      %add3A_54 = arith.constant 0 : i32
      %add3A_55 = arith.addi %mul3A_53, %add3A_54 : i32
      %dma_start3A = arith.constant 0 : i32
      %dma_start3A_56 = tpu.memref_slice %arg9[%add3A_55, %dma_start3A] : memref<256x64xf32, #tpu.memory_space<vmem>> -> memref<1x64xf32, #tpu.memory_space<vmem>>
      %dma_start3A_57 = arith.constant 0 : i32
      %dma_start3A_58 = tpu.memref_slice %arg4[%squeeze3A, %dma_start3A_57] : memref<1000000x64xf32, #tpu.memory_space<hbm>> -> memref<1x64xf32, #tpu.memory_space<hbm>>
      %dma_start3A_59 = arith.constant 0 : i32
      %dma_start3A_60 = tpu.memref_slice %arg9[%add3A_55, %dma_start3A_59] : memref<256x64xf32, #tpu.memory_space<vmem>> -> memref<1x64xf32, #tpu.memory_space<vmem>>
      %dma_start3A_61 = arith.constant 0 : i32
      %dma_start3A_62 = tpu.memref_slice %arg4[%squeeze3A, %dma_start3A_61] : memref<1000000x64xf32, #tpu.memory_space<hbm>> -> memref<1x64xf32, #tpu.memory_space<hbm>>
      tpu.enqueue_dma source(%dma_start3A_62 : memref<1x64xf32, #tpu.memory_space<hbm>>) target(%dma_start3A_60 : memref<1x64xf32, #tpu.memory_space<vmem>>) target_semaphore(%arg12 : memref<!tpu.dma_semaphore, #tpu.memory_space<semaphore_mem>>)
      %dma_start3A_63 = arith.constant 0 : i32
      %dma_start3A_64 = tpu.memref_slice %arg10[%add3A_55, %dma_start3A_63] : memref<256x64xf32, #tpu.memory_space<vmem>> -> memref<1x64xf32, #tpu.memory_space<vmem>>
      %dma_start3A_65 = arith.constant 0 : i32
      %dma_start3A_66 = tpu.memref_slice %arg5[%squeeze3A_51, %dma_start3A_65] : memref<1000000x64xf32, #tpu.memory_space<hbm>> -> memref<1x64xf32, #tpu.memory_space<hbm>>
      %dma_start3A_67 = arith.constant 0 : i32
      %dma_start3A_68 = tpu.memref_slice %arg10[%add3A_55, %dma_start3A_67] : memref<256x64xf32, #tpu.memory_space<vmem>> -> memref<1x64xf32, #tpu.memory_space<vmem>>
      %dma_start3A_69 = arith.constant 0 : i32
      %dma_start3A_70 = tpu.memref_slice %arg5[%squeeze3A_51, %dma_start3A_69] : memref<1000000x64xf32, #tpu.memory_space<hbm>> -> memref<1x64xf32, #tpu.memory_space<hbm>>
      tpu.enqueue_dma source(%dma_start3A_70 : memref<1x64xf32, #tpu.memory_space<hbm>>) target(%dma_start3A_68 : memref<1x64xf32, #tpu.memory_space<vmem>>) target_semaphore(%arg12 : memref<!tpu.dma_semaphore, #tpu.memory_space<semaphore_mem>>)
      %slice3A_71 = vector.extract_strided_slice %get3A_43 {offsets = [1], sizes = [1], strides = [1]} : vector<16xi32> to vector<1xi32>
      %squeeze3A_72 = vector.extract %slice3A_71[0] : i32 from vector<1xi32>
      %slice3A_73 = vector.extract_strided_slice %get3A_49 {offsets = [1], sizes = [1], strides = [1]} : vector<16xi32> to vector<1xi32>
      %squeeze3A_74 = vector.extract %slice3A_73[0] : i32 from vector<1xi32>
      %mul3A_75 = arith.constant 16 : i32
      %mul3A_76 = arith.muli %scan3A_38, %mul3A_75 : i32
      %add3A_77 = arith.constant 1 : i32
      %add3A_78 = arith.addi %mul3A_76, %add3A_77 : i32
      %dma_start3A_79 = arith.constant 0 : i32
      %dma_start3A_80 = tpu.memref_slice %arg9[%add3A_78, %dma_start3A_79] : memref<256x64xf32, #tpu.memory_space<vmem>> -> memref<1x64xf32, #tpu.memory_space<vmem>>
      %dma_start3A_81 = arith.constant 0 : i32
      %dma_start3A_82 = tpu.memref_slice %arg4[%squeeze3A_72, %dma_start3A_81] : memref<1000000x64xf32, #tpu.memory_space<hbm>> -> memref<1x64xf32, #tpu.memory_space<hbm>>
      %dma_start3A_83 = arith.constant 0 : i32
      %dma_start3A_84 = tpu.memref_slice %arg9[%add3A_78, %dma_start3A_83] : memref<256x64xf32, #tpu.memory_space<vmem>> -> memref<1x64xf32, #tpu.memory_space<vmem>>
      %dma_start3A_85 = arith.constant 0 : i32
      %dma_start3A_86 = tpu.memref_slice %arg4[%squeeze3A_72, %dma_start3A_85] : memref<1000000x64xf32, #tpu.memory_space<hbm>> -> memref<1x64xf32, #tpu.memory_space<hbm>>
      tpu.enqueue_dma source(%dma_start3A_86 : memref<1x64xf32, #tpu.memory_space<hbm>>) target(%dma_start3A_84 : memref<1x64xf32, #tpu.memory_space<vmem>>) target_semaphore(%arg12 : memref<!tpu.dma_semaphore, #tpu.memory_space<semaphore_mem>>)
      %dma_start3A_87 = arith.constant 0 : i32
      %dma_start3A_88 = tpu.memref_slice %arg10[%add3A_78, %dma_start3A_87] : memref<256x64xf32, #tpu.memory_space<vmem>> -> memref<1x64xf32, #tpu.memory_space<vmem>>
      %dma_start3A_89 = arith.constant 0 : i32
      %dma_start3A_90 = tpu.memref_slice %arg5[%squeeze3A_74, %dma_start3A_89] : memref<1000000x64xf32, #tpu.memory_space<hbm>> -> memref<1x64xf32, #tpu.memory_space<hbm>>
      %dma_start3A_91 = arith.constant 0 : i32
      %dma_start3A_92 = tpu.memref_slice %arg10[%add3A_78, %dma_start3A_91] : memref<256x64xf32, #tpu.memory_space<vmem>> -> memref<1x64xf32, #tpu.memory_space<vmem>>
      %dma_start3A_93 = arith.constant 0 : i32
      %dma_start3A_94 = tpu.memref_slice %arg5[%squeeze3A_74, %dma_start3A_93] : memref<1000000x64xf32, #tpu.memory_space<hbm>> -> memref<1x64xf32, #tpu.memory_space<hbm>>
      tpu.enqueue_dma source(%dma_start3A_94 : memref<1x64xf32, #tpu.memory_space<hbm>>) target(%dma_start3A_92 : memref<1x64xf32, #tpu.memory_space<vmem>>) target_semaphore(%arg12 : memref<!tpu.dma_semaphore, #tpu.memory_space<semaphore_mem>>)
      %slice3A_95 = vector.extract_strided_slice %get3A_43 {offsets = [2], sizes = [1], strides = [1]} : vector<16xi32> to vector<1xi32>
      %squeeze3A_96 = vector.extract %slice3A_95[0] : i32 from vector<1xi32>
      %slice3A_97 = vector.extract_strided_slice %get3A_49 {offsets = [2], sizes = [1], strides = [1]} : vector<16xi32> to vector<1xi32>
      %squeeze3A_98 = vector.extract %slice3A_97[0] : i32 from vector<1xi32>
      %mul3A_99 = arith.constant 16 : i32
      %mul3A_100 = arith.muli %scan3A_38, %mul3A_99 : i32
      %add3A_101 = arith.constant 2 : i32
      %add3A_102 = arith.addi %mul3A_100, %add3A_101 : i32
      %dma_start3A_103 = arith.constant 0 : i32
      %dma_start3A_104 = tpu.memref_slice %arg9[%add3A_102, %dma_start3A_103] : memref<256x64xf32, #tpu.memory_space<vmem>> -> memref<1x64xf32, #tpu.memory_space<vmem>>
      %dma_start3A_105 = arith.constant 0 : i32
      %dma_start3A_106 = tpu.memref_slice %arg4[%squeeze3A_96, %dma_start3A_105] : memref<1000000x64xf32, #tpu.memory_space<hbm>> -> memref<1x64xf32, #tpu.memory_space<hbm>>
      %dma_start3A_107 = arith.constant 0 : i32
      %dma_start3A_108 = tpu.memref_slice %arg9[%add3A_102, %dma_start3A_107] : memref<256x64xf32, #tpu.memory_space<vmem>> -> memref<1x64xf32, #tpu.memory_space<vmem>>
      %dma_start3A_109 = arith.constant 0 : i32
      %dma_start3A_110 = tpu.memref_slice %arg4[%squeeze3A_96, %dma_start3A_109] : memref<1000000x64xf32, #tpu.memory_space<hbm>> -> memref<1x64xf32, #tpu.memory_space<hbm>>
      tpu.enqueue_dma source(%dma_start3A_110 : memref<1x64xf32, #tpu.memory_space<hbm>>) target(%dma_start3A_108 : memref<1x64xf32, #tpu.memory_space<vmem>>) target_semaphore(%arg12 : memref<!tpu.dma_semaphore, #tpu.memory_space<semaphore_mem>>)
      %dma_start3A_111 = arith.constant 0 : i32
      %dma_start3A_112 = tpu.memref_slice %arg10[%add3A_102, %dma_start3A_111] : memref<256x64xf32, #tpu.memory_space<vmem>> -> memref<1x64xf32, #tpu.memory_space<vmem>>
      %dma_start3A_113 = arith.constant 0 : i32
      %dma_start3A_114 = tpu.memref_slice %arg5[%squeeze3A_98, %dma_start3A_113] : memref<1000000x64xf32, #tpu.memory_space<hbm>> -> memref<1x64xf32, #tpu.memory_space<hbm>>
      %dma_start3A_115 = arith.constant 0 : i32
      %dma_start3A_116 = tpu.memref_slice %arg10[%add3A_102, %dma_start3A_115] : memref<256x64xf32, #tpu.memory_space<vmem>> -> memref<1x64xf32, #tpu.memory_space<vmem>>
      %dma_start3A_117 = arith.constant 0 : i32
      %dma_start3A_118 = tpu.memref_slice %arg5[%squeeze3A_98, %dma_start3A_117] : memref<1000000x64xf32, #tpu.memory_space<hbm>> -> memref<1x64xf32, #tpu.memory_space<hbm>>
      tpu.enqueue_dma source(%dma_start3A_118 : memref<1x64xf32, #tpu.memory_space<hbm>>) target(%dma_start3A_116 : memref<1x64xf32, #tpu.memory_space<vmem>>) target_semaphore(%arg12 : memref<!tpu.dma_semaphore, #tpu.memory_space<semaphore_mem>>)
      %slice3A_119 = vector.extract_strided_slice %get3A_43 {offsets = [3], sizes = [1], strides = [1]} : vector<16xi32> to vector<1xi32>
      %squeeze3A_120 = vector.extract %slice3A_119[0] : i32 from vector<1xi32>
      %slice3A_121 = vector.extract_strided_slice %get3A_49 {offsets = [3], sizes = [1], strides = [1]} : vector<16xi32> to vector<1xi32>
      %squeeze3A_122 = vector.extract %slice3A_121[0] : i32 from vector<1xi32>
      %mul3A_123 = arith.constant 16 : i32
      %mul3A_124 = arith.muli %scan3A_38, %mul3A_123 : i32
      %add3A_125 = arith.constant 3 : i32
      %add3A_126 = arith.addi %mul3A_124, %add3A_125 : i32
      %dma_start3A_127 = arith.constant 0 : i32
      %dma_start3A_128 = tpu.memref_slice %arg9[%add3A_126, %dma_start3A_127] : memref<256x64xf32, #tpu.memory_space<vmem>> -> memref<1x64xf32, #tpu.memory_space<vmem>>
      %dma_start3A_129 = arith.constant 0 : i32
      %dma_start3A_130 = tpu.memref_slice %arg4[%squeeze3A_120, %dma_start3A_129] : memref<1000000x64xf32, #tpu.memory_space<hbm>> -> memref<1x64xf32, #tpu.memory_space<hbm>>
      %dma_start3A_131 = arith.constant 0 : i32
      %dma_start3A_132 = tpu.memref_slice %arg9[%add3A_126, %dma_start3A_131] : memref<256x64xf32, #tpu.memory_space<vmem>> -> memref<1x64xf32, #tpu.memory_space<vmem>>
      %dma_start3A_133 = arith.constant 0 : i32
      %dma_start3A_134 = tpu.memref_slice %arg4[%squeeze3A_120, %dma_start3A_133] : memref<1000000x64xf32, #tpu.memory_space<hbm>> -> memref<1x64xf32, #tpu.memory_space<hbm>>
      tpu.enqueue_dma source(%dma_start3A_134 : memref<1x64xf32, #tpu.memory_space<hbm>>) target(%dma_start3A_132 : memref<1x64xf32, #tpu.memory_space<vmem>>) target_semaphore(%arg12 : memref<!tpu.dma_semaphore, #tpu.memory_space<semaphore_mem>>)
      %dma_start3A_135 = arith.constant 0 : i32
      %dma_start3A_136 = tpu.memref_slice %arg10[%add3A_126, %dma_start3A_135] : memref<256x64xf32, #tpu.memory_space<vmem>> -> memref<1x64xf32, #tpu.memory_space<vmem>>
      %dma_start3A_137 = arith.constant 0 : i32
      %dma_start3A_138 = tpu.memref_slice %arg5[%squeeze3A_122, %dma_start3A_137] : memref<1000000x64xf32, #tpu.memory_space<hbm>> -> memref<1x64xf32, #tpu.memory_space<hbm>>
      %dma_start3A_139 = arith.constant 0 : i32
      %dma_start3A_140 = tpu.memref_slice %arg10[%add3A_126, %dma_start3A_139] : memref<256x64xf32, #tpu.memory_space<vmem>> -> memref<1x64xf32, #tpu.memory_space<vmem>>
      %dma_start3A_141 = arith.constant 0 : i32
      %dma_start3A_142 = tpu.memref_slice %arg5[%squeeze3A_122, %dma_start3A_141] : memref<1000000x64xf32, #tpu.memory_space<hbm>> -> memref<1x64xf32, #tpu.memory_space<hbm>>
      tpu.enqueue_dma source(%dma_start3A_142 : memref<1x64xf32, #tpu.memory_space<hbm>>) target(%dma_start3A_140 : memref<1x64xf32, #tpu.memory_space<vmem>>) target_semaphore(%arg12 : memref<!tpu.dma_semaphore, #tpu.memory_space<semaphore_mem>>)
      %slice3A_143 = vector.extract_strided_slice %get3A_43 {offsets = [4], sizes = [1], strides = [1]} : vector<16xi32> to vector<1xi32>
      %squeeze3A_144 = vector.extract %slice3A_143[0] : i32 from vector<1xi32>
      %slice3A_145 = vector.extract_strided_slice %get3A_49 {offsets = [4], sizes = [1], strides = [1]} : vector<16xi32> to vector<1xi32>
      %squeeze3A_146 = vector.extract %slice3A_145[0] : i32 from vector<1xi32>
      %mul3A_147 = arith.constant 16 : i32
      %mul3A_148 = arith.muli %scan3A_38, %mul3A_147 : i32
      %add3A_149 = arith.constant 4 : i32
      %add3A_150 = arith.addi %mul3A_148, %add3A_149 : i32
      %dma_start3A_151 = arith.constant 0 : i32
      %dma_start3A_152 = tpu.memref_slice %arg9[%add3A_150, %dma_start3A_151] : memref<256x64xf32, #tpu.memory_space<vmem>> -> memref<1x64xf32, #tpu.memory_space<vmem>>
      %dma_start3A_153 = arith.constant 0 : i32
      %dma_start3A_154 = tpu.memref_slice %arg4[%squeeze3A_144, %dma_start3A_153] : memref<1000000x64xf32, #tpu.memory_space<hbm>> -> memref<1x64xf32, #tpu.memory_space<hbm>>
      %dma_start3A_155 = arith.constant 0 : i32
      %dma_start3A_156 = tpu.memref_slice %arg9[%add3A_150, %dma_start3A_155] : memref<256x64xf32, #tpu.memory_space<vmem>> -> memref<1x64xf32, #tpu.memory_space<vmem>>
      %dma_start3A_157 = arith.constant 0 : i32
      %dma_start3A_158 = tpu.memref_slice %arg4[%squeeze3A_144, %dma_start3A_157] : memref<1000000x64xf32, #tpu.memory_space<hbm>> -> memref<1x64xf32, #tpu.memory_space<hbm>>
      tpu.enqueue_dma source(%dma_start3A_158 : memref<1x64xf32, #tpu.memory_space<hbm>>) target(%dma_start3A_156 : memref<1x64xf32, #tpu.memory_space<vmem>>) target_semaphore(%arg12 : memref<!tpu.dma_semaphore, #tpu.memory_space<semaphore_mem>>)
      %dma_start3A_159 = arith.constant 0 : i32
      %dma_start3A_160 = tpu.memref_slice %arg10[%add3A_150, %dma_start3A_159] : memref<256x64xf32, #tpu.memory_space<vmem>> -> memref<1x64xf32, #tpu.memory_space<vmem>>
      %dma_start3A_161 = arith.constant 0 : i32
      %dma_start3A_162 = tpu.memref_slice %arg5[%squeeze3A_146, %dma_start3A_161] : memref<1000000x64xf32, #tpu.memory_space<hbm>> -> memref<1x64xf32, #tpu.memory_space<hbm>>
      %dma_start3A_163 = arith.constant 0 : i32
      %dma_start3A_164 = tpu.memref_slice %arg10[%add3A_150, %dma_start3A_163] : memref<256x64xf32, #tpu.memory_space<vmem>> -> memref<1x64xf32, #tpu.memory_space<vmem>>
      %dma_start3A_165 = arith.constant 0 : i32
      %dma_start3A_166 = tpu.memref_slice %arg5[%squeeze3A_146, %dma_start3A_165] : memref<1000000x64xf32, #tpu.memory_space<hbm>> -> memref<1x64xf32, #tpu.memory_space<hbm>>
      tpu.enqueue_dma source(%dma_start3A_166 : memref<1x64xf32, #tpu.memory_space<hbm>>) target(%dma_start3A_164 : memref<1x64xf32, #tpu.memory_space<vmem>>) target_semaphore(%arg12 : memref<!tpu.dma_semaphore, #tpu.memory_space<semaphore_mem>>)
      %slice3A_167 = vector.extract_strided_slice %get3A_43 {offsets = [5], sizes = [1], strides = [1]} : vector<16xi32> to vector<1xi32>
      %squeeze3A_168 = vector.extract %slice3A_167[0] : i32 from vector<1xi32>
      %slice3A_169 = vector.extract_strided_slice %get3A_49 {offsets = [5], sizes = [1], strides = [1]} : vector<16xi32> to vector<1xi32>
      %squeeze3A_170 = vector.extract %slice3A_169[0] : i32 from vector<1xi32>
      %mul3A_171 = arith.constant 16 : i32
      %mul3A_172 = arith.muli %scan3A_38, %mul3A_171 : i32
      %add3A_173 = arith.constant 5 : i32
      %add3A_174 = arith.addi %mul3A_172, %add3A_173 : i32
      %dma_start3A_175 = arith.constant 0 : i32
      %dma_start3A_176 = tpu.memref_slice %arg9[%add3A_174, %dma_start3A_175] : memref<256x64xf32, #tpu.memory_space<vmem>> -> memref<1x64xf32, #tpu.memory_space<vmem>>
      %dma_start3A_177 = arith.constant 0 : i32
      %dma_start3A_178 = tpu.memref_slice %arg4[%squeeze3A_168, %dma_start3A_177] : memref<1000000x64xf32, #tpu.memory_space<hbm>> -> memref<1x64xf32, #tpu.memory_space<hbm>>
      %dma_start3A_179 = arith.constant 0 : i32
      %dma_start3A_180 = tpu.memref_slice %arg9[%add3A_174, %dma_start3A_179] : memref<256x64xf32, #tpu.memory_space<vmem>> -> memref<1x64xf32, #tpu.memory_space<vmem>>
      %dma_start3A_181 = arith.constant 0 : i32
      %dma_start3A_182 = tpu.memref_slice %arg4[%squeeze3A_168, %dma_start3A_181] : memref<1000000x64xf32, #tpu.memory_space<hbm>> -> memref<1x64xf32, #tpu.memory_space<hbm>>
      tpu.enqueue_dma source(%dma_start3A_182 : memref<1x64xf32, #tpu.memory_space<hbm>>) target(%dma_start3A_180 : memref<1x64xf32, #tpu.memory_space<vmem>>) target_semaphore(%arg12 : memref<!tpu.dma_semaphore, #tpu.memory_space<semaphore_mem>>)
      %dma_start3A_183 = arith.constant 0 : i32
      %dma_start3A_184 = tpu.memref_slice %arg10[%add3A_174, %dma_start3A_183] : memref<256x64xf32, #tpu.memory_space<vmem>> -> memref<1x64xf32, #tpu.memory_space<vmem>>
      %dma_start3A_185 = arith.constant 0 : i32
      %dma_start3A_186 = tpu.memref_slice %arg5[%squeeze3A_170, %dma_start3A_185] : memref<1000000x64xf32, #tpu.memory_space<hbm>> -> memref<1x64xf32, #tpu.memory_space<hbm>>
      %dma_start3A_187 = arith.constant 0 : i32
      %dma_start3A_188 = tpu.memref_slice %arg10[%add3A_174, %dma_start3A_187] : memref<256x64xf32, #tpu.memory_space<vmem>> -> memref<1x64xf32, #tpu.memory_space<vmem>>
      %dma_start3A_189 = arith.constant 0 : i32
      %dma_start3A_190 = tpu.memref_slice %arg5[%squeeze3A_170, %dma_start3A_189] : memref<1000000x64xf32, #tpu.memory_space<hbm>> -> memref<1x64xf32, #tpu.memory_space<hbm>>
      tpu.enqueue_dma source(%dma_start3A_190 : memref<1x64xf32, #tpu.memory_space<hbm>>) target(%dma_start3A_188 : memref<1x64xf32, #tpu.memory_space<vmem>>) target_semaphore(%arg12 : memref<!tpu.dma_semaphore, #tpu.memory_space<semaphore_mem>>)
      %slice3A_191 = vector.extract_strided_slice %get3A_43 {offsets = [6], sizes = [1], strides = [1]} : vector<16xi32> to vector<1xi32>
      %squeeze3A_192 = vector.extract %slice3A_191[0] : i32 from vector<1xi32>
      %slice3A_193 = vector.extract_strided_slice %get3A_49 {offsets = [6], sizes = [1], strides = [1]} : vector<16xi32> to vector<1xi32>
      %squeeze3A_194 = vector.extract %slice3A_193[0] : i32 from vector<1xi32>
      %mul3A_195 = arith.constant 16 : i32
      %mul3A_196 = arith.muli %scan3A_38, %mul3A_195 : i32
      %add3A_197 = arith.constant 6 : i32
      %add3A_198 = arith.addi %mul3A_196, %add3A_197 : i32
      %dma_start3A_199 = arith.constant 0 : i32
      %dma_start3A_200 = tpu.memref_slice %arg9[%add3A_198, %dma_start3A_199] : memref<256x64xf32, #tpu.memory_space<vmem>> -> memref<1x64xf32, #tpu.memory_space<vmem>>
      %dma_start3A_201 = arith.constant 0 : i32
      %dma_start3A_202 = tpu.memref_slice %arg4[%squeeze3A_192, %dma_start3A_201] : memref<1000000x64xf32, #tpu.memory_space<hbm>> -> memref<1x64xf32, #tpu.memory_space<hbm>>
      %dma_start3A_203 = arith.constant 0 : i32
      %dma_start3A_204 = tpu.memref_slice %arg9[%add3A_198, %dma_start3A_203] : memref<256x64xf32, #tpu.memory_space<vmem>> -> memref<1x64xf32, #tpu.memory_space<vmem>>
      %dma_start3A_205 = arith.constant 0 : i32
      %dma_start3A_206 = tpu.memref_slice %arg4[%squeeze3A_192, %dma_start3A_205] : memref<1000000x64xf32, #tpu.memory_space<hbm>> -> memref<1x64xf32, #tpu.memory_space<hbm>>
      tpu.enqueue_dma source(%dma_start3A_206 : memref<1x64xf32, #tpu.memory_space<hbm>>) target(%dma_start3A_204 : memref<1x64xf32, #tpu.memory_space<vmem>>) target_semaphore(%arg12 : memref<!tpu.dma_semaphore, #tpu.memory_space<semaphore_mem>>)
      %dma_start3A_207 = arith.constant 0 : i32
      %dma_start3A_208 = tpu.memref_slice %arg10[%add3A_198, %dma_start3A_207] : memref<256x64xf32, #tpu.memory_space<vmem>> -> memref<1x64xf32, #tpu.memory_space<vmem>>
      %dma_start3A_209 = arith.constant 0 : i32
      %dma_start3A_210 = tpu.memref_slice %arg5[%squeeze3A_194, %dma_start3A_209] : memref<1000000x64xf32, #tpu.memory_space<hbm>> -> memref<1x64xf32, #tpu.memory_space<hbm>>
      %dma_start3A_211 = arith.constant 0 : i32
      %dma_start3A_212 = tpu.memref_slice %arg10[%add3A_198, %dma_start3A_211] : memref<256x64xf32, #tpu.memory_space<vmem>> -> memref<1x64xf32, #tpu.memory_space<vmem>>
      %dma_start3A_213 = arith.constant 0 : i32
      %dma_start3A_214 = tpu.memref_slice %arg5[%squeeze3A_194, %dma_start3A_213] : memref<1000000x64xf32, #tpu.memory_space<hbm>> -> memref<1x64xf32, #tpu.memory_space<hbm>>
      tpu.enqueue_dma source(%dma_start3A_214 : memref<1x64xf32, #tpu.memory_space<hbm>>) target(%dma_start3A_212 : memref<1x64xf32, #tpu.memory_space<vmem>>) target_semaphore(%arg12 : memref<!tpu.dma_semaphore, #tpu.memory_space<semaphore_mem>>)
      %slice3A_215 = vector.extract_strided_slice %get3A_43 {offsets = [7], sizes = [1], strides = [1]} : vector<16xi32> to vector<1xi32>
      %squeeze3A_216 = vector.extract %slice3A_215[0] : i32 from vector<1xi32>
      %slice3A_217 = vector.extract_strided_slice %get3A_49 {offsets = [7], sizes = [1], strides = [1]} : vector<16xi32> to vector<1xi32>
      %squeeze3A_218 = vector.extract %slice3A_217[0] : i32 from vector<1xi32>
      %mul3A_219 = arith.constant 16 : i32
      %mul3A_220 = arith.muli %scan3A_38, %mul3A_219 : i32
      %add3A_221 = arith.constant 7 : i32
      %add3A_222 = arith.addi %mul3A_220, %add3A_221 : i32
      %dma_start3A_223 = arith.constant 0 : i32
      %dma_start3A_224 = tpu.memref_slice %arg9[%add3A_222, %dma_start3A_223] : memref<256x64xf32, #tpu.memory_space<vmem>> -> memref<1x64xf32, #tpu.memory_space<vmem>>
      %dma_start3A_225 = arith.constant 0 : i32
      %dma_start3A_226 = tpu.memref_slice %arg4[%squeeze3A_216, %dma_start3A_225] : memref<1000000x64xf32, #tpu.memory_space<hbm>> -> memref<1x64xf32, #tpu.memory_space<hbm>>
      %dma_start3A_227 = arith.constant 0 : i32
      %dma_start3A_228 = tpu.memref_slice %arg9[%add3A_222, %dma_start3A_227] : memref<256x64xf32, #tpu.memory_space<vmem>> -> memref<1x64xf32, #tpu.memory_space<vmem>>
      %dma_start3A_229 = arith.constant 0 : i32
      %dma_start3A_230 = tpu.memref_slice %arg4[%squeeze3A_216, %dma_start3A_229] : memref<1000000x64xf32, #tpu.memory_space<hbm>> -> memref<1x64xf32, #tpu.memory_space<hbm>>
      tpu.enqueue_dma source(%dma_start3A_230 : memref<1x64xf32, #tpu.memory_space<hbm>>) target(%dma_start3A_228 : memref<1x64xf32, #tpu.memory_space<vmem>>) target_semaphore(%arg12 : memref<!tpu.dma_semaphore, #tpu.memory_space<semaphore_mem>>)
      %dma_start3A_231 = arith.constant 0 : i32
      %dma_start3A_232 = tpu.memref_slice %arg10[%add3A_222, %dma_start3A_231] : memref<256x64xf32, #tpu.memory_space<vmem>> -> memref<1x64xf32, #tpu.memory_space<vmem>>
      %dma_start3A_233 = arith.constant 0 : i32
      %dma_start3A_234 = tpu.memref_slice %arg5[%squeeze3A_218, %dma_start3A_233] : memref<1000000x64xf32, #tpu.memory_space<hbm>> -> memref<1x64xf32, #tpu.memory_space<hbm>>
      %dma_start3A_235 = arith.constant 0 : i32
      %dma_start3A_236 = tpu.memref_slice %arg10[%add3A_222, %dma_start3A_235] : memref<256x64xf32, #tpu.memory_space<vmem>> -> memref<1x64xf32, #tpu.memory_space<vmem>>
      %dma_start3A_237 = arith.constant 0 : i32
      %dma_start3A_238 = tpu.memref_slice %arg5[%squeeze3A_218, %dma_start3A_237] : memref<1000000x64xf32, #tpu.memory_space<hbm>> -> memref<1x64xf32, #tpu.memory_space<hbm>>
      tpu.enqueue_dma source(%dma_start3A_238 : memref<1x64xf32, #tpu.memory_space<hbm>>) target(%dma_start3A_236 : memref<1x64xf32, #tpu.memory_space<vmem>>) target_semaphore(%arg12 : memref<!tpu.dma_semaphore, #tpu.memory_space<semaphore_mem>>)
      %slice3A_239 = vector.extract_strided_slice %get3A_43 {offsets = [8], sizes = [1], strides = [1]} : vector<16xi32> to vector<1xi32>
      %squeeze3A_240 = vector.extract %slice3A_239[0] : i32 from vector<1xi32>
      %slice3A_241 = vector.extract_strided_slice %get3A_49 {offsets = [8], sizes = [1], strides = [1]} : vector<16xi32> to vector<1xi32>
      %squeeze3A_242 = vector.extract %slice3A_241[0] : i32 from vector<1xi32>
      %mul3A_243 = arith.constant 16 : i32
      %mul3A_244 = arith.muli %scan3A_38, %mul3A_243 : i32
      %add3A_245 = arith.constant 8 : i32
      %add3A_246 = arith.addi %mul3A_244, %add3A_245 : i32
      %dma_start3A_247 = arith.constant 0 : i32
      %dma_start3A_248 = tpu.memref_slice %arg9[%add3A_246, %dma_start3A_247] : memref<256x64xf32, #tpu.memory_space<vmem>> -> memref<1x64xf32, #tpu.memory_space<vmem>>
      %dma_start3A_249 = arith.constant 0 : i32
      %dma_start3A_250 = tpu.memref_slice %arg4[%squeeze3A_240, %dma_start3A_249] : memref<1000000x64xf32, #tpu.memory_space<hbm>> -> memref<1x64xf32, #tpu.memory_space<hbm>>
      %dma_start3A_251 = arith.constant 0 : i32
      %dma_start3A_252 = tpu.memref_slice %arg9[%add3A_246, %dma_start3A_251] : memref<256x64xf32, #tpu.memory_space<vmem>> -> memref<1x64xf32, #tpu.memory_space<vmem>>
      %dma_start3A_253 = arith.constant 0 : i32
      %dma_start3A_254 = tpu.memref_slice %arg4[%squeeze3A_240, %dma_start3A_253] : memref<1000000x64xf32, #tpu.memory_space<hbm>> -> memref<1x64xf32, #tpu.memory_space<hbm>>
      tpu.enqueue_dma source(%dma_start3A_254 : memref<1x64xf32, #tpu.memory_space<hbm>>) target(%dma_start3A_252 : memref<1x64xf32, #tpu.memory_space<vmem>>) target_semaphore(%arg12 : memref<!tpu.dma_semaphore, #tpu.memory_space<semaphore_mem>>)
      %dma_start3A_255 = arith.constant 0 : i32
      %dma_start3A_256 = tpu.memref_slice %arg10[%add3A_246, %dma_start3A_255] : memref<256x64xf32, #tpu.memory_space<vmem>> -> memref<1x64xf32, #tpu.memory_space<vmem>>
      %dma_start3A_257 = arith.constant 0 : i32
      %dma_start3A_258 = tpu.memref_slice %arg5[%squeeze3A_242, %dma_start3A_257] : memref<1000000x64xf32, #tpu.memory_space<hbm>> -> memref<1x64xf32, #tpu.memory_space<hbm>>
      %dma_start3A_259 = arith.constant 0 : i32
      %dma_start3A_260 = tpu.memref_slice %arg10[%add3A_246, %dma_start3A_259] : memref<256x64xf32, #tpu.memory_space<vmem>> -> memref<1x64xf32, #tpu.memory_space<vmem>>
      %dma_start3A_261 = arith.constant 0 : i32
      %dma_start3A_262 = tpu.memref_slice %arg5[%squeeze3A_242, %dma_start3A_261] : memref<1000000x64xf32, #tpu.memory_space<hbm>> -> memref<1x64xf32, #tpu.memory_space<hbm>>
      tpu.enqueue_dma source(%dma_start3A_262 : memref<1x64xf32, #tpu.memory_space<hbm>>) target(%dma_start3A_260 : memref<1x64xf32, #tpu.memory_space<vmem>>) target_semaphore(%arg12 : memref<!tpu.dma_semaphore, #tpu.memory_space<semaphore_mem>>)
      %slice3A_263 = vector.extract_strided_slice %get3A_43 {offsets = [9], sizes = [1], strides = [1]} : vector<16xi32> to vector<1xi32>
      %squeeze3A_264 = vector.extract %slice3A_263[0] : i32 from vector<1xi32>
      %slice3A_265 = vector.extract_strided_slice %get3A_49 {offsets = [9], sizes = [1], strides = [1]} : vector<16xi32> to vector<1xi32>
      %squeeze3A_266 = vector.extract %slice3A_265[0] : i32 from vector<1xi32>
      %mul3A_267 = arith.constant 16 : i32
      %mul3A_268 = arith.muli %scan3A_38, %mul3A_267 : i32
      %add3A_269 = arith.constant 9 : i32
      %add3A_270 = arith.addi %mul3A_268, %add3A_269 : i32
      %dma_start3A_271 = arith.constant 0 : i32
      %dma_start3A_272 = tpu.memref_slice %arg9[%add3A_270, %dma_start3A_271] : memref<256x64xf32, #tpu.memory_space<vmem>> -> memref<1x64xf32, #tpu.memory_space<vmem>>
      %dma_start3A_273 = arith.constant 0 : i32
      %dma_start3A_274 = tpu.memref_slice %arg4[%squeeze3A_264, %dma_start3A_273] : memref<1000000x64xf32, #tpu.memory_space<hbm>> -> memref<1x64xf32, #tpu.memory_space<hbm>>
      %dma_start3A_275 = arith.constant 0 : i32
      %dma_start3A_276 = tpu.memref_slice %arg9[%add3A_270, %dma_start3A_275] : memref<256x64xf32, #tpu.memory_space<vmem>> -> memref<1x64xf32, #tpu.memory_space<vmem>>
      %dma_start3A_277 = arith.constant 0 : i32
      %dma_start3A_278 = tpu.memref_slice %arg4[%squeeze3A_264, %dma_start3A_277] : memref<1000000x64xf32, #tpu.memory_space<hbm>> -> memref<1x64xf32, #tpu.memory_space<hbm>>
      tpu.enqueue_dma source(%dma_start3A_278 : memref<1x64xf32, #tpu.memory_space<hbm>>) target(%dma_start3A_276 : memref<1x64xf32, #tpu.memory_space<vmem>>) target_semaphore(%arg12 : memref<!tpu.dma_semaphore, #tpu.memory_space<semaphore_mem>>)
      %dma_start3A_279 = arith.constant 0 : i32
      %dma_start3A_280 = tpu.memref_slice %arg10[%add3A_270, %dma_start3A_279] : memref<256x64xf32, #tpu.memory_space<vmem>> -> memref<1x64xf32, #tpu.memory_space<vmem>>
      %dma_start3A_281 = arith.constant 0 : i32
      %dma_start3A_282 = tpu.memref_slice %arg5[%squeeze3A_266, %dma_start3A_281] : memref<1000000x64xf32, #tpu.memory_space<hbm>> -> memref<1x64xf32, #tpu.memory_space<hbm>>
      %dma_start3A_283 = arith.constant 0 : i32
      %dma_start3A_284 = tpu.memref_slice %arg10[%add3A_270, %dma_start3A_283] : memref<256x64xf32, #tpu.memory_space<vmem>> -> memref<1x64xf32, #tpu.memory_space<vmem>>
      %dma_start3A_285 = arith.constant 0 : i32
      %dma_start3A_286 = tpu.memref_slice %arg5[%squeeze3A_266, %dma_start3A_285] : memref<1000000x64xf32, #tpu.memory_space<hbm>> -> memref<1x64xf32, #tpu.memory_space<hbm>>
      tpu.enqueue_dma source(%dma_start3A_286 : memref<1x64xf32, #tpu.memory_space<hbm>>) target(%dma_start3A_284 : memref<1x64xf32, #tpu.memory_space<vmem>>) target_semaphore(%arg12 : memref<!tpu.dma_semaphore, #tpu.memory_space<semaphore_mem>>)
      %slice3A_287 = vector.extract_strided_slice %get3A_43 {offsets = [10], sizes = [1], strides = [1]} : vector<16xi32> to vector<1xi32>
      %squeeze3A_288 = vector.extract %slice3A_287[0] : i32 from vector<1xi32>
      %slice3A_289 = vector.extract_strided_slice %get3A_49 {offsets = [10], sizes = [1], strides = [1]} : vector<16xi32> to vector<1xi32>
      %squeeze3A_290 = vector.extract %slice3A_289[0] : i32 from vector<1xi32>
      %mul3A_291 = arith.constant 16 : i32
      %mul3A_292 = arith.muli %scan3A_38, %mul3A_291 : i32
      %add3A_293 = arith.constant 10 : i32
      %add3A_294 = arith.addi %mul3A_292, %add3A_293 : i32
      %dma_start3A_295 = arith.constant 0 : i32
      %dma_start3A_296 = tpu.memref_slice %arg9[%add3A_294, %dma_start3A_295] : memref<256x64xf32, #tpu.memory_space<vmem>> -> memref<1x64xf32, #tpu.memory_space<vmem>>
      %dma_start3A_297 = arith.constant 0 : i32
      %dma_start3A_298 = tpu.memref_slice %arg4[%squeeze3A_288, %dma_start3A_297] : memref<1000000x64xf32, #tpu.memory_space<hbm>> -> memref<1x64xf32, #tpu.memory_space<hbm>>
      %dma_start3A_299 = arith.constant 0 : i32
      %dma_start3A_300 = tpu.memref_slice %arg9[%add3A_294, %dma_start3A_299] : memref<256x64xf32, #tpu.memory_space<vmem>> -> memref<1x64xf32, #tpu.memory_space<vmem>>
      %dma_start3A_301 = arith.constant 0 : i32
      %dma_start3A_302 = tpu.memref_slice %arg4[%squeeze3A_288, %dma_start3A_301] : memref<1000000x64xf32, #tpu.memory_space<hbm>> -> memref<1x64xf32, #tpu.memory_space<hbm>>
      tpu.enqueue_dma source(%dma_start3A_302 : memref<1x64xf32, #tpu.memory_space<hbm>>) target(%dma_start3A_300 : memref<1x64xf32, #tpu.memory_space<vmem>>) target_semaphore(%arg12 : memref<!tpu.dma_semaphore, #tpu.memory_space<semaphore_mem>>)
      %dma_start3A_303 = arith.constant 0 : i32
      %dma_start3A_304 = tpu.memref_slice %arg10[%add3A_294, %dma_start3A_303] : memref<256x64xf32, #tpu.memory_space<vmem>> -> memref<1x64xf32, #tpu.memory_space<vmem>>
      %dma_start3A_305 = arith.constant 0 : i32
      %dma_start3A_306 = tpu.memref_slice %arg5[%squeeze3A_290, %dma_start3A_305] : memref<1000000x64xf32, #tpu.memory_space<hbm>> -> memref<1x64xf32, #tpu.memory_space<hbm>>
      %dma_start3A_307 = arith.constant 0 : i32
      %dma_start3A_308 = tpu.memref_slice %arg10[%add3A_294, %dma_start3A_307] : memref<256x64xf32, #tpu.memory_space<vmem>> -> memref<1x64xf32, #tpu.memory_space<vmem>>
      %dma_start3A_309 = arith.constant 0 : i32
      %dma_start3A_310 = tpu.memref_slice %arg5[%squeeze3A_290, %dma_start3A_309] : memref<1000000x64xf32, #tpu.memory_space<hbm>> -> memref<1x64xf32, #tpu.memory_space<hbm>>
      tpu.enqueue_dma source(%dma_start3A_310 : memref<1x64xf32, #tpu.memory_space<hbm>>) target(%dma_start3A_308 : memref<1x64xf32, #tpu.memory_space<vmem>>) target_semaphore(%arg12 : memref<!tpu.dma_semaphore, #tpu.memory_space<semaphore_mem>>)
      %slice3A_311 = vector.extract_strided_slice %get3A_43 {offsets = [11], sizes = [1], strides = [1]} : vector<16xi32> to vector<1xi32>
      %squeeze3A_312 = vector.extract %slice3A_311[0] : i32 from vector<1xi32>
      %slice3A_313 = vector.extract_strided_slice %get3A_49 {offsets = [11], sizes = [1], strides = [1]} : vector<16xi32> to vector<1xi32>
      %squeeze3A_314 = vector.extract %slice3A_313[0] : i32 from vector<1xi32>
      %mul3A_315 = arith.constant 16 : i32
      %mul3A_316 = arith.muli %scan3A_38, %mul3A_315 : i32
      %add3A_317 = arith.constant 11 : i32
      %add3A_318 = arith.addi %mul3A_316, %add3A_317 : i32
      %dma_start3A_319 = arith.constant 0 : i32
      %dma_start3A_320 = tpu.memref_slice %arg9[%add3A_318, %dma_start3A_319] : memref<256x64xf32, #tpu.memory_space<vmem>> -> memref<1x64xf32, #tpu.memory_space<vmem>>
      %dma_start3A_321 = arith.constant 0 : i32
      %dma_start3A_322 = tpu.memref_slice %arg4[%squeeze3A_312, %dma_start3A_321] : memref<1000000x64xf32, #tpu.memory_space<hbm>> -> memref<1x64xf32, #tpu.memory_space<hbm>>
      %dma_start3A_323 = arith.constant 0 : i32
      %dma_start3A_324 = tpu.memref_slice %arg9[%add3A_318, %dma_start3A_323] : memref<256x64xf32, #tpu.memory_space<vmem>> -> memref<1x64xf32, #tpu.memory_space<vmem>>
      %dma_start3A_325 = arith.constant 0 : i32
      %dma_start3A_326 = tpu.memref_slice %arg4[%squeeze3A_312, %dma_start3A_325] : memref<1000000x64xf32, #tpu.memory_space<hbm>> -> memref<1x64xf32, #tpu.memory_space<hbm>>
      tpu.enqueue_dma source(%dma_start3A_326 : memref<1x64xf32, #tpu.memory_space<hbm>>) target(%dma_start3A_324 : memref<1x64xf32, #tpu.memory_space<vmem>>) target_semaphore(%arg12 : memref<!tpu.dma_semaphore, #tpu.memory_space<semaphore_mem>>)
      %dma_start3A_327 = arith.constant 0 : i32
      %dma_start3A_328 = tpu.memref_slice %arg10[%add3A_318, %dma_start3A_327] : memref<256x64xf32, #tpu.memory_space<vmem>> -> memref<1x64xf32, #tpu.memory_space<vmem>>
      %dma_start3A_329 = arith.constant 0 : i32
      %dma_start3A_330 = tpu.memref_slice %arg5[%squeeze3A_314, %dma_start3A_329] : memref<1000000x64xf32, #tpu.memory_space<hbm>> -> memref<1x64xf32, #tpu.memory_space<hbm>>
      %dma_start3A_331 = arith.constant 0 : i32
      %dma_start3A_332 = tpu.memref_slice %arg10[%add3A_318, %dma_start3A_331] : memref<256x64xf32, #tpu.memory_space<vmem>> -> memref<1x64xf32, #tpu.memory_space<vmem>>
      %dma_start3A_333 = arith.constant 0 : i32
      %dma_start3A_334 = tpu.memref_slice %arg5[%squeeze3A_314, %dma_start3A_333] : memref<1000000x64xf32, #tpu.memory_space<hbm>> -> memref<1x64xf32, #tpu.memory_space<hbm>>
      tpu.enqueue_dma source(%dma_start3A_334 : memref<1x64xf32, #tpu.memory_space<hbm>>) target(%dma_start3A_332 : memref<1x64xf32, #tpu.memory_space<vmem>>) target_semaphore(%arg12 : memref<!tpu.dma_semaphore, #tpu.memory_space<semaphore_mem>>)
      %slice3A_335 = vector.extract_strided_slice %get3A_43 {offsets = [12], sizes = [1], strides = [1]} : vector<16xi32> to vector<1xi32>
      %squeeze3A_336 = vector.extract %slice3A_335[0] : i32 from vector<1xi32>
      %slice3A_337 = vector.extract_strided_slice %get3A_49 {offsets = [12], sizes = [1], strides = [1]} : vector<16xi32> to vector<1xi32>
      %squeeze3A_338 = vector.extract %slice3A_337[0] : i32 from vector<1xi32>
      %mul3A_339 = arith.constant 16 : i32
      %mul3A_340 = arith.muli %scan3A_38, %mul3A_339 : i32
      %add3A_341 = arith.constant 12 : i32
      %add3A_342 = arith.addi %mul3A_340, %add3A_341 : i32
      %dma_start3A_343 = arith.constant 0 : i32
      %dma_start3A_344 = tpu.memref_slice %arg9[%add3A_342, %dma_start3A_343] : memref<256x64xf32, #tpu.memory_space<vmem>> -> memref<1x64xf32, #tpu.memory_space<vmem>>
      %dma_start3A_345 = arith.constant 0 : i32
      %dma_start3A_346 = tpu.memref_slice %arg4[%squeeze3A_336, %dma_start3A_345] : memref<1000000x64xf32, #tpu.memory_space<hbm>> -> memref<1x64xf32, #tpu.memory_space<hbm>>
      %dma_start3A_347 = arith.constant 0 : i32
      %dma_start3A_348 = tpu.memref_slice %arg9[%add3A_342, %dma_start3A_347] : memref<256x64xf32, #tpu.memory_space<vmem>> -> memref<1x64xf32, #tpu.memory_space<vmem>>
      %dma_start3A_349 = arith.constant 0 : i32
      %dma_start3A_350 = tpu.memref_slice %arg4[%squeeze3A_336, %dma_start3A_349] : memref<1000000x64xf32, #tpu.memory_space<hbm>> -> memref<1x64xf32, #tpu.memory_space<hbm>>
      tpu.enqueue_dma source(%dma_start3A_350 : memref<1x64xf32, #tpu.memory_space<hbm>>) target(%dma_start3A_348 : memref<1x64xf32, #tpu.memory_space<vmem>>) target_semaphore(%arg12 : memref<!tpu.dma_semaphore, #tpu.memory_space<semaphore_mem>>)
      %dma_start3A_351 = arith.constant 0 : i32
      %dma_start3A_352 = tpu.memref_slice %arg10[%add3A_342, %dma_start3A_351] : memref<256x64xf32, #tpu.memory_space<vmem>> -> memref<1x64xf32, #tpu.memory_space<vmem>>
      %dma_start3A_353 = arith.constant 0 : i32
      %dma_start3A_354 = tpu.memref_slice %arg5[%squeeze3A_338, %dma_start3A_353] : memref<1000000x64xf32, #tpu.memory_space<hbm>> -> memref<1x64xf32, #tpu.memory_space<hbm>>
      %dma_start3A_355 = arith.constant 0 : i32
      %dma_start3A_356 = tpu.memref_slice %arg10[%add3A_342, %dma_start3A_355] : memref<256x64xf32, #tpu.memory_space<vmem>> -> memref<1x64xf32, #tpu.memory_space<vmem>>
      %dma_start3A_357 = arith.constant 0 : i32
      %dma_start3A_358 = tpu.memref_slice %arg5[%squeeze3A_338, %dma_start3A_357] : memref<1000000x64xf32, #tpu.memory_space<hbm>> -> memref<1x64xf32, #tpu.memory_space<hbm>>
      tpu.enqueue_dma source(%dma_start3A_358 : memref<1x64xf32, #tpu.memory_space<hbm>>) target(%dma_start3A_356 : memref<1x64xf32, #tpu.memory_space<vmem>>) target_semaphore(%arg12 : memref<!tpu.dma_semaphore, #tpu.memory_space<semaphore_mem>>)
      %slice3A_359 = vector.extract_strided_slice %get3A_43 {offsets = [13], sizes = [1], strides = [1]} : vector<16xi32> to vector<1xi32>
      %squeeze3A_360 = vector.extract %slice3A_359[0] : i32 from vector<1xi32>
      %slice3A_361 = vector.extract_strided_slice %get3A_49 {offsets = [13], sizes = [1], strides = [1]} : vector<16xi32> to vector<1xi32>
      %squeeze3A_362 = vector.extract %slice3A_361[0] : i32 from vector<1xi32>
      %mul3A_363 = arith.constant 16 : i32
      %mul3A_364 = arith.muli %scan3A_38, %mul3A_363 : i32
      %add3A_365 = arith.constant 13 : i32
      %add3A_366 = arith.addi %mul3A_364, %add3A_365 : i32
      %dma_start3A_367 = arith.constant 0 : i32
      %dma_start3A_368 = tpu.memref_slice %arg9[%add3A_366, %dma_start3A_367] : memref<256x64xf32, #tpu.memory_space<vmem>> -> memref<1x64xf32, #tpu.memory_space<vmem>>
      %dma_start3A_369 = arith.constant 0 : i32
      %dma_start3A_370 = tpu.memref_slice %arg4[%squeeze3A_360, %dma_start3A_369] : memref<1000000x64xf32, #tpu.memory_space<hbm>> -> memref<1x64xf32, #tpu.memory_space<hbm>>
      %dma_start3A_371 = arith.constant 0 : i32
      %dma_start3A_372 = tpu.memref_slice %arg9[%add3A_366, %dma_start3A_371] : memref<256x64xf32, #tpu.memory_space<vmem>> -> memref<1x64xf32, #tpu.memory_space<vmem>>
      %dma_start3A_373 = arith.constant 0 : i32
      %dma_start3A_374 = tpu.memref_slice %arg4[%squeeze3A_360, %dma_start3A_373] : memref<1000000x64xf32, #tpu.memory_space<hbm>> -> memref<1x64xf32, #tpu.memory_space<hbm>>
      tpu.enqueue_dma source(%dma_start3A_374 : memref<1x64xf32, #tpu.memory_space<hbm>>) target(%dma_start3A_372 : memref<1x64xf32, #tpu.memory_space<vmem>>) target_semaphore(%arg12 : memref<!tpu.dma_semaphore, #tpu.memory_space<semaphore_mem>>)
      %dma_start3A_375 = arith.constant 0 : i32
      %dma_start3A_376 = tpu.memref_slice %arg10[%add3A_366, %dma_start3A_375] : memref<256x64xf32, #tpu.memory_space<vmem>> -> memref<1x64xf32, #tpu.memory_space<vmem>>
      %dma_start3A_377 = arith.constant 0 : i32
      %dma_start3A_378 = tpu.memref_slice %arg5[%squeeze3A_362, %dma_start3A_377] : memref<1000000x64xf32, #tpu.memory_space<hbm>> -> memref<1x64xf32, #tpu.memory_space<hbm>>
      %dma_start3A_379 = arith.constant 0 : i32
      %dma_start3A_380 = tpu.memref_slice %arg10[%add3A_366, %dma_start3A_379] : memref<256x64xf32, #tpu.memory_space<vmem>> -> memref<1x64xf32, #tpu.memory_space<vmem>>
      %dma_start3A_381 = arith.constant 0 : i32
      %dma_start3A_382 = tpu.memref_slice %arg5[%squeeze3A_362, %dma_start3A_381] : memref<1000000x64xf32, #tpu.memory_space<hbm>> -> memref<1x64xf32, #tpu.memory_space<hbm>>
      tpu.enqueue_dma source(%dma_start3A_382 : memref<1x64xf32, #tpu.memory_space<hbm>>) target(%dma_start3A_380 : memref<1x64xf32, #tpu.memory_space<vmem>>) target_semaphore(%arg12 : memref<!tpu.dma_semaphore, #tpu.memory_space<semaphore_mem>>)
      %slice3A_383 = vector.extract_strided_slice %get3A_43 {offsets = [14], sizes = [1], strides = [1]} : vector<16xi32> to vector<1xi32>
      %squeeze3A_384 = vector.extract %slice3A_383[0] : i32 from vector<1xi32>
      %slice3A_385 = vector.extract_strided_slice %get3A_49 {offsets = [14], sizes = [1], strides = [1]} : vector<16xi32> to vector<1xi32>
      %squeeze3A_386 = vector.extract %slice3A_385[0] : i32 from vector<1xi32>
      %mul3A_387 = arith.constant 16 : i32
      %mul3A_388 = arith.muli %scan3A_38, %mul3A_387 : i32
      %add3A_389 = arith.constant 14 : i32
      %add3A_390 = arith.addi %mul3A_388, %add3A_389 : i32
      %dma_start3A_391 = arith.constant 0 : i32
      %dma_start3A_392 = tpu.memref_slice %arg9[%add3A_390, %dma_start3A_391] : memref<256x64xf32, #tpu.memory_space<vmem>> -> memref<1x64xf32, #tpu.memory_space<vmem>>
      %dma_start3A_393 = arith.constant 0 : i32
      %dma_start3A_394 = tpu.memref_slice %arg4[%squeeze3A_384, %dma_start3A_393] : memref<1000000x64xf32, #tpu.memory_space<hbm>> -> memref<1x64xf32, #tpu.memory_space<hbm>>
      %dma_start3A_395 = arith.constant 0 : i32
      %dma_start3A_396 = tpu.memref_slice %arg9[%add3A_390, %dma_start3A_395] : memref<256x64xf32, #tpu.memory_space<vmem>> -> memref<1x64xf32, #tpu.memory_space<vmem>>
      %dma_start3A_397 = arith.constant 0 : i32
      %dma_start3A_398 = tpu.memref_slice %arg4[%squeeze3A_384, %dma_start3A_397] : memref<1000000x64xf32, #tpu.memory_space<hbm>> -> memref<1x64xf32, #tpu.memory_space<hbm>>
      tpu.enqueue_dma source(%dma_start3A_398 : memref<1x64xf32, #tpu.memory_space<hbm>>) target(%dma_start3A_396 : memref<1x64xf32, #tpu.memory_space<vmem>>) target_semaphore(%arg12 : memref<!tpu.dma_semaphore, #tpu.memory_space<semaphore_mem>>)
      %dma_start3A_399 = arith.constant 0 : i32
      %dma_start3A_400 = tpu.memref_slice %arg10[%add3A_390, %dma_start3A_399] : memref<256x64xf32, #tpu.memory_space<vmem>> -> memref<1x64xf32, #tpu.memory_space<vmem>>
      %dma_start3A_401 = arith.constant 0 : i32
      %dma_start3A_402 = tpu.memref_slice %arg5[%squeeze3A_386, %dma_start3A_401] : memref<1000000x64xf32, #tpu.memory_space<hbm>> -> memref<1x64xf32, #tpu.memory_space<hbm>>
      %dma_start3A_403 = arith.constant 0 : i32
      %dma_start3A_404 = tpu.memref_slice %arg10[%add3A_390, %dma_start3A_403] : memref<256x64xf32, #tpu.memory_space<vmem>> -> memref<1x64xf32, #tpu.memory_space<vmem>>
      %dma_start3A_405 = arith.constant 0 : i32
      %dma_start3A_406 = tpu.memref_slice %arg5[%squeeze3A_386, %dma_start3A_405] : memref<1000000x64xf32, #tpu.memory_space<hbm>> -> memref<1x64xf32, #tpu.memory_space<hbm>>
      tpu.enqueue_dma source(%dma_start3A_406 : memref<1x64xf32, #tpu.memory_space<hbm>>) target(%dma_start3A_404 : memref<1x64xf32, #tpu.memory_space<vmem>>) target_semaphore(%arg12 : memref<!tpu.dma_semaphore, #tpu.memory_space<semaphore_mem>>)
      %slice3A_407 = vector.extract_strided_slice %get3A_43 {offsets = [15], sizes = [1], strides = [1]} : vector<16xi32> to vector<1xi32>
      %squeeze3A_408 = vector.extract %slice3A_407[0] : i32 from vector<1xi32>
      %slice3A_409 = vector.extract_strided_slice %get3A_49 {offsets = [15], sizes = [1], strides = [1]} : vector<16xi32> to vector<1xi32>
      %squeeze3A_410 = vector.extract %slice3A_409[0] : i32 from vector<1xi32>
      %mul3A_411 = arith.constant 16 : i32
      %mul3A_412 = arith.muli %scan3A_38, %mul3A_411 : i32
      %add3A_413 = arith.constant 15 : i32
      %add3A_414 = arith.addi %mul3A_412, %add3A_413 : i32
      %dma_start3A_415 = arith.constant 0 : i32
      %dma_start3A_416 = tpu.memref_slice %arg9[%add3A_414, %dma_start3A_415] : memref<256x64xf32, #tpu.memory_space<vmem>> -> memref<1x64xf32, #tpu.memory_space<vmem>>
      %dma_start3A_417 = arith.constant 0 : i32
      %dma_start3A_418 = tpu.memref_slice %arg4[%squeeze3A_408, %dma_start3A_417] : memref<1000000x64xf32, #tpu.memory_space<hbm>> -> memref<1x64xf32, #tpu.memory_space<hbm>>
      %dma_start3A_419 = arith.constant 0 : i32
      %dma_start3A_420 = tpu.memref_slice %arg9[%add3A_414, %dma_start3A_419] : memref<256x64xf32, #tpu.memory_space<vmem>> -> memref<1x64xf32, #tpu.memory_space<vmem>>
      %dma_start3A_421 = arith.constant 0 : i32
      %dma_start3A_422 = tpu.memref_slice %arg4[%squeeze3A_408, %dma_start3A_421] : memref<1000000x64xf32, #tpu.memory_space<hbm>> -> memref<1x64xf32, #tpu.memory_space<hbm>>
      tpu.enqueue_dma source(%dma_start3A_422 : memref<1x64xf32, #tpu.memory_space<hbm>>) target(%dma_start3A_420 : memref<1x64xf32, #tpu.memory_space<vmem>>) target_semaphore(%arg12 : memref<!tpu.dma_semaphore, #tpu.memory_space<semaphore_mem>>)
      %dma_start3A_423 = arith.constant 0 : i32
      %dma_start3A_424 = tpu.memref_slice %arg10[%add3A_414, %dma_start3A_423] : memref<256x64xf32, #tpu.memory_space<vmem>> -> memref<1x64xf32, #tpu.memory_space<vmem>>
      %dma_start3A_425 = arith.constant 0 : i32
      %dma_start3A_426 = tpu.memref_slice %arg5[%squeeze3A_410, %dma_start3A_425] : memref<1000000x64xf32, #tpu.memory_space<hbm>> -> memref<1x64xf32, #tpu.memory_space<hbm>>
      %dma_start3A_427 = arith.constant 0 : i32
      %dma_start3A_428 = tpu.memref_slice %arg10[%add3A_414, %dma_start3A_427] : memref<256x64xf32, #tpu.memory_space<vmem>> -> memref<1x64xf32, #tpu.memory_space<vmem>>
      %dma_start3A_429 = arith.constant 0 : i32
      %dma_start3A_430 = tpu.memref_slice %arg5[%squeeze3A_410, %dma_start3A_429] : memref<1000000x64xf32, #tpu.memory_space<hbm>> -> memref<1x64xf32, #tpu.memory_space<hbm>>
      tpu.enqueue_dma source(%dma_start3A_430 : memref<1x64xf32, #tpu.memory_space<hbm>>) target(%dma_start3A_428 : memref<1x64xf32, #tpu.memory_space<vmem>>) target_semaphore(%arg12 : memref<!tpu.dma_semaphore, #tpu.memory_space<semaphore_mem>>)
    }
    %scan3A_7 = arith.constant 16 : i32
    %scan3A_8 = arith.constant 0 : i32
    %scan3A_9 = arith.constant 0 : i32
    %scan3A_10 = arith.constant 256 : i32
    %scan3A_11 = arith.addi %scan3A_9, %scan3A_10 : i32
    %scan3A_12 = arith.constant 1 : i32
    scf.for %scan3A_38 = %scan3A_9 to %scan3A_11 step %scan3A_12  : i32 {
      %dma_wait3A = arith.constant 0 : i32
      %dma_wait3A_39 = arith.constant 0 : i32
      %dma_wait3A_40 = tpu.memref_slice %arg9[%dma_wait3A, %dma_wait3A_39] : memref<256x64xf32, #tpu.memory_space<vmem>> -> memref<1x64xf32, #tpu.memory_space<vmem>>
      %dma_wait3A_41 = arith.constant 0 : i32
      %dma_wait3A_42 = arith.constant 0 : i32
      %dma_wait3A_43 = tpu.memref_slice %arg4[%dma_wait3A_41, %dma_wait3A_42] : memref<1000000x64xf32, #tpu.memory_space<hbm>> -> memref<1x64xf32, #tpu.memory_space<hbm>>
      %dma_wait3A_44 = arith.constant 0 : i32
      %dma_wait3A_45 = arith.constant 0 : i32
      %dma_wait3A_46 = tpu.memref_slice %arg9[%dma_wait3A_44, %dma_wait3A_45] : memref<256x64xf32, #tpu.memory_space<vmem>> -> memref<1x64xf32, #tpu.memory_space<vmem>>
      %dma_wait3A_47 = arith.constant 0 : i32
      %dma_wait3A_48 = arith.constant 0 : i32
      %dma_wait3A_49 = tpu.memref_slice %arg4[%dma_wait3A_47, %dma_wait3A_48] : memref<1000000x64xf32, #tpu.memory_space<hbm>> -> memref<1x64xf32, #tpu.memory_space<hbm>>
      tpu.wait_dma2 semaphore(%arg12 : memref<!tpu.dma_semaphore, #tpu.memory_space<semaphore_mem>>) src(%dma_wait3A_49 : memref<1x64xf32, #tpu.memory_space<hbm>>) dst(%dma_wait3A_46 : memref<1x64xf32, #tpu.memory_space<vmem>>)
      %dma_wait3A_50 = arith.constant 0 : i32
      %dma_wait3A_51 = arith.constant 0 : i32
      %dma_wait3A_52 = tpu.memref_slice %arg10[%dma_wait3A_50, %dma_wait3A_51] : memref<256x64xf32, #tpu.memory_space<vmem>> -> memref<1x64xf32, #tpu.memory_space<vmem>>
      %dma_wait3A_53 = arith.constant 0 : i32
      %dma_wait3A_54 = arith.constant 0 : i32
      %dma_wait3A_55 = tpu.memref_slice %arg5[%dma_wait3A_53, %dma_wait3A_54] : memref<1000000x64xf32, #tpu.memory_space<hbm>> -> memref<1x64xf32, #tpu.memory_space<hbm>>
      %dma_wait3A_56 = arith.constant 0 : i32
      %dma_wait3A_57 = arith.constant 0 : i32
      %dma_wait3A_58 = tpu.memref_slice %arg10[%dma_wait3A_56, %dma_wait3A_57] : memref<256x64xf32, #tpu.memory_space<vmem>> -> memref<1x64xf32, #tpu.memory_space<vmem>>
      %dma_wait3A_59 = arith.constant 0 : i32
      %dma_wait3A_60 = arith.constant 0 : i32
      %dma_wait3A_61 = tpu.memref_slice %arg5[%dma_wait3A_59, %dma_wait3A_60] : memref<1000000x64xf32, #tpu.memory_space<hbm>> -> memref<1x64xf32, #tpu.memory_space<hbm>>
      tpu.wait_dma2 semaphore(%arg12 : memref<!tpu.dma_semaphore, #tpu.memory_space<semaphore_mem>>) src(%dma_wait3A_61 : memref<1x64xf32, #tpu.memory_space<hbm>>) dst(%dma_wait3A_58 : memref<1x64xf32, #tpu.memory_space<vmem>>)
    }
    %scan3A_13 = arith.constant 256 : i32
    %scan3A_14 = arith.constant 0 : i32
    %scan3A_15 = arith.constant 0 : i32
    %scan3A_16 = arith.constant 16 : i32
    %scan3A_17 = arith.addi %scan3A_15, %scan3A_16 : i32
    %scan3A_18 = arith.constant 1 : i32
    scf.for %scan3A_38 = %scan3A_15 to %scan3A_17 step %scan3A_18  : i32 {
      %mul3A_39 = arith.constant 16 : i32
      %mul3A_40 = arith.muli %scan3A_38, %mul3A_39 : i32
      %add3A_41 = vector.broadcast %mul3A_40 : i32 to vector<16xi32>
      %add3A_42 = arith.addi %add3A_41, %iota3A : vector<16xi32>
      %broadcast_in_dim3A = arith.constant 0.000000e+00 : f32
      %broadcast_in_dim3A_43 = vector.broadcast %broadcast_in_dim3A : f32 to vector<16xf32>
      %broadcast_in_dim3A_44 = arith.constant 0 : i32
      %broadcast_in_dim3A_45 = vector.broadcast %broadcast_in_dim3A_44 : i32 to vector<16xi32>
      %gather3A = tpu.vector_load_idx %arg9[%add3A_42, %broadcast_in_dim3A_45] : memref<256x64xf32, #tpu.memory_space<vmem>>[vector<16xi32>, vector<16xi32>], vector<16xf32>,
      %gather3A_46 = tpu.vector_load_idx %arg10[%add3A_42, %broadcast_in_dim3A_45] : memref<256x64xf32, #tpu.memory_space<vmem>>[vector<16xi32>, vector<16xi32>], vector<16xf32>,
      %mul3A_47 = arith.mulf %gather3A, %gather3A_46 : vector<16xf32>
      %add3A_48 = arith.addf %broadcast_in_dim3A_43, %mul3A_47 : vector<16xf32>
      %broadcast_in_dim3A_49 = arith.constant 1 : i32
      %broadcast_in_dim3A_50 = vector.broadcast %broadcast_in_dim3A_49 : i32 to vector<16xi32>
      %gather3A_51 = tpu.vector_load_idx %arg9[%add3A_42, %broadcast_in_dim3A_50] : memref<256x64xf32, #tpu.memory_space<vmem>>[vector<16xi32>, vector<16xi32>], vector<16xf32>,
      %gather3A_52 = tpu.vector_load_idx %arg10[%add3A_42, %broadcast_in_dim3A_50] : memref<256x64xf32, #tpu.memory_space<vmem>>[vector<16xi32>, vector<16xi32>], vector<16xf32>,
      %mul3A_53 = arith.mulf %gather3A_51, %gather3A_52 : vector<16xf32>
      %add3A_54 = arith.addf %add3A_48, %mul3A_53 : vector<16xf32>
      %broadcast_in_dim3A_55 = arith.constant 2 : i32
      %broadcast_in_dim3A_56 = vector.broadcast %broadcast_in_dim3A_55 : i32 to vector<16xi32>
      %gather3A_57 = tpu.vector_load_idx %arg9[%add3A_42, %broadcast_in_dim3A_56] : memref<256x64xf32, #tpu.memory_space<vmem>>[vector<16xi32>, vector<16xi32>], vector<16xf32>,
      %gather3A_58 = tpu.vector_load_idx %arg10[%add3A_42, %broadcast_in_dim3A_56] : memref<256x64xf32, #tpu.memory_space<vmem>>[vector<16xi32>, vector<16xi32>], vector<16xf32>,
      %mul3A_59 = arith.mulf %gather3A_57, %gather3A_58 : vector<16xf32>
      %add3A_60 = arith.addf %add3A_54, %mul3A_59 : vector<16xf32>
      %broadcast_in_dim3A_61 = arith.constant 3 : i32
      %broadcast_in_dim3A_62 = vector.broadcast %broadcast_in_dim3A_61 : i32 to vector<16xi32>
      %gather3A_63 = tpu.vector_load_idx %arg9[%add3A_42, %broadcast_in_dim3A_62] : memref<256x64xf32, #tpu.memory_space<vmem>>[vector<16xi32>, vector<16xi32>], vector<16xf32>,
      %gather3A_64 = tpu.vector_load_idx %arg10[%add3A_42, %broadcast_in_dim3A_62] : memref<256x64xf32, #tpu.memory_space<vmem>>[vector<16xi32>, vector<16xi32>], vector<16xf32>,
      %mul3A_65 = arith.mulf %gather3A_63, %gather3A_64 : vector<16xf32>
      %add3A_66 = arith.addf %add3A_60, %mul3A_65 : vector<16xf32>
      %broadcast_in_dim3A_67 = arith.constant 4 : i32
      %broadcast_in_dim3A_68 = vector.broadcast %broadcast_in_dim3A_67 : i32 to vector<16xi32>
      %gather3A_69 = tpu.vector_load_idx %arg9[%add3A_42, %broadcast_in_dim3A_68] : memref<256x64xf32, #tpu.memory_space<vmem>>[vector<16xi32>, vector<16xi32>], vector<16xf32>,
      %gather3A_70 = tpu.vector_load_idx %arg10[%add3A_42, %broadcast_in_dim3A_68] : memref<256x64xf32, #tpu.memory_space<vmem>>[vector<16xi32>, vector<16xi32>], vector<16xf32>,
      %mul3A_71 = arith.mulf %gather3A_69, %gather3A_70 : vector<16xf32>
      %add3A_72 = arith.addf %add3A_66, %mul3A_71 : vector<16xf32>
      %broadcast_in_dim3A_73 = arith.constant 5 : i32
      %broadcast_in_dim3A_74 = vector.broadcast %broadcast_in_dim3A_73 : i32 to vector<16xi32>
      %gather3A_75 = tpu.vector_load_idx %arg9[%add3A_42, %broadcast_in_dim3A_74] : memref<256x64xf32, #tpu.memory_space<vmem>>[vector<16xi32>, vector<16xi32>], vector<16xf32>,
      %gather3A_76 = tpu.vector_load_idx %arg10[%add3A_42, %broadcast_in_dim3A_74] : memref<256x64xf32, #tpu.memory_space<vmem>>[vector<16xi32>, vector<16xi32>], vector<16xf32>,
      %mul3A_77 = arith.mulf %gather3A_75, %gather3A_76 : vector<16xf32>
      %add3A_78 = arith.addf %add3A_72, %mul3A_77 : vector<16xf32>
      %broadcast_in_dim3A_79 = arith.constant 6 : i32
      %broadcast_in_dim3A_80 = vector.broadcast %broadcast_in_dim3A_79 : i32 to vector<16xi32>
      %gather3A_81 = tpu.vector_load_idx %arg9[%add3A_42, %broadcast_in_dim3A_80] : memref<256x64xf32, #tpu.memory_space<vmem>>[vector<16xi32>, vector<16xi32>], vector<16xf32>,
      %gather3A_82 = tpu.vector_load_idx %arg10[%add3A_42, %broadcast_in_dim3A_80] : memref<256x64xf32, #tpu.memory_space<vmem>>[vector<16xi32>, vector<16xi32>], vector<16xf32>,
      %mul3A_83 = arith.mulf %gather3A_81, %gather3A_82 : vector<16xf32>
      %add3A_84 = arith.addf %add3A_78, %mul3A_83 : vector<16xf32>
      %broadcast_in_dim3A_85 = arith.constant 7 : i32
      %broadcast_in_dim3A_86 = vector.broadcast %broadcast_in_dim3A_85 : i32 to vector<16xi32>
      %gather3A_87 = tpu.vector_load_idx %arg9[%add3A_42, %broadcast_in_dim3A_86] : memref<256x64xf32, #tpu.memory_space<vmem>>[vector<16xi32>, vector<16xi32>], vector<16xf32>,
      %gather3A_88 = tpu.vector_load_idx %arg10[%add3A_42, %broadcast_in_dim3A_86] : memref<256x64xf32, #tpu.memory_space<vmem>>[vector<16xi32>, vector<16xi32>], vector<16xf32>,
      %mul3A_89 = arith.mulf %gather3A_87, %gather3A_88 : vector<16xf32>
      %add3A_90 = arith.addf %add3A_84, %mul3A_89 : vector<16xf32>
      %broadcast_in_dim3A_91 = arith.constant 8 : i32
      %broadcast_in_dim3A_92 = vector.broadcast %broadcast_in_dim3A_91 : i32 to vector<16xi32>
      %gather3A_93 = tpu.vector_load_idx %arg9[%add3A_42, %broadcast_in_dim3A_92] : memref<256x64xf32, #tpu.memory_space<vmem>>[vector<16xi32>, vector<16xi32>], vector<16xf32>,
      %gather3A_94 = tpu.vector_load_idx %arg10[%add3A_42, %broadcast_in_dim3A_92] : memref<256x64xf32, #tpu.memory_space<vmem>>[vector<16xi32>, vector<16xi32>], vector<16xf32>,
      %mul3A_95 = arith.mulf %gather3A_93, %gather3A_94 : vector<16xf32>
      %add3A_96 = arith.addf %add3A_90, %mul3A_95 : vector<16xf32>
      %broadcast_in_dim3A_97 = arith.constant 9 : i32
      %broadcast_in_dim3A_98 = vector.broadcast %broadcast_in_dim3A_97 : i32 to vector<16xi32>
      %gather3A_99 = tpu.vector_load_idx %arg9[%add3A_42, %broadcast_in_dim3A_98] : memref<256x64xf32, #tpu.memory_space<vmem>>[vector<16xi32>, vector<16xi32>], vector<16xf32>,
      %gather3A_100 = tpu.vector_load_idx %arg10[%add3A_42, %broadcast_in_dim3A_98] : memref<256x64xf32, #tpu.memory_space<vmem>>[vector<16xi32>, vector<16xi32>], vector<16xf32>,
      %mul3A_101 = arith.mulf %gather3A_99, %gather3A_100 : vector<16xf32>
      %add3A_102 = arith.addf %add3A_96, %mul3A_101 : vector<16xf32>
      %broadcast_in_dim3A_103 = arith.constant 10 : i32
      %broadcast_in_dim3A_104 = vector.broadcast %broadcast_in_dim3A_103 : i32 to vector<16xi32>
      %gather3A_105 = tpu.vector_load_idx %arg9[%add3A_42, %broadcast_in_dim3A_104] : memref<256x64xf32, #tpu.memory_space<vmem>>[vector<16xi32>, vector<16xi32>], vector<16xf32>,
      %gather3A_106 = tpu.vector_load_idx %arg10[%add3A_42, %broadcast_in_dim3A_104] : memref<256x64xf32, #tpu.memory_space<vmem>>[vector<16xi32>, vector<16xi32>], vector<16xf32>,
      %mul3A_107 = arith.mulf %gather3A_105, %gather3A_106 : vector<16xf32>
      %add3A_108 = arith.addf %add3A_102, %mul3A_107 : vector<16xf32>
      %broadcast_in_dim3A_109 = arith.constant 11 : i32
      %broadcast_in_dim3A_110 = vector.broadcast %broadcast_in_dim3A_109 : i32 to vector<16xi32>
      %gather3A_111 = tpu.vector_load_idx %arg9[%add3A_42, %broadcast_in_dim3A_110] : memref<256x64xf32, #tpu.memory_space<vmem>>[vector<16xi32>, vector<16xi32>], vector<16xf32>,
      %gather3A_112 = tpu.vector_load_idx %arg10[%add3A_42, %broadcast_in_dim3A_110] : memref<256x64xf32, #tpu.memory_space<vmem>>[vector<16xi32>, vector<16xi32>], vector<16xf32>,
      %mul3A_113 = arith.mulf %gather3A_111, %gather3A_112 : vector<16xf32>
      %add3A_114 = arith.addf %add3A_108, %mul3A_113 : vector<16xf32>
      %broadcast_in_dim3A_115 = arith.constant 12 : i32
      %broadcast_in_dim3A_116 = vector.broadcast %broadcast_in_dim3A_115 : i32 to vector<16xi32>
      %gather3A_117 = tpu.vector_load_idx %arg9[%add3A_42, %broadcast_in_dim3A_116] : memref<256x64xf32, #tpu.memory_space<vmem>>[vector<16xi32>, vector<16xi32>], vector<16xf32>,
      %gather3A_118 = tpu.vector_load_idx %arg10[%add3A_42, %broadcast_in_dim3A_116] : memref<256x64xf32, #tpu.memory_space<vmem>>[vector<16xi32>, vector<16xi32>], vector<16xf32>,
      %mul3A_119 = arith.mulf %gather3A_117, %gather3A_118 : vector<16xf32>
      %add3A_120 = arith.addf %add3A_114, %mul3A_119 : vector<16xf32>
      %broadcast_in_dim3A_121 = arith.constant 13 : i32
      %broadcast_in_dim3A_122 = vector.broadcast %broadcast_in_dim3A_121 : i32 to vector<16xi32>
      %gather3A_123 = tpu.vector_load_idx %arg9[%add3A_42, %broadcast_in_dim3A_122] : memref<256x64xf32, #tpu.memory_space<vmem>>[vector<16xi32>, vector<16xi32>], vector<16xf32>,
      %gather3A_124 = tpu.vector_load_idx %arg10[%add3A_42, %broadcast_in_dim3A_122] : memref<256x64xf32, #tpu.memory_space<vmem>>[vector<16xi32>, vector<16xi32>], vector<16xf32>,
      %mul3A_125 = arith.mulf %gather3A_123, %gather3A_124 : vector<16xf32>
      %add3A_126 = arith.addf %add3A_120, %mul3A_125 : vector<16xf32>
      %broadcast_in_dim3A_127 = arith.constant 14 : i32
      %broadcast_in_dim3A_128 = vector.broadcast %broadcast_in_dim3A_127 : i32 to vector<16xi32>
      %gather3A_129 = tpu.vector_load_idx %arg9[%add3A_42, %broadcast_in_dim3A_128] : memref<256x64xf32, #tpu.memory_space<vmem>>[vector<16xi32>, vector<16xi32>], vector<16xf32>,
      %gather3A_130 = tpu.vector_load_idx %arg10[%add3A_42, %broadcast_in_dim3A_128] : memref<256x64xf32, #tpu.memory_space<vmem>>[vector<16xi32>, vector<16xi32>], vector<16xf32>,
      %mul3A_131 = arith.mulf %gather3A_129, %gather3A_130 : vector<16xf32>
      %add3A_132 = arith.addf %add3A_126, %mul3A_131 : vector<16xf32>
      %broadcast_in_dim3A_133 = arith.constant 15 : i32
      %broadcast_in_dim3A_134 = vector.broadcast %broadcast_in_dim3A_133 : i32 to vector<16xi32>
      %gather3A_135 = tpu.vector_load_idx %arg9[%add3A_42, %broadcast_in_dim3A_134] : memref<256x64xf32, #tpu.memory_space<vmem>>[vector<16xi32>, vector<16xi32>], vector<16xf32>,
      %gather3A_136 = tpu.vector_load_idx %arg10[%add3A_42, %broadcast_in_dim3A_134] : memref<256x64xf32, #tpu.memory_space<vmem>>[vector<16xi32>, vector<16xi32>], vector<16xf32>,
      %mul3A_137 = arith.mulf %gather3A_135, %gather3A_136 : vector<16xf32>
      %add3A_138 = arith.addf %add3A_132, %mul3A_137 : vector<16xf32>
      %broadcast_in_dim3A_139 = arith.constant 16 : i32
      %broadcast_in_dim3A_140 = vector.broadcast %broadcast_in_dim3A_139 : i32 to vector<16xi32>
      %gather3A_141 = tpu.vector_load_idx %arg9[%add3A_42, %broadcast_in_dim3A_140] : memref<256x64xf32, #tpu.memory_space<vmem>>[vector<16xi32>, vector<16xi32>], vector<16xf32>,
      %gather3A_142 = tpu.vector_load_idx %arg10[%add3A_42, %broadcast_in_dim3A_140] : memref<256x64xf32, #tpu.memory_space<vmem>>[vector<16xi32>, vector<16xi32>], vector<16xf32>,
      %mul3A_143 = arith.mulf %gather3A_141, %gather3A_142 : vector<16xf32>
      %add3A_144 = arith.addf %add3A_138, %mul3A_143 : vector<16xf32>
      %broadcast_in_dim3A_145 = arith.constant 17 : i32
      %broadcast_in_dim3A_146 = vector.broadcast %broadcast_in_dim3A_145 : i32 to vector<16xi32>
      %gather3A_147 = tpu.vector_load_idx %arg9[%add3A_42, %broadcast_in_dim3A_146] : memref<256x64xf32, #tpu.memory_space<vmem>>[vector<16xi32>, vector<16xi32>], vector<16xf32>,
      %gather3A_148 = tpu.vector_load_idx %arg10[%add3A_42, %broadcast_in_dim3A_146] : memref<256x64xf32, #tpu.memory_space<vmem>>[vector<16xi32>, vector<16xi32>], vector<16xf32>,
      %mul3A_149 = arith.mulf %gather3A_147, %gather3A_148 : vector<16xf32>
      %add3A_150 = arith.addf %add3A_144, %mul3A_149 : vector<16xf32>
      %broadcast_in_dim3A_151 = arith.constant 18 : i32
      %broadcast_in_dim3A_152 = vector.broadcast %broadcast_in_dim3A_151 : i32 to vector<16xi32>
      %gather3A_153 = tpu.vector_load_idx %arg9[%add3A_42, %broadcast_in_dim3A_152] : memref<256x64xf32, #tpu.memory_space<vmem>>[vector<16xi32>, vector<16xi32>], vector<16xf32>,
      %gather3A_154 = tpu.vector_load_idx %arg10[%add3A_42, %broadcast_in_dim3A_152] : memref<256x64xf32, #tpu.memory_space<vmem>>[vector<16xi32>, vector<16xi32>], vector<16xf32>,
      %mul3A_155 = arith.mulf %gather3A_153, %gather3A_154 : vector<16xf32>
      %add3A_156 = arith.addf %add3A_150, %mul3A_155 : vector<16xf32>
      %broadcast_in_dim3A_157 = arith.constant 19 : i32
      %broadcast_in_dim3A_158 = vector.broadcast %broadcast_in_dim3A_157 : i32 to vector<16xi32>
      %gather3A_159 = tpu.vector_load_idx %arg9[%add3A_42, %broadcast_in_dim3A_158] : memref<256x64xf32, #tpu.memory_space<vmem>>[vector<16xi32>, vector<16xi32>], vector<16xf32>,
      %gather3A_160 = tpu.vector_load_idx %arg10[%add3A_42, %broadcast_in_dim3A_158] : memref<256x64xf32, #tpu.memory_space<vmem>>[vector<16xi32>, vector<16xi32>], vector<16xf32>,
      %mul3A_161 = arith.mulf %gather3A_159, %gather3A_160 : vector<16xf32>
      %add3A_162 = arith.addf %add3A_156, %mul3A_161 : vector<16xf32>
      %broadcast_in_dim3A_163 = arith.constant 20 : i32
      %broadcast_in_dim3A_164 = vector.broadcast %broadcast_in_dim3A_163 : i32 to vector<16xi32>
      %gather3A_165 = tpu.vector_load_idx %arg9[%add3A_42, %broadcast_in_dim3A_164] : memref<256x64xf32, #tpu.memory_space<vmem>>[vector<16xi32>, vector<16xi32>], vector<16xf32>,
      %gather3A_166 = tpu.vector_load_idx %arg10[%add3A_42, %broadcast_in_dim3A_164] : memref<256x64xf32, #tpu.memory_space<vmem>>[vector<16xi32>, vector<16xi32>], vector<16xf32>,
      %mul3A_167 = arith.mulf %gather3A_165, %gather3A_166 : vector<16xf32>
      %add3A_168 = arith.addf %add3A_162, %mul3A_167 : vector<16xf32>
      %broadcast_in_dim3A_169 = arith.constant 21 : i32
      %broadcast_in_dim3A_170 = vector.broadcast %broadcast_in_dim3A_169 : i32 to vector<16xi32>
      %gather3A_171 = tpu.vector_load_idx %arg9[%add3A_42, %broadcast_in_dim3A_170] : memref<256x64xf32, #tpu.memory_space<vmem>>[vector<16xi32>, vector<16xi32>], vector<16xf32>,
      %gather3A_172 = tpu.vector_load_idx %arg10[%add3A_42, %broadcast_in_dim3A_170] : memref<256x64xf32, #tpu.memory_space<vmem>>[vector<16xi32>, vector<16xi32>], vector<16xf32>,
      %mul3A_173 = arith.mulf %gather3A_171, %gather3A_172 : vector<16xf32>
      %add3A_174 = arith.addf %add3A_168, %mul3A_173 : vector<16xf32>
      %broadcast_in_dim3A_175 = arith.constant 22 : i32
      %broadcast_in_dim3A_176 = vector.broadcast %broadcast_in_dim3A_175 : i32 to vector<16xi32>
      %gather3A_177 = tpu.vector_load_idx %arg9[%add3A_42, %broadcast_in_dim3A_176] : memref<256x64xf32, #tpu.memory_space<vmem>>[vector<16xi32>, vector<16xi32>], vector<16xf32>,
      %gather3A_178 = tpu.vector_load_idx %arg10[%add3A_42, %broadcast_in_dim3A_176] : memref<256x64xf32, #tpu.memory_space<vmem>>[vector<16xi32>, vector<16xi32>], vector<16xf32>,
      %mul3A_179 = arith.mulf %gather3A_177, %gather3A_178 : vector<16xf32>
      %add3A_180 = arith.addf %add3A_174, %mul3A_179 : vector<16xf32>
      %broadcast_in_dim3A_181 = arith.constant 23 : i32
      %broadcast_in_dim3A_182 = vector.broadcast %broadcast_in_dim3A_181 : i32 to vector<16xi32>
      %gather3A_183 = tpu.vector_load_idx %arg9[%add3A_42, %broadcast_in_dim3A_182] : memref<256x64xf32, #tpu.memory_space<vmem>>[vector<16xi32>, vector<16xi32>], vector<16xf32>,
      %gather3A_184 = tpu.vector_load_idx %arg10[%add3A_42, %broadcast_in_dim3A_182] : memref<256x64xf32, #tpu.memory_space<vmem>>[vector<16xi32>, vector<16xi32>], vector<16xf32>,
      %mul3A_185 = arith.mulf %gather3A_183, %gather3A_184 : vector<16xf32>
      %add3A_186 = arith.addf %add3A_180, %mul3A_185 : vector<16xf32>
      %broadcast_in_dim3A_187 = arith.constant 24 : i32
      %broadcast_in_dim3A_188 = vector.broadcast %broadcast_in_dim3A_187 : i32 to vector<16xi32>
      %gather3A_189 = tpu.vector_load_idx %arg9[%add3A_42, %broadcast_in_dim3A_188] : memref<256x64xf32, #tpu.memory_space<vmem>>[vector<16xi32>, vector<16xi32>], vector<16xf32>,
      %gather3A_190 = tpu.vector_load_idx %arg10[%add3A_42, %broadcast_in_dim3A_188] : memref<256x64xf32, #tpu.memory_space<vmem>>[vector<16xi32>, vector<16xi32>], vector<16xf32>,
      %mul3A_191 = arith.mulf %gather3A_189, %gather3A_190 : vector<16xf32>
      %add3A_192 = arith.addf %add3A_186, %mul3A_191 : vector<16xf32>
      %broadcast_in_dim3A_193 = arith.constant 25 : i32
      %broadcast_in_dim3A_194 = vector.broadcast %broadcast_in_dim3A_193 : i32 to vector<16xi32>
      %gather3A_195 = tpu.vector_load_idx %arg9[%add3A_42, %broadcast_in_dim3A_194] : memref<256x64xf32, #tpu.memory_space<vmem>>[vector<16xi32>, vector<16xi32>], vector<16xf32>,
      %gather3A_196 = tpu.vector_load_idx %arg10[%add3A_42, %broadcast_in_dim3A_194] : memref<256x64xf32, #tpu.memory_space<vmem>>[vector<16xi32>, vector<16xi32>], vector<16xf32>,
      %mul3A_197 = arith.mulf %gather3A_195, %gather3A_196 : vector<16xf32>
      %add3A_198 = arith.addf %add3A_192, %mul3A_197 : vector<16xf32>
      %broadcast_in_dim3A_199 = arith.constant 26 : i32
      %broadcast_in_dim3A_200 = vector.broadcast %broadcast_in_dim3A_199 : i32 to vector<16xi32>
      %gather3A_201 = tpu.vector_load_idx %arg9[%add3A_42, %broadcast_in_dim3A_200] : memref<256x64xf32, #tpu.memory_space<vmem>>[vector<16xi32>, vector<16xi32>], vector<16xf32>,
      %gather3A_202 = tpu.vector_load_idx %arg10[%add3A_42, %broadcast_in_dim3A_200] : memref<256x64xf32, #tpu.memory_space<vmem>>[vector<16xi32>, vector<16xi32>], vector<16xf32>,
      %mul3A_203 = arith.mulf %gather3A_201, %gather3A_202 : vector<16xf32>
      %add3A_204 = arith.addf %add3A_198, %mul3A_203 : vector<16xf32>
      %broadcast_in_dim3A_205 = arith.constant 27 : i32
      %broadcast_in_dim3A_206 = vector.broadcast %broadcast_in_dim3A_205 : i32 to vector<16xi32>
      %gather3A_207 = tpu.vector_load_idx %arg9[%add3A_42, %broadcast_in_dim3A_206] : memref<256x64xf32, #tpu.memory_space<vmem>>[vector<16xi32>, vector<16xi32>], vector<16xf32>,
      %gather3A_208 = tpu.vector_load_idx %arg10[%add3A_42, %broadcast_in_dim3A_206] : memref<256x64xf32, #tpu.memory_space<vmem>>[vector<16xi32>, vector<16xi32>], vector<16xf32>,
      %mul3A_209 = arith.mulf %gather3A_207, %gather3A_208 : vector<16xf32>
      %add3A_210 = arith.addf %add3A_204, %mul3A_209 : vector<16xf32>
      %broadcast_in_dim3A_211 = arith.constant 28 : i32
      %broadcast_in_dim3A_212 = vector.broadcast %broadcast_in_dim3A_211 : i32 to vector<16xi32>
      %gather3A_213 = tpu.vector_load_idx %arg9[%add3A_42, %broadcast_in_dim3A_212] : memref<256x64xf32, #tpu.memory_space<vmem>>[vector<16xi32>, vector<16xi32>], vector<16xf32>,
      %gather3A_214 = tpu.vector_load_idx %arg10[%add3A_42, %broadcast_in_dim3A_212] : memref<256x64xf32, #tpu.memory_space<vmem>>[vector<16xi32>, vector<16xi32>], vector<16xf32>,
      %mul3A_215 = arith.mulf %gather3A_213, %gather3A_214 : vector<16xf32>
      %add3A_216 = arith.addf %add3A_210, %mul3A_215 : vector<16xf32>
      %broadcast_in_dim3A_217 = arith.constant 29 : i32
      %broadcast_in_dim3A_218 = vector.broadcast %broadcast_in_dim3A_217 : i32 to vector<16xi32>
      %gather3A_219 = tpu.vector_load_idx %arg9[%add3A_42, %broadcast_in_dim3A_218] : memref<256x64xf32, #tpu.memory_space<vmem>>[vector<16xi32>, vector<16xi32>], vector<16xf32>,
      %gather3A_220 = tpu.vector_load_idx %arg10[%add3A_42, %broadcast_in_dim3A_218] : memref<256x64xf32, #tpu.memory_space<vmem>>[vector<16xi32>, vector<16xi32>], vector<16xf32>,
      %mul3A_221 = arith.mulf %gather3A_219, %gather3A_220 : vector<16xf32>
      %add3A_222 = arith.addf %add3A_216, %mul3A_221 : vector<16xf32>
      %broadcast_in_dim3A_223 = arith.constant 30 : i32
      %broadcast_in_dim3A_224 = vector.broadcast %broadcast_in_dim3A_223 : i32 to vector<16xi32>
      %gather3A_225 = tpu.vector_load_idx %arg9[%add3A_42, %broadcast_in_dim3A_224] : memref<256x64xf32, #tpu.memory_space<vmem>>[vector<16xi32>, vector<16xi32>], vector<16xf32>,
      %gather3A_226 = tpu.vector_load_idx %arg10[%add3A_42, %broadcast_in_dim3A_224] : memref<256x64xf32, #tpu.memory_space<vmem>>[vector<16xi32>, vector<16xi32>], vector<16xf32>,
      %mul3A_227 = arith.mulf %gather3A_225, %gather3A_226 : vector<16xf32>
      %add3A_228 = arith.addf %add3A_222, %mul3A_227 : vector<16xf32>
      %broadcast_in_dim3A_229 = arith.constant 31 : i32
      %broadcast_in_dim3A_230 = vector.broadcast %broadcast_in_dim3A_229 : i32 to vector<16xi32>
      %gather3A_231 = tpu.vector_load_idx %arg9[%add3A_42, %broadcast_in_dim3A_230] : memref<256x64xf32, #tpu.memory_space<vmem>>[vector<16xi32>, vector<16xi32>], vector<16xf32>,
      %gather3A_232 = tpu.vector_load_idx %arg10[%add3A_42, %broadcast_in_dim3A_230] : memref<256x64xf32, #tpu.memory_space<vmem>>[vector<16xi32>, vector<16xi32>], vector<16xf32>,
      %mul3A_233 = arith.mulf %gather3A_231, %gather3A_232 : vector<16xf32>
      %add3A_234 = arith.addf %add3A_228, %mul3A_233 : vector<16xf32>
      %broadcast_in_dim3A_235 = arith.constant 32 : i32
      %broadcast_in_dim3A_236 = vector.broadcast %broadcast_in_dim3A_235 : i32 to vector<16xi32>
      %gather3A_237 = tpu.vector_load_idx %arg9[%add3A_42, %broadcast_in_dim3A_236] : memref<256x64xf32, #tpu.memory_space<vmem>>[vector<16xi32>, vector<16xi32>], vector<16xf32>,
      %gather3A_238 = tpu.vector_load_idx %arg10[%add3A_42, %broadcast_in_dim3A_236] : memref<256x64xf32, #tpu.memory_space<vmem>>[vector<16xi32>, vector<16xi32>], vector<16xf32>,
      %mul3A_239 = arith.mulf %gather3A_237, %gather3A_238 : vector<16xf32>
      %add3A_240 = arith.addf %add3A_234, %mul3A_239 : vector<16xf32>
      %broadcast_in_dim3A_241 = arith.constant 33 : i32
      %broadcast_in_dim3A_242 = vector.broadcast %broadcast_in_dim3A_241 : i32 to vector<16xi32>
      %gather3A_243 = tpu.vector_load_idx %arg9[%add3A_42, %broadcast_in_dim3A_242] : memref<256x64xf32, #tpu.memory_space<vmem>>[vector<16xi32>, vector<16xi32>], vector<16xf32>,
      %gather3A_244 = tpu.vector_load_idx %arg10[%add3A_42, %broadcast_in_dim3A_242] : memref<256x64xf32, #tpu.memory_space<vmem>>[vector<16xi32>, vector<16xi32>], vector<16xf32>,
      %mul3A_245 = arith.mulf %gather3A_243, %gather3A_244 : vector<16xf32>
      %add3A_246 = arith.addf %add3A_240, %mul3A_245 : vector<16xf32>
      %broadcast_in_dim3A_247 = arith.constant 34 : i32
      %broadcast_in_dim3A_248 = vector.broadcast %broadcast_in_dim3A_247 : i32 to vector<16xi32>
      %gather3A_249 = tpu.vector_load_idx %arg9[%add3A_42, %broadcast_in_dim3A_248] : memref<256x64xf32, #tpu.memory_space<vmem>>[vector<16xi32>, vector<16xi32>], vector<16xf32>,
      %gather3A_250 = tpu.vector_load_idx %arg10[%add3A_42, %broadcast_in_dim3A_248] : memref<256x64xf32, #tpu.memory_space<vmem>>[vector<16xi32>, vector<16xi32>], vector<16xf32>,
      %mul3A_251 = arith.mulf %gather3A_249, %gather3A_250 : vector<16xf32>
      %add3A_252 = arith.addf %add3A_246, %mul3A_251 : vector<16xf32>
      %broadcast_in_dim3A_253 = arith.constant 35 : i32
      %broadcast_in_dim3A_254 = vector.broadcast %broadcast_in_dim3A_253 : i32 to vector<16xi32>
      %gather3A_255 = tpu.vector_load_idx %arg9[%add3A_42, %broadcast_in_dim3A_254] : memref<256x64xf32, #tpu.memory_space<vmem>>[vector<16xi32>, vector<16xi32>], vector<16xf32>,
      %gather3A_256 = tpu.vector_load_idx %arg10[%add3A_42, %broadcast_in_dim3A_254] : memref<256x64xf32, #tpu.memory_space<vmem>>[vector<16xi32>, vector<16xi32>], vector<16xf32>,
      %mul3A_257 = arith.mulf %gather3A_255, %gather3A_256 : vector<16xf32>
      %add3A_258 = arith.addf %add3A_252, %mul3A_257 : vector<16xf32>
      %broadcast_in_dim3A_259 = arith.constant 36 : i32
      %broadcast_in_dim3A_260 = vector.broadcast %broadcast_in_dim3A_259 : i32 to vector<16xi32>
      %gather3A_261 = tpu.vector_load_idx %arg9[%add3A_42, %broadcast_in_dim3A_260] : memref<256x64xf32, #tpu.memory_space<vmem>>[vector<16xi32>, vector<16xi32>], vector<16xf32>,
      %gather3A_262 = tpu.vector_load_idx %arg10[%add3A_42, %broadcast_in_dim3A_260] : memref<256x64xf32, #tpu.memory_space<vmem>>[vector<16xi32>, vector<16xi32>], vector<16xf32>,
      %mul3A_263 = arith.mulf %gather3A_261, %gather3A_262 : vector<16xf32>
      %add3A_264 = arith.addf %add3A_258, %mul3A_263 : vector<16xf32>
      %broadcast_in_dim3A_265 = arith.constant 37 : i32
      %broadcast_in_dim3A_266 = vector.broadcast %broadcast_in_dim3A_265 : i32 to vector<16xi32>
      %gather3A_267 = tpu.vector_load_idx %arg9[%add3A_42, %broadcast_in_dim3A_266] : memref<256x64xf32, #tpu.memory_space<vmem>>[vector<16xi32>, vector<16xi32>], vector<16xf32>,
      %gather3A_268 = tpu.vector_load_idx %arg10[%add3A_42, %broadcast_in_dim3A_266] : memref<256x64xf32, #tpu.memory_space<vmem>>[vector<16xi32>, vector<16xi32>], vector<16xf32>,
      %mul3A_269 = arith.mulf %gather3A_267, %gather3A_268 : vector<16xf32>
      %add3A_270 = arith.addf %add3A_264, %mul3A_269 : vector<16xf32>
      %broadcast_in_dim3A_271 = arith.constant 38 : i32
      %broadcast_in_dim3A_272 = vector.broadcast %broadcast_in_dim3A_271 : i32 to vector<16xi32>
      %gather3A_273 = tpu.vector_load_idx %arg9[%add3A_42, %broadcast_in_dim3A_272] : memref<256x64xf32, #tpu.memory_space<vmem>>[vector<16xi32>, vector<16xi32>], vector<16xf32>,
      %gather3A_274 = tpu.vector_load_idx %arg10[%add3A_42, %broadcast_in_dim3A_272] : memref<256x64xf32, #tpu.memory_space<vmem>>[vector<16xi32>, vector<16xi32>], vector<16xf32>,
      %mul3A_275 = arith.mulf %gather3A_273, %gather3A_274 : vector<16xf32>
      %add3A_276 = arith.addf %add3A_270, %mul3A_275 : vector<16xf32>
      %broadcast_in_dim3A_277 = arith.constant 39 : i32
      %broadcast_in_dim3A_278 = vector.broadcast %broadcast_in_dim3A_277 : i32 to vector<16xi32>
      %gather3A_279 = tpu.vector_load_idx %arg9[%add3A_42, %broadcast_in_dim3A_278] : memref<256x64xf32, #tpu.memory_space<vmem>>[vector<16xi32>, vector<16xi32>], vector<16xf32>,
      %gather3A_280 = tpu.vector_load_idx %arg10[%add3A_42, %broadcast_in_dim3A_278] : memref<256x64xf32, #tpu.memory_space<vmem>>[vector<16xi32>, vector<16xi32>], vector<16xf32>,
      %mul3A_281 = arith.mulf %gather3A_279, %gather3A_280 : vector<16xf32>
      %add3A_282 = arith.addf %add3A_276, %mul3A_281 : vector<16xf32>
      %broadcast_in_dim3A_283 = arith.constant 40 : i32
      %broadcast_in_dim3A_284 = vector.broadcast %broadcast_in_dim3A_283 : i32 to vector<16xi32>
      %gather3A_285 = tpu.vector_load_idx %arg9[%add3A_42, %broadcast_in_dim3A_284] : memref<256x64xf32, #tpu.memory_space<vmem>>[vector<16xi32>, vector<16xi32>], vector<16xf32>,
      %gather3A_286 = tpu.vector_load_idx %arg10[%add3A_42, %broadcast_in_dim3A_284] : memref<256x64xf32, #tpu.memory_space<vmem>>[vector<16xi32>, vector<16xi32>], vector<16xf32>,
      %mul3A_287 = arith.mulf %gather3A_285, %gather3A_286 : vector<16xf32>
      %add3A_288 = arith.addf %add3A_282, %mul3A_287 : vector<16xf32>
      %broadcast_in_dim3A_289 = arith.constant 41 : i32
      %broadcast_in_dim3A_290 = vector.broadcast %broadcast_in_dim3A_289 : i32 to vector<16xi32>
      %gather3A_291 = tpu.vector_load_idx %arg9[%add3A_42, %broadcast_in_dim3A_290] : memref<256x64xf32, #tpu.memory_space<vmem>>[vector<16xi32>, vector<16xi32>], vector<16xf32>,
      %gather3A_292 = tpu.vector_load_idx %arg10[%add3A_42, %broadcast_in_dim3A_290] : memref<256x64xf32, #tpu.memory_space<vmem>>[vector<16xi32>, vector<16xi32>], vector<16xf32>,
      %mul3A_293 = arith.mulf %gather3A_291, %gather3A_292 : vector<16xf32>
      %add3A_294 = arith.addf %add3A_288, %mul3A_293 : vector<16xf32>
      %broadcast_in_dim3A_295 = arith.constant 42 : i32
      %broadcast_in_dim3A_296 = vector.broadcast %broadcast_in_dim3A_295 : i32 to vector<16xi32>
      %gather3A_297 = tpu.vector_load_idx %arg9[%add3A_42, %broadcast_in_dim3A_296] : memref<256x64xf32, #tpu.memory_space<vmem>>[vector<16xi32>, vector<16xi32>], vector<16xf32>,
      %gather3A_298 = tpu.vector_load_idx %arg10[%add3A_42, %broadcast_in_dim3A_296] : memref<256x64xf32, #tpu.memory_space<vmem>>[vector<16xi32>, vector<16xi32>], vector<16xf32>,
      %mul3A_299 = arith.mulf %gather3A_297, %gather3A_298 : vector<16xf32>
      %add3A_300 = arith.addf %add3A_294, %mul3A_299 : vector<16xf32>
      %broadcast_in_dim3A_301 = arith.constant 43 : i32
      %broadcast_in_dim3A_302 = vector.broadcast %broadcast_in_dim3A_301 : i32 to vector<16xi32>
      %gather3A_303 = tpu.vector_load_idx %arg9[%add3A_42, %broadcast_in_dim3A_302] : memref<256x64xf32, #tpu.memory_space<vmem>>[vector<16xi32>, vector<16xi32>], vector<16xf32>,
      %gather3A_304 = tpu.vector_load_idx %arg10[%add3A_42, %broadcast_in_dim3A_302] : memref<256x64xf32, #tpu.memory_space<vmem>>[vector<16xi32>, vector<16xi32>], vector<16xf32>,
      %mul3A_305 = arith.mulf %gather3A_303, %gather3A_304 : vector<16xf32>
      %add3A_306 = arith.addf %add3A_300, %mul3A_305 : vector<16xf32>
      %broadcast_in_dim3A_307 = arith.constant 44 : i32
      %broadcast_in_dim3A_308 = vector.broadcast %broadcast_in_dim3A_307 : i32 to vector<16xi32>
      %gather3A_309 = tpu.vector_load_idx %arg9[%add3A_42, %broadcast_in_dim3A_308] : memref<256x64xf32, #tpu.memory_space<vmem>>[vector<16xi32>, vector<16xi32>], vector<16xf32>,
      %gather3A_310 = tpu.vector_load_idx %arg10[%add3A_42, %broadcast_in_dim3A_308] : memref<256x64xf32, #tpu.memory_space<vmem>>[vector<16xi32>, vector<16xi32>], vector<16xf32>,
      %mul3A_311 = arith.mulf %gather3A_309, %gather3A_310 : vector<16xf32>
      %add3A_312 = arith.addf %add3A_306, %mul3A_311 : vector<16xf32>
      %broadcast_in_dim3A_313 = arith.constant 45 : i32
      %broadcast_in_dim3A_314 = vector.broadcast %broadcast_in_dim3A_313 : i32 to vector<16xi32>
      %gather3A_315 = tpu.vector_load_idx %arg9[%add3A_42, %broadcast_in_dim3A_314] : memref<256x64xf32, #tpu.memory_space<vmem>>[vector<16xi32>, vector<16xi32>], vector<16xf32>,
      %gather3A_316 = tpu.vector_load_idx %arg10[%add3A_42, %broadcast_in_dim3A_314] : memref<256x64xf32, #tpu.memory_space<vmem>>[vector<16xi32>, vector<16xi32>], vector<16xf32>,
      %mul3A_317 = arith.mulf %gather3A_315, %gather3A_316 : vector<16xf32>
      %add3A_318 = arith.addf %add3A_312, %mul3A_317 : vector<16xf32>
      %broadcast_in_dim3A_319 = arith.constant 46 : i32
      %broadcast_in_dim3A_320 = vector.broadcast %broadcast_in_dim3A_319 : i32 to vector<16xi32>
      %gather3A_321 = tpu.vector_load_idx %arg9[%add3A_42, %broadcast_in_dim3A_320] : memref<256x64xf32, #tpu.memory_space<vmem>>[vector<16xi32>, vector<16xi32>], vector<16xf32>,
      %gather3A_322 = tpu.vector_load_idx %arg10[%add3A_42, %broadcast_in_dim3A_320] : memref<256x64xf32, #tpu.memory_space<vmem>>[vector<16xi32>, vector<16xi32>], vector<16xf32>,
      %mul3A_323 = arith.mulf %gather3A_321, %gather3A_322 : vector<16xf32>
      %add3A_324 = arith.addf %add3A_318, %mul3A_323 : vector<16xf32>
      %broadcast_in_dim3A_325 = arith.constant 47 : i32
      %broadcast_in_dim3A_326 = vector.broadcast %broadcast_in_dim3A_325 : i32 to vector<16xi32>
      %gather3A_327 = tpu.vector_load_idx %arg9[%add3A_42, %broadcast_in_dim3A_326] : memref<256x64xf32, #tpu.memory_space<vmem>>[vector<16xi32>, vector<16xi32>], vector<16xf32>,
      %gather3A_328 = tpu.vector_load_idx %arg10[%add3A_42, %broadcast_in_dim3A_326] : memref<256x64xf32, #tpu.memory_space<vmem>>[vector<16xi32>, vector<16xi32>], vector<16xf32>,
      %mul3A_329 = arith.mulf %gather3A_327, %gather3A_328 : vector<16xf32>
      %add3A_330 = arith.addf %add3A_324, %mul3A_329 : vector<16xf32>
      %broadcast_in_dim3A_331 = arith.constant 48 : i32
      %broadcast_in_dim3A_332 = vector.broadcast %broadcast_in_dim3A_331 : i32 to vector<16xi32>
      %gather3A_333 = tpu.vector_load_idx %arg9[%add3A_42, %broadcast_in_dim3A_332] : memref<256x64xf32, #tpu.memory_space<vmem>>[vector<16xi32>, vector<16xi32>], vector<16xf32>,
      %gather3A_334 = tpu.vector_load_idx %arg10[%add3A_42, %broadcast_in_dim3A_332] : memref<256x64xf32, #tpu.memory_space<vmem>>[vector<16xi32>, vector<16xi32>], vector<16xf32>,
      %mul3A_335 = arith.mulf %gather3A_333, %gather3A_334 : vector<16xf32>
      %add3A_336 = arith.addf %add3A_330, %mul3A_335 : vector<16xf32>
      %broadcast_in_dim3A_337 = arith.constant 49 : i32
      %broadcast_in_dim3A_338 = vector.broadcast %broadcast_in_dim3A_337 : i32 to vector<16xi32>
      %gather3A_339 = tpu.vector_load_idx %arg9[%add3A_42, %broadcast_in_dim3A_338] : memref<256x64xf32, #tpu.memory_space<vmem>>[vector<16xi32>, vector<16xi32>], vector<16xf32>,
      %gather3A_340 = tpu.vector_load_idx %arg10[%add3A_42, %broadcast_in_dim3A_338] : memref<256x64xf32, #tpu.memory_space<vmem>>[vector<16xi32>, vector<16xi32>], vector<16xf32>,
      %mul3A_341 = arith.mulf %gather3A_339, %gather3A_340 : vector<16xf32>
      %add3A_342 = arith.addf %add3A_336, %mul3A_341 : vector<16xf32>
      %broadcast_in_dim3A_343 = arith.constant 50 : i32
      %broadcast_in_dim3A_344 = vector.broadcast %broadcast_in_dim3A_343 : i32 to vector<16xi32>
      %gather3A_345 = tpu.vector_load_idx %arg9[%add3A_42, %broadcast_in_dim3A_344] : memref<256x64xf32, #tpu.memory_space<vmem>>[vector<16xi32>, vector<16xi32>], vector<16xf32>,
      %gather3A_346 = tpu.vector_load_idx %arg10[%add3A_42, %broadcast_in_dim3A_344] : memref<256x64xf32, #tpu.memory_space<vmem>>[vector<16xi32>, vector<16xi32>], vector<16xf32>,
      %mul3A_347 = arith.mulf %gather3A_345, %gather3A_346 : vector<16xf32>
      %add3A_348 = arith.addf %add3A_342, %mul3A_347 : vector<16xf32>
      %broadcast_in_dim3A_349 = arith.constant 51 : i32
      %broadcast_in_dim3A_350 = vector.broadcast %broadcast_in_dim3A_349 : i32 to vector<16xi32>
      %gather3A_351 = tpu.vector_load_idx %arg9[%add3A_42, %broadcast_in_dim3A_350] : memref<256x64xf32, #tpu.memory_space<vmem>>[vector<16xi32>, vector<16xi32>], vector<16xf32>,
      %gather3A_352 = tpu.vector_load_idx %arg10[%add3A_42, %broadcast_in_dim3A_350] : memref<256x64xf32, #tpu.memory_space<vmem>>[vector<16xi32>, vector<16xi32>], vector<16xf32>,
      %mul3A_353 = arith.mulf %gather3A_351, %gather3A_352 : vector<16xf32>
      %add3A_354 = arith.addf %add3A_348, %mul3A_353 : vector<16xf32>
      %broadcast_in_dim3A_355 = arith.constant 52 : i32
      %broadcast_in_dim3A_356 = vector.broadcast %broadcast_in_dim3A_355 : i32 to vector<16xi32>
      %gather3A_357 = tpu.vector_load_idx %arg9[%add3A_42, %broadcast_in_dim3A_356] : memref<256x64xf32, #tpu.memory_space<vmem>>[vector<16xi32>, vector<16xi32>], vector<16xf32>,
      %gather3A_358 = tpu.vector_load_idx %arg10[%add3A_42, %broadcast_in_dim3A_356] : memref<256x64xf32, #tpu.memory_space<vmem>>[vector<16xi32>, vector<16xi32>], vector<16xf32>,
      %mul3A_359 = arith.mulf %gather3A_357, %gather3A_358 : vector<16xf32>
      %add3A_360 = arith.addf %add3A_354, %mul3A_359 : vector<16xf32>
      %broadcast_in_dim3A_361 = arith.constant 53 : i32
      %broadcast_in_dim3A_362 = vector.broadcast %broadcast_in_dim3A_361 : i32 to vector<16xi32>
      %gather3A_363 = tpu.vector_load_idx %arg9[%add3A_42, %broadcast_in_dim3A_362] : memref<256x64xf32, #tpu.memory_space<vmem>>[vector<16xi32>, vector<16xi32>], vector<16xf32>,
      %gather3A_364 = tpu.vector_load_idx %arg10[%add3A_42, %broadcast_in_dim3A_362] : memref<256x64xf32, #tpu.memory_space<vmem>>[vector<16xi32>, vector<16xi32>], vector<16xf32>,
      %mul3A_365 = arith.mulf %gather3A_363, %gather3A_364 : vector<16xf32>
      %add3A_366 = arith.addf %add3A_360, %mul3A_365 : vector<16xf32>
      %broadcast_in_dim3A_367 = arith.constant 54 : i32
      %broadcast_in_dim3A_368 = vector.broadcast %broadcast_in_dim3A_367 : i32 to vector<16xi32>
      %gather3A_369 = tpu.vector_load_idx %arg9[%add3A_42, %broadcast_in_dim3A_368] : memref<256x64xf32, #tpu.memory_space<vmem>>[vector<16xi32>, vector<16xi32>], vector<16xf32>,
      %gather3A_370 = tpu.vector_load_idx %arg10[%add3A_42, %broadcast_in_dim3A_368] : memref<256x64xf32, #tpu.memory_space<vmem>>[vector<16xi32>, vector<16xi32>], vector<16xf32>,
      %mul3A_371 = arith.mulf %gather3A_369, %gather3A_370 : vector<16xf32>
      %add3A_372 = arith.addf %add3A_366, %mul3A_371 : vector<16xf32>
      %broadcast_in_dim3A_373 = arith.constant 55 : i32
      %broadcast_in_dim3A_374 = vector.broadcast %broadcast_in_dim3A_373 : i32 to vector<16xi32>
      %gather3A_375 = tpu.vector_load_idx %arg9[%add3A_42, %broadcast_in_dim3A_374] : memref<256x64xf32, #tpu.memory_space<vmem>>[vector<16xi32>, vector<16xi32>], vector<16xf32>,
      %gather3A_376 = tpu.vector_load_idx %arg10[%add3A_42, %broadcast_in_dim3A_374] : memref<256x64xf32, #tpu.memory_space<vmem>>[vector<16xi32>, vector<16xi32>], vector<16xf32>,
      %mul3A_377 = arith.mulf %gather3A_375, %gather3A_376 : vector<16xf32>
      %add3A_378 = arith.addf %add3A_372, %mul3A_377 : vector<16xf32>
      %broadcast_in_dim3A_379 = arith.constant 56 : i32
      %broadcast_in_dim3A_380 = vector.broadcast %broadcast_in_dim3A_379 : i32 to vector<16xi32>
      %gather3A_381 = tpu.vector_load_idx %arg9[%add3A_42, %broadcast_in_dim3A_380] : memref<256x64xf32, #tpu.memory_space<vmem>>[vector<16xi32>, vector<16xi32>], vector<16xf32>,
      %gather3A_382 = tpu.vector_load_idx %arg10[%add3A_42, %broadcast_in_dim3A_380] : memref<256x64xf32, #tpu.memory_space<vmem>>[vector<16xi32>, vector<16xi32>], vector<16xf32>,
      %mul3A_383 = arith.mulf %gather3A_381, %gather3A_382 : vector<16xf32>
      %add3A_384 = arith.addf %add3A_378, %mul3A_383 : vector<16xf32>
      %broadcast_in_dim3A_385 = arith.constant 57 : i32
      %broadcast_in_dim3A_386 = vector.broadcast %broadcast_in_dim3A_385 : i32 to vector<16xi32>
      %gather3A_387 = tpu.vector_load_idx %arg9[%add3A_42, %broadcast_in_dim3A_386] : memref<256x64xf32, #tpu.memory_space<vmem>>[vector<16xi32>, vector<16xi32>], vector<16xf32>,
      %gather3A_388 = tpu.vector_load_idx %arg10[%add3A_42, %broadcast_in_dim3A_386] : memref<256x64xf32, #tpu.memory_space<vmem>>[vector<16xi32>, vector<16xi32>], vector<16xf32>,
      %mul3A_389 = arith.mulf %gather3A_387, %gather3A_388 : vector<16xf32>
      %add3A_390 = arith.addf %add3A_384, %mul3A_389 : vector<16xf32>
      %broadcast_in_dim3A_391 = arith.constant 58 : i32
      %broadcast_in_dim3A_392 = vector.broadcast %broadcast_in_dim3A_391 : i32 to vector<16xi32>
      %gather3A_393 = tpu.vector_load_idx %arg9[%add3A_42, %broadcast_in_dim3A_392] : memref<256x64xf32, #tpu.memory_space<vmem>>[vector<16xi32>, vector<16xi32>], vector<16xf32>,
      %gather3A_394 = tpu.vector_load_idx %arg10[%add3A_42, %broadcast_in_dim3A_392] : memref<256x64xf32, #tpu.memory_space<vmem>>[vector<16xi32>, vector<16xi32>], vector<16xf32>,
      %mul3A_395 = arith.mulf %gather3A_393, %gather3A_394 : vector<16xf32>
      %add3A_396 = arith.addf %add3A_390, %mul3A_395 : vector<16xf32>
      %broadcast_in_dim3A_397 = arith.constant 59 : i32
      %broadcast_in_dim3A_398 = vector.broadcast %broadcast_in_dim3A_397 : i32 to vector<16xi32>
      %gather3A_399 = tpu.vector_load_idx %arg9[%add3A_42, %broadcast_in_dim3A_398] : memref<256x64xf32, #tpu.memory_space<vmem>>[vector<16xi32>, vector<16xi32>], vector<16xf32>,
      %gather3A_400 = tpu.vector_load_idx %arg10[%add3A_42, %broadcast_in_dim3A_398] : memref<256x64xf32, #tpu.memory_space<vmem>>[vector<16xi32>, vector<16xi32>], vector<16xf32>,
      %mul3A_401 = arith.mulf %gather3A_399, %gather3A_400 : vector<16xf32>
      %add3A_402 = arith.addf %add3A_396, %mul3A_401 : vector<16xf32>
      %broadcast_in_dim3A_403 = arith.constant 60 : i32
      %broadcast_in_dim3A_404 = vector.broadcast %broadcast_in_dim3A_403 : i32 to vector<16xi32>
      %gather3A_405 = tpu.vector_load_idx %arg9[%add3A_42, %broadcast_in_dim3A_404] : memref<256x64xf32, #tpu.memory_space<vmem>>[vector<16xi32>, vector<16xi32>], vector<16xf32>,
      %gather3A_406 = tpu.vector_load_idx %arg10[%add3A_42, %broadcast_in_dim3A_404] : memref<256x64xf32, #tpu.memory_space<vmem>>[vector<16xi32>, vector<16xi32>], vector<16xf32>,
      %mul3A_407 = arith.mulf %gather3A_405, %gather3A_406 : vector<16xf32>
      %add3A_408 = arith.addf %add3A_402, %mul3A_407 : vector<16xf32>
      %broadcast_in_dim3A_409 = arith.constant 61 : i32
      %broadcast_in_dim3A_410 = vector.broadcast %broadcast_in_dim3A_409 : i32 to vector<16xi32>
      %gather3A_411 = tpu.vector_load_idx %arg9[%add3A_42, %broadcast_in_dim3A_410] : memref<256x64xf32, #tpu.memory_space<vmem>>[vector<16xi32>, vector<16xi32>], vector<16xf32>,
      %gather3A_412 = tpu.vector_load_idx %arg10[%add3A_42, %broadcast_in_dim3A_410] : memref<256x64xf32, #tpu.memory_space<vmem>>[vector<16xi32>, vector<16xi32>], vector<16xf32>,
      %mul3A_413 = arith.mulf %gather3A_411, %gather3A_412 : vector<16xf32>
      %add3A_414 = arith.addf %add3A_408, %mul3A_413 : vector<16xf32>
      %broadcast_in_dim3A_415 = arith.constant 62 : i32
      %broadcast_in_dim3A_416 = vector.broadcast %broadcast_in_dim3A_415 : i32 to vector<16xi32>
      %gather3A_417 = tpu.vector_load_idx %arg9[%add3A_42, %broadcast_in_dim3A_416] : memref<256x64xf32, #tpu.memory_space<vmem>>[vector<16xi32>, vector<16xi32>], vector<16xf32>,
      %gather3A_418 = tpu.vector_load_idx %arg10[%add3A_42, %broadcast_in_dim3A_416] : memref<256x64xf32, #tpu.memory_space<vmem>>[vector<16xi32>, vector<16xi32>], vector<16xf32>,
      %mul3A_419 = arith.mulf %gather3A_417, %gather3A_418 : vector<16xf32>
      %add3A_420 = arith.addf %add3A_414, %mul3A_419 : vector<16xf32>
      %broadcast_in_dim3A_421 = arith.constant 63 : i32
      %broadcast_in_dim3A_422 = vector.broadcast %broadcast_in_dim3A_421 : i32 to vector<16xi32>
      %gather3A_423 = tpu.vector_load_idx %arg9[%add3A_42, %broadcast_in_dim3A_422] : memref<256x64xf32, #tpu.memory_space<vmem>>[vector<16xi32>, vector<16xi32>], vector<16xf32>,
      %gather3A_424 = tpu.vector_load_idx %arg10[%add3A_42, %broadcast_in_dim3A_422] : memref<256x64xf32, #tpu.memory_space<vmem>>[vector<16xi32>, vector<16xi32>], vector<16xf32>,
      %mul3A_425 = arith.mulf %gather3A_423, %gather3A_424 : vector<16xf32>
      %add3A_426 = arith.addf %add3A_420, %mul3A_425 : vector<16xf32>
      %mul3A_427 = arith.constant 16 : i32
      %mul3A_428 = arith.muli %scan3A_38, %mul3A_427 : i32
      %add3A_429 = arith.constant 0 : i32
      %add3A_430 = arith.addi %add3A_429, %mul3A_428 : i32
      %swap3A = arith.index_cast %add3A_430 : i32 to index
      %swap3A_431 = tpu.vector_load %arg11[%swap3A] {strides = array<i32>} : memref<512xf32, #tpu.memory_space<vmem>>, vector<16xf32>,
      tpu.vector_store %arg11[%swap3A], %add3A_426 {strides = array<i32>} : memref<512xf32, #tpu.memory_space<vmem>>, vector<16xf32>,
    }
    %scan3A_19 = arith.constant 16 : i32
    %scan3A_20 = arith.constant 0 : i32
    %scan3A_21 = arith.constant 0 : i32
    %scan3A_22 = arith.constant 16 : i32
    %scan3A_23 = arith.addi %scan3A_21, %scan3A_22 : i32
    %scan3A_24 = arith.constant 1 : i32
    scf.for %scan3A_38 = %scan3A_21 to %scan3A_23 step %scan3A_24  : i32 {
      %mul3A_39 = arith.constant 16 : i32
      %mul3A_40 = arith.muli %scan3A_38, %mul3A_39 : i32
      %add3A_41 = arith.constant 256 : i32
      %add3A_42 = arith.addi %add3A_41, %mul3A_40 : i32
      %get3A = arith.index_cast %add3A_42 : i32 to index
      %get3A_43 = tpu.vector_load %arg7[%get3A] {strides = array<i32>} : memref<512xi32, #tpu.memory_space<vmem>>, vector<16xi32>,
      %mul3A_44 = arith.constant 16 : i32
      %mul3A_45 = arith.muli %scan3A_38, %mul3A_44 : i32
      %add3A_46 = arith.constant 256 : i32
      %add3A_47 = arith.addi %add3A_46, %mul3A_45 : i32
      %get3A_48 = arith.index_cast %add3A_47 : i32 to index
      %get3A_49 = tpu.vector_load %arg8[%get3A_48] {strides = array<i32>} : memref<512xi32, #tpu.memory_space<vmem>>, vector<16xi32>,
      %slice3A = vector.extract_strided_slice %get3A_43 {offsets = [0], sizes = [1], strides = [1]} : vector<16xi32> to vector<1xi32>
      %squeeze3A = vector.extract %slice3A[0] : i32 from vector<1xi32>
      %slice3A_50 = vector.extract_strided_slice %get3A_49 {offsets = [0], sizes = [1], strides = [1]} : vector<16xi32> to vector<1xi32>
      %squeeze3A_51 = vector.extract %slice3A_50[0] : i32 from vector<1xi32>
      %mul3A_52 = arith.constant 16 : i32
      %mul3A_53 = arith.muli %scan3A_38, %mul3A_52 : i32
      %add3A_54 = arith.constant 0 : i32
      %add3A_55 = arith.addi %mul3A_53, %add3A_54 : i32
      %dma_start3A = arith.constant 0 : i32
      %dma_start3A_56 = tpu.memref_slice %arg9[%add3A_55, %dma_start3A] : memref<256x64xf32, #tpu.memory_space<vmem>> -> memref<1x64xf32, #tpu.memory_space<vmem>>
      %dma_start3A_57 = arith.constant 0 : i32
      %dma_start3A_58 = tpu.memref_slice %arg4[%squeeze3A, %dma_start3A_57] : memref<1000000x64xf32, #tpu.memory_space<hbm>> -> memref<1x64xf32, #tpu.memory_space<hbm>>
      %dma_start3A_59 = arith.constant 0 : i32
      %dma_start3A_60 = tpu.memref_slice %arg9[%add3A_55, %dma_start3A_59] : memref<256x64xf32, #tpu.memory_space<vmem>> -> memref<1x64xf32, #tpu.memory_space<vmem>>
      %dma_start3A_61 = arith.constant 0 : i32
      %dma_start3A_62 = tpu.memref_slice %arg4[%squeeze3A, %dma_start3A_61] : memref<1000000x64xf32, #tpu.memory_space<hbm>> -> memref<1x64xf32, #tpu.memory_space<hbm>>
      tpu.enqueue_dma source(%dma_start3A_62 : memref<1x64xf32, #tpu.memory_space<hbm>>) target(%dma_start3A_60 : memref<1x64xf32, #tpu.memory_space<vmem>>) target_semaphore(%arg12 : memref<!tpu.dma_semaphore, #tpu.memory_space<semaphore_mem>>)
      %dma_start3A_63 = arith.constant 0 : i32
      %dma_start3A_64 = tpu.memref_slice %arg10[%add3A_55, %dma_start3A_63] : memref<256x64xf32, #tpu.memory_space<vmem>> -> memref<1x64xf32, #tpu.memory_space<vmem>>
      %dma_start3A_65 = arith.constant 0 : i32
      %dma_start3A_66 = tpu.memref_slice %arg5[%squeeze3A_51, %dma_start3A_65] : memref<1000000x64xf32, #tpu.memory_space<hbm>> -> memref<1x64xf32, #tpu.memory_space<hbm>>
      %dma_start3A_67 = arith.constant 0 : i32
      %dma_start3A_68 = tpu.memref_slice %arg10[%add3A_55, %dma_start3A_67] : memref<256x64xf32, #tpu.memory_space<vmem>> -> memref<1x64xf32, #tpu.memory_space<vmem>>
      %dma_start3A_69 = arith.constant 0 : i32
      %dma_start3A_70 = tpu.memref_slice %arg5[%squeeze3A_51, %dma_start3A_69] : memref<1000000x64xf32, #tpu.memory_space<hbm>> -> memref<1x64xf32, #tpu.memory_space<hbm>>
      tpu.enqueue_dma source(%dma_start3A_70 : memref<1x64xf32, #tpu.memory_space<hbm>>) target(%dma_start3A_68 : memref<1x64xf32, #tpu.memory_space<vmem>>) target_semaphore(%arg12 : memref<!tpu.dma_semaphore, #tpu.memory_space<semaphore_mem>>)
      %slice3A_71 = vector.extract_strided_slice %get3A_43 {offsets = [1], sizes = [1], strides = [1]} : vector<16xi32> to vector<1xi32>
      %squeeze3A_72 = vector.extract %slice3A_71[0] : i32 from vector<1xi32>
      %slice3A_73 = vector.extract_strided_slice %get3A_49 {offsets = [1], sizes = [1], strides = [1]} : vector<16xi32> to vector<1xi32>
      %squeeze3A_74 = vector.extract %slice3A_73[0] : i32 from vector<1xi32>
      %mul3A_75 = arith.constant 16 : i32
      %mul3A_76 = arith.muli %scan3A_38, %mul3A_75 : i32
      %add3A_77 = arith.constant 1 : i32
      %add3A_78 = arith.addi %mul3A_76, %add3A_77 : i32
      %dma_start3A_79 = arith.constant 0 : i32
      %dma_start3A_80 = tpu.memref_slice %arg9[%add3A_78, %dma_start3A_79] : memref<256x64xf32, #tpu.memory_space<vmem>> -> memref<1x64xf32, #tpu.memory_space<vmem>>
      %dma_start3A_81 = arith.constant 0 : i32
      %dma_start3A_82 = tpu.memref_slice %arg4[%squeeze3A_72, %dma_start3A_81] : memref<1000000x64xf32, #tpu.memory_space<hbm>> -> memref<1x64xf32, #tpu.memory_space<hbm>>
      %dma_start3A_83 = arith.constant 0 : i32
      %dma_start3A_84 = tpu.memref_slice %arg9[%add3A_78, %dma_start3A_83] : memref<256x64xf32, #tpu.memory_space<vmem>> -> memref<1x64xf32, #tpu.memory_space<vmem>>
      %dma_start3A_85 = arith.constant 0 : i32
      %dma_start3A_86 = tpu.memref_slice %arg4[%squeeze3A_72, %dma_start3A_85] : memref<1000000x64xf32, #tpu.memory_space<hbm>> -> memref<1x64xf32, #tpu.memory_space<hbm>>
      tpu.enqueue_dma source(%dma_start3A_86 : memref<1x64xf32, #tpu.memory_space<hbm>>) target(%dma_start3A_84 : memref<1x64xf32, #tpu.memory_space<vmem>>) target_semaphore(%arg12 : memref<!tpu.dma_semaphore, #tpu.memory_space<semaphore_mem>>)
      %dma_start3A_87 = arith.constant 0 : i32
      %dma_start3A_88 = tpu.memref_slice %arg10[%add3A_78, %dma_start3A_87] : memref<256x64xf32, #tpu.memory_space<vmem>> -> memref<1x64xf32, #tpu.memory_space<vmem>>
      %dma_start3A_89 = arith.constant 0 : i32
      %dma_start3A_90 = tpu.memref_slice %arg5[%squeeze3A_74, %dma_start3A_89] : memref<1000000x64xf32, #tpu.memory_space<hbm>> -> memref<1x64xf32, #tpu.memory_space<hbm>>
      %dma_start3A_91 = arith.constant 0 : i32
      %dma_start3A_92 = tpu.memref_slice %arg10[%add3A_78, %dma_start3A_91] : memref<256x64xf32, #tpu.memory_space<vmem>> -> memref<1x64xf32, #tpu.memory_space<vmem>>
      %dma_start3A_93 = arith.constant 0 : i32
      %dma_start3A_94 = tpu.memref_slice %arg5[%squeeze3A_74, %dma_start3A_93] : memref<1000000x64xf32, #tpu.memory_space<hbm>> -> memref<1x64xf32, #tpu.memory_space<hbm>>
      tpu.enqueue_dma source(%dma_start3A_94 : memref<1x64xf32, #tpu.memory_space<hbm>>) target(%dma_start3A_92 : memref<1x64xf32, #tpu.memory_space<vmem>>) target_semaphore(%arg12 : memref<!tpu.dma_semaphore, #tpu.memory_space<semaphore_mem>>)
      %slice3A_95 = vector.extract_strided_slice %get3A_43 {offsets = [2], sizes = [1], strides = [1]} : vector<16xi32> to vector<1xi32>
      %squeeze3A_96 = vector.extract %slice3A_95[0] : i32 from vector<1xi32>
      %slice3A_97 = vector.extract_strided_slice %get3A_49 {offsets = [2], sizes = [1], strides = [1]} : vector<16xi32> to vector<1xi32>
      %squeeze3A_98 = vector.extract %slice3A_97[0] : i32 from vector<1xi32>
      %mul3A_99 = arith.constant 16 : i32
      %mul3A_100 = arith.muli %scan3A_38, %mul3A_99 : i32
      %add3A_101 = arith.constant 2 : i32
      %add3A_102 = arith.addi %mul3A_100, %add3A_101 : i32
      %dma_start3A_103 = arith.constant 0 : i32
      %dma_start3A_104 = tpu.memref_slice %arg9[%add3A_102, %dma_start3A_103] : memref<256x64xf32, #tpu.memory_space<vmem>> -> memref<1x64xf32, #tpu.memory_space<vmem>>
      %dma_start3A_105 = arith.constant 0 : i32
      %dma_start3A_106 = tpu.memref_slice %arg4[%squeeze3A_96, %dma_start3A_105] : memref<1000000x64xf32, #tpu.memory_space<hbm>> -> memref<1x64xf32, #tpu.memory_space<hbm>>
      %dma_start3A_107 = arith.constant 0 : i32
      %dma_start3A_108 = tpu.memref_slice %arg9[%add3A_102, %dma_start3A_107] : memref<256x64xf32, #tpu.memory_space<vmem>> -> memref<1x64xf32, #tpu.memory_space<vmem>>
      %dma_start3A_109 = arith.constant 0 : i32
      %dma_start3A_110 = tpu.memref_slice %arg4[%squeeze3A_96, %dma_start3A_109] : memref<1000000x64xf32, #tpu.memory_space<hbm>> -> memref<1x64xf32, #tpu.memory_space<hbm>>
      tpu.enqueue_dma source(%dma_start3A_110 : memref<1x64xf32, #tpu.memory_space<hbm>>) target(%dma_start3A_108 : memref<1x64xf32, #tpu.memory_space<vmem>>) target_semaphore(%arg12 : memref<!tpu.dma_semaphore, #tpu.memory_space<semaphore_mem>>)
      %dma_start3A_111 = arith.constant 0 : i32
      %dma_start3A_112 = tpu.memref_slice %arg10[%add3A_102, %dma_start3A_111] : memref<256x64xf32, #tpu.memory_space<vmem>> -> memref<1x64xf32, #tpu.memory_space<vmem>>
      %dma_start3A_113 = arith.constant 0 : i32
      %dma_start3A_114 = tpu.memref_slice %arg5[%squeeze3A_98, %dma_start3A_113] : memref<1000000x64xf32, #tpu.memory_space<hbm>> -> memref<1x64xf32, #tpu.memory_space<hbm>>
      %dma_start3A_115 = arith.constant 0 : i32
      %dma_start3A_116 = tpu.memref_slice %arg10[%add3A_102, %dma_start3A_115] : memref<256x64xf32, #tpu.memory_space<vmem>> -> memref<1x64xf32, #tpu.memory_space<vmem>>
      %dma_start3A_117 = arith.constant 0 : i32
      %dma_start3A_118 = tpu.memref_slice %arg5[%squeeze3A_98, %dma_start3A_117] : memref<1000000x64xf32, #tpu.memory_space<hbm>> -> memref<1x64xf32, #tpu.memory_space<hbm>>
      tpu.enqueue_dma source(%dma_start3A_118 : memref<1x64xf32, #tpu.memory_space<hbm>>) target(%dma_start3A_116 : memref<1x64xf32, #tpu.memory_space<vmem>>) target_semaphore(%arg12 : memref<!tpu.dma_semaphore, #tpu.memory_space<semaphore_mem>>)
      %slice3A_119 = vector.extract_strided_slice %get3A_43 {offsets = [3], sizes = [1], strides = [1]} : vector<16xi32> to vector<1xi32>
      %squeeze3A_120 = vector.extract %slice3A_119[0] : i32 from vector<1xi32>
      %slice3A_121 = vector.extract_strided_slice %get3A_49 {offsets = [3], sizes = [1], strides = [1]} : vector<16xi32> to vector<1xi32>
      %squeeze3A_122 = vector.extract %slice3A_121[0] : i32 from vector<1xi32>
      %mul3A_123 = arith.constant 16 : i32
      %mul3A_124 = arith.muli %scan3A_38, %mul3A_123 : i32
      %add3A_125 = arith.constant 3 : i32
      %add3A_126 = arith.addi %mul3A_124, %add3A_125 : i32
      %dma_start3A_127 = arith.constant 0 : i32
      %dma_start3A_128 = tpu.memref_slice %arg9[%add3A_126, %dma_start3A_127] : memref<256x64xf32, #tpu.memory_space<vmem>> -> memref<1x64xf32, #tpu.memory_space<vmem>>
      %dma_start3A_129 = arith.constant 0 : i32
      %dma_start3A_130 = tpu.memref_slice %arg4[%squeeze3A_120, %dma_start3A_129] : memref<1000000x64xf32, #tpu.memory_space<hbm>> -> memref<1x64xf32, #tpu.memory_space<hbm>>
      %dma_start3A_131 = arith.constant 0 : i32
      %dma_start3A_132 = tpu.memref_slice %arg9[%add3A_126, %dma_start3A_131] : memref<256x64xf32, #tpu.memory_space<vmem>> -> memref<1x64xf32, #tpu.memory_space<vmem>>
      %dma_start3A_133 = arith.constant 0 : i32
      %dma_start3A_134 = tpu.memref_slice %arg4[%squeeze3A_120, %dma_start3A_133] : memref<1000000x64xf32, #tpu.memory_space<hbm>> -> memref<1x64xf32, #tpu.memory_space<hbm>>
      tpu.enqueue_dma source(%dma_start3A_134 : memref<1x64xf32, #tpu.memory_space<hbm>>) target(%dma_start3A_132 : memref<1x64xf32, #tpu.memory_space<vmem>>) target_semaphore(%arg12 : memref<!tpu.dma_semaphore, #tpu.memory_space<semaphore_mem>>)
      %dma_start3A_135 = arith.constant 0 : i32
      %dma_start3A_136 = tpu.memref_slice %arg10[%add3A_126, %dma_start3A_135] : memref<256x64xf32, #tpu.memory_space<vmem>> -> memref<1x64xf32, #tpu.memory_space<vmem>>
      %dma_start3A_137 = arith.constant 0 : i32
      %dma_start3A_138 = tpu.memref_slice %arg5[%squeeze3A_122, %dma_start3A_137] : memref<1000000x64xf32, #tpu.memory_space<hbm>> -> memref<1x64xf32, #tpu.memory_space<hbm>>
      %dma_start3A_139 = arith.constant 0 : i32
      %dma_start3A_140 = tpu.memref_slice %arg10[%add3A_126, %dma_start3A_139] : memref<256x64xf32, #tpu.memory_space<vmem>> -> memref<1x64xf32, #tpu.memory_space<vmem>>
      %dma_start3A_141 = arith.constant 0 : i32
      %dma_start3A_142 = tpu.memref_slice %arg5[%squeeze3A_122, %dma_start3A_141] : memref<1000000x64xf32, #tpu.memory_space<hbm>> -> memref<1x64xf32, #tpu.memory_space<hbm>>
      tpu.enqueue_dma source(%dma_start3A_142 : memref<1x64xf32, #tpu.memory_space<hbm>>) target(%dma_start3A_140 : memref<1x64xf32, #tpu.memory_space<vmem>>) target_semaphore(%arg12 : memref<!tpu.dma_semaphore, #tpu.memory_space<semaphore_mem>>)
      %slice3A_143 = vector.extract_strided_slice %get3A_43 {offsets = [4], sizes = [1], strides = [1]} : vector<16xi32> to vector<1xi32>
      %squeeze3A_144 = vector.extract %slice3A_143[0] : i32 from vector<1xi32>
      %slice3A_145 = vector.extract_strided_slice %get3A_49 {offsets = [4], sizes = [1], strides = [1]} : vector<16xi32> to vector<1xi32>
      %squeeze3A_146 = vector.extract %slice3A_145[0] : i32 from vector<1xi32>
      %mul3A_147 = arith.constant 16 : i32
      %mul3A_148 = arith.muli %scan3A_38, %mul3A_147 : i32
      %add3A_149 = arith.constant 4 : i32
      %add3A_150 = arith.addi %mul3A_148, %add3A_149 : i32
      %dma_start3A_151 = arith.constant 0 : i32
      %dma_start3A_152 = tpu.memref_slice %arg9[%add3A_150, %dma_start3A_151] : memref<256x64xf32, #tpu.memory_space<vmem>> -> memref<1x64xf32, #tpu.memory_space<vmem>>
      %dma_start3A_153 = arith.constant 0 : i32
      %dma_start3A_154 = tpu.memref_slice %arg4[%squeeze3A_144, %dma_start3A_153] : memref<1000000x64xf32, #tpu.memory_space<hbm>> -> memref<1x64xf32, #tpu.memory_space<hbm>>
      %dma_start3A_155 = arith.constant 0 : i32
      %dma_start3A_156 = tpu.memref_slice %arg9[%add3A_150, %dma_start3A_155] : memref<256x64xf32, #tpu.memory_space<vmem>> -> memref<1x64xf32, #tpu.memory_space<vmem>>
      %dma_start3A_157 = arith.constant 0 : i32
      %dma_start3A_158 = tpu.memref_slice %arg4[%squeeze3A_144, %dma_start3A_157] : memref<1000000x64xf32, #tpu.memory_space<hbm>> -> memref<1x64xf32, #tpu.memory_space<hbm>>
      tpu.enqueue_dma source(%dma_start3A_158 : memref<1x64xf32, #tpu.memory_space<hbm>>) target(%dma_start3A_156 : memref<1x64xf32, #tpu.memory_space<vmem>>) target_semaphore(%arg12 : memref<!tpu.dma_semaphore, #tpu.memory_space<semaphore_mem>>)
      %dma_start3A_159 = arith.constant 0 : i32
      %dma_start3A_160 = tpu.memref_slice %arg10[%add3A_150, %dma_start3A_159] : memref<256x64xf32, #tpu.memory_space<vmem>> -> memref<1x64xf32, #tpu.memory_space<vmem>>
      %dma_start3A_161 = arith.constant 0 : i32
      %dma_start3A_162 = tpu.memref_slice %arg5[%squeeze3A_146, %dma_start3A_161] : memref<1000000x64xf32, #tpu.memory_space<hbm>> -> memref<1x64xf32, #tpu.memory_space<hbm>>
      %dma_start3A_163 = arith.constant 0 : i32
      %dma_start3A_164 = tpu.memref_slice %arg10[%add3A_150, %dma_start3A_163] : memref<256x64xf32, #tpu.memory_space<vmem>> -> memref<1x64xf32, #tpu.memory_space<vmem>>
      %dma_start3A_165 = arith.constant 0 : i32
      %dma_start3A_166 = tpu.memref_slice %arg5[%squeeze3A_146, %dma_start3A_165] : memref<1000000x64xf32, #tpu.memory_space<hbm>> -> memref<1x64xf32, #tpu.memory_space<hbm>>
      tpu.enqueue_dma source(%dma_start3A_166 : memref<1x64xf32, #tpu.memory_space<hbm>>) target(%dma_start3A_164 : memref<1x64xf32, #tpu.memory_space<vmem>>) target_semaphore(%arg12 : memref<!tpu.dma_semaphore, #tpu.memory_space<semaphore_mem>>)
      %slice3A_167 = vector.extract_strided_slice %get3A_43 {offsets = [5], sizes = [1], strides = [1]} : vector<16xi32> to vector<1xi32>
      %squeeze3A_168 = vector.extract %slice3A_167[0] : i32 from vector<1xi32>
      %slice3A_169 = vector.extract_strided_slice %get3A_49 {offsets = [5], sizes = [1], strides = [1]} : vector<16xi32> to vector<1xi32>
      %squeeze3A_170 = vector.extract %slice3A_169[0] : i32 from vector<1xi32>
      %mul3A_171 = arith.constant 16 : i32
      %mul3A_172 = arith.muli %scan3A_38, %mul3A_171 : i32
      %add3A_173 = arith.constant 5 : i32
      %add3A_174 = arith.addi %mul3A_172, %add3A_173 : i32
      %dma_start3A_175 = arith.constant 0 : i32
      %dma_start3A_176 = tpu.memref_slice %arg9[%add3A_174, %dma_start3A_175] : memref<256x64xf32, #tpu.memory_space<vmem>> -> memref<1x64xf32, #tpu.memory_space<vmem>>
      %dma_start3A_177 = arith.constant 0 : i32
      %dma_start3A_178 = tpu.memref_slice %arg4[%squeeze3A_168, %dma_start3A_177] : memref<1000000x64xf32, #tpu.memory_space<hbm>> -> memref<1x64xf32, #tpu.memory_space<hbm>>
      %dma_start3A_179 = arith.constant 0 : i32
      %dma_start3A_180 = tpu.memref_slice %arg9[%add3A_174, %dma_start3A_179] : memref<256x64xf32, #tpu.memory_space<vmem>> -> memref<1x64xf32, #tpu.memory_space<vmem>>
      %dma_start3A_181 = arith.constant 0 : i32
      %dma_start3A_182 = tpu.memref_slice %arg4[%squeeze3A_168, %dma_start3A_181] : memref<1000000x64xf32, #tpu.memory_space<hbm>> -> memref<1x64xf32, #tpu.memory_space<hbm>>
      tpu.enqueue_dma source(%dma_start3A_182 : memref<1x64xf32, #tpu.memory_space<hbm>>) target(%dma_start3A_180 : memref<1x64xf32, #tpu.memory_space<vmem>>) target_semaphore(%arg12 : memref<!tpu.dma_semaphore, #tpu.memory_space<semaphore_mem>>)
      %dma_start3A_183 = arith.constant 0 : i32
      %dma_start3A_184 = tpu.memref_slice %arg10[%add3A_174, %dma_start3A_183] : memref<256x64xf32, #tpu.memory_space<vmem>> -> memref<1x64xf32, #tpu.memory_space<vmem>>
      %dma_start3A_185 = arith.constant 0 : i32
      %dma_start3A_186 = tpu.memref_slice %arg5[%squeeze3A_170, %dma_start3A_185] : memref<1000000x64xf32, #tpu.memory_space<hbm>> -> memref<1x64xf32, #tpu.memory_space<hbm>>
      %dma_start3A_187 = arith.constant 0 : i32
      %dma_start3A_188 = tpu.memref_slice %arg10[%add3A_174, %dma_start3A_187] : memref<256x64xf32, #tpu.memory_space<vmem>> -> memref<1x64xf32, #tpu.memory_space<vmem>>
      %dma_start3A_189 = arith.constant 0 : i32
      %dma_start3A_190 = tpu.memref_slice %arg5[%squeeze3A_170, %dma_start3A_189] : memref<1000000x64xf32, #tpu.memory_space<hbm>> -> memref<1x64xf32, #tpu.memory_space<hbm>>
      tpu.enqueue_dma source(%dma_start3A_190 : memref<1x64xf32, #tpu.memory_space<hbm>>) target(%dma_start3A_188 : memref<1x64xf32, #tpu.memory_space<vmem>>) target_semaphore(%arg12 : memref<!tpu.dma_semaphore, #tpu.memory_space<semaphore_mem>>)
      %slice3A_191 = vector.extract_strided_slice %get3A_43 {offsets = [6], sizes = [1], strides = [1]} : vector<16xi32> to vector<1xi32>
      %squeeze3A_192 = vector.extract %slice3A_191[0] : i32 from vector<1xi32>
      %slice3A_193 = vector.extract_strided_slice %get3A_49 {offsets = [6], sizes = [1], strides = [1]} : vector<16xi32> to vector<1xi32>
      %squeeze3A_194 = vector.extract %slice3A_193[0] : i32 from vector<1xi32>
      %mul3A_195 = arith.constant 16 : i32
      %mul3A_196 = arith.muli %scan3A_38, %mul3A_195 : i32
      %add3A_197 = arith.constant 6 : i32
      %add3A_198 = arith.addi %mul3A_196, %add3A_197 : i32
      %dma_start3A_199 = arith.constant 0 : i32
      %dma_start3A_200 = tpu.memref_slice %arg9[%add3A_198, %dma_start3A_199] : memref<256x64xf32, #tpu.memory_space<vmem>> -> memref<1x64xf32, #tpu.memory_space<vmem>>
      %dma_start3A_201 = arith.constant 0 : i32
      %dma_start3A_202 = tpu.memref_slice %arg4[%squeeze3A_192, %dma_start3A_201] : memref<1000000x64xf32, #tpu.memory_space<hbm>> -> memref<1x64xf32, #tpu.memory_space<hbm>>
      %dma_start3A_203 = arith.constant 0 : i32
      %dma_start3A_204 = tpu.memref_slice %arg9[%add3A_198, %dma_start3A_203] : memref<256x64xf32, #tpu.memory_space<vmem>> -> memref<1x64xf32, #tpu.memory_space<vmem>>
      %dma_start3A_205 = arith.constant 0 : i32
      %dma_start3A_206 = tpu.memref_slice %arg4[%squeeze3A_192, %dma_start3A_205] : memref<1000000x64xf32, #tpu.memory_space<hbm>> -> memref<1x64xf32, #tpu.memory_space<hbm>>
      tpu.enqueue_dma source(%dma_start3A_206 : memref<1x64xf32, #tpu.memory_space<hbm>>) target(%dma_start3A_204 : memref<1x64xf32, #tpu.memory_space<vmem>>) target_semaphore(%arg12 : memref<!tpu.dma_semaphore, #tpu.memory_space<semaphore_mem>>)
      %dma_start3A_207 = arith.constant 0 : i32
      %dma_start3A_208 = tpu.memref_slice %arg10[%add3A_198, %dma_start3A_207] : memref<256x64xf32, #tpu.memory_space<vmem>> -> memref<1x64xf32, #tpu.memory_space<vmem>>
      %dma_start3A_209 = arith.constant 0 : i32
      %dma_start3A_210 = tpu.memref_slice %arg5[%squeeze3A_194, %dma_start3A_209] : memref<1000000x64xf32, #tpu.memory_space<hbm>> -> memref<1x64xf32, #tpu.memory_space<hbm>>
      %dma_start3A_211 = arith.constant 0 : i32
      %dma_start3A_212 = tpu.memref_slice %arg10[%add3A_198, %dma_start3A_211] : memref<256x64xf32, #tpu.memory_space<vmem>> -> memref<1x64xf32, #tpu.memory_space<vmem>>
      %dma_start3A_213 = arith.constant 0 : i32
      %dma_start3A_214 = tpu.memref_slice %arg5[%squeeze3A_194, %dma_start3A_213] : memref<1000000x64xf32, #tpu.memory_space<hbm>> -> memref<1x64xf32, #tpu.memory_space<hbm>>
      tpu.enqueue_dma source(%dma_start3A_214 : memref<1x64xf32, #tpu.memory_space<hbm>>) target(%dma_start3A_212 : memref<1x64xf32, #tpu.memory_space<vmem>>) target_semaphore(%arg12 : memref<!tpu.dma_semaphore, #tpu.memory_space<semaphore_mem>>)
      %slice3A_215 = vector.extract_strided_slice %get3A_43 {offsets = [7], sizes = [1], strides = [1]} : vector<16xi32> to vector<1xi32>
      %squeeze3A_216 = vector.extract %slice3A_215[0] : i32 from vector<1xi32>
      %slice3A_217 = vector.extract_strided_slice %get3A_49 {offsets = [7], sizes = [1], strides = [1]} : vector<16xi32> to vector<1xi32>
      %squeeze3A_218 = vector.extract %slice3A_217[0] : i32 from vector<1xi32>
      %mul3A_219 = arith.constant 16 : i32
      %mul3A_220 = arith.muli %scan3A_38, %mul3A_219 : i32
      %add3A_221 = arith.constant 7 : i32
      %add3A_222 = arith.addi %mul3A_220, %add3A_221 : i32
      %dma_start3A_223 = arith.constant 0 : i32
      %dma_start3A_224 = tpu.memref_slice %arg9[%add3A_222, %dma_start3A_223] : memref<256x64xf32, #tpu.memory_space<vmem>> -> memref<1x64xf32, #tpu.memory_space<vmem>>
      %dma_start3A_225 = arith.constant 0 : i32
      %dma_start3A_226 = tpu.memref_slice %arg4[%squeeze3A_216, %dma_start3A_225] : memref<1000000x64xf32, #tpu.memory_space<hbm>> -> memref<1x64xf32, #tpu.memory_space<hbm>>
      %dma_start3A_227 = arith.constant 0 : i32
      %dma_start3A_228 = tpu.memref_slice %arg9[%add3A_222, %dma_start3A_227] : memref<256x64xf32, #tpu.memory_space<vmem>> -> memref<1x64xf32, #tpu.memory_space<vmem>>
      %dma_start3A_229 = arith.constant 0 : i32
      %dma_start3A_230 = tpu.memref_slice %arg4[%squeeze3A_216, %dma_start3A_229] : memref<1000000x64xf32, #tpu.memory_space<hbm>> -> memref<1x64xf32, #tpu.memory_space<hbm>>
      tpu.enqueue_dma source(%dma_start3A_230 : memref<1x64xf32, #tpu.memory_space<hbm>>) target(%dma_start3A_228 : memref<1x64xf32, #tpu.memory_space<vmem>>) target_semaphore(%arg12 : memref<!tpu.dma_semaphore, #tpu.memory_space<semaphore_mem>>)
      %dma_start3A_231 = arith.constant 0 : i32
      %dma_start3A_232 = tpu.memref_slice %arg10[%add3A_222, %dma_start3A_231] : memref<256x64xf32, #tpu.memory_space<vmem>> -> memref<1x64xf32, #tpu.memory_space<vmem>>
      %dma_start3A_233 = arith.constant 0 : i32
      %dma_start3A_234 = tpu.memref_slice %arg5[%squeeze3A_218, %dma_start3A_233] : memref<1000000x64xf32, #tpu.memory_space<hbm>> -> memref<1x64xf32, #tpu.memory_space<hbm>>
      %dma_start3A_235 = arith.constant 0 : i32
      %dma_start3A_236 = tpu.memref_slice %arg10[%add3A_222, %dma_start3A_235] : memref<256x64xf32, #tpu.memory_space<vmem>> -> memref<1x64xf32, #tpu.memory_space<vmem>>
      %dma_start3A_237 = arith.constant 0 : i32
      %dma_start3A_238 = tpu.memref_slice %arg5[%squeeze3A_218, %dma_start3A_237] : memref<1000000x64xf32, #tpu.memory_space<hbm>> -> memref<1x64xf32, #tpu.memory_space<hbm>>
      tpu.enqueue_dma source(%dma_start3A_238 : memref<1x64xf32, #tpu.memory_space<hbm>>) target(%dma_start3A_236 : memref<1x64xf32, #tpu.memory_space<vmem>>) target_semaphore(%arg12 : memref<!tpu.dma_semaphore, #tpu.memory_space<semaphore_mem>>)
      %slice3A_239 = vector.extract_strided_slice %get3A_43 {offsets = [8], sizes = [1], strides = [1]} : vector<16xi32> to vector<1xi32>
      %squeeze3A_240 = vector.extract %slice3A_239[0] : i32 from vector<1xi32>
      %slice3A_241 = vector.extract_strided_slice %get3A_49 {offsets = [8], sizes = [1], strides = [1]} : vector<16xi32> to vector<1xi32>
      %squeeze3A_242 = vector.extract %slice3A_241[0] : i32 from vector<1xi32>
      %mul3A_243 = arith.constant 16 : i32
      %mul3A_244 = arith.muli %scan3A_38, %mul3A_243 : i32
      %add3A_245 = arith.constant 8 : i32
      %add3A_246 = arith.addi %mul3A_244, %add3A_245 : i32
      %dma_start3A_247 = arith.constant 0 : i32
      %dma_start3A_248 = tpu.memref_slice %arg9[%add3A_246, %dma_start3A_247] : memref<256x64xf32, #tpu.memory_space<vmem>> -> memref<1x64xf32, #tpu.memory_space<vmem>>
      %dma_start3A_249 = arith.constant 0 : i32
      %dma_start3A_250 = tpu.memref_slice %arg4[%squeeze3A_240, %dma_start3A_249] : memref<1000000x64xf32, #tpu.memory_space<hbm>> -> memref<1x64xf32, #tpu.memory_space<hbm>>
      %dma_start3A_251 = arith.constant 0 : i32
      %dma_start3A_252 = tpu.memref_slice %arg9[%add3A_246, %dma_start3A_251] : memref<256x64xf32, #tpu.memory_space<vmem>> -> memref<1x64xf32, #tpu.memory_space<vmem>>
      %dma_start3A_253 = arith.constant 0 : i32
      %dma_start3A_254 = tpu.memref_slice %arg4[%squeeze3A_240, %dma_start3A_253] : memref<1000000x64xf32, #tpu.memory_space<hbm>> -> memref<1x64xf32, #tpu.memory_space<hbm>>
      tpu.enqueue_dma source(%dma_start3A_254 : memref<1x64xf32, #tpu.memory_space<hbm>>) target(%dma_start3A_252 : memref<1x64xf32, #tpu.memory_space<vmem>>) target_semaphore(%arg12 : memref<!tpu.dma_semaphore, #tpu.memory_space<semaphore_mem>>)
      %dma_start3A_255 = arith.constant 0 : i32
      %dma_start3A_256 = tpu.memref_slice %arg10[%add3A_246, %dma_start3A_255] : memref<256x64xf32, #tpu.memory_space<vmem>> -> memref<1x64xf32, #tpu.memory_space<vmem>>
      %dma_start3A_257 = arith.constant 0 : i32
      %dma_start3A_258 = tpu.memref_slice %arg5[%squeeze3A_242, %dma_start3A_257] : memref<1000000x64xf32, #tpu.memory_space<hbm>> -> memref<1x64xf32, #tpu.memory_space<hbm>>
      %dma_start3A_259 = arith.constant 0 : i32
      %dma_start3A_260 = tpu.memref_slice %arg10[%add3A_246, %dma_start3A_259] : memref<256x64xf32, #tpu.memory_space<vmem>> -> memref<1x64xf32, #tpu.memory_space<vmem>>
      %dma_start3A_261 = arith.constant 0 : i32
      %dma_start3A_262 = tpu.memref_slice %arg5[%squeeze3A_242, %dma_start3A_261] : memref<1000000x64xf32, #tpu.memory_space<hbm>> -> memref<1x64xf32, #tpu.memory_space<hbm>>
      tpu.enqueue_dma source(%dma_start3A_262 : memref<1x64xf32, #tpu.memory_space<hbm>>) target(%dma_start3A_260 : memref<1x64xf32, #tpu.memory_space<vmem>>) target_semaphore(%arg12 : memref<!tpu.dma_semaphore, #tpu.memory_space<semaphore_mem>>)
      %slice3A_263 = vector.extract_strided_slice %get3A_43 {offsets = [9], sizes = [1], strides = [1]} : vector<16xi32> to vector<1xi32>
      %squeeze3A_264 = vector.extract %slice3A_263[0] : i32 from vector<1xi32>
      %slice3A_265 = vector.extract_strided_slice %get3A_49 {offsets = [9], sizes = [1], strides = [1]} : vector<16xi32> to vector<1xi32>
      %squeeze3A_266 = vector.extract %slice3A_265[0] : i32 from vector<1xi32>
      %mul3A_267 = arith.constant 16 : i32
      %mul3A_268 = arith.muli %scan3A_38, %mul3A_267 : i32
      %add3A_269 = arith.constant 9 : i32
      %add3A_270 = arith.addi %mul3A_268, %add3A_269 : i32
      %dma_start3A_271 = arith.constant 0 : i32
      %dma_start3A_272 = tpu.memref_slice %arg9[%add3A_270, %dma_start3A_271] : memref<256x64xf32, #tpu.memory_space<vmem>> -> memref<1x64xf32, #tpu.memory_space<vmem>>
      %dma_start3A_273 = arith.constant 0 : i32
      %dma_start3A_274 = tpu.memref_slice %arg4[%squeeze3A_264, %dma_start3A_273] : memref<1000000x64xf32, #tpu.memory_space<hbm>> -> memref<1x64xf32, #tpu.memory_space<hbm>>
      %dma_start3A_275 = arith.constant 0 : i32
      %dma_start3A_276 = tpu.memref_slice %arg9[%add3A_270, %dma_start3A_275] : memref<256x64xf32, #tpu.memory_space<vmem>> -> memref<1x64xf32, #tpu.memory_space<vmem>>
      %dma_start3A_277 = arith.constant 0 : i32
      %dma_start3A_278 = tpu.memref_slice %arg4[%squeeze3A_264, %dma_start3A_277] : memref<1000000x64xf32, #tpu.memory_space<hbm>> -> memref<1x64xf32, #tpu.memory_space<hbm>>
      tpu.enqueue_dma source(%dma_start3A_278 : memref<1x64xf32, #tpu.memory_space<hbm>>) target(%dma_start3A_276 : memref<1x64xf32, #tpu.memory_space<vmem>>) target_semaphore(%arg12 : memref<!tpu.dma_semaphore, #tpu.memory_space<semaphore_mem>>)
      %dma_start3A_279 = arith.constant 0 : i32
      %dma_start3A_280 = tpu.memref_slice %arg10[%add3A_270, %dma_start3A_279] : memref<256x64xf32, #tpu.memory_space<vmem>> -> memref<1x64xf32, #tpu.memory_space<vmem>>
      %dma_start3A_281 = arith.constant 0 : i32
      %dma_start3A_282 = tpu.memref_slice %arg5[%squeeze3A_266, %dma_start3A_281] : memref<1000000x64xf32, #tpu.memory_space<hbm>> -> memref<1x64xf32, #tpu.memory_space<hbm>>
      %dma_start3A_283 = arith.constant 0 : i32
      %dma_start3A_284 = tpu.memref_slice %arg10[%add3A_270, %dma_start3A_283] : memref<256x64xf32, #tpu.memory_space<vmem>> -> memref<1x64xf32, #tpu.memory_space<vmem>>
      %dma_start3A_285 = arith.constant 0 : i32
      %dma_start3A_286 = tpu.memref_slice %arg5[%squeeze3A_266, %dma_start3A_285] : memref<1000000x64xf32, #tpu.memory_space<hbm>> -> memref<1x64xf32, #tpu.memory_space<hbm>>
      tpu.enqueue_dma source(%dma_start3A_286 : memref<1x64xf32, #tpu.memory_space<hbm>>) target(%dma_start3A_284 : memref<1x64xf32, #tpu.memory_space<vmem>>) target_semaphore(%arg12 : memref<!tpu.dma_semaphore, #tpu.memory_space<semaphore_mem>>)
      %slice3A_287 = vector.extract_strided_slice %get3A_43 {offsets = [10], sizes = [1], strides = [1]} : vector<16xi32> to vector<1xi32>
      %squeeze3A_288 = vector.extract %slice3A_287[0] : i32 from vector<1xi32>
      %slice3A_289 = vector.extract_strided_slice %get3A_49 {offsets = [10], sizes = [1], strides = [1]} : vector<16xi32> to vector<1xi32>
      %squeeze3A_290 = vector.extract %slice3A_289[0] : i32 from vector<1xi32>
      %mul3A_291 = arith.constant 16 : i32
      %mul3A_292 = arith.muli %scan3A_38, %mul3A_291 : i32
      %add3A_293 = arith.constant 10 : i32
      %add3A_294 = arith.addi %mul3A_292, %add3A_293 : i32
      %dma_start3A_295 = arith.constant 0 : i32
      %dma_start3A_296 = tpu.memref_slice %arg9[%add3A_294, %dma_start3A_295] : memref<256x64xf32, #tpu.memory_space<vmem>> -> memref<1x64xf32, #tpu.memory_space<vmem>>
      %dma_start3A_297 = arith.constant 0 : i32
      %dma_start3A_298 = tpu.memref_slice %arg4[%squeeze3A_288, %dma_start3A_297] : memref<1000000x64xf32, #tpu.memory_space<hbm>> -> memref<1x64xf32, #tpu.memory_space<hbm>>
      %dma_start3A_299 = arith.constant 0 : i32
      %dma_start3A_300 = tpu.memref_slice %arg9[%add3A_294, %dma_start3A_299] : memref<256x64xf32, #tpu.memory_space<vmem>> -> memref<1x64xf32, #tpu.memory_space<vmem>>
      %dma_start3A_301 = arith.constant 0 : i32
      %dma_start3A_302 = tpu.memref_slice %arg4[%squeeze3A_288, %dma_start3A_301] : memref<1000000x64xf32, #tpu.memory_space<hbm>> -> memref<1x64xf32, #tpu.memory_space<hbm>>
      tpu.enqueue_dma source(%dma_start3A_302 : memref<1x64xf32, #tpu.memory_space<hbm>>) target(%dma_start3A_300 : memref<1x64xf32, #tpu.memory_space<vmem>>) target_semaphore(%arg12 : memref<!tpu.dma_semaphore, #tpu.memory_space<semaphore_mem>>)
      %dma_start3A_303 = arith.constant 0 : i32
      %dma_start3A_304 = tpu.memref_slice %arg10[%add3A_294, %dma_start3A_303] : memref<256x64xf32, #tpu.memory_space<vmem>> -> memref<1x64xf32, #tpu.memory_space<vmem>>
      %dma_start3A_305 = arith.constant 0 : i32
      %dma_start3A_306 = tpu.memref_slice %arg5[%squeeze3A_290, %dma_start3A_305] : memref<1000000x64xf32, #tpu.memory_space<hbm>> -> memref<1x64xf32, #tpu.memory_space<hbm>>
      %dma_start3A_307 = arith.constant 0 : i32
      %dma_start3A_308 = tpu.memref_slice %arg10[%add3A_294, %dma_start3A_307] : memref<256x64xf32, #tpu.memory_space<vmem>> -> memref<1x64xf32, #tpu.memory_space<vmem>>
      %dma_start3A_309 = arith.constant 0 : i32
      %dma_start3A_310 = tpu.memref_slice %arg5[%squeeze3A_290, %dma_start3A_309] : memref<1000000x64xf32, #tpu.memory_space<hbm>> -> memref<1x64xf32, #tpu.memory_space<hbm>>
      tpu.enqueue_dma source(%dma_start3A_310 : memref<1x64xf32, #tpu.memory_space<hbm>>) target(%dma_start3A_308 : memref<1x64xf32, #tpu.memory_space<vmem>>) target_semaphore(%arg12 : memref<!tpu.dma_semaphore, #tpu.memory_space<semaphore_mem>>)
      %slice3A_311 = vector.extract_strided_slice %get3A_43 {offsets = [11], sizes = [1], strides = [1]} : vector<16xi32> to vector<1xi32>
      %squeeze3A_312 = vector.extract %slice3A_311[0] : i32 from vector<1xi32>
      %slice3A_313 = vector.extract_strided_slice %get3A_49 {offsets = [11], sizes = [1], strides = [1]} : vector<16xi32> to vector<1xi32>
      %squeeze3A_314 = vector.extract %slice3A_313[0] : i32 from vector<1xi32>
      %mul3A_315 = arith.constant 16 : i32
      %mul3A_316 = arith.muli %scan3A_38, %mul3A_315 : i32
      %add3A_317 = arith.constant 11 : i32
      %add3A_318 = arith.addi %mul3A_316, %add3A_317 : i32
      %dma_start3A_319 = arith.constant 0 : i32
      %dma_start3A_320 = tpu.memref_slice %arg9[%add3A_318, %dma_start3A_319] : memref<256x64xf32, #tpu.memory_space<vmem>> -> memref<1x64xf32, #tpu.memory_space<vmem>>
      %dma_start3A_321 = arith.constant 0 : i32
      %dma_start3A_322 = tpu.memref_slice %arg4[%squeeze3A_312, %dma_start3A_321] : memref<1000000x64xf32, #tpu.memory_space<hbm>> -> memref<1x64xf32, #tpu.memory_space<hbm>>
      %dma_start3A_323 = arith.constant 0 : i32
      %dma_start3A_324 = tpu.memref_slice %arg9[%add3A_318, %dma_start3A_323] : memref<256x64xf32, #tpu.memory_space<vmem>> -> memref<1x64xf32, #tpu.memory_space<vmem>>
      %dma_start3A_325 = arith.constant 0 : i32
      %dma_start3A_326 = tpu.memref_slice %arg4[%squeeze3A_312, %dma_start3A_325] : memref<1000000x64xf32, #tpu.memory_space<hbm>> -> memref<1x64xf32, #tpu.memory_space<hbm>>
      tpu.enqueue_dma source(%dma_start3A_326 : memref<1x64xf32, #tpu.memory_space<hbm>>) target(%dma_start3A_324 : memref<1x64xf32, #tpu.memory_space<vmem>>) target_semaphore(%arg12 : memref<!tpu.dma_semaphore, #tpu.memory_space<semaphore_mem>>)
      %dma_start3A_327 = arith.constant 0 : i32
      %dma_start3A_328 = tpu.memref_slice %arg10[%add3A_318, %dma_start3A_327] : memref<256x64xf32, #tpu.memory_space<vmem>> -> memref<1x64xf32, #tpu.memory_space<vmem>>
      %dma_start3A_329 = arith.constant 0 : i32
      %dma_start3A_330 = tpu.memref_slice %arg5[%squeeze3A_314, %dma_start3A_329] : memref<1000000x64xf32, #tpu.memory_space<hbm>> -> memref<1x64xf32, #tpu.memory_space<hbm>>
      %dma_start3A_331 = arith.constant 0 : i32
      %dma_start3A_332 = tpu.memref_slice %arg10[%add3A_318, %dma_start3A_331] : memref<256x64xf32, #tpu.memory_space<vmem>> -> memref<1x64xf32, #tpu.memory_space<vmem>>
      %dma_start3A_333 = arith.constant 0 : i32
      %dma_start3A_334 = tpu.memref_slice %arg5[%squeeze3A_314, %dma_start3A_333] : memref<1000000x64xf32, #tpu.memory_space<hbm>> -> memref<1x64xf32, #tpu.memory_space<hbm>>
      tpu.enqueue_dma source(%dma_start3A_334 : memref<1x64xf32, #tpu.memory_space<hbm>>) target(%dma_start3A_332 : memref<1x64xf32, #tpu.memory_space<vmem>>) target_semaphore(%arg12 : memref<!tpu.dma_semaphore, #tpu.memory_space<semaphore_mem>>)
      %slice3A_335 = vector.extract_strided_slice %get3A_43 {offsets = [12], sizes = [1], strides = [1]} : vector<16xi32> to vector<1xi32>
      %squeeze3A_336 = vector.extract %slice3A_335[0] : i32 from vector<1xi32>
      %slice3A_337 = vector.extract_strided_slice %get3A_49 {offsets = [12], sizes = [1], strides = [1]} : vector<16xi32> to vector<1xi32>
      %squeeze3A_338 = vector.extract %slice3A_337[0] : i32 from vector<1xi32>
      %mul3A_339 = arith.constant 16 : i32
      %mul3A_340 = arith.muli %scan3A_38, %mul3A_339 : i32
      %add3A_341 = arith.constant 12 : i32
      %add3A_342 = arith.addi %mul3A_340, %add3A_341 : i32
      %dma_start3A_343 = arith.constant 0 : i32
      %dma_start3A_344 = tpu.memref_slice %arg9[%add3A_342, %dma_start3A_343] : memref<256x64xf32, #tpu.memory_space<vmem>> -> memref<1x64xf32, #tpu.memory_space<vmem>>
      %dma_start3A_345 = arith.constant 0 : i32
      %dma_start3A_346 = tpu.memref_slice %arg4[%squeeze3A_336, %dma_start3A_345] : memref<1000000x64xf32, #tpu.memory_space<hbm>> -> memref<1x64xf32, #tpu.memory_space<hbm>>
      %dma_start3A_347 = arith.constant 0 : i32
      %dma_start3A_348 = tpu.memref_slice %arg9[%add3A_342, %dma_start3A_347] : memref<256x64xf32, #tpu.memory_space<vmem>> -> memref<1x64xf32, #tpu.memory_space<vmem>>
      %dma_start3A_349 = arith.constant 0 : i32
      %dma_start3A_350 = tpu.memref_slice %arg4[%squeeze3A_336, %dma_start3A_349] : memref<1000000x64xf32, #tpu.memory_space<hbm>> -> memref<1x64xf32, #tpu.memory_space<hbm>>
      tpu.enqueue_dma source(%dma_start3A_350 : memref<1x64xf32, #tpu.memory_space<hbm>>) target(%dma_start3A_348 : memref<1x64xf32, #tpu.memory_space<vmem>>) target_semaphore(%arg12 : memref<!tpu.dma_semaphore, #tpu.memory_space<semaphore_mem>>)
      %dma_start3A_351 = arith.constant 0 : i32
      %dma_start3A_352 = tpu.memref_slice %arg10[%add3A_342, %dma_start3A_351] : memref<256x64xf32, #tpu.memory_space<vmem>> -> memref<1x64xf32, #tpu.memory_space<vmem>>
      %dma_start3A_353 = arith.constant 0 : i32
      %dma_start3A_354 = tpu.memref_slice %arg5[%squeeze3A_338, %dma_start3A_353] : memref<1000000x64xf32, #tpu.memory_space<hbm>> -> memref<1x64xf32, #tpu.memory_space<hbm>>
      %dma_start3A_355 = arith.constant 0 : i32
      %dma_start3A_356 = tpu.memref_slice %arg10[%add3A_342, %dma_start3A_355] : memref<256x64xf32, #tpu.memory_space<vmem>> -> memref<1x64xf32, #tpu.memory_space<vmem>>
      %dma_start3A_357 = arith.constant 0 : i32
      %dma_start3A_358 = tpu.memref_slice %arg5[%squeeze3A_338, %dma_start3A_357] : memref<1000000x64xf32, #tpu.memory_space<hbm>> -> memref<1x64xf32, #tpu.memory_space<hbm>>
      tpu.enqueue_dma source(%dma_start3A_358 : memref<1x64xf32, #tpu.memory_space<hbm>>) target(%dma_start3A_356 : memref<1x64xf32, #tpu.memory_space<vmem>>) target_semaphore(%arg12 : memref<!tpu.dma_semaphore, #tpu.memory_space<semaphore_mem>>)
      %slice3A_359 = vector.extract_strided_slice %get3A_43 {offsets = [13], sizes = [1], strides = [1]} : vector<16xi32> to vector<1xi32>
      %squeeze3A_360 = vector.extract %slice3A_359[0] : i32 from vector<1xi32>
      %slice3A_361 = vector.extract_strided_slice %get3A_49 {offsets = [13], sizes = [1], strides = [1]} : vector<16xi32> to vector<1xi32>
      %squeeze3A_362 = vector.extract %slice3A_361[0] : i32 from vector<1xi32>
      %mul3A_363 = arith.constant 16 : i32
      %mul3A_364 = arith.muli %scan3A_38, %mul3A_363 : i32
      %add3A_365 = arith.constant 13 : i32
      %add3A_366 = arith.addi %mul3A_364, %add3A_365 : i32
      %dma_start3A_367 = arith.constant 0 : i32
      %dma_start3A_368 = tpu.memref_slice %arg9[%add3A_366, %dma_start3A_367] : memref<256x64xf32, #tpu.memory_space<vmem>> -> memref<1x64xf32, #tpu.memory_space<vmem>>
      %dma_start3A_369 = arith.constant 0 : i32
      %dma_start3A_370 = tpu.memref_slice %arg4[%squeeze3A_360, %dma_start3A_369] : memref<1000000x64xf32, #tpu.memory_space<hbm>> -> memref<1x64xf32, #tpu.memory_space<hbm>>
      %dma_start3A_371 = arith.constant 0 : i32
      %dma_start3A_372 = tpu.memref_slice %arg9[%add3A_366, %dma_start3A_371] : memref<256x64xf32, #tpu.memory_space<vmem>> -> memref<1x64xf32, #tpu.memory_space<vmem>>
      %dma_start3A_373 = arith.constant 0 : i32
      %dma_start3A_374 = tpu.memref_slice %arg4[%squeeze3A_360, %dma_start3A_373] : memref<1000000x64xf32, #tpu.memory_space<hbm>> -> memref<1x64xf32, #tpu.memory_space<hbm>>
      tpu.enqueue_dma source(%dma_start3A_374 : memref<1x64xf32, #tpu.memory_space<hbm>>) target(%dma_start3A_372 : memref<1x64xf32, #tpu.memory_space<vmem>>) target_semaphore(%arg12 : memref<!tpu.dma_semaphore, #tpu.memory_space<semaphore_mem>>)
      %dma_start3A_375 = arith.constant 0 : i32
      %dma_start3A_376 = tpu.memref_slice %arg10[%add3A_366, %dma_start3A_375] : memref<256x64xf32, #tpu.memory_space<vmem>> -> memref<1x64xf32, #tpu.memory_space<vmem>>
      %dma_start3A_377 = arith.constant 0 : i32
      %dma_start3A_378 = tpu.memref_slice %arg5[%squeeze3A_362, %dma_start3A_377] : memref<1000000x64xf32, #tpu.memory_space<hbm>> -> memref<1x64xf32, #tpu.memory_space<hbm>>
      %dma_start3A_379 = arith.constant 0 : i32
      %dma_start3A_380 = tpu.memref_slice %arg10[%add3A_366, %dma_start3A_379] : memref<256x64xf32, #tpu.memory_space<vmem>> -> memref<1x64xf32, #tpu.memory_space<vmem>>
      %dma_start3A_381 = arith.constant 0 : i32
      %dma_start3A_382 = tpu.memref_slice %arg5[%squeeze3A_362, %dma_start3A_381] : memref<1000000x64xf32, #tpu.memory_space<hbm>> -> memref<1x64xf32, #tpu.memory_space<hbm>>
      tpu.enqueue_dma source(%dma_start3A_382 : memref<1x64xf32, #tpu.memory_space<hbm>>) target(%dma_start3A_380 : memref<1x64xf32, #tpu.memory_space<vmem>>) target_semaphore(%arg12 : memref<!tpu.dma_semaphore, #tpu.memory_space<semaphore_mem>>)
      %slice3A_383 = vector.extract_strided_slice %get3A_43 {offsets = [14], sizes = [1], strides = [1]} : vector<16xi32> to vector<1xi32>
      %squeeze3A_384 = vector.extract %slice3A_383[0] : i32 from vector<1xi32>
      %slice3A_385 = vector.extract_strided_slice %get3A_49 {offsets = [14], sizes = [1], strides = [1]} : vector<16xi32> to vector<1xi32>
      %squeeze3A_386 = vector.extract %slice3A_385[0] : i32 from vector<1xi32>
      %mul3A_387 = arith.constant 16 : i32
      %mul3A_388 = arith.muli %scan3A_38, %mul3A_387 : i32
      %add3A_389 = arith.constant 14 : i32
      %add3A_390 = arith.addi %mul3A_388, %add3A_389 : i32
      %dma_start3A_391 = arith.constant 0 : i32
      %dma_start3A_392 = tpu.memref_slice %arg9[%add3A_390, %dma_start3A_391] : memref<256x64xf32, #tpu.memory_space<vmem>> -> memref<1x64xf32, #tpu.memory_space<vmem>>
      %dma_start3A_393 = arith.constant 0 : i32
      %dma_start3A_394 = tpu.memref_slice %arg4[%squeeze3A_384, %dma_start3A_393] : memref<1000000x64xf32, #tpu.memory_space<hbm>> -> memref<1x64xf32, #tpu.memory_space<hbm>>
      %dma_start3A_395 = arith.constant 0 : i32
      %dma_start3A_396 = tpu.memref_slice %arg9[%add3A_390, %dma_start3A_395] : memref<256x64xf32, #tpu.memory_space<vmem>> -> memref<1x64xf32, #tpu.memory_space<vmem>>
      %dma_start3A_397 = arith.constant 0 : i32
      %dma_start3A_398 = tpu.memref_slice %arg4[%squeeze3A_384, %dma_start3A_397] : memref<1000000x64xf32, #tpu.memory_space<hbm>> -> memref<1x64xf32, #tpu.memory_space<hbm>>
      tpu.enqueue_dma source(%dma_start3A_398 : memref<1x64xf32, #tpu.memory_space<hbm>>) target(%dma_start3A_396 : memref<1x64xf32, #tpu.memory_space<vmem>>) target_semaphore(%arg12 : memref<!tpu.dma_semaphore, #tpu.memory_space<semaphore_mem>>)
      %dma_start3A_399 = arith.constant 0 : i32
      %dma_start3A_400 = tpu.memref_slice %arg10[%add3A_390, %dma_start3A_399] : memref<256x64xf32, #tpu.memory_space<vmem>> -> memref<1x64xf32, #tpu.memory_space<vmem>>
      %dma_start3A_401 = arith.constant 0 : i32
      %dma_start3A_402 = tpu.memref_slice %arg5[%squeeze3A_386, %dma_start3A_401] : memref<1000000x64xf32, #tpu.memory_space<hbm>> -> memref<1x64xf32, #tpu.memory_space<hbm>>
      %dma_start3A_403 = arith.constant 0 : i32
      %dma_start3A_404 = tpu.memref_slice %arg10[%add3A_390, %dma_start3A_403] : memref<256x64xf32, #tpu.memory_space<vmem>> -> memref<1x64xf32, #tpu.memory_space<vmem>>
      %dma_start3A_405 = arith.constant 0 : i32
      %dma_start3A_406 = tpu.memref_slice %arg5[%squeeze3A_386, %dma_start3A_405] : memref<1000000x64xf32, #tpu.memory_space<hbm>> -> memref<1x64xf32, #tpu.memory_space<hbm>>
      tpu.enqueue_dma source(%dma_start3A_406 : memref<1x64xf32, #tpu.memory_space<hbm>>) target(%dma_start3A_404 : memref<1x64xf32, #tpu.memory_space<vmem>>) target_semaphore(%arg12 : memref<!tpu.dma_semaphore, #tpu.memory_space<semaphore_mem>>)
      %slice3A_407 = vector.extract_strided_slice %get3A_43 {offsets = [15], sizes = [1], strides = [1]} : vector<16xi32> to vector<1xi32>
      %squeeze3A_408 = vector.extract %slice3A_407[0] : i32 from vector<1xi32>
      %slice3A_409 = vector.extract_strided_slice %get3A_49 {offsets = [15], sizes = [1], strides = [1]} : vector<16xi32> to vector<1xi32>
      %squeeze3A_410 = vector.extract %slice3A_409[0] : i32 from vector<1xi32>
      %mul3A_411 = arith.constant 16 : i32
      %mul3A_412 = arith.muli %scan3A_38, %mul3A_411 : i32
      %add3A_413 = arith.constant 15 : i32
      %add3A_414 = arith.addi %mul3A_412, %add3A_413 : i32
      %dma_start3A_415 = arith.constant 0 : i32
      %dma_start3A_416 = tpu.memref_slice %arg9[%add3A_414, %dma_start3A_415] : memref<256x64xf32, #tpu.memory_space<vmem>> -> memref<1x64xf32, #tpu.memory_space<vmem>>
      %dma_start3A_417 = arith.constant 0 : i32
      %dma_start3A_418 = tpu.memref_slice %arg4[%squeeze3A_408, %dma_start3A_417] : memref<1000000x64xf32, #tpu.memory_space<hbm>> -> memref<1x64xf32, #tpu.memory_space<hbm>>
      %dma_start3A_419 = arith.constant 0 : i32
      %dma_start3A_420 = tpu.memref_slice %arg9[%add3A_414, %dma_start3A_419] : memref<256x64xf32, #tpu.memory_space<vmem>> -> memref<1x64xf32, #tpu.memory_space<vmem>>
      %dma_start3A_421 = arith.constant 0 : i32
      %dma_start3A_422 = tpu.memref_slice %arg4[%squeeze3A_408, %dma_start3A_421] : memref<1000000x64xf32, #tpu.memory_space<hbm>> -> memref<1x64xf32, #tpu.memory_space<hbm>>
      tpu.enqueue_dma source(%dma_start3A_422 : memref<1x64xf32, #tpu.memory_space<hbm>>) target(%dma_start3A_420 : memref<1x64xf32, #tpu.memory_space<vmem>>) target_semaphore(%arg12 : memref<!tpu.dma_semaphore, #tpu.memory_space<semaphore_mem>>)
      %dma_start3A_423 = arith.constant 0 : i32
      %dma_start3A_424 = tpu.memref_slice %arg10[%add3A_414, %dma_start3A_423] : memref<256x64xf32, #tpu.memory_space<vmem>> -> memref<1x64xf32, #tpu.memory_space<vmem>>
      %dma_start3A_425 = arith.constant 0 : i32
      %dma_start3A_426 = tpu.memref_slice %arg5[%squeeze3A_410, %dma_start3A_425] : memref<1000000x64xf32, #tpu.memory_space<hbm>> -> memref<1x64xf32, #tpu.memory_space<hbm>>
      %dma_start3A_427 = arith.constant 0 : i32
      %dma_start3A_428 = tpu.memref_slice %arg10[%add3A_414, %dma_start3A_427] : memref<256x64xf32, #tpu.memory_space<vmem>> -> memref<1x64xf32, #tpu.memory_space<vmem>>
      %dma_start3A_429 = arith.constant 0 : i32
      %dma_start3A_430 = tpu.memref_slice %arg5[%squeeze3A_410, %dma_start3A_429] : memref<1000000x64xf32, #tpu.memory_space<hbm>> -> memref<1x64xf32, #tpu.memory_space<hbm>>
      tpu.enqueue_dma source(%dma_start3A_430 : memref<1x64xf32, #tpu.memory_space<hbm>>) target(%dma_start3A_428 : memref<1x64xf32, #tpu.memory_space<vmem>>) target_semaphore(%arg12 : memref<!tpu.dma_semaphore, #tpu.memory_space<semaphore_mem>>)
    }
    %scan3A_25 = arith.constant 16 : i32
    %scan3A_26 = arith.constant 0 : i32
    %scan3A_27 = arith.constant 0 : i32
    %scan3A_28 = arith.constant 256 : i32
    %scan3A_29 = arith.addi %scan3A_27, %scan3A_28 : i32
    %scan3A_30 = arith.constant 1 : i32
    scf.for %scan3A_38 = %scan3A_27 to %scan3A_29 step %scan3A_30  : i32 {
      %dma_wait3A = arith.constant 0 : i32
      %dma_wait3A_39 = arith.constant 0 : i32
      %dma_wait3A_40 = tpu.memref_slice %arg9[%dma_wait3A, %dma_wait3A_39] : memref<256x64xf32, #tpu.memory_space<vmem>> -> memref<1x64xf32, #tpu.memory_space<vmem>>
      %dma_wait3A_41 = arith.constant 0 : i32
      %dma_wait3A_42 = arith.constant 0 : i32
      %dma_wait3A_43 = tpu.memref_slice %arg4[%dma_wait3A_41, %dma_wait3A_42] : memref<1000000x64xf32, #tpu.memory_space<hbm>> -> memref<1x64xf32, #tpu.memory_space<hbm>>
      %dma_wait3A_44 = arith.constant 0 : i32
      %dma_wait3A_45 = arith.constant 0 : i32
      %dma_wait3A_46 = tpu.memref_slice %arg9[%dma_wait3A_44, %dma_wait3A_45] : memref<256x64xf32, #tpu.memory_space<vmem>> -> memref<1x64xf32, #tpu.memory_space<vmem>>
      %dma_wait3A_47 = arith.constant 0 : i32
      %dma_wait3A_48 = arith.constant 0 : i32
      %dma_wait3A_49 = tpu.memref_slice %arg4[%dma_wait3A_47, %dma_wait3A_48] : memref<1000000x64xf32, #tpu.memory_space<hbm>> -> memref<1x64xf32, #tpu.memory_space<hbm>>
      tpu.wait_dma2 semaphore(%arg12 : memref<!tpu.dma_semaphore, #tpu.memory_space<semaphore_mem>>) src(%dma_wait3A_49 : memref<1x64xf32, #tpu.memory_space<hbm>>) dst(%dma_wait3A_46 : memref<1x64xf32, #tpu.memory_space<vmem>>)
      %dma_wait3A_50 = arith.constant 0 : i32
      %dma_wait3A_51 = arith.constant 0 : i32
      %dma_wait3A_52 = tpu.memref_slice %arg10[%dma_wait3A_50, %dma_wait3A_51] : memref<256x64xf32, #tpu.memory_space<vmem>> -> memref<1x64xf32, #tpu.memory_space<vmem>>
      %dma_wait3A_53 = arith.constant 0 : i32
      %dma_wait3A_54 = arith.constant 0 : i32
      %dma_wait3A_55 = tpu.memref_slice %arg5[%dma_wait3A_53, %dma_wait3A_54] : memref<1000000x64xf32, #tpu.memory_space<hbm>> -> memref<1x64xf32, #tpu.memory_space<hbm>>
      %dma_wait3A_56 = arith.constant 0 : i32
      %dma_wait3A_57 = arith.constant 0 : i32
      %dma_wait3A_58 = tpu.memref_slice %arg10[%dma_wait3A_56, %dma_wait3A_57] : memref<256x64xf32, #tpu.memory_space<vmem>> -> memref<1x64xf32, #tpu.memory_space<vmem>>
      %dma_wait3A_59 = arith.constant 0 : i32
      %dma_wait3A_60 = arith.constant 0 : i32
      %dma_wait3A_61 = tpu.memref_slice %arg5[%dma_wait3A_59, %dma_wait3A_60] : memref<1000000x64xf32, #tpu.memory_space<hbm>> -> memref<1x64xf32, #tpu.memory_space<hbm>>
      tpu.wait_dma2 semaphore(%arg12 : memref<!tpu.dma_semaphore, #tpu.memory_space<semaphore_mem>>) src(%dma_wait3A_61 : memref<1x64xf32, #tpu.memory_space<hbm>>) dst(%dma_wait3A_58 : memref<1x64xf32, #tpu.memory_space<vmem>>)
    }
    %scan3A_31 = arith.constant 256 : i32
    %scan3A_32 = arith.constant 0 : i32
    %scan3A_33 = arith.constant 0 : i32
    %scan3A_34 = arith.constant 16 : i32
    %scan3A_35 = arith.addi %scan3A_33, %scan3A_34 : i32
    %scan3A_36 = arith.constant 1 : i32
    scf.for %scan3A_38 = %scan3A_33 to %scan3A_35 step %scan3A_36  : i32 {
      %mul3A_39 = arith.constant 16 : i32
      %mul3A_40 = arith.muli %scan3A_38, %mul3A_39 : i32
      %add3A_41 = vector.broadcast %mul3A_40 : i32 to vector<16xi32>
      %add3A_42 = arith.addi %add3A_41, %iota3A : vector<16xi32>
      %broadcast_in_dim3A = arith.constant 0.000000e+00 : f32
      %broadcast_in_dim3A_43 = vector.broadcast %broadcast_in_dim3A : f32 to vector<16xf32>
      %broadcast_in_dim3A_44 = arith.constant 0 : i32
      %broadcast_in_dim3A_45 = vector.broadcast %broadcast_in_dim3A_44 : i32 to vector<16xi32>
      %gather3A = tpu.vector_load_idx %arg9[%add3A_42, %broadcast_in_dim3A_45] : memref<256x64xf32, #tpu.memory_space<vmem>>[vector<16xi32>, vector<16xi32>], vector<16xf32>,
      %gather3A_46 = tpu.vector_load_idx %arg10[%add3A_42, %broadcast_in_dim3A_45] : memref<256x64xf32, #tpu.memory_space<vmem>>[vector<16xi32>, vector<16xi32>], vector<16xf32>,
      %mul3A_47 = arith.mulf %gather3A, %gather3A_46 : vector<16xf32>
      %add3A_48 = arith.addf %broadcast_in_dim3A_43, %mul3A_47 : vector<16xf32>
      %broadcast_in_dim3A_49 = arith.constant 1 : i32
      %broadcast_in_dim3A_50 = vector.broadcast %broadcast_in_dim3A_49 : i32 to vector<16xi32>
      %gather3A_51 = tpu.vector_load_idx %arg9[%add3A_42, %broadcast_in_dim3A_50] : memref<256x64xf32, #tpu.memory_space<vmem>>[vector<16xi32>, vector<16xi32>], vector<16xf32>,
      %gather3A_52 = tpu.vector_load_idx %arg10[%add3A_42, %broadcast_in_dim3A_50] : memref<256x64xf32, #tpu.memory_space<vmem>>[vector<16xi32>, vector<16xi32>], vector<16xf32>,
      %mul3A_53 = arith.mulf %gather3A_51, %gather3A_52 : vector<16xf32>
      %add3A_54 = arith.addf %add3A_48, %mul3A_53 : vector<16xf32>
      %broadcast_in_dim3A_55 = arith.constant 2 : i32
      %broadcast_in_dim3A_56 = vector.broadcast %broadcast_in_dim3A_55 : i32 to vector<16xi32>
      %gather3A_57 = tpu.vector_load_idx %arg9[%add3A_42, %broadcast_in_dim3A_56] : memref<256x64xf32, #tpu.memory_space<vmem>>[vector<16xi32>, vector<16xi32>], vector<16xf32>,
      %gather3A_58 = tpu.vector_load_idx %arg10[%add3A_42, %broadcast_in_dim3A_56] : memref<256x64xf32, #tpu.memory_space<vmem>>[vector<16xi32>, vector<16xi32>], vector<16xf32>,
      %mul3A_59 = arith.mulf %gather3A_57, %gather3A_58 : vector<16xf32>
      %add3A_60 = arith.addf %add3A_54, %mul3A_59 : vector<16xf32>
      %broadcast_in_dim3A_61 = arith.constant 3 : i32
      %broadcast_in_dim3A_62 = vector.broadcast %broadcast_in_dim3A_61 : i32 to vector<16xi32>
      %gather3A_63 = tpu.vector_load_idx %arg9[%add3A_42, %broadcast_in_dim3A_62] : memref<256x64xf32, #tpu.memory_space<vmem>>[vector<16xi32>, vector<16xi32>], vector<16xf32>,
      %gather3A_64 = tpu.vector_load_idx %arg10[%add3A_42, %broadcast_in_dim3A_62] : memref<256x64xf32, #tpu.memory_space<vmem>>[vector<16xi32>, vector<16xi32>], vector<16xf32>,
      %mul3A_65 = arith.mulf %gather3A_63, %gather3A_64 : vector<16xf32>
      %add3A_66 = arith.addf %add3A_60, %mul3A_65 : vector<16xf32>
      %broadcast_in_dim3A_67 = arith.constant 4 : i32
      %broadcast_in_dim3A_68 = vector.broadcast %broadcast_in_dim3A_67 : i32 to vector<16xi32>
      %gather3A_69 = tpu.vector_load_idx %arg9[%add3A_42, %broadcast_in_dim3A_68] : memref<256x64xf32, #tpu.memory_space<vmem>>[vector<16xi32>, vector<16xi32>], vector<16xf32>,
      %gather3A_70 = tpu.vector_load_idx %arg10[%add3A_42, %broadcast_in_dim3A_68] : memref<256x64xf32, #tpu.memory_space<vmem>>[vector<16xi32>, vector<16xi32>], vector<16xf32>,
      %mul3A_71 = arith.mulf %gather3A_69, %gather3A_70 : vector<16xf32>
      %add3A_72 = arith.addf %add3A_66, %mul3A_71 : vector<16xf32>
      %broadcast_in_dim3A_73 = arith.constant 5 : i32
      %broadcast_in_dim3A_74 = vector.broadcast %broadcast_in_dim3A_73 : i32 to vector<16xi32>
      %gather3A_75 = tpu.vector_load_idx %arg9[%add3A_42, %broadcast_in_dim3A_74] : memref<256x64xf32, #tpu.memory_space<vmem>>[vector<16xi32>, vector<16xi32>], vector<16xf32>,
      %gather3A_76 = tpu.vector_load_idx %arg10[%add3A_42, %broadcast_in_dim3A_74] : memref<256x64xf32, #tpu.memory_space<vmem>>[vector<16xi32>, vector<16xi32>], vector<16xf32>,
      %mul3A_77 = arith.mulf %gather3A_75, %gather3A_76 : vector<16xf32>
      %add3A_78 = arith.addf %add3A_72, %mul3A_77 : vector<16xf32>
      %broadcast_in_dim3A_79 = arith.constant 6 : i32
      %broadcast_in_dim3A_80 = vector.broadcast %broadcast_in_dim3A_79 : i32 to vector<16xi32>
      %gather3A_81 = tpu.vector_load_idx %arg9[%add3A_42, %broadcast_in_dim3A_80] : memref<256x64xf32, #tpu.memory_space<vmem>>[vector<16xi32>, vector<16xi32>], vector<16xf32>,
      %gather3A_82 = tpu.vector_load_idx %arg10[%add3A_42, %broadcast_in_dim3A_80] : memref<256x64xf32, #tpu.memory_space<vmem>>[vector<16xi32>, vector<16xi32>], vector<16xf32>,
      %mul3A_83 = arith.mulf %gather3A_81, %gather3A_82 : vector<16xf32>
      %add3A_84 = arith.addf %add3A_78, %mul3A_83 : vector<16xf32>
      %broadcast_in_dim3A_85 = arith.constant 7 : i32
      %broadcast_in_dim3A_86 = vector.broadcast %broadcast_in_dim3A_85 : i32 to vector<16xi32>
      %gather3A_87 = tpu.vector_load_idx %arg9[%add3A_42, %broadcast_in_dim3A_86] : memref<256x64xf32, #tpu.memory_space<vmem>>[vector<16xi32>, vector<16xi32>], vector<16xf32>,
      %gather3A_88 = tpu.vector_load_idx %arg10[%add3A_42, %broadcast_in_dim3A_86] : memref<256x64xf32, #tpu.memory_space<vmem>>[vector<16xi32>, vector<16xi32>], vector<16xf32>,
      %mul3A_89 = arith.mulf %gather3A_87, %gather3A_88 : vector<16xf32>
      %add3A_90 = arith.addf %add3A_84, %mul3A_89 : vector<16xf32>
      %broadcast_in_dim3A_91 = arith.constant 8 : i32
      %broadcast_in_dim3A_92 = vector.broadcast %broadcast_in_dim3A_91 : i32 to vector<16xi32>
      %gather3A_93 = tpu.vector_load_idx %arg9[%add3A_42, %broadcast_in_dim3A_92] : memref<256x64xf32, #tpu.memory_space<vmem>>[vector<16xi32>, vector<16xi32>], vector<16xf32>,
      %gather3A_94 = tpu.vector_load_idx %arg10[%add3A_42, %broadcast_in_dim3A_92] : memref<256x64xf32, #tpu.memory_space<vmem>>[vector<16xi32>, vector<16xi32>], vector<16xf32>,
      %mul3A_95 = arith.mulf %gather3A_93, %gather3A_94 : vector<16xf32>
      %add3A_96 = arith.addf %add3A_90, %mul3A_95 : vector<16xf32>
      %broadcast_in_dim3A_97 = arith.constant 9 : i32
      %broadcast_in_dim3A_98 = vector.broadcast %broadcast_in_dim3A_97 : i32 to vector<16xi32>
      %gather3A_99 = tpu.vector_load_idx %arg9[%add3A_42, %broadcast_in_dim3A_98] : memref<256x64xf32, #tpu.memory_space<vmem>>[vector<16xi32>, vector<16xi32>], vector<16xf32>,
      %gather3A_100 = tpu.vector_load_idx %arg10[%add3A_42, %broadcast_in_dim3A_98] : memref<256x64xf32, #tpu.memory_space<vmem>>[vector<16xi32>, vector<16xi32>], vector<16xf32>,
      %mul3A_101 = arith.mulf %gather3A_99, %gather3A_100 : vector<16xf32>
      %add3A_102 = arith.addf %add3A_96, %mul3A_101 : vector<16xf32>
      %broadcast_in_dim3A_103 = arith.constant 10 : i32
      %broadcast_in_dim3A_104 = vector.broadcast %broadcast_in_dim3A_103 : i32 to vector<16xi32>
      %gather3A_105 = tpu.vector_load_idx %arg9[%add3A_42, %broadcast_in_dim3A_104] : memref<256x64xf32, #tpu.memory_space<vmem>>[vector<16xi32>, vector<16xi32>], vector<16xf32>,
      %gather3A_106 = tpu.vector_load_idx %arg10[%add3A_42, %broadcast_in_dim3A_104] : memref<256x64xf32, #tpu.memory_space<vmem>>[vector<16xi32>, vector<16xi32>], vector<16xf32>,
      %mul3A_107 = arith.mulf %gather3A_105, %gather3A_106 : vector<16xf32>
      %add3A_108 = arith.addf %add3A_102, %mul3A_107 : vector<16xf32>
      %broadcast_in_dim3A_109 = arith.constant 11 : i32
      %broadcast_in_dim3A_110 = vector.broadcast %broadcast_in_dim3A_109 : i32 to vector<16xi32>
      %gather3A_111 = tpu.vector_load_idx %arg9[%add3A_42, %broadcast_in_dim3A_110] : memref<256x64xf32, #tpu.memory_space<vmem>>[vector<16xi32>, vector<16xi32>], vector<16xf32>,
      %gather3A_112 = tpu.vector_load_idx %arg10[%add3A_42, %broadcast_in_dim3A_110] : memref<256x64xf32, #tpu.memory_space<vmem>>[vector<16xi32>, vector<16xi32>], vector<16xf32>,
      %mul3A_113 = arith.mulf %gather3A_111, %gather3A_112 : vector<16xf32>
      %add3A_114 = arith.addf %add3A_108, %mul3A_113 : vector<16xf32>
      %broadcast_in_dim3A_115 = arith.constant 12 : i32
      %broadcast_in_dim3A_116 = vector.broadcast %broadcast_in_dim3A_115 : i32 to vector<16xi32>
      %gather3A_117 = tpu.vector_load_idx %arg9[%add3A_42, %broadcast_in_dim3A_116] : memref<256x64xf32, #tpu.memory_space<vmem>>[vector<16xi32>, vector<16xi32>], vector<16xf32>,
      %gather3A_118 = tpu.vector_load_idx %arg10[%add3A_42, %broadcast_in_dim3A_116] : memref<256x64xf32, #tpu.memory_space<vmem>>[vector<16xi32>, vector<16xi32>], vector<16xf32>,
      %mul3A_119 = arith.mulf %gather3A_117, %gather3A_118 : vector<16xf32>
      %add3A_120 = arith.addf %add3A_114, %mul3A_119 : vector<16xf32>
      %broadcast_in_dim3A_121 = arith.constant 13 : i32
      %broadcast_in_dim3A_122 = vector.broadcast %broadcast_in_dim3A_121 : i32 to vector<16xi32>
      %gather3A_123 = tpu.vector_load_idx %arg9[%add3A_42, %broadcast_in_dim3A_122] : memref<256x64xf32, #tpu.memory_space<vmem>>[vector<16xi32>, vector<16xi32>], vector<16xf32>,
      %gather3A_124 = tpu.vector_load_idx %arg10[%add3A_42, %broadcast_in_dim3A_122] : memref<256x64xf32, #tpu.memory_space<vmem>>[vector<16xi32>, vector<16xi32>], vector<16xf32>,
      %mul3A_125 = arith.mulf %gather3A_123, %gather3A_124 : vector<16xf32>
      %add3A_126 = arith.addf %add3A_120, %mul3A_125 : vector<16xf32>
      %broadcast_in_dim3A_127 = arith.constant 14 : i32
      %broadcast_in_dim3A_128 = vector.broadcast %broadcast_in_dim3A_127 : i32 to vector<16xi32>
      %gather3A_129 = tpu.vector_load_idx %arg9[%add3A_42, %broadcast_in_dim3A_128] : memref<256x64xf32, #tpu.memory_space<vmem>>[vector<16xi32>, vector<16xi32>], vector<16xf32>,
      %gather3A_130 = tpu.vector_load_idx %arg10[%add3A_42, %broadcast_in_dim3A_128] : memref<256x64xf32, #tpu.memory_space<vmem>>[vector<16xi32>, vector<16xi32>], vector<16xf32>,
      %mul3A_131 = arith.mulf %gather3A_129, %gather3A_130 : vector<16xf32>
      %add3A_132 = arith.addf %add3A_126, %mul3A_131 : vector<16xf32>
      %broadcast_in_dim3A_133 = arith.constant 15 : i32
      %broadcast_in_dim3A_134 = vector.broadcast %broadcast_in_dim3A_133 : i32 to vector<16xi32>
      %gather3A_135 = tpu.vector_load_idx %arg9[%add3A_42, %broadcast_in_dim3A_134] : memref<256x64xf32, #tpu.memory_space<vmem>>[vector<16xi32>, vector<16xi32>], vector<16xf32>,
      %gather3A_136 = tpu.vector_load_idx %arg10[%add3A_42, %broadcast_in_dim3A_134] : memref<256x64xf32, #tpu.memory_space<vmem>>[vector<16xi32>, vector<16xi32>], vector<16xf32>,
      %mul3A_137 = arith.mulf %gather3A_135, %gather3A_136 : vector<16xf32>
      %add3A_138 = arith.addf %add3A_132, %mul3A_137 : vector<16xf32>
      %broadcast_in_dim3A_139 = arith.constant 16 : i32
      %broadcast_in_dim3A_140 = vector.broadcast %broadcast_in_dim3A_139 : i32 to vector<16xi32>
      %gather3A_141 = tpu.vector_load_idx %arg9[%add3A_42, %broadcast_in_dim3A_140] : memref<256x64xf32, #tpu.memory_space<vmem>>[vector<16xi32>, vector<16xi32>], vector<16xf32>,
      %gather3A_142 = tpu.vector_load_idx %arg10[%add3A_42, %broadcast_in_dim3A_140] : memref<256x64xf32, #tpu.memory_space<vmem>>[vector<16xi32>, vector<16xi32>], vector<16xf32>,
      %mul3A_143 = arith.mulf %gather3A_141, %gather3A_142 : vector<16xf32>
      %add3A_144 = arith.addf %add3A_138, %mul3A_143 : vector<16xf32>
      %broadcast_in_dim3A_145 = arith.constant 17 : i32
      %broadcast_in_dim3A_146 = vector.broadcast %broadcast_in_dim3A_145 : i32 to vector<16xi32>
      %gather3A_147 = tpu.vector_load_idx %arg9[%add3A_42, %broadcast_in_dim3A_146] : memref<256x64xf32, #tpu.memory_space<vmem>>[vector<16xi32>, vector<16xi32>], vector<16xf32>,
      %gather3A_148 = tpu.vector_load_idx %arg10[%add3A_42, %broadcast_in_dim3A_146] : memref<256x64xf32, #tpu.memory_space<vmem>>[vector<16xi32>, vector<16xi32>], vector<16xf32>,
      %mul3A_149 = arith.mulf %gather3A_147, %gather3A_148 : vector<16xf32>
      %add3A_150 = arith.addf %add3A_144, %mul3A_149 : vector<16xf32>
      %broadcast_in_dim3A_151 = arith.constant 18 : i32
      %broadcast_in_dim3A_152 = vector.broadcast %broadcast_in_dim3A_151 : i32 to vector<16xi32>
      %gather3A_153 = tpu.vector_load_idx %arg9[%add3A_42, %broadcast_in_dim3A_152] : memref<256x64xf32, #tpu.memory_space<vmem>>[vector<16xi32>, vector<16xi32>], vector<16xf32>,
      %gather3A_154 = tpu.vector_load_idx %arg10[%add3A_42, %broadcast_in_dim3A_152] : memref<256x64xf32, #tpu.memory_space<vmem>>[vector<16xi32>, vector<16xi32>], vector<16xf32>,
      %mul3A_155 = arith.mulf %gather3A_153, %gather3A_154 : vector<16xf32>
      %add3A_156 = arith.addf %add3A_150, %mul3A_155 : vector<16xf32>
      %broadcast_in_dim3A_157 = arith.constant 19 : i32
      %broadcast_in_dim3A_158 = vector.broadcast %broadcast_in_dim3A_157 : i32 to vector<16xi32>
      %gather3A_159 = tpu.vector_load_idx %arg9[%add3A_42, %broadcast_in_dim3A_158] : memref<256x64xf32, #tpu.memory_space<vmem>>[vector<16xi32>, vector<16xi32>], vector<16xf32>,
      %gather3A_160 = tpu.vector_load_idx %arg10[%add3A_42, %broadcast_in_dim3A_158] : memref<256x64xf32, #tpu.memory_space<vmem>>[vector<16xi32>, vector<16xi32>], vector<16xf32>,
      %mul3A_161 = arith.mulf %gather3A_159, %gather3A_160 : vector<16xf32>
      %add3A_162 = arith.addf %add3A_156, %mul3A_161 : vector<16xf32>
      %broadcast_in_dim3A_163 = arith.constant 20 : i32
      %broadcast_in_dim3A_164 = vector.broadcast %broadcast_in_dim3A_163 : i32 to vector<16xi32>
      %gather3A_165 = tpu.vector_load_idx %arg9[%add3A_42, %broadcast_in_dim3A_164] : memref<256x64xf32, #tpu.memory_space<vmem>>[vector<16xi32>, vector<16xi32>], vector<16xf32>,
      %gather3A_166 = tpu.vector_load_idx %arg10[%add3A_42, %broadcast_in_dim3A_164] : memref<256x64xf32, #tpu.memory_space<vmem>>[vector<16xi32>, vector<16xi32>], vector<16xf32>,
      %mul3A_167 = arith.mulf %gather3A_165, %gather3A_166 : vector<16xf32>
      %add3A_168 = arith.addf %add3A_162, %mul3A_167 : vector<16xf32>
      %broadcast_in_dim3A_169 = arith.constant 21 : i32
      %broadcast_in_dim3A_170 = vector.broadcast %broadcast_in_dim3A_169 : i32 to vector<16xi32>
      %gather3A_171 = tpu.vector_load_idx %arg9[%add3A_42, %broadcast_in_dim3A_170] : memref<256x64xf32, #tpu.memory_space<vmem>>[vector<16xi32>, vector<16xi32>], vector<16xf32>,
      %gather3A_172 = tpu.vector_load_idx %arg10[%add3A_42, %broadcast_in_dim3A_170] : memref<256x64xf32, #tpu.memory_space<vmem>>[vector<16xi32>, vector<16xi32>], vector<16xf32>,
      %mul3A_173 = arith.mulf %gather3A_171, %gather3A_172 : vector<16xf32>
      %add3A_174 = arith.addf %add3A_168, %mul3A_173 : vector<16xf32>
      %broadcast_in_dim3A_175 = arith.constant 22 : i32
      %broadcast_in_dim3A_176 = vector.broadcast %broadcast_in_dim3A_175 : i32 to vector<16xi32>
      %gather3A_177 = tpu.vector_load_idx %arg9[%add3A_42, %broadcast_in_dim3A_176] : memref<256x64xf32, #tpu.memory_space<vmem>>[vector<16xi32>, vector<16xi32>], vector<16xf32>,
      %gather3A_178 = tpu.vector_load_idx %arg10[%add3A_42, %broadcast_in_dim3A_176] : memref<256x64xf32, #tpu.memory_space<vmem>>[vector<16xi32>, vector<16xi32>], vector<16xf32>,
      %mul3A_179 = arith.mulf %gather3A_177, %gather3A_178 : vector<16xf32>
      %add3A_180 = arith.addf %add3A_174, %mul3A_179 : vector<16xf32>
      %broadcast_in_dim3A_181 = arith.constant 23 : i32
      %broadcast_in_dim3A_182 = vector.broadcast %broadcast_in_dim3A_181 : i32 to vector<16xi32>
      %gather3A_183 = tpu.vector_load_idx %arg9[%add3A_42, %broadcast_in_dim3A_182] : memref<256x64xf32, #tpu.memory_space<vmem>>[vector<16xi32>, vector<16xi32>], vector<16xf32>,
      %gather3A_184 = tpu.vector_load_idx %arg10[%add3A_42, %broadcast_in_dim3A_182] : memref<256x64xf32, #tpu.memory_space<vmem>>[vector<16xi32>, vector<16xi32>], vector<16xf32>,
      %mul3A_185 = arith.mulf %gather3A_183, %gather3A_184 : vector<16xf32>
      %add3A_186 = arith.addf %add3A_180, %mul3A_185 : vector<16xf32>
      %broadcast_in_dim3A_187 = arith.constant 24 : i32
      %broadcast_in_dim3A_188 = vector.broadcast %broadcast_in_dim3A_187 : i32 to vector<16xi32>
      %gather3A_189 = tpu.vector_load_idx %arg9[%add3A_42, %broadcast_in_dim3A_188] : memref<256x64xf32, #tpu.memory_space<vmem>>[vector<16xi32>, vector<16xi32>], vector<16xf32>,
      %gather3A_190 = tpu.vector_load_idx %arg10[%add3A_42, %broadcast_in_dim3A_188] : memref<256x64xf32, #tpu.memory_space<vmem>>[vector<16xi32>, vector<16xi32>], vector<16xf32>,
      %mul3A_191 = arith.mulf %gather3A_189, %gather3A_190 : vector<16xf32>
      %add3A_192 = arith.addf %add3A_186, %mul3A_191 : vector<16xf32>
      %broadcast_in_dim3A_193 = arith.constant 25 : i32
      %broadcast_in_dim3A_194 = vector.broadcast %broadcast_in_dim3A_193 : i32 to vector<16xi32>
      %gather3A_195 = tpu.vector_load_idx %arg9[%add3A_42, %broadcast_in_dim3A_194] : memref<256x64xf32, #tpu.memory_space<vmem>>[vector<16xi32>, vector<16xi32>], vector<16xf32>,
      %gather3A_196 = tpu.vector_load_idx %arg10[%add3A_42, %broadcast_in_dim3A_194] : memref<256x64xf32, #tpu.memory_space<vmem>>[vector<16xi32>, vector<16xi32>], vector<16xf32>,
      %mul3A_197 = arith.mulf %gather3A_195, %gather3A_196 : vector<16xf32>
      %add3A_198 = arith.addf %add3A_192, %mul3A_197 : vector<16xf32>
      %broadcast_in_dim3A_199 = arith.constant 26 : i32
      %broadcast_in_dim3A_200 = vector.broadcast %broadcast_in_dim3A_199 : i32 to vector<16xi32>
      %gather3A_201 = tpu.vector_load_idx %arg9[%add3A_42, %broadcast_in_dim3A_200] : memref<256x64xf32, #tpu.memory_space<vmem>>[vector<16xi32>, vector<16xi32>], vector<16xf32>,
      %gather3A_202 = tpu.vector_load_idx %arg10[%add3A_42, %broadcast_in_dim3A_200] : memref<256x64xf32, #tpu.memory_space<vmem>>[vector<16xi32>, vector<16xi32>], vector<16xf32>,
      %mul3A_203 = arith.mulf %gather3A_201, %gather3A_202 : vector<16xf32>
      %add3A_204 = arith.addf %add3A_198, %mul3A_203 : vector<16xf32>
      %broadcast_in_dim3A_205 = arith.constant 27 : i32
      %broadcast_in_dim3A_206 = vector.broadcast %broadcast_in_dim3A_205 : i32 to vector<16xi32>
      %gather3A_207 = tpu.vector_load_idx %arg9[%add3A_42, %broadcast_in_dim3A_206] : memref<256x64xf32, #tpu.memory_space<vmem>>[vector<16xi32>, vector<16xi32>], vector<16xf32>,
      %gather3A_208 = tpu.vector_load_idx %arg10[%add3A_42, %broadcast_in_dim3A_206] : memref<256x64xf32, #tpu.memory_space<vmem>>[vector<16xi32>, vector<16xi32>], vector<16xf32>,
      %mul3A_209 = arith.mulf %gather3A_207, %gather3A_208 : vector<16xf32>
      %add3A_210 = arith.addf %add3A_204, %mul3A_209 : vector<16xf32>
      %broadcast_in_dim3A_211 = arith.constant 28 : i32
      %broadcast_in_dim3A_212 = vector.broadcast %broadcast_in_dim3A_211 : i32 to vector<16xi32>
      %gather3A_213 = tpu.vector_load_idx %arg9[%add3A_42, %broadcast_in_dim3A_212] : memref<256x64xf32, #tpu.memory_space<vmem>>[vector<16xi32>, vector<16xi32>], vector<16xf32>,
      %gather3A_214 = tpu.vector_load_idx %arg10[%add3A_42, %broadcast_in_dim3A_212] : memref<256x64xf32, #tpu.memory_space<vmem>>[vector<16xi32>, vector<16xi32>], vector<16xf32>,
      %mul3A_215 = arith.mulf %gather3A_213, %gather3A_214 : vector<16xf32>
      %add3A_216 = arith.addf %add3A_210, %mul3A_215 : vector<16xf32>
      %broadcast_in_dim3A_217 = arith.constant 29 : i32
      %broadcast_in_dim3A_218 = vector.broadcast %broadcast_in_dim3A_217 : i32 to vector<16xi32>
      %gather3A_219 = tpu.vector_load_idx %arg9[%add3A_42, %broadcast_in_dim3A_218] : memref<256x64xf32, #tpu.memory_space<vmem>>[vector<16xi32>, vector<16xi32>], vector<16xf32>,
      %gather3A_220 = tpu.vector_load_idx %arg10[%add3A_42, %broadcast_in_dim3A_218] : memref<256x64xf32, #tpu.memory_space<vmem>>[vector<16xi32>, vector<16xi32>], vector<16xf32>,
      %mul3A_221 = arith.mulf %gather3A_219, %gather3A_220 : vector<16xf32>
      %add3A_222 = arith.addf %add3A_216, %mul3A_221 : vector<16xf32>
      %broadcast_in_dim3A_223 = arith.constant 30 : i32
      %broadcast_in_dim3A_224 = vector.broadcast %broadcast_in_dim3A_223 : i32 to vector<16xi32>
      %gather3A_225 = tpu.vector_load_idx %arg9[%add3A_42, %broadcast_in_dim3A_224] : memref<256x64xf32, #tpu.memory_space<vmem>>[vector<16xi32>, vector<16xi32>], vector<16xf32>,
      %gather3A_226 = tpu.vector_load_idx %arg10[%add3A_42, %broadcast_in_dim3A_224] : memref<256x64xf32, #tpu.memory_space<vmem>>[vector<16xi32>, vector<16xi32>], vector<16xf32>,
      %mul3A_227 = arith.mulf %gather3A_225, %gather3A_226 : vector<16xf32>
      %add3A_228 = arith.addf %add3A_222, %mul3A_227 : vector<16xf32>
      %broadcast_in_dim3A_229 = arith.constant 31 : i32
      %broadcast_in_dim3A_230 = vector.broadcast %broadcast_in_dim3A_229 : i32 to vector<16xi32>
      %gather3A_231 = tpu.vector_load_idx %arg9[%add3A_42, %broadcast_in_dim3A_230] : memref<256x64xf32, #tpu.memory_space<vmem>>[vector<16xi32>, vector<16xi32>], vector<16xf32>,
      %gather3A_232 = tpu.vector_load_idx %arg10[%add3A_42, %broadcast_in_dim3A_230] : memref<256x64xf32, #tpu.memory_space<vmem>>[vector<16xi32>, vector<16xi32>], vector<16xf32>,
      %mul3A_233 = arith.mulf %gather3A_231, %gather3A_232 : vector<16xf32>
      %add3A_234 = arith.addf %add3A_228, %mul3A_233 : vector<16xf32>
      %broadcast_in_dim3A_235 = arith.constant 32 : i32
      %broadcast_in_dim3A_236 = vector.broadcast %broadcast_in_dim3A_235 : i32 to vector<16xi32>
      %gather3A_237 = tpu.vector_load_idx %arg9[%add3A_42, %broadcast_in_dim3A_236] : memref<256x64xf32, #tpu.memory_space<vmem>>[vector<16xi32>, vector<16xi32>], vector<16xf32>,
      %gather3A_238 = tpu.vector_load_idx %arg10[%add3A_42, %broadcast_in_dim3A_236] : memref<256x64xf32, #tpu.memory_space<vmem>>[vector<16xi32>, vector<16xi32>], vector<16xf32>,
      %mul3A_239 = arith.mulf %gather3A_237, %gather3A_238 : vector<16xf32>
      %add3A_240 = arith.addf %add3A_234, %mul3A_239 : vector<16xf32>
      %broadcast_in_dim3A_241 = arith.constant 33 : i32
      %broadcast_in_dim3A_242 = vector.broadcast %broadcast_in_dim3A_241 : i32 to vector<16xi32>
      %gather3A_243 = tpu.vector_load_idx %arg9[%add3A_42, %broadcast_in_dim3A_242] : memref<256x64xf32, #tpu.memory_space<vmem>>[vector<16xi32>, vector<16xi32>], vector<16xf32>,
      %gather3A_244 = tpu.vector_load_idx %arg10[%add3A_42, %broadcast_in_dim3A_242] : memref<256x64xf32, #tpu.memory_space<vmem>>[vector<16xi32>, vector<16xi32>], vector<16xf32>,
      %mul3A_245 = arith.mulf %gather3A_243, %gather3A_244 : vector<16xf32>
      %add3A_246 = arith.addf %add3A_240, %mul3A_245 : vector<16xf32>
      %broadcast_in_dim3A_247 = arith.constant 34 : i32
      %broadcast_in_dim3A_248 = vector.broadcast %broadcast_in_dim3A_247 : i32 to vector<16xi32>
      %gather3A_249 = tpu.vector_load_idx %arg9[%add3A_42, %broadcast_in_dim3A_248] : memref<256x64xf32, #tpu.memory_space<vmem>>[vector<16xi32>, vector<16xi32>], vector<16xf32>,
      %gather3A_250 = tpu.vector_load_idx %arg10[%add3A_42, %broadcast_in_dim3A_248] : memref<256x64xf32, #tpu.memory_space<vmem>>[vector<16xi32>, vector<16xi32>], vector<16xf32>,
      %mul3A_251 = arith.mulf %gather3A_249, %gather3A_250 : vector<16xf32>
      %add3A_252 = arith.addf %add3A_246, %mul3A_251 : vector<16xf32>
      %broadcast_in_dim3A_253 = arith.constant 35 : i32
      %broadcast_in_dim3A_254 = vector.broadcast %broadcast_in_dim3A_253 : i32 to vector<16xi32>
      %gather3A_255 = tpu.vector_load_idx %arg9[%add3A_42, %broadcast_in_dim3A_254] : memref<256x64xf32, #tpu.memory_space<vmem>>[vector<16xi32>, vector<16xi32>], vector<16xf32>,
      %gather3A_256 = tpu.vector_load_idx %arg10[%add3A_42, %broadcast_in_dim3A_254] : memref<256x64xf32, #tpu.memory_space<vmem>>[vector<16xi32>, vector<16xi32>], vector<16xf32>,
      %mul3A_257 = arith.mulf %gather3A_255, %gather3A_256 : vector<16xf32>
      %add3A_258 = arith.addf %add3A_252, %mul3A_257 : vector<16xf32>
      %broadcast_in_dim3A_259 = arith.constant 36 : i32
      %broadcast_in_dim3A_260 = vector.broadcast %broadcast_in_dim3A_259 : i32 to vector<16xi32>
      %gather3A_261 = tpu.vector_load_idx %arg9[%add3A_42, %broadcast_in_dim3A_260] : memref<256x64xf32, #tpu.memory_space<vmem>>[vector<16xi32>, vector<16xi32>], vector<16xf32>,
      %gather3A_262 = tpu.vector_load_idx %arg10[%add3A_42, %broadcast_in_dim3A_260] : memref<256x64xf32, #tpu.memory_space<vmem>>[vector<16xi32>, vector<16xi32>], vector<16xf32>,
      %mul3A_263 = arith.mulf %gather3A_261, %gather3A_262 : vector<16xf32>
      %add3A_264 = arith.addf %add3A_258, %mul3A_263 : vector<16xf32>
      %broadcast_in_dim3A_265 = arith.constant 37 : i32
      %broadcast_in_dim3A_266 = vector.broadcast %broadcast_in_dim3A_265 : i32 to vector<16xi32>
      %gather3A_267 = tpu.vector_load_idx %arg9[%add3A_42, %broadcast_in_dim3A_266] : memref<256x64xf32, #tpu.memory_space<vmem>>[vector<16xi32>, vector<16xi32>], vector<16xf32>,
      %gather3A_268 = tpu.vector_load_idx %arg10[%add3A_42, %broadcast_in_dim3A_266] : memref<256x64xf32, #tpu.memory_space<vmem>>[vector<16xi32>, vector<16xi32>], vector<16xf32>,
      %mul3A_269 = arith.mulf %gather3A_267, %gather3A_268 : vector<16xf32>
      %add3A_270 = arith.addf %add3A_264, %mul3A_269 : vector<16xf32>
      %broadcast_in_dim3A_271 = arith.constant 38 : i32
      %broadcast_in_dim3A_272 = vector.broadcast %broadcast_in_dim3A_271 : i32 to vector<16xi32>
      %gather3A_273 = tpu.vector_load_idx %arg9[%add3A_42, %broadcast_in_dim3A_272] : memref<256x64xf32, #tpu.memory_space<vmem>>[vector<16xi32>, vector<16xi32>], vector<16xf32>,
      %gather3A_274 = tpu.vector_load_idx %arg10[%add3A_42, %broadcast_in_dim3A_272] : memref<256x64xf32, #tpu.memory_space<vmem>>[vector<16xi32>, vector<16xi32>], vector<16xf32>,
      %mul3A_275 = arith.mulf %gather3A_273, %gather3A_274 : vector<16xf32>
      %add3A_276 = arith.addf %add3A_270, %mul3A_275 : vector<16xf32>
      %broadcast_in_dim3A_277 = arith.constant 39 : i32
      %broadcast_in_dim3A_278 = vector.broadcast %broadcast_in_dim3A_277 : i32 to vector<16xi32>
      %gather3A_279 = tpu.vector_load_idx %arg9[%add3A_42, %broadcast_in_dim3A_278] : memref<256x64xf32, #tpu.memory_space<vmem>>[vector<16xi32>, vector<16xi32>], vector<16xf32>,
      %gather3A_280 = tpu.vector_load_idx %arg10[%add3A_42, %broadcast_in_dim3A_278] : memref<256x64xf32, #tpu.memory_space<vmem>>[vector<16xi32>, vector<16xi32>], vector<16xf32>,
      %mul3A_281 = arith.mulf %gather3A_279, %gather3A_280 : vector<16xf32>
      %add3A_282 = arith.addf %add3A_276, %mul3A_281 : vector<16xf32>
      %broadcast_in_dim3A_283 = arith.constant 40 : i32
      %broadcast_in_dim3A_284 = vector.broadcast %broadcast_in_dim3A_283 : i32 to vector<16xi32>
      %gather3A_285 = tpu.vector_load_idx %arg9[%add3A_42, %broadcast_in_dim3A_284] : memref<256x64xf32, #tpu.memory_space<vmem>>[vector<16xi32>, vector<16xi32>], vector<16xf32>,
      %gather3A_286 = tpu.vector_load_idx %arg10[%add3A_42, %broadcast_in_dim3A_284] : memref<256x64xf32, #tpu.memory_space<vmem>>[vector<16xi32>, vector<16xi32>], vector<16xf32>,
      %mul3A_287 = arith.mulf %gather3A_285, %gather3A_286 : vector<16xf32>
      %add3A_288 = arith.addf %add3A_282, %mul3A_287 : vector<16xf32>
      %broadcast_in_dim3A_289 = arith.constant 41 : i32
      %broadcast_in_dim3A_290 = vector.broadcast %broadcast_in_dim3A_289 : i32 to vector<16xi32>
      %gather3A_291 = tpu.vector_load_idx %arg9[%add3A_42, %broadcast_in_dim3A_290] : memref<256x64xf32, #tpu.memory_space<vmem>>[vector<16xi32>, vector<16xi32>], vector<16xf32>,
      %gather3A_292 = tpu.vector_load_idx %arg10[%add3A_42, %broadcast_in_dim3A_290] : memref<256x64xf32, #tpu.memory_space<vmem>>[vector<16xi32>, vector<16xi32>], vector<16xf32>,
      %mul3A_293 = arith.mulf %gather3A_291, %gather3A_292 : vector<16xf32>
      %add3A_294 = arith.addf %add3A_288, %mul3A_293 : vector<16xf32>
      %broadcast_in_dim3A_295 = arith.constant 42 : i32
      %broadcast_in_dim3A_296 = vector.broadcast %broadcast_in_dim3A_295 : i32 to vector<16xi32>
      %gather3A_297 = tpu.vector_load_idx %arg9[%add3A_42, %broadcast_in_dim3A_296] : memref<256x64xf32, #tpu.memory_space<vmem>>[vector<16xi32>, vector<16xi32>], vector<16xf32>,
      %gather3A_298 = tpu.vector_load_idx %arg10[%add3A_42, %broadcast_in_dim3A_296] : memref<256x64xf32, #tpu.memory_space<vmem>>[vector<16xi32>, vector<16xi32>], vector<16xf32>,
      %mul3A_299 = arith.mulf %gather3A_297, %gather3A_298 : vector<16xf32>
      %add3A_300 = arith.addf %add3A_294, %mul3A_299 : vector<16xf32>
      %broadcast_in_dim3A_301 = arith.constant 43 : i32
      %broadcast_in_dim3A_302 = vector.broadcast %broadcast_in_dim3A_301 : i32 to vector<16xi32>
      %gather3A_303 = tpu.vector_load_idx %arg9[%add3A_42, %broadcast_in_dim3A_302] : memref<256x64xf32, #tpu.memory_space<vmem>>[vector<16xi32>, vector<16xi32>], vector<16xf32>,
      %gather3A_304 = tpu.vector_load_idx %arg10[%add3A_42, %broadcast_in_dim3A_302] : memref<256x64xf32, #tpu.memory_space<vmem>>[vector<16xi32>, vector<16xi32>], vector<16xf32>,
      %mul3A_305 = arith.mulf %gather3A_303, %gather3A_304 : vector<16xf32>
      %add3A_306 = arith.addf %add3A_300, %mul3A_305 : vector<16xf32>
      %broadcast_in_dim3A_307 = arith.constant 44 : i32
      %broadcast_in_dim3A_308 = vector.broadcast %broadcast_in_dim3A_307 : i32 to vector<16xi32>
      %gather3A_309 = tpu.vector_load_idx %arg9[%add3A_42, %broadcast_in_dim3A_308] : memref<256x64xf32, #tpu.memory_space<vmem>>[vector<16xi32>, vector<16xi32>], vector<16xf32>,
      %gather3A_310 = tpu.vector_load_idx %arg10[%add3A_42, %broadcast_in_dim3A_308] : memref<256x64xf32, #tpu.memory_space<vmem>>[vector<16xi32>, vector<16xi32>], vector<16xf32>,
      %mul3A_311 = arith.mulf %gather3A_309, %gather3A_310 : vector<16xf32>
      %add3A_312 = arith.addf %add3A_306, %mul3A_311 : vector<16xf32>
      %broadcast_in_dim3A_313 = arith.constant 45 : i32
      %broadcast_in_dim3A_314 = vector.broadcast %broadcast_in_dim3A_313 : i32 to vector<16xi32>
      %gather3A_315 = tpu.vector_load_idx %arg9[%add3A_42, %broadcast_in_dim3A_314] : memref<256x64xf32, #tpu.memory_space<vmem>>[vector<16xi32>, vector<16xi32>], vector<16xf32>,
      %gather3A_316 = tpu.vector_load_idx %arg10[%add3A_42, %broadcast_in_dim3A_314] : memref<256x64xf32, #tpu.memory_space<vmem>>[vector<16xi32>, vector<16xi32>], vector<16xf32>,
      %mul3A_317 = arith.mulf %gather3A_315, %gather3A_316 : vector<16xf32>
      %add3A_318 = arith.addf %add3A_312, %mul3A_317 : vector<16xf32>
      %broadcast_in_dim3A_319 = arith.constant 46 : i32
      %broadcast_in_dim3A_320 = vector.broadcast %broadcast_in_dim3A_319 : i32 to vector<16xi32>
      %gather3A_321 = tpu.vector_load_idx %arg9[%add3A_42, %broadcast_in_dim3A_320] : memref<256x64xf32, #tpu.memory_space<vmem>>[vector<16xi32>, vector<16xi32>], vector<16xf32>,
      %gather3A_322 = tpu.vector_load_idx %arg10[%add3A_42, %broadcast_in_dim3A_320] : memref<256x64xf32, #tpu.memory_space<vmem>>[vector<16xi32>, vector<16xi32>], vector<16xf32>,
      %mul3A_323 = arith.mulf %gather3A_321, %gather3A_322 : vector<16xf32>
      %add3A_324 = arith.addf %add3A_318, %mul3A_323 : vector<16xf32>
      %broadcast_in_dim3A_325 = arith.constant 47 : i32
      %broadcast_in_dim3A_326 = vector.broadcast %broadcast_in_dim3A_325 : i32 to vector<16xi32>
      %gather3A_327 = tpu.vector_load_idx %arg9[%add3A_42, %broadcast_in_dim3A_326] : memref<256x64xf32, #tpu.memory_space<vmem>>[vector<16xi32>, vector<16xi32>], vector<16xf32>,
      %gather3A_328 = tpu.vector_load_idx %arg10[%add3A_42, %broadcast_in_dim3A_326] : memref<256x64xf32, #tpu.memory_space<vmem>>[vector<16xi32>, vector<16xi32>], vector<16xf32>,
      %mul3A_329 = arith.mulf %gather3A_327, %gather3A_328 : vector<16xf32>
      %add3A_330 = arith.addf %add3A_324, %mul3A_329 : vector<16xf32>
      %broadcast_in_dim3A_331 = arith.constant 48 : i32
      %broadcast_in_dim3A_332 = vector.broadcast %broadcast_in_dim3A_331 : i32 to vector<16xi32>
      %gather3A_333 = tpu.vector_load_idx %arg9[%add3A_42, %broadcast_in_dim3A_332] : memref<256x64xf32, #tpu.memory_space<vmem>>[vector<16xi32>, vector<16xi32>], vector<16xf32>,
      %gather3A_334 = tpu.vector_load_idx %arg10[%add3A_42, %broadcast_in_dim3A_332] : memref<256x64xf32, #tpu.memory_space<vmem>>[vector<16xi32>, vector<16xi32>], vector<16xf32>,
      %mul3A_335 = arith.mulf %gather3A_333, %gather3A_334 : vector<16xf32>
      %add3A_336 = arith.addf %add3A_330, %mul3A_335 : vector<16xf32>
      %broadcast_in_dim3A_337 = arith.constant 49 : i32
      %broadcast_in_dim3A_338 = vector.broadcast %broadcast_in_dim3A_337 : i32 to vector<16xi32>
      %gather3A_339 = tpu.vector_load_idx %arg9[%add3A_42, %broadcast_in_dim3A_338] : memref<256x64xf32, #tpu.memory_space<vmem>>[vector<16xi32>, vector<16xi32>], vector<16xf32>,
      %gather3A_340 = tpu.vector_load_idx %arg10[%add3A_42, %broadcast_in_dim3A_338] : memref<256x64xf32, #tpu.memory_space<vmem>>[vector<16xi32>, vector<16xi32>], vector<16xf32>,
      %mul3A_341 = arith.mulf %gather3A_339, %gather3A_340 : vector<16xf32>
      %add3A_342 = arith.addf %add3A_336, %mul3A_341 : vector<16xf32>
      %broadcast_in_dim3A_343 = arith.constant 50 : i32
      %broadcast_in_dim3A_344 = vector.broadcast %broadcast_in_dim3A_343 : i32 to vector<16xi32>
      %gather3A_345 = tpu.vector_load_idx %arg9[%add3A_42, %broadcast_in_dim3A_344] : memref<256x64xf32, #tpu.memory_space<vmem>>[vector<16xi32>, vector<16xi32>], vector<16xf32>,
      %gather3A_346 = tpu.vector_load_idx %arg10[%add3A_42, %broadcast_in_dim3A_344] : memref<256x64xf32, #tpu.memory_space<vmem>>[vector<16xi32>, vector<16xi32>], vector<16xf32>,
      %mul3A_347 = arith.mulf %gather3A_345, %gather3A_346 : vector<16xf32>
      %add3A_348 = arith.addf %add3A_342, %mul3A_347 : vector<16xf32>
      %broadcast_in_dim3A_349 = arith.constant 51 : i32
      %broadcast_in_dim3A_350 = vector.broadcast %broadcast_in_dim3A_349 : i32 to vector<16xi32>
      %gather3A_351 = tpu.vector_load_idx %arg9[%add3A_42, %broadcast_in_dim3A_350] : memref<256x64xf32, #tpu.memory_space<vmem>>[vector<16xi32>, vector<16xi32>], vector<16xf32>,
      %gather3A_352 = tpu.vector_load_idx %arg10[%add3A_42, %broadcast_in_dim3A_350] : memref<256x64xf32, #tpu.memory_space<vmem>>[vector<16xi32>, vector<16xi32>], vector<16xf32>,
      %mul3A_353 = arith.mulf %gather3A_351, %gather3A_352 : vector<16xf32>
      %add3A_354 = arith.addf %add3A_348, %mul3A_353 : vector<16xf32>
      %broadcast_in_dim3A_355 = arith.constant 52 : i32
      %broadcast_in_dim3A_356 = vector.broadcast %broadcast_in_dim3A_355 : i32 to vector<16xi32>
      %gather3A_357 = tpu.vector_load_idx %arg9[%add3A_42, %broadcast_in_dim3A_356] : memref<256x64xf32, #tpu.memory_space<vmem>>[vector<16xi32>, vector<16xi32>], vector<16xf32>,
      %gather3A_358 = tpu.vector_load_idx %arg10[%add3A_42, %broadcast_in_dim3A_356] : memref<256x64xf32, #tpu.memory_space<vmem>>[vector<16xi32>, vector<16xi32>], vector<16xf32>,
      %mul3A_359 = arith.mulf %gather3A_357, %gather3A_358 : vector<16xf32>
      %add3A_360 = arith.addf %add3A_354, %mul3A_359 : vector<16xf32>
      %broadcast_in_dim3A_361 = arith.constant 53 : i32
      %broadcast_in_dim3A_362 = vector.broadcast %broadcast_in_dim3A_361 : i32 to vector<16xi32>
      %gather3A_363 = tpu.vector_load_idx %arg9[%add3A_42, %broadcast_in_dim3A_362] : memref<256x64xf32, #tpu.memory_space<vmem>>[vector<16xi32>, vector<16xi32>], vector<16xf32>,
      %gather3A_364 = tpu.vector_load_idx %arg10[%add3A_42, %broadcast_in_dim3A_362] : memref<256x64xf32, #tpu.memory_space<vmem>>[vector<16xi32>, vector<16xi32>], vector<16xf32>,
      %mul3A_365 = arith.mulf %gather3A_363, %gather3A_364 : vector<16xf32>
      %add3A_366 = arith.addf %add3A_360, %mul3A_365 : vector<16xf32>
      %broadcast_in_dim3A_367 = arith.constant 54 : i32
      %broadcast_in_dim3A_368 = vector.broadcast %broadcast_in_dim3A_367 : i32 to vector<16xi32>
      %gather3A_369 = tpu.vector_load_idx %arg9[%add3A_42, %broadcast_in_dim3A_368] : memref<256x64xf32, #tpu.memory_space<vmem>>[vector<16xi32>, vector<16xi32>], vector<16xf32>,
      %gather3A_370 = tpu.vector_load_idx %arg10[%add3A_42, %broadcast_in_dim3A_368] : memref<256x64xf32, #tpu.memory_space<vmem>>[vector<16xi32>, vector<16xi32>], vector<16xf32>,
      %mul3A_371 = arith.mulf %gather3A_369, %gather3A_370 : vector<16xf32>
      %add3A_372 = arith.addf %add3A_366, %mul3A_371 : vector<16xf32>
      %broadcast_in_dim3A_373 = arith.constant 55 : i32
      %broadcast_in_dim3A_374 = vector.broadcast %broadcast_in_dim3A_373 : i32 to vector<16xi32>
      %gather3A_375 = tpu.vector_load_idx %arg9[%add3A_42, %broadcast_in_dim3A_374] : memref<256x64xf32, #tpu.memory_space<vmem>>[vector<16xi32>, vector<16xi32>], vector<16xf32>,
      %gather3A_376 = tpu.vector_load_idx %arg10[%add3A_42, %broadcast_in_dim3A_374] : memref<256x64xf32, #tpu.memory_space<vmem>>[vector<16xi32>, vector<16xi32>], vector<16xf32>,
      %mul3A_377 = arith.mulf %gather3A_375, %gather3A_376 : vector<16xf32>
      %add3A_378 = arith.addf %add3A_372, %mul3A_377 : vector<16xf32>
      %broadcast_in_dim3A_379 = arith.constant 56 : i32
      %broadcast_in_dim3A_380 = vector.broadcast %broadcast_in_dim3A_379 : i32 to vector<16xi32>
      %gather3A_381 = tpu.vector_load_idx %arg9[%add3A_42, %broadcast_in_dim3A_380] : memref<256x64xf32, #tpu.memory_space<vmem>>[vector<16xi32>, vector<16xi32>], vector<16xf32>,
      %gather3A_382 = tpu.vector_load_idx %arg10[%add3A_42, %broadcast_in_dim3A_380] : memref<256x64xf32, #tpu.memory_space<vmem>>[vector<16xi32>, vector<16xi32>], vector<16xf32>,
      %mul3A_383 = arith.mulf %gather3A_381, %gather3A_382 : vector<16xf32>
      %add3A_384 = arith.addf %add3A_378, %mul3A_383 : vector<16xf32>
      %broadcast_in_dim3A_385 = arith.constant 57 : i32
      %broadcast_in_dim3A_386 = vector.broadcast %broadcast_in_dim3A_385 : i32 to vector<16xi32>
      %gather3A_387 = tpu.vector_load_idx %arg9[%add3A_42, %broadcast_in_dim3A_386] : memref<256x64xf32, #tpu.memory_space<vmem>>[vector<16xi32>, vector<16xi32>], vector<16xf32>,
      %gather3A_388 = tpu.vector_load_idx %arg10[%add3A_42, %broadcast_in_dim3A_386] : memref<256x64xf32, #tpu.memory_space<vmem>>[vector<16xi32>, vector<16xi32>], vector<16xf32>,
      %mul3A_389 = arith.mulf %gather3A_387, %gather3A_388 : vector<16xf32>
      %add3A_390 = arith.addf %add3A_384, %mul3A_389 : vector<16xf32>
      %broadcast_in_dim3A_391 = arith.constant 58 : i32
      %broadcast_in_dim3A_392 = vector.broadcast %broadcast_in_dim3A_391 : i32 to vector<16xi32>
      %gather3A_393 = tpu.vector_load_idx %arg9[%add3A_42, %broadcast_in_dim3A_392] : memref<256x64xf32, #tpu.memory_space<vmem>>[vector<16xi32>, vector<16xi32>], vector<16xf32>,
      %gather3A_394 = tpu.vector_load_idx %arg10[%add3A_42, %broadcast_in_dim3A_392] : memref<256x64xf32, #tpu.memory_space<vmem>>[vector<16xi32>, vector<16xi32>], vector<16xf32>,
      %mul3A_395 = arith.mulf %gather3A_393, %gather3A_394 : vector<16xf32>
      %add3A_396 = arith.addf %add3A_390, %mul3A_395 : vector<16xf32>
      %broadcast_in_dim3A_397 = arith.constant 59 : i32
      %broadcast_in_dim3A_398 = vector.broadcast %broadcast_in_dim3A_397 : i32 to vector<16xi32>
      %gather3A_399 = tpu.vector_load_idx %arg9[%add3A_42, %broadcast_in_dim3A_398] : memref<256x64xf32, #tpu.memory_space<vmem>>[vector<16xi32>, vector<16xi32>], vector<16xf32>,
      %gather3A_400 = tpu.vector_load_idx %arg10[%add3A_42, %broadcast_in_dim3A_398] : memref<256x64xf32, #tpu.memory_space<vmem>>[vector<16xi32>, vector<16xi32>], vector<16xf32>,
      %mul3A_401 = arith.mulf %gather3A_399, %gather3A_400 : vector<16xf32>
      %add3A_402 = arith.addf %add3A_396, %mul3A_401 : vector<16xf32>
      %broadcast_in_dim3A_403 = arith.constant 60 : i32
      %broadcast_in_dim3A_404 = vector.broadcast %broadcast_in_dim3A_403 : i32 to vector<16xi32>
      %gather3A_405 = tpu.vector_load_idx %arg9[%add3A_42, %broadcast_in_dim3A_404] : memref<256x64xf32, #tpu.memory_space<vmem>>[vector<16xi32>, vector<16xi32>], vector<16xf32>,
      %gather3A_406 = tpu.vector_load_idx %arg10[%add3A_42, %broadcast_in_dim3A_404] : memref<256x64xf32, #tpu.memory_space<vmem>>[vector<16xi32>, vector<16xi32>], vector<16xf32>,
      %mul3A_407 = arith.mulf %gather3A_405, %gather3A_406 : vector<16xf32>
      %add3A_408 = arith.addf %add3A_402, %mul3A_407 : vector<16xf32>
      %broadcast_in_dim3A_409 = arith.constant 61 : i32
      %broadcast_in_dim3A_410 = vector.broadcast %broadcast_in_dim3A_409 : i32 to vector<16xi32>
      %gather3A_411 = tpu.vector_load_idx %arg9[%add3A_42, %broadcast_in_dim3A_410] : memref<256x64xf32, #tpu.memory_space<vmem>>[vector<16xi32>, vector<16xi32>], vector<16xf32>,
      %gather3A_412 = tpu.vector_load_idx %arg10[%add3A_42, %broadcast_in_dim3A_410] : memref<256x64xf32, #tpu.memory_space<vmem>>[vector<16xi32>, vector<16xi32>], vector<16xf32>,
      %mul3A_413 = arith.mulf %gather3A_411, %gather3A_412 : vector<16xf32>
      %add3A_414 = arith.addf %add3A_408, %mul3A_413 : vector<16xf32>
      %broadcast_in_dim3A_415 = arith.constant 62 : i32
      %broadcast_in_dim3A_416 = vector.broadcast %broadcast_in_dim3A_415 : i32 to vector<16xi32>
      %gather3A_417 = tpu.vector_load_idx %arg9[%add3A_42, %broadcast_in_dim3A_416] : memref<256x64xf32, #tpu.memory_space<vmem>>[vector<16xi32>, vector<16xi32>], vector<16xf32>,
      %gather3A_418 = tpu.vector_load_idx %arg10[%add3A_42, %broadcast_in_dim3A_416] : memref<256x64xf32, #tpu.memory_space<vmem>>[vector<16xi32>, vector<16xi32>], vector<16xf32>,
      %mul3A_419 = arith.mulf %gather3A_417, %gather3A_418 : vector<16xf32>
      %add3A_420 = arith.addf %add3A_414, %mul3A_419 : vector<16xf32>
      %broadcast_in_dim3A_421 = arith.constant 63 : i32
      %broadcast_in_dim3A_422 = vector.broadcast %broadcast_in_dim3A_421 : i32 to vector<16xi32>
      %gather3A_423 = tpu.vector_load_idx %arg9[%add3A_42, %broadcast_in_dim3A_422] : memref<256x64xf32, #tpu.memory_space<vmem>>[vector<16xi32>, vector<16xi32>], vector<16xf32>,
      %gather3A_424 = tpu.vector_load_idx %arg10[%add3A_42, %broadcast_in_dim3A_422] : memref<256x64xf32, #tpu.memory_space<vmem>>[vector<16xi32>, vector<16xi32>], vector<16xf32>,
      %mul3A_425 = arith.mulf %gather3A_423, %gather3A_424 : vector<16xf32>
      %add3A_426 = arith.addf %add3A_420, %mul3A_425 : vector<16xf32>
      %mul3A_427 = arith.constant 16 : i32
      %mul3A_428 = arith.muli %scan3A_38, %mul3A_427 : i32
      %add3A_429 = arith.constant 256 : i32
      %add3A_430 = arith.addi %add3A_429, %mul3A_428 : i32
      %swap3A = arith.index_cast %add3A_430 : i32 to index
      %swap3A_431 = tpu.vector_load %arg11[%swap3A] {strides = array<i32>} : memref<512xf32, #tpu.memory_space<vmem>>, vector<16xf32>,
      tpu.vector_store %arg11[%swap3A], %add3A_426 {strides = array<i32>} : memref<512xf32, #tpu.memory_space<vmem>>, vector<16xf32>,
    }
    %scan3A_37 = arith.constant 16 : i32
    "tpu.region"() ({
      %run_scoped3A = tpu.sem_alloc : memref<!tpu.dma_semaphore, #tpu.memory_space<semaphore_mem>>
      %dma_start3A = tpu.memref_slice %arg6[%mul3A_2] : memref<16384xf32, #tpu.memory_space<hbm>> -> memref<512xf32, #tpu.memory_space<hbm>>
      %dma_start3A_38 = tpu.memref_slice %arg6[%mul3A_2] : memref<16384xf32, #tpu.memory_space<hbm>> -> memref<512xf32, #tpu.memory_space<hbm>>
      tpu.enqueue_dma source(%arg11 : memref<512xf32, #tpu.memory_space<vmem>>) target(%dma_start3A_38 : memref<512xf32, #tpu.memory_space<hbm>>) target_semaphore(%run_scoped3A : memref<!tpu.dma_semaphore, #tpu.memory_space<semaphore_mem>>)
      %dma_wait3A = tpu.memref_slice %arg6[%mul3A_2] : memref<16384xf32, #tpu.memory_space<hbm>> -> memref<512xf32, #tpu.memory_space<hbm>>
      %dma_wait3A_39 = tpu.memref_slice %arg6[%mul3A_2] : memref<16384xf32, #tpu.memory_space<hbm>> -> memref<512xf32, #tpu.memory_space<hbm>>
      tpu.wait_dma2 semaphore(%run_scoped3A : memref<!tpu.dma_semaphore, #tpu.memory_space<semaphore_mem>>) src(%arg11 : memref<512xf32, #tpu.memory_space<vmem>>) dst(%dma_wait3A_39 : memref<512xf32, #tpu.memory_space<hbm>>)
      tpu.yield
    }) : () -> ()
    return
  }
}

</mosaic_0001>

<sc_bundles>
// kernel: kernel.3.cloned.1.call-start
scs
__scs_entry_jumppad:
0x0: {  	(pc) =	sbr.rel $0x88, $3  }
0x1: {  	(tag) =	ssettag $0x0;
	lr =	simm.s32 $0x1  }
0x2: {  	[smem:$0x3F9D] =	sst lr;
	_ =	strace $0xD0000000  }
0x3: {  	_ = 	snop  }
0x4: {  	_ = 	snop  }
0x5: {  	_ = 	snop  }
0x6: {  	_ = 	snop  }
0x7: {  	_ = 	snop  }
__scs_overlays_trampoline_lowered:
0x8: {  	[smem:$0x3FAC] =	sst s0  }
0x9: {  	[smem:$0x3FAD] =	sst s1  }
0xa: {  	[smem:$0x3FAE] =	sst s2  }
0xb: {  	[smem:$0x3FAF] =	sst s3  }
0xc: {  	[smem:$0x3FB0] =	sst s4  }
0xd: {  	[smem:$0x3FB1] =	sst s5  }
0xe: {  	[smem:$0x3FB2] =	sst s6  }
0xf: {  	[smem:$0x3FB3] =	sst s7  }
0x10: {  	[smem:$0x3FB4] =	sst s8  }
0x11: {  	[smem:$0x3FB5] =	sst s9;
	s0 =	simm.s32 @!p0 $0x0  }
0x12: {  	s1 =	sld [smem:$0x3F9B];
	s0 =	simm.s32 @p0 $0x1  }
0x13: {  	[smem:$0x3FB6] =	sst s0;
	s0 =	simm.s32 @!p1 $0x0  }
0x14: {  	s2 =	sld [smem:$0x3F9A];
	s0 =	simm.s32 @p1 $0x1  }
0x15: {  	[smem:$0x3FB7] =	sst s0;
	s0 =	simm.s32 @!p2 $0x0  }
0x16: {  	s3 =	sld [smem:$0x3FDB];
	s0 =	simm.s32 @p2 $0x1  }
0x17: {  	s4 =	simm.s32 $0x1BF5;
	[smem:$0x3FB9] =	sst s0  }
0x18: {  	s0 =	sld [smem:$0x3F9C];
	_ =	swait.ge [sflag:s4], $0x0  }
0x19: {  	s7 =	sld [smem:$0x3F9D]  }
0x1a: {  	s8 =	sadd.s32 $0xFFFFE003, lr  }
0x1b: {  	s9 =	sadd.s32 $0xFFFFFEF7, lr;
	s5 =	simm.s32 $0xFFFFFFFF;
	p2 =	slt.u32 s8, $0xFFFFF086  }
0x1c: {  	p1 =	slt.u32 s9, $0xF7A;
	s5 =	simm.s32 @!p2 $0x0  }
0x1d: {  	s5 =	simm.s32 @p1 $0x1;
	p0 =	seq.s32 s7, s2  }
0x1e: {  	s7 =	smul.u32 @!p0 $0xF7A, s2;
	p2 =	seq.s32 @!p0 s5, $0x0  }
0x1f: {  	s9 =	smul.u32 $0xF7A, s1;
	s8 =	simm.s32 @!p0 $0x1BF5;
	p2 =	por !p2, p0  }
0x20: {  	[sflag:s8] =	ssyncset.s32 @!p0 $0xFFFFF086;
	s6 =	sadd.s32 @!p0 s3, s7;
	s7 =	simm.s32 @!p0 $0x108  }
0x21: {  	s3 =	sadd.s32 s3, s9;
	s6 =	sadd.s32 @!p0 $0x88, s6;
	s7 =	simm.s32 @p2 $0x1082  }
0x22: {  	[simem:s7], [sflag:s8] =	dma.local @!p0 [hbm:s6], $0xF7A  }
0x23: {  	s9 =	sor.u32 $0xD0000000, s2;
	s6 =	simm.s32 $0x108;
	_ =	swait.ge @!p0 [sflag:s8], $0x0  }
0x24: {  	s3 =	sadd.s32 $0x88, s3;
	s6 =	simm.s32 @!p1 $0x1082;
	[sflag:s4] =	ssyncset.s32 $0xFFFFF086  }
0x25: {  	[simem:s6], [sflag:s4] =	dma.local [hbm:s3], $0xF7A  }
0x26: {  	[smem:$0x3F9D] =	sst s1;
	(tag) =	ssettag s2;
	_ =	strace s9  }
0x27: {  	s1 =	sld [smem:$0x3FAD]  }
0x28: {  	s2 =	sld [smem:$0x3FAE]  }
0x29: {  	s4 =	sld [smem:$0x3FB0]  }
0x2a: {  	p0 =	seq.s32 s5, $0x0;
	s5 =	sld [smem:$0x3FB1]  }
0x2b: {  	s6 =	sld [smem:$0x3FB2]  }
0x2c: {  	s7 =	sld [smem:$0x3FB3]  }
0x2d: {  	s3 =	simm.s32 $0x108;
	s8 =	sld [smem:$0x3FB4]  }
0x2e: {  	s3 =	simm.s32 @!p0 $0x1082;
	s9 =	sld [smem:$0x3FB5]  }
0x2f: {  	lr =	sadd.s32 s0, s3;
	s0 =	sld [smem:$0x3FAC]  }
0x30: {  	s3 =	sld [smem:$0x3FAF]  }
0x31: {  	[smem:$0x3FB8] =	sst s10  }
0x32: {  	s10 =	sld [smem:$0x3FB6];
	_ =	sdelay $0x3  }
0x33: {  	p0 =	seq.s32 s10, $0x1;
	s10 =	sld [smem:$0x3FB8];
	_ =	sdelay $0x3  }
0x34: {  	[smem:$0x3FB8] =	sst s10  }
0x35: {  	s10 =	sld [smem:$0x3FB7];
	_ =	sdelay $0x3  }
0x36: {  	p1 =	seq.s32 s10, $0x1;
	s10 =	sld [smem:$0x3FB8];
	_ =	sdelay $0x3  }
0x37: {  	[smem:$0x3FB8] =	sst s10  }
0x38: {  	s10 =	sld [smem:$0x3FB9]  }
0x39: {  	_ = 	snop;
	(pc) =	sbr.ind lr, $3  }
0x3a: {  	_ = 	snop  }
0x3b: {  	_ = 	snop  }
0x3c: {  	p2 =	seq.s32 s10, $0x1;
	s10 =	sld [smem:$0x3FB8]  }
0x3d: {  	_ =	shalt  }
0x3e: {  	_ =	shalt  }
0x3f: {  	_ =	shalt  }
0x40: {  	_ =	shalt  }
0x41: {  	_ =	shalt  }
0x42: {  	_ =	shalt  }
0x43: {  	_ =	shalt  }
0x44: {  	_ =	shalt  }
0x45: {  	_ =	shalt  }
0x46: {  	_ =	shalt  }
0x47: {  	_ =	shalt  }
0x48: {  	_ =	shalt  }
0x49: {  	_ =	shalt  }
0x4a: {  	_ =	shalt  }
0x4b: {  	_ =	shalt  }
0x4c: {  	_ =	shalt  }
0x4d: {  	_ =	shalt  }
0x4e: {  	_ =	shalt  }
0x4f: {  	_ =	shalt  }
0x50: {  	_ =	shalt  }
0x51: {  	_ =	shalt  }
0x52: {  	_ =	shalt  }
0x53: {  	_ =	shalt  }
0x54: {  	_ =	shalt  }
0x55: {  	_ =	shalt  }
0x56: {  	_ =	shalt  }
0x57: {  	_ =	shalt  }
0x58: {  	_ =	shalt  }
0x59: {  	_ =	shalt  }
0x5a: {  	_ =	shalt  }
0x5b: {  	_ =	shalt  }
0x5c: {  	_ =	shalt  }
0x5d: {  	_ =	shalt  }
0x5e: {  	_ =	shalt  }
0x5f: {  	_ =	shalt  }
0x60: {  	_ =	shalt  }
0x61: {  	_ =	shalt  }
0x62: {  	_ =	shalt  }
0x63: {  	_ =	shalt  }
0x64: {  	_ =	shalt  }
0x65: {  	_ =	shalt  }
0x66: {  	_ =	shalt  }
0x67: {  	_ =	shalt  }
0x68: {  	_ =	shalt  }
0x69: {  	_ =	shalt  }
0x6a: {  	_ =	shalt  }
0x6b: {  	_ =	shalt  }
0x6c: {  	_ =	shalt  }
0x6d: {  	_ =	shalt  }
0x6e: {  	_ =	shalt  }
0x6f: {  	_ =	shalt  }
0x70: {  	_ =	shalt  }
0x71: {  	_ =	shalt  }
0x72: {  	_ =	shalt  }
0x73: {  	_ =	shalt  }
0x74: {  	_ =	shalt  }
0x75: {  	_ =	shalt  }
0x76: {  	_ =	shalt  }
0x77: {  	_ =	shalt  }
0x78: {  	_ =	shalt  }
0x79: {  	_ =	shalt  }
0x7a: {  	_ =	shalt  }
0x7b: {  	_ =	shalt  }
0x7c: {  	_ =	shalt  }
0x7d: {  	_ =	shalt  }
0x7e: {  	_ =	shalt  }
0x7f: {  	_ =	shalt  }
0x80: {  	_ =	shalt  }
0x81: {  	_ =	shalt  }
0x82: {  	_ =	shalt  }
0x83: {  	_ =	shalt  }
0x84: {  	_ =	shalt  }
0x85: {  	_ =	shalt  }
0x86: {  	_ =	shalt  }
0x87: {  	_ =	shalt  }
.Lfunc_end0:
.L_simem_size_0:
called_computation_lowered:
.L_overlay_start_0:
0x88: {  	s2 =	sld [smem:$0x3FD9]  }
0x89: {  	s3 =	sld [smem:$0x3FFE];
	_ =	sdelay $0x1  }
0x8a: {  	s1 =	srdreg.scid  }
0x8b: {  	s0 =	sand.u32 $0x1, s1  }
0x8c: {  	s17 =	sshll.u32 s0, $0xA;
	s2 =	sadd.s32 s3, s2  }
0x8d: {  	s2 =	sadd.s32 s2, s17  }
0x8e: {  	[smem:$0x3FC4] =	sst s2  }
0x8f: {  	_ = 	snop  }
0x90: {  	s2 =	sld [smem:$0x3FC9]  }
0x91: {  	s18 =	sld [smem:$0x3FC8]  }
0x92: {  	s4 =	sld [smem:$0x3FD0];
	(tm) =	ssettm $0x1  }
0x93: {  	s5 =	sld [smem:$0x3FFB];
	_ =	sdelay $0x3  }
0x94: {  	_ =	strace s5  }
0x95: {  	s5 =	sld [smem:$0x3FFC];
	_ =	sdelay $0x3  }
0x96: {  	_ =	strace s5  }
0x97: {  	s5 =	sld [smem:$0x3FFD];
	_ =	sdelay $0x3  }
0x98: {  	_ =	strace s5  }
0x99: {  	_ =	strace $0x8FFFFFFF  }
0x9a: {  	s19 =	sld [smem:$0x3FDB];
	_ =	sdelay $0x1  }
0x9b: {  	s6 =	simm.s32 $_scs_section_size  }
0x9c: {  	s7 =	simm.s32 $_size__tile_overlayer_lowered;
	s8 =	simm.s32 $_tile_overlayer_lowered  }
0x9d: {  	s22 =	simm.s32 $0x1BFF;
	s21 =	sshll.u32 s8, $0x1;
	s5 =	sadd.s32 s6, s19  }
0x9e: {  	s9 =	simm.s32 $0x0;
	s20 =	sshll.u32 s7, $0x1;
	s7 =	sadd.s32 s21, s5  }
0x9f: {  	[timem:s9], [sflag:s22] =	dma.local [hbm:s7], s20  }
0xa0: {  	_ =	swait.ge [sflag:s22], s20  }
0xa1: {  	s6 =	ssub.s32 $0x0, s20;
	[sflag:s22] =	ssyncset.done $0x0  }
0xa2: {  	[sflag:s22] =	ssyncadd.s32 s6;
	_ =	sdelay $0x1  }
0xa3: {  	s23 =	simm.s32 $0x1B8B  }
0xa4: {  	_ =	swait.ge [sflag:s23], $0x1  }
0xa5: {  	[sflag:s23] =	ssyncset.done $0x0  }
0xa6: {  	s25 =	simm.s32 $0x1B8E;
	s24 =	sld [smem:$0x3FFE];
	[sflag:s23] =	ssyncadd.s32 $0xFFFFFFFF  }
0xa7: {  	s26 =	simm.s32 $execute0_lowered;
	[smem:$0x3FD2] =	sst s25  }
0xa8: {  	s7 =	sshll.u32 s26, $0x1;
	_ =	strace $0x80000046;
	[dreg:$0x1] =	wrdreg $0xFFFFFFFF  }
0xa9: {  	s28 =	simm.s32 $_size_execute0_lowered;
	s5 =	sadd.s32 s5, s7;
	[dreg:$0x0] =	wrdreg $0x0  }
0xaa: {  	s7 =	sshll.u32 s28, $0x1;
	[dreg:$0x2] =	wrdreg s5  }
0xab: {  	[dreg:$0x3] =	wrdreg s7  }
0xac: {  	[dreg:$0x4] =	wrdreg $0xC0  }
0xad: {  	_ =	task [dreg:s9], $0x5FFFF  }
0xae: {  	[dreg:$0x1] =	wrdreg $0xFFFFFFFF  }
0xaf: {  	[dreg:$0x0] =	wrdreg $0x60  }
0xb0: {  	[dreg:$0x2] =	wrdreg s2  }
0xb1: {  	[dreg:$0x3] =	wrdreg s18  }
0xb2: {  	[dreg:$0x4] =	wrdreg s24  }
0xb3: {  	[dreg:$0x5] =	wrdreg s4  }
0xb4: {  	[dreg:$0x6] =	wrdreg $0x9  }
0xb5: {  	_ =	task.clear_ibuf [dreg:s9], $0x7FFFF;
	_ =	strace $0x90000046  }
0xb6: {  	s29 =	simm.s32 $0x9;
	_ =	strace $0x80000048  }
0xb7: {  	_ =	swait.ge [sflag:s29], $0x1  }
0xb8: {  	[sflag:s29] =	ssyncadd.s32 $0xFFFFFFFF  }
0xb9: {  	_ =	strace $0x90000048  }
0xba: {  	_ =	sfence  }
0xbb: {  	s30 =	sld [smem:$0x0];
	_ =	sdelay $0x2  }
0xbc: {  	s31 =	sshll.u32 s1, $0xD;
	s1 =	sshrl.u32 s1, $0x2  }
0xbd: {  	s3 =	sand.u32 $0x4000, s31;
	s1 =	sadd.s32 s1, s30  }
0xbe: {  	s0 =	sor.u32 s3, s0;
	s1 =	sshll.u32 s1, $0x11  }
0xbf: {  	s0 =	sor.u32 s1, s0  }
0xc0: {  	s0 =	sadd.s32 $0x8F2B, s0  }
0xc1: {  	[sflag:s0] =	ssyncadd.remote.s32 $0x1  }
0xc2: {  	_ =	sfence.sel $0xFFFF  }
0xc3: {  	[dreg:$0x0] =	wrdreg $0xFFFFFFFF;
	(pc) =	sbr.abs _section_cstart, $3  }
0xc4: {  	[dreg:$0x1] =	wrdreg $0xFFFFFFFF  }
0xc5: {  	_ =	task.clear_ibuf [dreg:s9], $0x2FFFF;
	_ =	strace $0x9FFFFFFF  }
0xc6: {  	(tm) =	ssettm $0x7FFFFFFF  }
0xc7: {  	_ =	shalt  }
tec
execute0_lowered:
.L_overlay_start_1:
0x0: {  	(tag) =	ssettag $0x1  }
0x1: {  	s0 =	rddreg [dreg:$0x0]  }
0x2: {  	s1 =	rddreg [dreg:$0x1]  }
0x3: {  	s2 =	rddreg [dreg:$0x2]  }
0x4: {  	s3 =	rddreg [dreg:$0x3];
	s10 =	simm.s32 $0x0;
	s4 =	srdreg.scid  }
0x5: {  	s6 =	stileid.u32;
	[smem:$0x7FF] =	sst s10  }
0x6: {  	s4 =	sand.u32 $0x1, s4;
	s6 =	sshll.u32 s6, $0x7;
	s18 =	sadd.s32 $0x400, s2  }
0x7: {  	s14 =	sadd.s32 $0xF42800, s2;
	s5 =	ssub.s32 $0x2, s4;
	s4 =	sshll.u32 s4, $0x6  }
0x8: {  	_ =	strace $0x80000047;
	[dreg:$0x5] =	wrdreg s18;
	s4 =	sor.u32 s4, s6  }
0x9: {  	s11 =	simm.s32 $0x400;
	[dreg:$0x6] =	wrdreg s14;
	s0 =	sadd.s32 s0, s4  }
0xa: {  	s7 =	sshrl.u32 s5, $0x1;
	s29 =	sadd.s32 s1, s4;
	[dreg:$0x19] =	wrdreg s0  }
0xb: {  	v0 =	vlaneseq.u32;
	s28 =	ssub.s32 s5, s7;
	s30 =	sadd.s32 s3, s4;
	[dreg:$0x1a] =	wrdreg s29  }
0xc: {  	s12 =	simm.s32 $0x8400;
	v0 =	vmul.u32 $0x80, v0;
	[dreg:$0x1b] =	wrdreg s30;
	s31 =	smax.u32 s28, $0x1  }
0xd: {  	s2 =	simm.s32 $0x2;
	s1 =	simm.s32 $0x0;
	[dreg:$0x1c] =	wrdreg s31  }
.LBB2_1:
0xe: {  	[dreg:$0x1d] =	wrdreg s1  }
0xf: {  	s0 =	rddreg [dreg:$0x19]  }
0x10: {  	[tilespmem:s10], [sflag:$0x2] =	stream.linear.gather [hbm4b:s0+s10], $0x200, $0x38;
	[tilespmem:$0x10600] =	vst v63  }
0x11: {  	_ =	swait.ge [sflag:s2], $0x200  }
0x12: {  	[sflag:s2] =	ssyncset.done $0x0  }
0x13: {  	s6 =	simm.s32 $0x200;
	s7 =	rddreg [dreg:$0x1a];
	[sflag:s2] =	ssyncadd.s32 $0xFFFFFE00  }
0x14: {  	[tilespmem:s6], [sflag:$0x2] =	stream.linear.gather [hbm4b:s7+s10], $0x200, $0x38;
	[tilespmem:$0x10600] =	vst v63  }
0x15: {  	_ =	swait.ge [sflag:s2], $0x200  }
0x16: {  	[sflag:s2] =	ssyncset.done $0x0  }
0x17: {  	[sflag:s2] =	ssyncadd.s32 $0xFFFFFE00  }
0x18: {  	v1 =	vld [tilespmem:s10+$0x0];
	_ =	sdelay $0x1  }
0x19: {  	v3 =	vld [tilespmem:s6+$0x0];
	_ =	sdelay $0x2  }
0x1a: {  	v2 =	vshll.u32 v1, $0x4  }
0x1b: {  	(v2sf) =	vpush v2, $0x0  }
0x1c: {  	v1 =	vshll.u32 v3, $0x4  }
0x1d: {  	(v2sf) =	vpush v1, $0x0  }
0x1e: {  	(v2sf) =	vpush v2, $0x1;
	_ =	sdelay $0x1  }
0x1f: {  	(v2sf) =	vpush v1, $0x1;
	_ =	sdelay $0x1  }
0x20: {  	(v2sf) =	vpush v2, $0x2;
	_ =	sdelay $0x1  }
0x21: {  	(v2sf) =	vpush v1, $0x2;
	_ =	sdelay $0x1  }
0x22: {  	(v2sf) =	vpush v2, $0x3  }
0x23: {  	s16 =	simm.s32 $0x2000  }
0x24: {  	s15 =	simm.s32 $0x0;
	s3 =	simm.s32 $0x8400;
	s1 =	simm.s32 $0x880  }
0x25: {  	s4 =	simm.s32 $0x400;
	s13 =	simm.s32 $0x480;
	s20 =	simm.s32 $0x8480  }
0x26: {  	s22 =	simm.s32 $0x500;
	s25 =	simm.s32 $0x8500;
	s5 =	spop (v2sf);
	(v2sf) =	vpush v1, $0x3  }
0x27: {  	s31 =	simm.s32 $0x8600;
	s0 =	simm.s32 $0x8900;
	s7 =	simm.s32 $0x580  }
0x28: {  	s2 =	simm.s32 $0x680;
	s5 =	sand.u32 $0x1FFFFFF0, s5;
	s8 =	spop (v2sf)  }
0x29: {  	(v2sf) =	vpush v2, $0x4;
	s5 =	sadd.s32 s18, s5;
	s8 =	sand.u32 $0x1FFFFFF0, s8;
	s9 =	spop (v2sf)  }
0x2a: {  	(v2sf) =	vpush v1, $0x4;
	[tilespmem:s4], [sflag:$0x1] =	stream.linear.gather [hbm4b:s5+s10], $0x80, $0x38;
	[tilespmem:$0x10600] =	vst v63  }
0x2b: {  	s5 =	sadd.s32 s14, s8;
	s8 =	sand.u32 $0x1FFFFFF0, s9;
	s9 =	spop (v2sf)  }
0x2c: {  	(v2sf) =	vpush v2, $0x5;
	[tilespmem:s3], [sflag:$0x1] =	stream.linear.gather [hbm4b:s5+s10], $0x80, $0x38;
	[tilespmem:$0x10600] =	vst v63  }
0x2d: {  	s17 =	sadd.s32 s18, s8;
	s19 =	sand.u32 $0x1FFFFFF0, s9;
	s21 =	spop (v2sf)  }
0x2e: {  	[tilespmem:s13], [sflag:$0x1] =	stream.linear.gather [hbm4b:s17+s10], $0x80, $0x38;
	[tilespmem:$0x10600] =	vst v63  }
0x2f: {  	(v2sf) =	vpush v1, $0x5;
	s8 =	sadd.s32 s14, s19;
	s5 =	sand.u32 $0x1FFFFFF0, s21;
	s23 =	spop (v2sf)  }
0x30: {  	[tilespmem:s20], [sflag:$0x1] =	stream.linear.gather [hbm4b:s8+s10], $0x80, $0x38;
	[tilespmem:$0x10600] =	vst v63  }
0x31: {  	(v2sf) =	vpush v2, $0x6;
	s5 =	sadd.s32 s18, s5;
	s24 =	spop (v2sf);
	s8 =	sand.u32 $0x1FFFFFF0, s23  }
0x32: {  	[tilespmem:s22], [sflag:$0x1] =	stream.linear.gather [hbm4b:s5+s10], $0x80, $0x38;
	[tilespmem:$0x10600] =	vst v63  }
0x33: {  	s6 =	simm.s32 $0x600;
	(v2sf) =	vpush v1, $0x6;
	s28 =	sand.u32 $0x1FFFFFF0, s24;
	s26 =	sadd.s32 s14, s8  }
0x34: {  	[tilespmem:s25], [sflag:$0x1] =	stream.linear.gather [hbm4b:s26+s10], $0x80, $0x38;
	[tilespmem:$0x10600] =	vst v63  }
0x35: {  	s4 =	simm.s32 $0x8580;
	s30 =	sadd.s32 s18, s28;
	s29 =	spop (v2sf)  }
0x36: {  	[tilespmem:s7], [sflag:$0x1] =	stream.linear.gather [hbm4b:s30+s10], $0x80, $0x38;
	[tilespmem:$0x10600] =	vst v63  }
0x37: {  	s9 =	simm.s32 $0x8A00;
	s21 =	simm.s32 $0x8680;
	(v2sf) =	vpush v2, $0x7;
	s3 =	sand.u32 $0x1FFFFFF0, s29  }
0x38: {  	s23 =	simm.s32 $0x700;
	s13 =	spop (v2sf);
	s3 =	sadd.s32 s14, s3  }
0x39: {  	(v2sf) =	vpush v1, $0x7;
	s7 =	sand.u32 $0x1FFFFFF0, s13;
	s17 =	spop (v2sf);
	s13 =	simm.s32 $0xA80  }
0x3a: {  	(v2sf) =	vpush v2, $0x8;
	[tilespmem:s4], [sflag:$0x1] =	stream.linear.gather [hbm4b:s3+s10], $0x80, $0x38;
	[tilespmem:$0x10600] =	vst v63  }
0x3b: {  	s19 =	sadd.s32 s18, s7;
	s20 =	sand.u32 $0x1FFFFFF0, s17;
	s22 =	spop (v2sf)  }
0x3c: {  	(v2sf) =	vpush v1, $0x8;
	s7 =	simm.s32 $0x8A80;
	s4 =	sadd.s32 s14, s20;
	s24 =	sand.u32 $0x1FFFFFF0, s22  }
0x3d: {  	(v2sf) =	vpush v2, $0x9;
	[tilespmem:s6], [sflag:$0x1] =	stream.linear.gather [hbm4b:s19+s10], $0x80, $0x38;
	[tilespmem:$0x10600] =	vst v63  }
0x3e: {  	s25 =	spop (v2sf);
	s22 =	simm.s32 $0x8780;
	s5 =	sadd.s32 s18, s24  }
0x3f: {  	(v2sf) =	vpush v1, $0x9;
	[tilespmem:s31], [sflag:$0x1] =	stream.linear.gather [hbm4b:s4+s10], $0x80, $0x38;
	[tilespmem:$0x10600] =	vst v63  }
0x40: {  	s6 =	sand.u32 $0x1FFFFFF0, s25;
	s26 =	spop (v2sf);
	s19 =	simm.s32 $0x780;
	(v2sf) =	vpush v2, $0xA  }
0x41: {  	[tilespmem:s2], [sflag:$0x1] =	stream.linear.gather [hbm4b:s5+s10], $0x80, $0x38;
	[tilespmem:$0x10600] =	vst v63  }
0x42: {  	s28 =	sadd.s32 s14, s6;
	s29 =	sand.u32 $0x1FFFFFF0, s26;
	s30 =	spop (v2sf);
	(v2sf) =	vpush v1, $0xA  }
0x43: {  	[tilespmem:s21], [sflag:$0x1] =	stream.linear.gather [hbm4b:s28+s10], $0x80, $0x38;
	[tilespmem:$0x10600] =	vst v63  }
0x44: {  	s24 =	simm.s32 $0x800;
	s31 =	sadd.s32 s18, s29;
	s3 =	sand.u32 $0x1FFFFFF0, s30  }
0x45: {  	[tilespmem:s23], [sflag:$0x1] =	stream.linear.gather [hbm4b:s31+s10], $0x80, $0x38;
	[tilespmem:$0x10600] =	vst v63  }
0x46: {  	s6 =	simm.s32 $0x8700;
	s3 =	sadd.s32 s14, s3;
	s8 =	spop (v2sf)  }
0x47: {  	[tilespmem:s6], [sflag:$0x1] =	stream.linear.gather [hbm4b:s3+s10], $0x80, $0x38;
	[tilespmem:$0x10600] =	vst v63  }
0x48: {  	s2 =	simm.s32 $0x8980;
	(v2sf) =	vpush v2, $0xB;
	s5 =	sand.u32 $0x1FFFFFF0, s8;
	s17 =	spop (v2sf)  }
0x49: {  	s28 =	simm.s32 $0x8800;
	s20 =	sadd.s32 s18, s5;
	s23 =	spop (v2sf)  }
0x4a: {  	(v2sf) =	vpush v1, $0xB;
	[tilespmem:s19], [sflag:$0x1] =	stream.linear.gather [hbm4b:s20+s10], $0x80, $0x38;
	[tilespmem:$0x10600] =	vst v63  }
0x4b: {  	s31 =	simm.s32 $0x8880;
	s21 =	sand.u32 $0x1FFFFFF0, s17;
	s25 =	spop (v2sf)  }
0x4c: {  	s5 =	sadd.s32 s14, s21;
	s4 =	sand.u32 $0x1FFFFFF0, s23;
	s26 =	spop (v2sf)  }
0x4d: {  	(v2sf) =	vpush v2, $0xC;
	[tilespmem:s22], [sflag:$0x1] =	stream.linear.gather [hbm4b:s5+s10], $0x80, $0x38;
	[tilespmem:$0x10600] =	vst v63  }
0x4e: {  	s8 =	simm.s32 $0x900;
	s4 =	sadd.s32 s18, s4;
	s6 =	spop (v2sf)  }
0x4f: {  	(v2sf) =	vpush v1, $0xC;
	s5 =	sand.u32 $0x1FFFFFF0, s25;
	s30 =	sand.u32 $0x1FFFFFF0, s26;
	s17 =	spop (v2sf)  }
0x50: {  	[tilespmem:s24], [sflag:$0x1] =	stream.linear.gather [hbm4b:s4+s10], $0x80, $0x38;
	[tilespmem:$0x10600] =	vst v63  }
0x51: {  	s26 =	simm.s32 $0x980;
	s29 =	sadd.s32 s14, s5;
	s19 =	spop (v2sf)  }
0x52: {  	[tilespmem:s28], [sflag:$0x1] =	stream.linear.gather [hbm4b:s29+s10], $0x80, $0x38;
	[tilespmem:$0x10600] =	vst v63  }
0x53: {  	s5 =	sadd.s32 s18, s30;
	s4 =	sand.u32 $0x1FFFFFF0, s6;
	s21 =	sand.u32 $0x1FFFFFF0, s19  }
0x54: {  	[tilespmem:s1], [sflag:$0x1] =	stream.linear.gather [hbm4b:s5+s10], $0x80, $0x38;
	[tilespmem:$0x10600] =	vst v63  }
0x55: {  	s4 =	sadd.s32 s14, s4;
	s23 =	sadd.s32 s14, s21;
	s5 =	sand.u32 $0x1FFFFFF0, s17  }
0x56: {  	[tilespmem:s31], [sflag:$0x1] =	stream.linear.gather [hbm4b:s4+s10], $0x80, $0x38;
	[tilespmem:$0x10600] =	vst v63  }
0x57: {  	s21 =	simm.s32 $0x210;
	s20 =	sadd.s32 s18, s5;
	s22 =	spop (v2sf)  }
0x58: {  	[tilespmem:s8], [sflag:$0x1] =	stream.linear.gather [hbm4b:s20+s10], $0x80, $0x38;
	[tilespmem:$0x10600] =	vst v63  }
0x59: {  	s20 =	simm.s32 $0x10;
	s24 =	sand.u32 $0x1FFFFFF0, s22;
	s25 =	spop (v2sf)  }
0x5a: {  	(v2sf) =	vpush v2, $0xD;
	[tilespmem:s0], [sflag:$0x1] =	stream.linear.gather [hbm4b:s23+s10], $0x80, $0x38;
	[tilespmem:$0x10600] =	vst v63  }
0x5b: {  	(v2sf) =	vpush v1, $0xD;
	s22 =	simm.s32 $0x8B00;
	s28 =	sadd.s32 s18, s24;
	s29 =	sand.u32 $0x1FFFFFF0, s25  }
0x5c: {  	s24 =	simm.s32 $0xA00;
	(v2sf) =	vpush v2, $0xE;
	s23 =	simm.s32 $0xB00;
	s31 =	spop (v2sf)  }
0x5d: {  	(v2sf) =	vpush v1, $0xE;
	[tilespmem:s26], [sflag:$0x1] =	stream.linear.gather [hbm4b:s28+s10], $0x80, $0x38;
	[tilespmem:$0x10600] =	vst v63  }
0x5e: {  	s30 =	sadd.s32 s14, s29;
	(v2sf) =	vpush v2, $0xF;
	s0 =	sand.u32 $0x1FFFFFF0, s31;
	s1 =	spop (v2sf)  }
0x5f: {  	(v2sf) =	vpush v1, $0xF;
	[tilespmem:s2], [sflag:$0x1] =	stream.linear.gather [hbm4b:s30+s10], $0x80, $0x38;
	[tilespmem:$0x10600] =	vst v63  }
.LBB2_2:
0x60: {  	_ =	sdelay $0x4  }
0x61: {  	s0 =	sadd.s32 s18, s0;
	s1 =	sand.u32 $0x1FFFFFF0, s1  }
0x62: {  	[tilespmem:s24], [sflag:$0x1] =	stream.linear.gather [hbm4b:s0+s10], $0x80, $0x38;
	[tilespmem:$0x10600] =	vst v63  }
0x63: {  	s29 =	sadd.s32 s14, s1  }
0x64: {  	[tilespmem:s9], [sflag:$0x1] =	stream.linear.gather [hbm4b:s29+s10], $0x80, $0x38;
	[tilespmem:$0x10600] =	vst v63  }
0x65: {  	s2 =	spop (v2sf)  }
0x66: {  	s30 =	sand.u32 $0x1FFFFFF0, s2;
	s31 =	spop (v2sf)  }
0x67: {  	s1 =	sadd.s32 s18, s30;
	s2 =	sand.u32 $0x1FFFFFF0, s31;
	s3 =	spop (v2sf)  }
0x68: {  	[tilespmem:s13], [sflag:$0x1] =	stream.linear.gather [hbm4b:s1+s10], $0x80, $0x38;
	[tilespmem:$0x10600] =	vst v63  }
0x69: {  	s4 =	sadd.s32 s14, s2;
	s5 =	sand.u32 $0x1FFFFFF0, s3;
	s6 =	spop (v2sf)  }
0x6a: {  	[tilespmem:s7], [sflag:$0x1] =	stream.linear.gather [hbm4b:s4+s10], $0x80, $0x38;
	[tilespmem:$0x10600] =	vst v63  }
0x6b: {  	s8 =	sand.u32 $0x1FFFFFF0, s6;
	s9 =	spop (v2sf);
	s7 =	sadd.s32 s18, s5  }
0x6c: {  	[tilespmem:s23], [sflag:$0x1] =	stream.linear.gather [hbm4b:s7+s10], $0x80, $0x38;
	[tilespmem:$0x10600] =	vst v63  }
0x6d: {  	s13 =	sadd.s32 s14, s8;
	s17 =	sand.u32 $0x1FFFFFF0, s9;
	s19 =	spop (v2sf)  }
0x6e: {  	[tilespmem:s22], [sflag:$0x1] =	stream.linear.gather [hbm4b:s13+s10], $0x80, $0x38;
	[tilespmem:$0x10600] =	vst v63  }
0x6f: {  	s1 =	sadd.s32 s18, s17;
	s2 =	sand.u32 $0x1FFFFFF0, s19;
	s23 =	sadd.s32 $0xB80, s15  }
0x70: {  	[tilespmem:s23], [sflag:$0x1] =	stream.linear.gather [hbm4b:s1+s10], $0x80, $0x38;
	[tilespmem:$0x10600] =	vst v63  }
0x71: {  	s24 =	sadd.s32 $0x8B80, s15;
	s25 =	sadd.s32 s14, s2  }
0x72: {  	[tilespmem:s24], [sflag:$0x1] =	stream.linear.gather [hbm4b:s25+s10], $0x80, $0x38;
	[tilespmem:$0x10600] =	vst v63  }
0x73: {  	v1 =	vld [tilespmem:s20+$0x0]  }
0x74: {  	v3 =	vld [tilespmem:s21+$0x0];
	_ =	sdelay $0x3  }
0x75: {  	v2 =	vshll.u32 v1, $0x4  }
0x76: {  	v1 =	vshll.u32 v3, $0x4;
	(v2sf) =	vpush v2, $0x0  }
0x77: {  	p0 =	sne.s32 s16, $0x1E000;
	s26 =	smov.u32 s16;
	(v2sf) =	vpush v1, $0x0  }
0x78: {  	s16 =	sadd.s32 $0x2000, s16;
	s19 =	simm.s32 $0x0;
	s15 =	sshra.s32 s26, $0x2;
	(v2sf) =	vpush v2, $0x1  }
0x79: {  	s0 =	sadd.s32 $0x680, s15;
	s28 =	sadd.s32 $0x880, s15;
	s14 =	sadd.s32 $0x600, s15  }
0x7a: {  	s29 =	sadd.s32 $0x8900, s15;
	s3 =	sadd.s32 $0x580, s15;
	s2 =	sadd.s32 $0x8580, s15  }
0x7b: {  	s17 =	sadd.s32 $0x500, s15;
	s26 =	sadd.s32 $0x8480, s15;
	[dreg:$0x15] =	wrdreg s0;
	(v2sf) =	vpush v1, $0x1  }
0x7c: {  	s4 =	sadd.s32 $0x8500, s15;
	s9 =	sadd.s32 $0x8680, s15;
	[dreg:$0xb] =	wrdreg s28  }
0x7d: {  	s8 =	sadd.s32 $0x700, s15;
	s30 =	sadd.s32 $0x8980, s15;
	[dreg:$0x7] =	wrdreg s29;
	(v2sf) =	vpush v2, $0x2  }
0x7e: {  	s5 =	sadd.s32 $0x8A80, s15;
	s31 =	sadd.s32 $0x8880, s15;
	[dreg:$0x9] =	wrdreg s30  }
0x7f: {  	s7 =	sadd.s32 $0x8700, s15;
	s6 =	sadd.s32 $0x900, s15;
	[dreg:$0xf] =	wrdreg s31;
	(v2sf) =	vpush v1, $0x2  }
0x80: {  	s18 =	sadd.s32 $0x8800, s15;
	s28 =	sadd.s32 $0x400, s15;
	[dreg:$0xd] =	wrdreg s6  }
0x81: {  	s13 =	sadd.s32 $0xA80, s15;
	s6 =	sadd.s32 $0x780, s15;
	[dreg:$0x11] =	wrdreg s18  }
0x82: {  	s29 =	sadd.s32 $0x480, s15;
	s22 =	sadd.s32 $0x8780, s15;
	s0 =	rddreg [dreg:$0x5];
	(v2sf) =	vpush v2, $0x3  }
0x83: {  	[dreg:$0x17] =	wrdreg s22;
	s22 =	sadd.s32 $0x8B00, s15;
	s23 =	sadd.s32 $0x800, s15  }
0x84: {  	s1 =	sadd.s32 $0x8A00, s15;
	[dreg:$0x13] =	wrdreg s23;
	s23 =	sadd.s32 $0xB00, s15;
	(v2sf) =	vpush v1, $0x3  }
0x85: {  	s25 =	sadd.s32 $0x8400, s15;
	s10 =	sadd.s32 $0x8600, s15;
	s31 =	spop (v2sf)  }
0x86: {  	s24 =	sadd.s32 $0xA00, s15;
	s30 =	sand.u32 $0x1FFFFFF0, s31;
	s18 =	spop (v2sf)  }
0x87: {  	s20 =	sadd.s32 $0x10, s20;
	(v2sf) =	vpush v2, $0x4;
	s30 =	sadd.s32 s0, s30;
	s0 =	spop (v2sf)  }
0x88: {  	[tilespmem:s28], [sflag:$0x1] =	stream.linear.gather [hbm4b:s30+s19], $0x80, $0x38;
	[tilespmem:$0x10600] =	vst v63  }
0x89: {  	s18 =	sand.u32 $0x1FFFFFF0, s18;
	s30 =	rddreg [dreg:$0x6];
	s0 =	sand.u32 $0x1FFFFFF0, s0  }
0x8a: {  	s28 =	spop (v2sf);
	s18 =	sadd.s32 s30, s18;
	s30 =	rddreg [dreg:$0x5]  }
0x8b: {  	(v2sf) =	vpush v1, $0x4;
	[tilespmem:s25], [sflag:$0x1] =	stream.linear.gather [hbm4b:s18+s19], $0x80, $0x38;
	[tilespmem:$0x10600] =	vst v63  }
0x8c: {  	(v2sf) =	vpush v2, $0x5;
	s0 =	sadd.s32 s30, s0;
	s25 =	sand.u32 $0x1FFFFFF0, s28;
	s28 =	spop (v2sf)  }
0x8d: {  	(v2sf) =	vpush v1, $0x5;
	[tilespmem:s29], [sflag:$0x1] =	stream.linear.gather [hbm4b:s0+s19], $0x80, $0x38;
	[tilespmem:$0x10600] =	vst v63  }
0x8e: {  	s30 =	rddreg [dreg:$0x6];
	s28 =	sand.u32 $0x1FFFFFF0, s28;
	s29 =	spop (v2sf)  }
0x8f: {  	s0 =	sadd.s32 s30, s25;
	s30 =	rddreg [dreg:$0x5];
	s25 =	sand.u32 $0x1FFFFFF0, s29  }
0x90: {  	(v2sf) =	vpush v2, $0x6;
	[tilespmem:s26], [sflag:$0x1] =	stream.linear.gather [hbm4b:s0+s19], $0x80, $0x38;
	[tilespmem:$0x10600] =	vst v63  }
0x91: {  	s0 =	sadd.s32 s30, s28;
	s26 =	spop (v2sf);
	s28 =	rddreg [dreg:$0x6]  }
0x92: {  	(v2sf) =	vpush v1, $0x6;
	[tilespmem:s17], [sflag:$0x1] =	stream.linear.gather [hbm4b:s0+s19], $0x80, $0x38;
	[tilespmem:$0x10600] =	vst v63  }
0x93: {  	s21 =	sadd.s32 $0x10, s21;
	s30 =	spop (v2sf);
	s0 =	sadd.s32 s28, s25  }
0x94: {  	(v2sf) =	vpush v2, $0x7;
	[tilespmem:s4], [sflag:$0x1] =	stream.linear.gather [hbm4b:s0+s19], $0x80, $0x38;
	[tilespmem:$0x10600] =	vst v63  }
0x95: {  	s29 =	sand.u32 $0x1FFFFFF0, s26;
	s25 =	sand.u32 $0x1FFFFFF0, s30;
	s4 =	rddreg [dreg:$0x5]  }
0x96: {  	s26 =	spop (v2sf);
	s28 =	rddreg [dreg:$0x6];
	s0 =	sadd.s32 s4, s29  }
0x97: {  	[tilespmem:s3], [sflag:$0x1] =	stream.linear.gather [hbm4b:s0+s19], $0x80, $0x38;
	[tilespmem:$0x10600] =	vst v63  }
0x98: {  	(v2sf) =	vpush v1, $0x7;
	s29 =	sand.u32 $0x1FFFFFF0, s26;
	s26 =	rddreg [dreg:$0x5];
	s0 =	sadd.s32 s28, s25  }
0x99: {  	[tilespmem:s2], [sflag:$0x1] =	stream.linear.gather [hbm4b:s0+s19], $0x80, $0x38;
	[tilespmem:$0x10600] =	vst v63  }
0x9a: {  	s31 =	sadd.s32 $0x980, s15;
	(v2sf) =	vpush v2, $0x8;
	s30 =	spop (v2sf);
	s2 =	rddreg [dreg:$0x5]  }
0x9b: {  	s3 =	sand.u32 $0x1FFFFFF0, s30;
	s4 =	spop (v2sf);
	s30 =	rddreg [dreg:$0x15]  }
0x9c: {  	s0 =	sadd.s32 s2, s29;
	s18 =	sand.u32 $0x1FFFFFF0, s4;
	s25 =	spop (v2sf)  }
0x9d: {  	(v2sf) =	vpush v1, $0x8;
	[tilespmem:s14], [sflag:$0x1] =	stream.linear.gather [hbm4b:s0+s19], $0x80, $0x38;
	[tilespmem:$0x10600] =	vst v63  }
0x9e: {  	(v2sf) =	vpush v2, $0x9;
	s14 =	rddreg [dreg:$0x6];
	s0 =	sadd.s32 s26, s18;
	s28 =	sand.u32 $0x1FFFFFF0, s25  }
0x9f: {  	s18 =	rddreg [dreg:$0x5];
	s17 =	sadd.s32 s14, s3;
	s29 =	spop (v2sf)  }
0xa0: {  	(v2sf) =	vpush v1, $0x9;
	[tilespmem:s10], [sflag:$0x1] =	stream.linear.gather [hbm4b:s17+s19], $0x80, $0x38;
	[tilespmem:$0x10600] =	vst v63  }
0xa1: {  	s4 =	sadd.s32 s14, s28;
	s10 =	simm.s32 $0x0;
	s19 =	spop (v2sf)  }
0xa2: {  	(v2sf) =	vpush v2, $0xA;
	[tilespmem:s30], [sflag:$0x1] =	stream.linear.gather [hbm4b:s0+s10], $0x80, $0x38;
	[tilespmem:$0x10600] =	vst v63  }
0xa3: {  	s17 =	sand.u32 $0x1FFFFFF0, s29;
	s26 =	sand.u32 $0x1FFFFFF0, s19;
	s28 =	spop (v2sf)  }
0xa4: {  	[tilespmem:s9], [sflag:$0x1] =	stream.linear.gather [hbm4b:s4+s10], $0x80, $0x38;
	[tilespmem:$0x10600] =	vst v63  }
0xa5: {  	s25 =	sadd.s32 s18, s17;
	s29 =	sadd.s32 s14, s26;
	s30 =	sand.u32 $0x1FFFFFF0, s28  }
0xa6: {  	(v2sf) =	vpush v1, $0xA;
	[tilespmem:s8], [sflag:$0x1] =	stream.linear.gather [hbm4b:s25+s10], $0x80, $0x38;
	[tilespmem:$0x10600] =	vst v63  }
0xa7: {  	s9 =	smov.u32 s1;
	s1 =	spop (v2sf);
	s2 =	sadd.s32 s18, s30  }
0xa8: {  	(v2sf) =	vpush v2, $0xB;
	[tilespmem:s7], [sflag:$0x1] =	stream.linear.gather [hbm4b:s29+s10], $0x80, $0x38;
	[tilespmem:$0x10600] =	vst v63  }
0xa9: {  	s4 =	sand.u32 $0x1FFFFFF0, s1;
	s7 =	smov.u32 s5;
	s5 =	spop (v2sf)  }
0xaa: {  	(v2sf) =	vpush v1, $0xB;
	s30 =	rddreg [dreg:$0x13];
	s8 =	sadd.s32 s14, s4;
	s17 =	sand.u32 $0x1FFFFFF0, s5  }
0xab: {  	[tilespmem:s6], [sflag:$0x1] =	stream.linear.gather [hbm4b:s2+s10], $0x80, $0x38;
	[tilespmem:$0x10600] =	vst v63  }
0xac: {  	s25 =	rddreg [dreg:$0x17];
	s19 =	spop (v2sf);
	s26 =	sadd.s32 s18, s17  }
0xad: {  	(v2sf) =	vpush v2, $0xC;
	s6 =	rddreg [dreg:$0x11];
	s28 =	sand.u32 $0x1FFFFFF0, s19;
	s29 =	spop (v2sf)  }
0xae: {  	[tilespmem:s25], [sflag:$0x1] =	stream.linear.gather [hbm4b:s8+s10], $0x80, $0x38;
	[tilespmem:$0x10600] =	vst v63  }
0xaf: {  	(v2sf) =	vpush v1, $0xC;
	s2 =	sadd.s32 s14, s28;
	s4 =	sand.u32 $0x1FFFFFF0, s29;
	s5 =	spop (v2sf)  }
0xb0: {  	[tilespmem:s30], [sflag:$0x1] =	stream.linear.gather [hbm4b:s26+s10], $0x80, $0x38;
	[tilespmem:$0x10600] =	vst v63  }
0xb1: {  	s25 =	rddreg [dreg:$0xb];
	s17 =	sand.u32 $0x1FFFFFF0, s5;
	s19 =	spop (v2sf)  }
0xb2: {  	[tilespmem:s6], [sflag:$0x1] =	stream.linear.gather [hbm4b:s2+s10], $0x80, $0x38;
	[tilespmem:$0x10600] =	vst v63  }
0xb3: {  	s8 =	sadd.s32 s18, s4;
	s26 =	sadd.s32 s14, s17;
	s28 =	sand.u32 $0x1FFFFFF0, s19  }
0xb4: {  	[tilespmem:s25], [sflag:$0x1] =	stream.linear.gather [hbm4b:s8+s10], $0x80, $0x38;
	[tilespmem:$0x10600] =	vst v63  }
0xb5: {  	s30 =	rddreg [dreg:$0xf];
	s29 =	spop (v2sf);
	s3 =	sadd.s32 s18, s28  }
0xb6: {  	[tilespmem:s30], [sflag:$0x1] =	stream.linear.gather [hbm4b:s26+s10], $0x80, $0x38;
	[tilespmem:$0x10600] =	vst v63  }
0xb7: {  	s6 =	rddreg [dreg:$0xd];
	s4 =	sand.u32 $0x1FFFFFF0, s29;
	s5 =	spop (v2sf)  }
0xb8: {  	[tilespmem:s6], [sflag:$0x1] =	stream.linear.gather [hbm4b:s3+s10], $0x80, $0x38;
	[tilespmem:$0x10600] =	vst v63  }
0xb9: {  	s8 =	sadd.s32 s14, s4;
	s25 =	rddreg [dreg:$0x7];
	s19 =	spop (v2sf)  }
0xba: {  	(v2sf) =	vpush v2, $0xD;
	[tilespmem:s25], [sflag:$0x1] =	stream.linear.gather [hbm4b:s8+s10], $0x80, $0x38;
	[tilespmem:$0x10600] =	vst v63  }
.Ltmp0:
0xbb: {  	(v2sf) =	vpush v1, $0xD;
	s17 =	sand.u32 $0x1FFFFFF0, s5;
	s28 =	sand.u32 $0x1FFFFFF0, s19;
	(pc) =	sbr.rel @p0 .LBB2_2-.Ltmp0, $4  }
0xbc: {  	(v2sf) =	vpush v2, $0xE;
	s26 =	sadd.s32 s18, s17;
	s30 =	sadd.s32 s14, s28;
	s29 =	spop (v2sf)  }
0xbd: {  	(v2sf) =	vpush v1, $0xE;
	[tilespmem:s31], [sflag:$0x1] =	stream.linear.gather [hbm4b:s26+s10], $0x80, $0x38;
	[tilespmem:$0x10600] =	vst v63  }
0xbe: {  	(v2sf) =	vpush v2, $0xF;
	s0 =	sand.u32 $0x1FFFFFF0, s29;
	s1 =	spop (v2sf);
	s31 =	rddreg [dreg:$0x9]  }
0xbf: {  	(v2sf) =	vpush v1, $0xF;
	[tilespmem:s31], [sflag:$0x1] =	stream.linear.gather [hbm4b:s30+s10], $0x80, $0x38;
	[tilespmem:$0x10600] =	vst v63  }
0xc0: {  	_ =	sdelay $0x4  }
0xc1: {  	s0 =	sadd.s32 s18, s0;
	s1 =	sand.u32 $0x1FFFFFF0, s1  }
0xc2: {  	[tilespmem:s24], [sflag:$0x1] =	stream.linear.gather [hbm4b:s0+s10], $0x80, $0x38;
	[tilespmem:$0x10600] =	vst v63  }
0xc3: {  	s3 =	sadd.s32 s14, s1  }
0xc4: {  	[tilespmem:s9], [sflag:$0x1] =	stream.linear.gather [hbm4b:s3+s10], $0x80, $0x38;
	[tilespmem:$0x10600] =	vst v63  }
0xc5: {  	s2 =	spop (v2sf)  }
0xc6: {  	s4 =	sand.u32 $0x1FFFFFF0, s2;
	s5 =	spop (v2sf)  }
0xc7: {  	s6 =	sadd.s32 s18, s4;
	s8 =	sand.u32 $0x1FFFFFF0, s5;
	s9 =	spop (v2sf)  }
0xc8: {  	[tilespmem:s13], [sflag:$0x1] =	stream.linear.gather [hbm4b:s6+s10], $0x80, $0x38;
	[tilespmem:$0x10600] =	vst v63  }
0xc9: {  	s16 =	sadd.s32 s14, s8;
	s17 =	sand.u32 $0x1FFFFFF0, s9;
	s19 =	spop (v2sf)  }
0xca: {  	[tilespmem:s7], [sflag:$0x1] =	stream.linear.gather [hbm4b:s16+s10], $0x80, $0x38;
	[tilespmem:$0x10600] =	vst v63  }
0xcb: {  	s20 =	sadd.s32 s18, s17;
	s21 =	sand.u32 $0x1FFFFFF0, s19;
	s24 =	spop (v2sf)  }
0xcc: {  	[tilespmem:s23], [sflag:$0x1] =	stream.linear.gather [hbm4b:s20+s10], $0x80, $0x38;
	[tilespmem:$0x10600] =	vst v63  }
0xcd: {  	s25 =	sadd.s32 s14, s21;
	s26 =	sand.u32 $0x1FFFFFF0, s24;
	s28 =	spop (v2sf)  }
0xce: {  	[tilespmem:s22], [sflag:$0x1] =	stream.linear.gather [hbm4b:s25+s10], $0x80, $0x38;
	[tilespmem:$0x10600] =	vst v63  }
0xcf: {  	s29 =	sadd.s32 $0xB80, s15;
	s1 =	sadd.s32 s18, s26;
	s2 =	sand.u32 $0x1FFFFFF0, s28  }
0xd0: {  	[tilespmem:s29], [sflag:$0x1] =	stream.linear.gather [hbm4b:s1+s10], $0x80, $0x38;
	[tilespmem:$0x10600] =	vst v63  }
0xd1: {  	s30 =	sadd.s32 $0x8B80, s15;
	s31 =	sadd.s32 s14, s2;
	s1 =	simm.s32 $0x1  }
0xd2: {  	[tilespmem:s30], [sflag:$0x1] =	stream.linear.gather [hbm4b:s31+s10], $0x80, $0x38;
	[tilespmem:$0x10600] =	vst v63  }
0xd3: {  	_ =	swait.ge [sflag:s1], $0x80  }
0xd4: {  	[sflag:s1] =	ssyncset.done $0x0  }
0xd5: {  	[sflag:s1] =	ssyncadd.s32 $0xFFFFFF80  }
0xd6: {  	_ =	swait.ge [sflag:s1], $0x80  }
0xd7: {  	s0 =	simm.s32 $0xFF;
	[sflag:s1] =	ssyncset.done $0x0  }
.LBB2_4:
0xd8: {  	p0 =	sne.s32 s0, $0x1;
	s0 =	sadd.s32 $0xFFFFFFFF, s0;
	[sflag:s1] =	ssyncadd.s32 $0xFFFFFF80  }
.Ltmp1:
0xd9: {  	_ =	swait.ge [sflag:s1], $0x80;
	(pc) =	sbr.rel @p0 .LBB2_4-.Ltmp1, $4  }
0xda: {  	[sflag:s1] =	ssyncset.done $0x0  }
0xdb: {  	[sflag:s1] =	ssyncadd.s32 $0xFFFFFF80  }
0xdc: {  	_ =	swait.ge [sflag:s1], $0x80  }
0xdd: {  	[sflag:s1] =	ssyncset.done $0x0  }
0xde: {  	s0 =	simm.s32 $0x0  }
0xdf: {  	v1 =	vmov s0  }
0xe0: {  	v1 =	vshll.u32 v1, $0x7  }
0xe1: {  	v1 =	vor.u32 v0, v1;
	_ =	sdelay $0x1  }
0xe2: {  	v2 =	vor.u32 $0x1, v1;
	_ =	sdelay $0x1  }
0xe3: {  	[sflag:s1] =	ssyncadd.s32 $0xFFFFFF80;
	v3 =	vor.u32 $0x2, v1  }
0xe4: {  	v4 =	vld.idx.msk [tilespmem:v1+s12+$0x0], $0xffff  }
0xe5: {  	v6 =	vor.u32 $0x3, v1;
	v5 =	vld.idx.msk [tilespmem:v1+s11+$0x0], $0xffff  }
0xe6: {  	v7 =	vld.idx.msk [tilespmem:v2+s11+$0x0], $0xffff  }
0xe7: {  	v8 =	vor.u32 $0x4, v1;
	v2 =	vld.idx.msk [tilespmem:v2+s12+$0x0], $0xffff  }
0xe8: {  	v9 =	vld.idx.msk [tilespmem:v3+s11+$0x0], $0xffff  }
0xe9: {  	v10 =	vor.u32 $0x5, v1;
	v3 =	vld.idx.msk [tilespmem:v3+s12+$0x0], $0xffff  }
0xea: {  	v11 =	vld.idx.msk [tilespmem:v6+s11+$0x0], $0xffff;
	v4 =	vmul.f32 v4, v5  }
0xeb: {  	v5 =	vld.idx.msk [tilespmem:v6+s12+$0x0], $0xffff;
	v6 =	vor.u32 $0x6, v1  }
0xec: {  	v12 =	vld.idx.msk [tilespmem:v8+s11+$0x0], $0xffff;
	v2 =	vmul.f32 v2, v7;
	v4 =	vadd.f32 $0.0e+00, v4  }
0xed: {  	v61 =	vor.u32 $0x7, v1;
	v7 =	vld.idx.msk [tilespmem:v8+s12+$0x0], $0xffff  }
0xee: {  	v13 =	vld.idx.msk [tilespmem:v10+s11+$0x0], $0xffff;
	v3 =	vmul.f32 v3, v9;
	v2 =	vadd.f32 v2, v4  }
0xef: {  	v62 =	vor.u32 $0x8, v1;
	v4 =	vld.idx.msk [tilespmem:v10+s12+$0x0], $0xffff  }
0xf0: {  	v63 =	vld.idx.msk [tilespmem:v6+s11+$0x0], $0xffff;
	v2 =	vadd.f32 v3, v2;
	v3 =	vmul.f32 v5, v11  }
0xf1: {  	v5 =	vld.idx.msk [tilespmem:v6+s12+$0x0], $0xffff;
	v6 =	vor.u32 $0x9, v1  }
0xf2: {  	v16 =	vld.idx.msk [tilespmem:v61+s11+$0x0], $0xffff;
	v2 =	vadd.f32 v3, v2;
	v3 =	vmul.f32 v7, v12  }
0xf3: {  	v17 =	vor.u32 $0xA, v1;
	v7 =	vld.idx.msk [tilespmem:v61+s12+$0x0], $0xffff  }
0xf4: {  	v18 =	vld.idx.msk [tilespmem:v62+s11+$0x0], $0xffff;
	v2 =	vadd.f32 v3, v2;
	v3 =	vmul.f32 v4, v13  }
0xf5: {  	v19 =	vor.u32 $0xB, v1;
	v4 =	vld.idx.msk [tilespmem:v62+s12+$0x0], $0xffff  }
0xf6: {  	v20 =	vld.idx.msk [tilespmem:v6+s11+$0x0], $0xffff;
	v2 =	vadd.f32 v3, v2;
	v3 =	vmul.f32 v5, v63  }
0xf7: {  	v5 =	vld.idx.msk [tilespmem:v6+s12+$0x0], $0xffff;
	v6 =	vor.u32 $0xC, v1  }
0xf8: {  	v21 =	vld.idx.msk [tilespmem:v17+s11+$0x0], $0xffff;
	v2 =	vadd.f32 v3, v2;
	v3 =	vmul.f32 v7, v16  }
0xf9: {  	v22 =	vor.u32 $0xD, v1;
	v7 =	vld.idx.msk [tilespmem:v17+s12+$0x0], $0xffff  }
0xfa: {  	v23 =	vld.idx.msk [tilespmem:v19+s11+$0x0], $0xffff;
	v2 =	vadd.f32 v3, v2;
	v3 =	vmul.f32 v4, v18  }
0xfb: {  	v24 =	vor.u32 $0xE, v1;
	v4 =	vld.idx.msk [tilespmem:v19+s12+$0x0], $0xffff  }
0xfc: {  	v25 =	vld.idx.msk [tilespmem:v6+s11+$0x0], $0xffff;
	v2 =	vadd.f32 v3, v2;
	v3 =	vmul.f32 v5, v20  }
0xfd: {  	v5 =	vld.idx.msk [tilespmem:v6+s12+$0x0], $0xffff;
	v6 =	vor.u32 $0xF, v1  }
0xfe: {  	v26 =	vld.idx.msk [tilespmem:v22+s11+$0x0], $0xffff;
	v2 =	vadd.f32 v3, v2;
	v3 =	vmul.f32 v7, v21  }
0xff: {  	v27 =	vor.u32 $0x10, v1;
	v7 =	vld.idx.msk [tilespmem:v22+s12+$0x0], $0xffff  }
0x100: {  	v28 =	vld.idx.msk [tilespmem:v24+s11+$0x0], $0xffff;
	v2 =	vadd.f32 v3, v2;
	v3 =	vmul.f32 v4, v23  }
0x101: {  	v29 =	vor.u32 $0x11, v1;
	v4 =	vld.idx.msk [tilespmem:v24+s12+$0x0], $0xffff  }
0x102: {  	v30 =	vld.idx.msk [tilespmem:v6+s11+$0x0], $0xffff;
	v2 =	vadd.f32 v3, v2;
	v3 =	vmul.f32 v5, v25  }
0x103: {  	v5 =	vld.idx.msk [tilespmem:v6+s12+$0x0], $0xffff;
	v6 =	vor.u32 $0x12, v1  }
0x104: {  	v31 =	vld.idx.msk [tilespmem:v27+s11+$0x0], $0xffff;
	v2 =	vadd.f32 v3, v2;
	v3 =	vmul.f32 v7, v26  }
0x105: {  	v32 =	vor.u32 $0x13, v1;
	v7 =	vld.idx.msk [tilespmem:v27+s12+$0x0], $0xffff  }
0x106: {  	v33 =	vld.idx.msk [tilespmem:v29+s11+$0x0], $0xffff;
	v2 =	vadd.f32 v3, v2;
	v3 =	vmul.f32 v4, v28  }
0x107: {  	v34 =	vor.u32 $0x14, v1;
	v4 =	vld.idx.msk [tilespmem:v29+s12+$0x0], $0xffff  }
0x108: {  	v35 =	vld.idx.msk [tilespmem:v6+s11+$0x0], $0xffff;
	v2 =	vadd.f32 v3, v2;
	v3 =	vmul.f32 v5, v30  }
0x109: {  	v5 =	vld.idx.msk [tilespmem:v6+s12+$0x0], $0xffff;
	v6 =	vor.u32 $0x15, v1  }
0x10a: {  	v36 =	vld.idx.msk [tilespmem:v32+s11+$0x0], $0xffff;
	v2 =	vadd.f32 v3, v2;
	v3 =	vmul.f32 v7, v31  }
0x10b: {  	v37 =	vor.u32 $0x16, v1;
	v7 =	vld.idx.msk [tilespmem:v32+s12+$0x0], $0xffff  }
0x10c: {  	v38 =	vld.idx.msk [tilespmem:v34+s11+$0x0], $0xffff;
	v2 =	vadd.f32 v3, v2;
	v3 =	vmul.f32 v4, v33  }
0x10d: {  	v39 =	vor.u32 $0x17, v1;
	v4 =	vld.idx.msk [tilespmem:v34+s12+$0x0], $0xffff  }
0x10e: {  	v40 =	vld.idx.msk [tilespmem:v6+s11+$0x0], $0xffff;
	v2 =	vadd.f32 v3, v2;
	v3 =	vmul.f32 v5, v35  }
0x10f: {  	v5 =	vld.idx.msk [tilespmem:v6+s12+$0x0], $0xffff;
	v6 =	vor.u32 $0x18, v1  }
0x110: {  	v41 =	vld.idx.msk [tilespmem:v37+s11+$0x0], $0xffff;
	v2 =	vadd.f32 v3, v2;
	v3 =	vmul.f32 v7, v36  }
0x111: {  	v42 =	vor.u32 $0x19, v1;
	v7 =	vld.idx.msk [tilespmem:v37+s12+$0x0], $0xffff  }
0x112: {  	v43 =	vld.idx.msk [tilespmem:v39+s11+$0x0], $0xffff;
	v2 =	vadd.f32 v3, v2;
	v3 =	vmul.f32 v4, v38  }
0x113: {  	v44 =	vor.u32 $0x1A, v1;
	v4 =	vld.idx.msk [tilespmem:v39+s12+$0x0], $0xffff  }
0x114: {  	v45 =	vld.idx.msk [tilespmem:v6+s11+$0x0], $0xffff;
	v2 =	vadd.f32 v3, v2;
	v3 =	vmul.f32 v5, v40  }
0x115: {  	v5 =	vld.idx.msk [tilespmem:v6+s12+$0x0], $0xffff;
	v6 =	vor.u32 $0x1B, v1  }
0x116: {  	v46 =	vld.idx.msk [tilespmem:v42+s11+$0x0], $0xffff;
	v2 =	vadd.f32 v3, v2;
	v3 =	vmul.f32 v7, v41  }
0x117: {  	v47 =	vor.u32 $0x1C, v1;
	v7 =	vld.idx.msk [tilespmem:v42+s12+$0x0], $0xffff  }
0x118: {  	v48 =	vld.idx.msk [tilespmem:v44+s11+$0x0], $0xffff;
	v2 =	vadd.f32 v3, v2;
	v3 =	vmul.f32 v4, v43  }
0x119: {  	v49 =	vor.u32 $0x1D, v1;
	v4 =	vld.idx.msk [tilespmem:v44+s12+$0x0], $0xffff  }
0x11a: {  	v50 =	vld.idx.msk [tilespmem:v6+s11+$0x0], $0xffff;
	v2 =	vadd.f32 v3, v2;
	v3 =	vmul.f32 v5, v45  }
0x11b: {  	v5 =	vld.idx.msk [tilespmem:v6+s12+$0x0], $0xffff;
	v6 =	vor.u32 $0x1E, v1  }
0x11c: {  	v51 =	vld.idx.msk [tilespmem:v47+s11+$0x0], $0xffff;
	v2 =	vadd.f32 v3, v2;
	v3 =	vmul.f32 v7, v46  }
0x11d: {  	v52 =	vor.u32 $0x1F, v1;
	v7 =	vld.idx.msk [tilespmem:v47+s12+$0x0], $0xffff  }
0x11e: {  	v53 =	vld.idx.msk [tilespmem:v49+s11+$0x0], $0xffff;
	v2 =	vadd.f32 v3, v2;
	v3 =	vmul.f32 v4, v48  }
0x11f: {  	v54 =	vor.u32 $0x20, v1;
	v4 =	vld.idx.msk [tilespmem:v49+s12+$0x0], $0xffff  }
0x120: {  	v55 =	vld.idx.msk [tilespmem:v6+s11+$0x0], $0xffff;
	v2 =	vadd.f32 v3, v2;
	v3 =	vmul.f32 v5, v50  }
0x121: {  	v5 =	vld.idx.msk [tilespmem:v6+s12+$0x0], $0xffff;
	v6 =	vor.u32 $0x21, v1  }
0x122: {  	v56 =	vld.idx.msk [tilespmem:v52+s11+$0x0], $0xffff;
	v2 =	vadd.f32 v3, v2;
	v3 =	vmul.f32 v7, v51  }
0x123: {  	v57 =	vor.u32 $0x22, v1;
	v7 =	vld.idx.msk [tilespmem:v52+s12+$0x0], $0xffff  }
0x124: {  	v58 =	vld.idx.msk [tilespmem:v54+s11+$0x0], $0xffff;
	v2 =	vadd.f32 v3, v2;
	v3 =	vmul.f32 v4, v53  }
0x125: {  	v59 =	vor.u32 $0x23, v1;
	v4 =	vld.idx.msk [tilespmem:v54+s12+$0x0], $0xffff  }
0x126: {  	v60 =	vld.idx.msk [tilespmem:v6+s11+$0x0], $0xffff;
	v2 =	vadd.f32 v3, v2;
	v3 =	vmul.f32 v5, v55  }
0x127: {  	v5 =	vld.idx.msk [tilespmem:v6+s12+$0x0], $0xffff;
	v6 =	vor.u32 $0x24, v1  }
0x128: {  	v61 =	vld.idx.msk [tilespmem:v57+s11+$0x0], $0xffff;
	v2 =	vadd.f32 v3, v2;
	v3 =	vmul.f32 v7, v56  }
0x129: {  	v62 =	vor.u32 $0x25, v1;
	v7 =	vld.idx.msk [tilespmem:v57+s12+$0x0], $0xffff  }
0x12a: {  	v63 =	vld.idx.msk [tilespmem:v59+s11+$0x0], $0xffff;
	v2 =	vadd.f32 v3, v2;
	v3 =	vmul.f32 v4, v58  }
0x12b: {  	v16 =	vor.u32 $0x26, v1;
	v4 =	vld.idx.msk [tilespmem:v59+s12+$0x0], $0xffff  }
0x12c: {  	v17 =	vld.idx.msk [tilespmem:v6+s11+$0x0], $0xffff;
	v2 =	vadd.f32 v3, v2;
	v3 =	vmul.f32 v5, v60  }
0x12d: {  	v5 =	vld.idx.msk [tilespmem:v6+s12+$0x0], $0xffff;
	v6 =	vor.u32 $0x27, v1  }
0x12e: {  	v18 =	vld.idx.msk [tilespmem:v62+s11+$0x0], $0xffff;
	v2 =	vadd.f32 v3, v2;
	v3 =	vmul.f32 v7, v61  }
0x12f: {  	v19 =	vor.u32 $0x28, v1;
	v7 =	vld.idx.msk [tilespmem:v62+s12+$0x0], $0xffff  }
0x130: {  	v20 =	vld.idx.msk [tilespmem:v16+s11+$0x0], $0xffff;
	v2 =	vadd.f32 v3, v2;
	v3 =	vmul.f32 v4, v63  }
0x131: {  	v21 =	vor.u32 $0x29, v1;
	v4 =	vld.idx.msk [tilespmem:v16+s12+$0x0], $0xffff  }
0x132: {  	v22 =	vld.idx.msk [tilespmem:v6+s11+$0x0], $0xffff;
	v2 =	vadd.f32 v3, v2;
	v3 =	vmul.f32 v5, v17  }
0x133: {  	v5 =	vld.idx.msk [tilespmem:v6+s12+$0x0], $0xffff;
	v6 =	vor.u32 $0x2A, v1  }
0x134: {  	v23 =	vld.idx.msk [tilespmem:v19+s11+$0x0], $0xffff;
	v2 =	vadd.f32 v3, v2;
	v3 =	vmul.f32 v7, v18  }
0x135: {  	v24 =	vor.u32 $0x2B, v1;
	v7 =	vld.idx.msk [tilespmem:v19+s12+$0x0], $0xffff  }
0x136: {  	v25 =	vld.idx.msk [tilespmem:v21+s11+$0x0], $0xffff;
	v2 =	vadd.f32 v3, v2;
	v3 =	vmul.f32 v4, v20  }
0x137: {  	v26 =	vor.u32 $0x2C, v1;
	v4 =	vld.idx.msk [tilespmem:v21+s12+$0x0], $0xffff  }
0x138: {  	v27 =	vld.idx.msk [tilespmem:v6+s11+$0x0], $0xffff;
	v2 =	vadd.f32 v3, v2;
	v3 =	vmul.f32 v5, v22  }
0x139: {  	v5 =	vld.idx.msk [tilespmem:v6+s12+$0x0], $0xffff;
	v6 =	vor.u32 $0x2D, v1  }
0x13a: {  	v28 =	vld.idx.msk [tilespmem:v24+s11+$0x0], $0xffff;
	v2 =	vadd.f32 v3, v2;
	v3 =	vmul.f32 v7, v23  }
0x13b: {  	v29 =	vor.u32 $0x2E, v1;
	v7 =	vld.idx.msk [tilespmem:v24+s12+$0x0], $0xffff  }
0x13c: {  	v30 =	vld.idx.msk [tilespmem:v26+s11+$0x0], $0xffff;
	v2 =	vadd.f32 v3, v2;
	v3 =	vmul.f32 v4, v25  }
0x13d: {  	v31 =	vor.u32 $0x2F, v1;
	v4 =	vld.idx.msk [tilespmem:v26+s12+$0x0], $0xffff  }
0x13e: {  	v32 =	vld.idx.msk [tilespmem:v6+s11+$0x0], $0xffff;
	v2 =	vadd.f32 v3, v2;
	v3 =	vmul.f32 v5, v27  }
0x13f: {  	v5 =	vld.idx.msk [tilespmem:v6+s12+$0x0], $0xffff;
	v6 =	vor.u32 $0x30, v1  }
0x140: {  	v33 =	vld.idx.msk [tilespmem:v29+s11+$0x0], $0xffff;
	v2 =	vadd.f32 v3, v2;
	v3 =	vmul.f32 v7, v28  }
0x141: {  	v34 =	vor.u32 $0x31, v1;
	v7 =	vld.idx.msk [tilespmem:v29+s12+$0x0], $0xffff  }
0x142: {  	v35 =	vld.idx.msk [tilespmem:v31+s11+$0x0], $0xffff;
	v2 =	vadd.f32 v3, v2;
	v3 =	vmul.f32 v4, v30  }
0x143: {  	v36 =	vor.u32 $0x32, v1;
	v4 =	vld.idx.msk [tilespmem:v31+s12+$0x0], $0xffff  }
0x144: {  	v37 =	vld.idx.msk [tilespmem:v6+s11+$0x0], $0xffff;
	v2 =	vadd.f32 v3, v2;
	v3 =	vmul.f32 v5, v32  }
0x145: {  	v5 =	vld.idx.msk [tilespmem:v6+s12+$0x0], $0xffff;
	v6 =	vor.u32 $0x33, v1  }
0x146: {  	v38 =	vld.idx.msk [tilespmem:v34+s11+$0x0], $0xffff;
	v2 =	vadd.f32 v3, v2;
	v3 =	vmul.f32 v7, v33  }
0x147: {  	v39 =	vor.u32 $0x34, v1;
	v7 =	vld.idx.msk [tilespmem:v34+s12+$0x0], $0xffff  }
0x148: {  	v40 =	vld.idx.msk [tilespmem:v36+s11+$0x0], $0xffff;
	v2 =	vadd.f32 v3, v2;
	v3 =	vmul.f32 v4, v35  }
0x149: {  	v41 =	vor.u32 $0x35, v1;
	v4 =	vld.idx.msk [tilespmem:v36+s12+$0x0], $0xffff  }
0x14a: {  	v42 =	vld.idx.msk [tilespmem:v6+s11+$0x0], $0xffff;
	v2 =	vadd.f32 v3, v2;
	v3 =	vmul.f32 v5, v37  }
0x14b: {  	v5 =	vld.idx.msk [tilespmem:v6+s12+$0x0], $0xffff;
	v6 =	vor.u32 $0x36, v1  }
0x14c: {  	v43 =	vld.idx.msk [tilespmem:v39+s11+$0x0], $0xffff;
	v2 =	vadd.f32 v3, v2;
	v3 =	vmul.f32 v7, v38  }
0x14d: {  	v44 =	vor.u32 $0x37, v1;
	v7 =	vld.idx.msk [tilespmem:v39+s12+$0x0], $0xffff  }
0x14e: {  	v45 =	vld.idx.msk [tilespmem:v41+s11+$0x0], $0xffff;
	v2 =	vadd.f32 v3, v2;
	v3 =	vmul.f32 v4, v40  }
0x14f: {  	v46 =	vor.u32 $0x38, v1;
	v4 =	vld.idx.msk [tilespmem:v41+s12+$0x0], $0xffff  }
0x150: {  	v47 =	vld.idx.msk [tilespmem:v6+s11+$0x0], $0xffff;
	v2 =	vadd.f32 v3, v2;
	v3 =	vmul.f32 v5, v42  }
0x151: {  	v5 =	vld.idx.msk [tilespmem:v6+s12+$0x0], $0xffff;
	v6 =	vor.u32 $0x39, v1  }
0x152: {  	v48 =	vld.idx.msk [tilespmem:v44+s11+$0x0], $0xffff;
	v2 =	vadd.f32 v3, v2;
	v3 =	vmul.f32 v7, v43  }
0x153: {  	v49 =	vor.u32 $0x3A, v1;
	v7 =	vld.idx.msk [tilespmem:v44+s12+$0x0], $0xffff  }
0x154: {  	v50 =	vld.idx.msk [tilespmem:v46+s11+$0x0], $0xffff;
	v2 =	vadd.f32 v3, v2;
	v3 =	vmul.f32 v4, v45  }
0x155: {  	v51 =	vor.u32 $0x3B, v1;
	v4 =	vld.idx.msk [tilespmem:v46+s12+$0x0], $0xffff  }
0x156: {  	v52 =	vld.idx.msk [tilespmem:v6+s11+$0x0], $0xffff;
	v2 =	vadd.f32 v3, v2;
	v3 =	vmul.f32 v5, v47  }
0x157: {  	v5 =	vld.idx.msk [tilespmem:v6+s12+$0x0], $0xffff;
	v6 =	vor.u32 $0x3C, v1  }
0x158: {  	v53 =	vld.idx.msk [tilespmem:v49+s11+$0x0], $0xffff;
	v2 =	vadd.f32 v3, v2;
	v3 =	vmul.f32 v7, v48  }
0x159: {  	v54 =	vor.u32 $0x3D, v1;
	v7 =	vld.idx.msk [tilespmem:v49+s12+$0x0], $0xffff  }
0x15a: {  	v55 =	vld.idx.msk [tilespmem:v51+s11+$0x0], $0xffff;
	v2 =	vadd.f32 v3, v2;
	v3 =	vmul.f32 v4, v50  }
0x15b: {  	v56 =	vor.u32 $0x3E, v1;
	v4 =	vld.idx.msk [tilespmem:v51+s12+$0x0], $0xffff  }
0x15c: {  	v57 =	vld.idx.msk [tilespmem:v6+s11+$0x0], $0xffff;
	v2 =	vadd.f32 v3, v2;
	v3 =	vmul.f32 v5, v52  }
0x15d: {  	v1 =	vor.u32 $0x3F, v1;
	v5 =	vld.idx.msk [tilespmem:v6+s12+$0x0], $0xffff  }
0x15e: {  	v6 =	vld.idx.msk [tilespmem:v54+s11+$0x0], $0xffff;
	v2 =	vadd.f32 v3, v2;
	v3 =	vmul.f32 v7, v53  }
0x15f: {  	v7 =	vld.idx.msk [tilespmem:v54+s12+$0x0], $0xffff  }
0x160: {  	v58 =	vld.idx.msk [tilespmem:v56+s11+$0x0], $0xffff;
	v2 =	vadd.f32 v3, v2;
	v3 =	vmul.f32 v4, v55  }
0x161: {  	v4 =	vld.idx.msk [tilespmem:v56+s12+$0x0], $0xffff  }
0x162: {  	v59 =	vld.idx.msk [tilespmem:v1+s11+$0x0], $0xffff;
	v2 =	vadd.f32 v3, v2;
	v3 =	vmul.f32 v5, v57  }
0x163: {  	v5 =	vld.idx.msk [tilespmem:v1+s12+$0x0], $0xffff  }
0x164: {  	v1 =	vadd.f32 v3, v2;
	v2 =	vmul.f32 v7, v6  }
0x165: {  	s30 =	simm.s32 $0x10  }
0x166: {  	v3 =	vmov s30;
	v4 =	vmul.f32 v4, v58;
	v2 =	vadd.f32 v2, v1  }
0x167: {  	v1 =	vshll.u32 v3, $0x7  }
0x168: {  	v1 =	vor.u32 v0, v1;
	v3 =	vmul.f32 v5, v59;
	v2 =	vadd.f32 v4, v2;
	_ =	sdelay $0x1  }
0x169: {  	v4 =	vor.u32 $0x1, v1;
	v2 =	vadd.f32 v3, v2  }
0x16a: {  	s15 =	simm.s32 $0x10400  }
0x16b: {  	v3 =	vor.u32 $0x2, v1;
	[tilespmem:s15+$0x0] =	vst v2  }
0x16c: {  	v2 =	vld.idx.msk [tilespmem:v1+s12+$0x0], $0xffff  }
0x16d: {  	v6 =	vor.u32 $0x3, v1;
	v5 =	vld.idx.msk [tilespmem:v1+s11+$0x0], $0xffff  }
0x16e: {  	v7 =	vld.idx.msk [tilespmem:v4+s11+$0x0], $0xffff  }
0x16f: {  	v60 =	vor.u32 $0x4, v1;
	v4 =	vld.idx.msk [tilespmem:v4+s12+$0x0], $0xffff  }
0x170: {  	v61 =	vld.idx.msk [tilespmem:v3+s11+$0x0], $0xffff  }
0x171: {  	v62 =	vor.u32 $0x5, v1;
	v3 =	vld.idx.msk [tilespmem:v3+s12+$0x0], $0xffff  }
0x172: {  	v63 =	vld.idx.msk [tilespmem:v6+s11+$0x0], $0xffff;
	v2 =	vmul.f32 v2, v5  }
0x173: {  	v5 =	vld.idx.msk [tilespmem:v6+s12+$0x0], $0xffff;
	v6 =	vor.u32 $0x6, v1  }
0x174: {  	v16 =	vld.idx.msk [tilespmem:v60+s11+$0x0], $0xffff;
	v4 =	vmul.f32 v4, v7;
	v2 =	vadd.f32 $0.0e+00, v2  }
0x175: {  	v17 =	vor.u32 $0x7, v1;
	v7 =	vld.idx.msk [tilespmem:v60+s12+$0x0], $0xffff  }
0x176: {  	v18 =	vld.idx.msk [tilespmem:v62+s11+$0x0], $0xffff;
	v3 =	vmul.f32 v3, v61;
	v2 =	vadd.f32 v4, v2  }
0x177: {  	v19 =	vor.u32 $0x8, v1;
	v4 =	vld.idx.msk [tilespmem:v62+s12+$0x0], $0xffff  }
0x178: {  	v20 =	vld.idx.msk [tilespmem:v6+s11+$0x0], $0xffff;
	v2 =	vadd.f32 v3, v2;
	v3 =	vmul.f32 v5, v63  }
0x179: {  	v5 =	vld.idx.msk [tilespmem:v6+s12+$0x0], $0xffff;
	v6 =	vor.u32 $0x9, v1  }
0x17a: {  	v21 =	vld.idx.msk [tilespmem:v17+s11+$0x0], $0xffff;
	v2 =	vadd.f32 v3, v2;
	v3 =	vmul.f32 v7, v16  }
0x17b: {  	v22 =	vor.u32 $0xA, v1;
	v7 =	vld.idx.msk [tilespmem:v17+s12+$0x0], $0xffff  }
0x17c: {  	v23 =	vld.idx.msk [tilespmem:v19+s11+$0x0], $0xffff;
	v2 =	vadd.f32 v3, v2;
	v3 =	vmul.f32 v4, v18  }
0x17d: {  	v24 =	vor.u32 $0xB, v1;
	v4 =	vld.idx.msk [tilespmem:v19+s12+$0x0], $0xffff  }
0x17e: {  	v25 =	vld.idx.msk [tilespmem:v6+s11+$0x0], $0xffff;
	v2 =	vadd.f32 v3, v2;
	v3 =	vmul.f32 v5, v20  }
0x17f: {  	v5 =	vld.idx.msk [tilespmem:v6+s12+$0x0], $0xffff;
	v6 =	vor.u32 $0xC, v1  }
0x180: {  	v26 =	vld.idx.msk [tilespmem:v22+s11+$0x0], $0xffff;
	v2 =	vadd.f32 v3, v2;
	v3 =	vmul.f32 v7, v21  }
0x181: {  	v27 =	vor.u32 $0xD, v1;
	v7 =	vld.idx.msk [tilespmem:v22+s12+$0x0], $0xffff  }
0x182: {  	v28 =	vld.idx.msk [tilespmem:v24+s11+$0x0], $0xffff;
	v2 =	vadd.f32 v3, v2;
	v3 =	vmul.f32 v4, v23  }
0x183: {  	v29 =	vor.u32 $0xE, v1;
	v4 =	vld.idx.msk [tilespmem:v24+s12+$0x0], $0xffff  }
0x184: {  	v30 =	vld.idx.msk [tilespmem:v6+s11+$0x0], $0xffff;
	v2 =	vadd.f32 v3, v2;
	v3 =	vmul.f32 v5, v25  }
0x185: {  	v5 =	vld.idx.msk [tilespmem:v6+s12+$0x0], $0xffff;
	v6 =	vor.u32 $0xF, v1  }
0x186: {  	v31 =	vld.idx.msk [tilespmem:v27+s11+$0x0], $0xffff;
	v2 =	vadd.f32 v3, v2;
	v3 =	vmul.f32 v7, v26  }
0x187: {  	v32 =	vor.u32 $0x10, v1;
	v7 =	vld.idx.msk [tilespmem:v27+s12+$0x0], $0xffff  }
0x188: {  	v33 =	vld.idx.msk [tilespmem:v29+s11+$0x0], $0xffff;
	v2 =	vadd.f32 v3, v2;
	v3 =	vmul.f32 v4, v28  }
0x189: {  	v34 =	vor.u32 $0x11, v1;
	v4 =	vld.idx.msk [tilespmem:v29+s12+$0x0], $0xffff  }
0x18a: {  	v35 =	vld.idx.msk [tilespmem:v6+s11+$0x0], $0xffff;
	v2 =	vadd.f32 v3, v2;
	v3 =	vmul.f32 v5, v30  }
0x18b: {  	v5 =	vld.idx.msk [tilespmem:v6+s12+$0x0], $0xffff;
	v6 =	vor.u32 $0x12, v1  }
0x18c: {  	v36 =	vld.idx.msk [tilespmem:v32+s11+$0x0], $0xffff;
	v2 =	vadd.f32 v3, v2;
	v3 =	vmul.f32 v7, v31  }
0x18d: {  	v37 =	vor.u32 $0x13, v1;
	v7 =	vld.idx.msk [tilespmem:v32+s12+$0x0], $0xffff  }
0x18e: {  	v38 =	vld.idx.msk [tilespmem:v34+s11+$0x0], $0xffff;
	v2 =	vadd.f32 v3, v2;
	v3 =	vmul.f32 v4, v33  }
0x18f: {  	v39 =	vor.u32 $0x14, v1;
	v4 =	vld.idx.msk [tilespmem:v34+s12+$0x0], $0xffff  }
0x190: {  	v40 =	vld.idx.msk [tilespmem:v6+s11+$0x0], $0xffff;
	v2 =	vadd.f32 v3, v2;
	v3 =	vmul.f32 v5, v35  }
0x191: {  	v5 =	vld.idx.msk [tilespmem:v6+s12+$0x0], $0xffff;
	v6 =	vor.u32 $0x15, v1  }
0x192: {  	v41 =	vld.idx.msk [tilespmem:v37+s11+$0x0], $0xffff;
	v2 =	vadd.f32 v3, v2;
	v3 =	vmul.f32 v7, v36  }
0x193: {  	v42 =	vor.u32 $0x16, v1;
	v7 =	vld.idx.msk [tilespmem:v37+s12+$0x0], $0xffff  }
0x194: {  	v43 =	vld.idx.msk [tilespmem:v39+s11+$0x0], $0xffff;
	v2 =	vadd.f32 v3, v2;
	v3 =	vmul.f32 v4, v38  }
0x195: {  	v44 =	vor.u32 $0x17, v1;
	v4 =	vld.idx.msk [tilespmem:v39+s12+$0x0], $0xffff  }
0x196: {  	v45 =	vld.idx.msk [tilespmem:v6+s11+$0x0], $0xffff;
	v2 =	vadd.f32 v3, v2;
	v3 =	vmul.f32 v5, v40  }
0x197: {  	v5 =	vld.idx.msk [tilespmem:v6+s12+$0x0], $0xffff;
	v6 =	vor.u32 $0x18, v1  }
0x198: {  	v46 =	vld.idx.msk [tilespmem:v42+s11+$0x0], $0xffff;
	v2 =	vadd.f32 v3, v2;
	v3 =	vmul.f32 v7, v41  }
0x199: {  	v47 =	vor.u32 $0x19, v1;
	v7 =	vld.idx.msk [tilespmem:v42+s12+$0x0], $0xffff  }
0x19a: {  	v48 =	vld.idx.msk [tilespmem:v44+s11+$0x0], $0xffff;
	v2 =	vadd.f32 v3, v2;
	v3 =	vmul.f32 v4, v43  }
0x19b: {  	v49 =	vor.u32 $0x1A, v1;
	v4 =	vld.idx.msk [tilespmem:v44+s12+$0x0], $0xffff  }
0x19c: {  	v50 =	vld.idx.msk [tilespmem:v6+s11+$0x0], $0xffff;
	v2 =	vadd.f32 v3, v2;
	v3 =	vmul.f32 v5, v45  }
0x19d: {  	v5 =	vld.idx.msk [tilespmem:v6+s12+$0x0], $0xffff;
	v6 =	vor.u32 $0x1B, v1  }
0x19e: {  	v51 =	vld.idx.msk [tilespmem:v47+s11+$0x0], $0xffff;
	v2 =	vadd.f32 v3, v2;
	v3 =	vmul.f32 v7, v46  }
0x19f: {  	v52 =	vor.u32 $0x1C, v1;
	v7 =	vld.idx.msk [tilespmem:v47+s12+$0x0], $0xffff  }
0x1a0: {  	v53 =	vld.idx.msk [tilespmem:v49+s11+$0x0], $0xffff;
	v2 =	vadd.f32 v3, v2;
	v3 =	vmul.f32 v4, v48  }
0x1a1: {  	v54 =	vor.u32 $0x1D, v1;
	v4 =	vld.idx.msk [tilespmem:v49+s12+$0x0], $0xffff  }
0x1a2: {  	v55 =	vld.idx.msk [tilespmem:v6+s11+$0x0], $0xffff;
	v2 =	vadd.f32 v3, v2;
	v3 =	vmul.f32 v5, v50  }
0x1a3: {  	v5 =	vld.idx.msk [tilespmem:v6+s12+$0x0], $0xffff;
	v6 =	vor.u32 $0x1E, v1  }
0x1a4: {  	v56 =	vld.idx.msk [tilespmem:v52+s11+$0x0], $0xffff;
	v2 =	vadd.f32 v3, v2;
	v3 =	vmul.f32 v7, v51  }
0x1a5: {  	v57 =	vor.u32 $0x1F, v1;
	v7 =	vld.idx.msk [tilespmem:v52+s12+$0x0], $0xffff  }
0x1a6: {  	v58 =	vld.idx.msk [tilespmem:v54+s11+$0x0], $0xffff;
	v2 =	vadd.f32 v3, v2;
	v3 =	vmul.f32 v4, v53  }
0x1a7: {  	v59 =	vor.u32 $0x20, v1;
	v4 =	vld.idx.msk [tilespmem:v54+s12+$0x0], $0xffff  }
0x1a8: {  	v60 =	vld.idx.msk [tilespmem:v6+s11+$0x0], $0xffff;
	v2 =	vadd.f32 v3, v2;
	v3 =	vmul.f32 v5, v55  }
0x1a9: {  	v5 =	vld.idx.msk [tilespmem:v6+s12+$0x0], $0xffff;
	v6 =	vor.u32 $0x21, v1  }
0x1aa: {  	v61 =	vld.idx.msk [tilespmem:v57+s11+$0x0], $0xffff;
	v2 =	vadd.f32 v3, v2;
	v3 =	vmul.f32 v7, v56  }
0x1ab: {  	v62 =	vor.u32 $0x22, v1;
	v7 =	vld.idx.msk [tilespmem:v57+s12+$0x0], $0xffff  }
0x1ac: {  	v63 =	vld.idx.msk [tilespmem:v59+s11+$0x0], $0xffff;
	v2 =	vadd.f32 v3, v2;
	v3 =	vmul.f32 v4, v58  }
0x1ad: {  	v16 =	vor.u32 $0x23, v1;
	v4 =	vld.idx.msk [tilespmem:v59+s12+$0x0], $0xffff  }
0x1ae: {  	v17 =	vld.idx.msk [tilespmem:v6+s11+$0x0], $0xffff;
	v2 =	vadd.f32 v3, v2;
	v3 =	vmul.f32 v5, v60  }
0x1af: {  	v5 =	vld.idx.msk [tilespmem:v6+s12+$0x0], $0xffff;
	v6 =	vor.u32 $0x24, v1  }
0x1b0: {  	v18 =	vld.idx.msk [tilespmem:v62+s11+$0x0], $0xffff;
	v2 =	vadd.f32 v3, v2;
	v3 =	vmul.f32 v7, v61  }
0x1b1: {  	v19 =	vor.u32 $0x25, v1;
	v7 =	vld.idx.msk [tilespmem:v62+s12+$0x0], $0xffff  }
0x1b2: {  	v20 =	vld.idx.msk [tilespmem:v16+s11+$0x0], $0xffff;
	v2 =	vadd.f32 v3, v2;
	v3 =	vmul.f32 v4, v63  }
0x1b3: {  	v21 =	vor.u32 $0x26, v1;
	v4 =	vld.idx.msk [tilespmem:v16+s12+$0x0], $0xffff  }
0x1b4: {  	v22 =	vld.idx.msk [tilespmem:v6+s11+$0x0], $0xffff;
	v2 =	vadd.f32 v3, v2;
	v3 =	vmul.f32 v5, v17  }
0x1b5: {  	v5 =	vld.idx.msk [tilespmem:v6+s12+$0x0], $0xffff;
	v6 =	vor.u32 $0x27, v1  }
0x1b6: {  	v23 =	vld.idx.msk [tilespmem:v19+s11+$0x0], $0xffff;
	v2 =	vadd.f32 v3, v2;
	v3 =	vmul.f32 v7, v18  }
0x1b7: {  	v24 =	vor.u32 $0x28, v1;
	v7 =	vld.idx.msk [tilespmem:v19+s12+$0x0], $0xffff  }
0x1b8: {  	v25 =	vld.idx.msk [tilespmem:v21+s11+$0x0], $0xffff;
	v2 =	vadd.f32 v3, v2;
	v3 =	vmul.f32 v4, v20  }
0x1b9: {  	v26 =	vor.u32 $0x29, v1;
	v4 =	vld.idx.msk [tilespmem:v21+s12+$0x0], $0xffff  }
0x1ba: {  	v27 =	vld.idx.msk [tilespmem:v6+s11+$0x0], $0xffff;
	v2 =	vadd.f32 v3, v2;
	v3 =	vmul.f32 v5, v22  }
0x1bb: {  	v5 =	vld.idx.msk [tilespmem:v6+s12+$0x0], $0xffff;
	v6 =	vor.u32 $0x2A, v1  }
0x1bc: {  	v28 =	vld.idx.msk [tilespmem:v24+s11+$0x0], $0xffff;
	v2 =	vadd.f32 v3, v2;
	v3 =	vmul.f32 v7, v23  }
0x1bd: {  	v29 =	vor.u32 $0x2B, v1;
	v7 =	vld.idx.msk [tilespmem:v24+s12+$0x0], $0xffff  }
0x1be: {  	v30 =	vld.idx.msk [tilespmem:v26+s11+$0x0], $0xffff;
	v2 =	vadd.f32 v3, v2;
	v3 =	vmul.f32 v4, v25  }
0x1bf: {  	v31 =	vor.u32 $0x2C, v1;
	v4 =	vld.idx.msk [tilespmem:v26+s12+$0x0], $0xffff  }
0x1c0: {  	v32 =	vld.idx.msk [tilespmem:v6+s11+$0x0], $0xffff;
	v2 =	vadd.f32 v3, v2;
	v3 =	vmul.f32 v5, v27  }
0x1c1: {  	v5 =	vld.idx.msk [tilespmem:v6+s12+$0x0], $0xffff;
	v6 =	vor.u32 $0x2D, v1  }
0x1c2: {  	v33 =	vld.idx.msk [tilespmem:v29+s11+$0x0], $0xffff;
	v2 =	vadd.f32 v3, v2;
	v3 =	vmul.f32 v7, v28  }
0x1c3: {  	v34 =	vor.u32 $0x2E, v1;
	v7 =	vld.idx.msk [tilespmem:v29+s12+$0x0], $0xffff  }
0x1c4: {  	v35 =	vld.idx.msk [tilespmem:v31+s11+$0x0], $0xffff;
	v2 =	vadd.f32 v3, v2;
	v3 =	vmul.f32 v4, v30  }
0x1c5: {  	v36 =	vor.u32 $0x2F, v1;
	v4 =	vld.idx.msk [tilespmem:v31+s12+$0x0], $0xffff  }
0x1c6: {  	v37 =	vld.idx.msk [tilespmem:v6+s11+$0x0], $0xffff;
	v2 =	vadd.f32 v3, v2;
	v3 =	vmul.f32 v5, v32  }
0x1c7: {  	v5 =	vld.idx.msk [tilespmem:v6+s12+$0x0], $0xffff;
	v6 =	vor.u32 $0x30, v1  }
0x1c8: {  	v38 =	vld.idx.msk [tilespmem:v34+s11+$0x0], $0xffff;
	v2 =	vadd.f32 v3, v2;
	v3 =	vmul.f32 v7, v33  }
0x1c9: {  	v39 =	vor.u32 $0x31, v1;
	v7 =	vld.idx.msk [tilespmem:v34+s12+$0x0], $0xffff  }
0x1ca: {  	v40 =	vld.idx.msk [tilespmem:v36+s11+$0x0], $0xffff;
	v2 =	vadd.f32 v3, v2;
	v3 =	vmul.f32 v4, v35  }
0x1cb: {  	v41 =	vor.u32 $0x32, v1;
	v4 =	vld.idx.msk [tilespmem:v36+s12+$0x0], $0xffff  }
0x1cc: {  	v42 =	vld.idx.msk [tilespmem:v6+s11+$0x0], $0xffff;
	v2 =	vadd.f32 v3, v2;
	v3 =	vmul.f32 v5, v37  }
0x1cd: {  	v5 =	vld.idx.msk [tilespmem:v6+s12+$0x0], $0xffff;
	v6 =	vor.u32 $0x33, v1  }
0x1ce: {  	v43 =	vld.idx.msk [tilespmem:v39+s11+$0x0], $0xffff;
	v2 =	vadd.f32 v3, v2;
	v3 =	vmul.f32 v7, v38  }
0x1cf: {  	v44 =	vor.u32 $0x34, v1;
	v7 =	vld.idx.msk [tilespmem:v39+s12+$0x0], $0xffff  }
0x1d0: {  	v45 =	vld.idx.msk [tilespmem:v41+s11+$0x0], $0xffff;
	v2 =	vadd.f32 v3, v2;
	v3 =	vmul.f32 v4, v40  }
0x1d1: {  	v46 =	vor.u32 $0x35, v1;
	v4 =	vld.idx.msk [tilespmem:v41+s12+$0x0], $0xffff  }
0x1d2: {  	v47 =	vld.idx.msk [tilespmem:v6+s11+$0x0], $0xffff;
	v2 =	vadd.f32 v3, v2;
	v3 =	vmul.f32 v5, v42  }
0x1d3: {  	v5 =	vld.idx.msk [tilespmem:v6+s12+$0x0], $0xffff;
	v6 =	vor.u32 $0x36, v1  }
0x1d4: {  	v48 =	vld.idx.msk [tilespmem:v44+s11+$0x0], $0xffff;
	v2 =	vadd.f32 v3, v2;
	v3 =	vmul.f32 v7, v43  }
0x1d5: {  	v49 =	vor.u32 $0x37, v1;
	v7 =	vld.idx.msk [tilespmem:v44+s12+$0x0], $0xffff  }
0x1d6: {  	v50 =	vld.idx.msk [tilespmem:v46+s11+$0x0], $0xffff;
	v2 =	vadd.f32 v3, v2;
	v3 =	vmul.f32 v4, v45  }
0x1d7: {  	v51 =	vor.u32 $0x38, v1;
	v4 =	vld.idx.msk [tilespmem:v46+s12+$0x0], $0xffff  }
0x1d8: {  	v52 =	vld.idx.msk [tilespmem:v6+s11+$0x0], $0xffff;
	v2 =	vadd.f32 v3, v2;
	v3 =	vmul.f32 v5, v47  }
0x1d9: {  	v5 =	vld.idx.msk [tilespmem:v6+s12+$0x0], $0xffff;
	v6 =	vor.u32 $0x39, v1  }
0x1da: {  	v53 =	vld.idx.msk [tilespmem:v49+s11+$0x0], $0xffff;
	v2 =	vadd.f32 v3, v2;
	v3 =	vmul.f32 v7, v48  }
0x1db: {  	v54 =	vor.u32 $0x3A, v1;
	v7 =	vld.idx.msk [tilespmem:v49+s12+$0x0], $0xffff  }
0x1dc: {  	v55 =	vld.idx.msk [tilespmem:v51+s11+$0x0], $0xffff;
	v2 =	vadd.f32 v3, v2;
	v3 =	vmul.f32 v4, v50  }
0x1dd: {  	v56 =	vor.u32 $0x3B, v1;
	v4 =	vld.idx.msk [tilespmem:v51+s12+$0x0], $0xffff  }
0x1de: {  	v57 =	vld.idx.msk [tilespmem:v6+s11+$0x0], $0xffff;
	v2 =	vadd.f32 v3, v2;
	v3 =	vmul.f32 v5, v52  }
0x1df: {  	v5 =	vld.idx.msk [tilespmem:v6+s12+$0x0], $0xffff;
	v6 =	vor.u32 $0x3C, v1  }
0x1e0: {  	v58 =	vld.idx.msk [tilespmem:v54+s11+$0x0], $0xffff;
	v2 =	vadd.f32 v3, v2;
	v3 =	vmul.f32 v7, v53  }
0x1e1: {  	v7 =	vld.idx.msk [tilespmem:v54+s12+$0x0], $0xffff  }
0x1e2: {  	v60 =	vld.idx.msk [tilespmem:v56+s11+$0x0], $0xffff;
	v2 =	vadd.f32 v3, v2;
	v3 =	vmul.f32 v4, v55  }
0x1e3: {  	v59 =	vor.u32 $0x3D, v1;
	v4 =	vld.idx.msk [tilespmem:v56+s12+$0x0], $0xffff  }
0x1e4: {  	v62 =	vld.idx.msk [tilespmem:v6+s11+$0x0], $0xffff;
	v2 =	vadd.f32 v3, v2;
	v3 =	vmul.f32 v5, v57  }
0x1e5: {  	v61 =	vor.u32 $0x3E, v1;
	v5 =	vld.idx.msk [tilespmem:v6+s12+$0x0], $0xffff  }
0x1e6: {  	v2 =	vadd.f32 v3, v2;
	v3 =	vmul.f32 v7, v58  }
0x1e7: {  	v1 =	vor.u32 $0x3F, v1  }
0x1e8: {  	v6 =	vld.idx.msk [tilespmem:v59+s11+$0x0], $0xffff;
	v2 =	vadd.f32 v3, v2;
	v3 =	vmul.f32 v4, v60  }
0x1e9: {  	v7 =	vld.idx.msk [tilespmem:v59+s12+$0x0], $0xffff  }
0x1ea: {  	v63 =	vld.idx.msk [tilespmem:v61+s11+$0x0], $0xffff;
	v2 =	vadd.f32 v3, v2;
	v3 =	vmul.f32 v5, v62  }
0x1eb: {  	v9 =	vld.idx.msk [tilespmem:v61+s12+$0x0], $0xffff  }
0x1ec: {  	v4 =	vadd.f32 v3, v2;
	v2 =	vld.idx.msk [tilespmem:v1+s11+$0x0], $0xffff  }
0x1ed: {  	v3 =	vld.idx.msk [tilespmem:v1+s12+$0x0], $0xffff  }
0x1ee: {  	v5 =	vmul.f32 v7, v6  }
0x1ef: {  	s31 =	simm.s32 $0x20  }
0x1f0: {  	v6 =	vmov s31;
	v4 =	vadd.f32 v5, v4;
	v5 =	vmul.f32 v9, v63  }
0x1f1: {  	s16 =	simm.s32 $0x30;
	v1 =	vshll.u32 v6, $0x7  }
.LBB2_6:
0x1f2: {  	p0 =	sne.s32 s16, $0xF0;
	v1 =	vor.u32 v0, v1;
	v4 =	vadd.f32 v5, v4;
	v2 =	vmul.f32 v3, v2;
	_ =	sdelay $0x1  }
0x1f3: {  	v3 =	vor.u32 $0x1, v1;
	v2 =	vadd.f32 v2, v4  }
0x1f4: {  	s15 =	sadd.s32 $0x10, s15  }
0x1f5: {  	v4 =	vor.u32 $0x2, v1;
	[tilespmem:s15+$0x0] =	vst v2  }
0x1f6: {  	v2 =	vld.idx.msk [tilespmem:v1+s12+$0x0], $0xffff  }
0x1f7: {  	v6 =	vor.u32 $0x3, v1;
	v5 =	vld.idx.msk [tilespmem:v1+s11+$0x0], $0xffff  }
0x1f8: {  	v7 =	vld.idx.msk [tilespmem:v3+s11+$0x0], $0xffff  }
0x1f9: {  	v8 =	vor.u32 $0x4, v1;
	v3 =	vld.idx.msk [tilespmem:v3+s12+$0x0], $0xffff  }
0x1fa: {  	v9 =	vld.idx.msk [tilespmem:v4+s11+$0x0], $0xffff  }
0x1fb: {  	v10 =	vor.u32 $0x5, v1;
	v4 =	vld.idx.msk [tilespmem:v4+s12+$0x0], $0xffff  }
0x1fc: {  	v11 =	vld.idx.msk [tilespmem:v6+s11+$0x0], $0xffff  }
0x1fd: {  	v2 =	vmul.f32 v2, v5;
	v5 =	vld.idx.msk [tilespmem:v6+s12+$0x0], $0xffff;
	v6 =	vor.u32 $0x6, v1  }
0x1fe: {  	v12 =	vld.idx.msk [tilespmem:v8+s11+$0x0], $0xffff  }
0x1ff: {  	v2 =	vadd.f32 $0.0e+00, v2;
	v3 =	vmul.f32 v3, v7;
	v7 =	vld.idx.msk [tilespmem:v8+s12+$0x0], $0xffff;
	v8 =	vor.u32 $0x7, v1  }
0x200: {  	v13 =	vld.idx.msk [tilespmem:v10+s11+$0x0], $0xffff  }
0x201: {  	v2 =	vadd.f32 v3, v2;
	v3 =	vmul.f32 v4, v9;
	v9 =	vor.u32 $0x8, v1;
	v4 =	vld.idx.msk [tilespmem:v10+s12+$0x0], $0xffff  }
0x202: {  	v10 =	vld.idx.msk [tilespmem:v6+s11+$0x0], $0xffff  }
0x203: {  	v2 =	vadd.f32 v3, v2;
	v3 =	vmul.f32 v5, v11;
	v5 =	vld.idx.msk [tilespmem:v6+s12+$0x0], $0xffff;
	v6 =	vor.u32 $0x9, v1  }
0x204: {  	v11 =	vld.idx.msk [tilespmem:v8+s11+$0x0], $0xffff  }
0x205: {  	v2 =	vadd.f32 v3, v2;
	v3 =	vmul.f32 v7, v12;
	v7 =	vld.idx.msk [tilespmem:v8+s12+$0x0], $0xffff;
	v8 =	vor.u32 $0xA, v1  }
0x206: {  	v12 =	vld.idx.msk [tilespmem:v9+s11+$0x0], $0xffff  }
0x207: {  	v2 =	vadd.f32 v3, v2;
	v3 =	vmul.f32 v4, v13;
	v4 =	vld.idx.msk [tilespmem:v9+s12+$0x0], $0xffff;
	v9 =	vor.u32 $0xB, v1  }
0x208: {  	v13 =	vld.idx.msk [tilespmem:v6+s11+$0x0], $0xffff  }
0x209: {  	v2 =	vadd.f32 v3, v2;
	v3 =	vmul.f32 v5, v10;
	v5 =	vld.idx.msk [tilespmem:v6+s12+$0x0], $0xffff;
	v6 =	vor.u32 $0xC, v1  }
0x20a: {  	v10 =	vld.idx.msk [tilespmem:v8+s11+$0x0], $0xffff  }
0x20b: {  	v2 =	vadd.f32 v3, v2;
	v3 =	vmul.f32 v7, v11;
	v7 =	vld.idx.msk [tilespmem:v8+s12+$0x0], $0xffff;
	v8 =	vor.u32 $0xD, v1  }
0x20c: {  	v11 =	vld.idx.msk [tilespmem:v9+s11+$0x0], $0xffff  }
0x20d: {  	v2 =	vadd.f32 v3, v2;
	v3 =	vmul.f32 v4, v12;
	v4 =	vld.idx.msk [tilespmem:v9+s12+$0x0], $0xffff;
	v9 =	vor.u32 $0xE, v1  }
0x20e: {  	v12 =	vld.idx.msk [tilespmem:v6+s11+$0x0], $0xffff  }
0x20f: {  	v2 =	vadd.f32 v3, v2;
	v3 =	vmul.f32 v5, v13;
	v5 =	vld.idx.msk [tilespmem:v6+s12+$0x0], $0xffff;
	v6 =	vor.u32 $0xF, v1  }
0x210: {  	v13 =	vld.idx.msk [tilespmem:v8+s11+$0x0], $0xffff  }
0x211: {  	v2 =	vadd.f32 v3, v2;
	v3 =	vmul.f32 v7, v10;
	v7 =	vld.idx.msk [tilespmem:v8+s12+$0x0], $0xffff;
	v8 =	vor.u32 $0x10, v1  }
0x212: {  	v10 =	vld.idx.msk [tilespmem:v9+s11+$0x0], $0xffff  }
0x213: {  	v2 =	vadd.f32 v3, v2;
	v3 =	vmul.f32 v4, v11;
	v4 =	vld.idx.msk [tilespmem:v9+s12+$0x0], $0xffff;
	v9 =	vor.u32 $0x11, v1  }
0x214: {  	v11 =	vld.idx.msk [tilespmem:v6+s11+$0x0], $0xffff  }
0x215: {  	v2 =	vadd.f32 v3, v2;
	v3 =	vmul.f32 v5, v12;
	v5 =	vld.idx.msk [tilespmem:v6+s12+$0x0], $0xffff;
	v6 =	vor.u32 $0x12, v1  }
0x216: {  	v12 =	vld.idx.msk [tilespmem:v8+s11+$0x0], $0xffff  }
0x217: {  	v2 =	vadd.f32 v3, v2;
	v3 =	vmul.f32 v7, v13;
	v7 =	vld.idx.msk [tilespmem:v8+s12+$0x0], $0xffff;
	v8 =	vor.u32 $0x13, v1  }
0x218: {  	v13 =	vld.idx.msk [tilespmem:v9+s11+$0x0], $0xffff  }
0x219: {  	v2 =	vadd.f32 v3, v2;
	v3 =	vmul.f32 v4, v10;
	v4 =	vld.idx.msk [tilespmem:v9+s12+$0x0], $0xffff;
	v9 =	vor.u32 $0x14, v1  }
0x21a: {  	v10 =	vld.idx.msk [tilespmem:v6+s11+$0x0], $0xffff  }
0x21b: {  	v2 =	vadd.f32 v3, v2;
	v3 =	vmul.f32 v5, v11;
	v5 =	vld.idx.msk [tilespmem:v6+s12+$0x0], $0xffff;
	v6 =	vor.u32 $0x15, v1  }
0x21c: {  	v11 =	vld.idx.msk [tilespmem:v8+s11+$0x0], $0xffff  }
0x21d: {  	v2 =	vadd.f32 v3, v2;
	v3 =	vmul.f32 v7, v12;
	v7 =	vld.idx.msk [tilespmem:v8+s12+$0x0], $0xffff;
	v8 =	vor.u32 $0x16, v1  }
0x21e: {  	v12 =	vld.idx.msk [tilespmem:v9+s11+$0x0], $0xffff  }
0x21f: {  	v2 =	vadd.f32 v3, v2;
	v3 =	vmul.f32 v4, v13;
	v4 =	vld.idx.msk [tilespmem:v9+s12+$0x0], $0xffff;
	v9 =	vor.u32 $0x17, v1  }
0x220: {  	v13 =	vld.idx.msk [tilespmem:v6+s11+$0x0], $0xffff  }
0x221: {  	v2 =	vadd.f32 v3, v2;
	v3 =	vmul.f32 v5, v10;
	v5 =	vld.idx.msk [tilespmem:v6+s12+$0x0], $0xffff;
	v6 =	vor.u32 $0x18, v1  }
0x222: {  	v10 =	vld.idx.msk [tilespmem:v8+s11+$0x0], $0xffff  }
0x223: {  	v2 =	vadd.f32 v3, v2;
	v3 =	vmul.f32 v7, v11;
	v7 =	vld.idx.msk [tilespmem:v8+s12+$0x0], $0xffff;
	v8 =	vor.u32 $0x19, v1  }
0x224: {  	v11 =	vld.idx.msk [tilespmem:v9+s11+$0x0], $0xffff  }
0x225: {  	v2 =	vadd.f32 v3, v2;
	v3 =	vmul.f32 v4, v12;
	v4 =	vld.idx.msk [tilespmem:v9+s12+$0x0], $0xffff;
	v9 =	vor.u32 $0x1A, v1  }
0x226: {  	v12 =	vld.idx.msk [tilespmem:v6+s11+$0x0], $0xffff  }
0x227: {  	v2 =	vadd.f32 v3, v2;
	v3 =	vmul.f32 v5, v13;
	v5 =	vld.idx.msk [tilespmem:v6+s12+$0x0], $0xffff;
	v6 =	vor.u32 $0x1B, v1  }
0x228: {  	v13 =	vld.idx.msk [tilespmem:v8+s11+$0x0], $0xffff  }
0x229: {  	v2 =	vadd.f32 v3, v2;
	v3 =	vmul.f32 v7, v10;
	v7 =	vld.idx.msk [tilespmem:v8+s12+$0x0], $0xffff;
	v8 =	vor.u32 $0x1C, v1  }
0x22a: {  	v10 =	vld.idx.msk [tilespmem:v9+s11+$0x0], $0xffff  }
0x22b: {  	v2 =	vadd.f32 v3, v2;
	v3 =	vmul.f32 v4, v11;
	v4 =	vld.idx.msk [tilespmem:v9+s12+$0x0], $0xffff;
	v9 =	vor.u32 $0x1D, v1  }
0x22c: {  	v11 =	vld.idx.msk [tilespmem:v6+s11+$0x0], $0xffff  }
0x22d: {  	v2 =	vadd.f32 v3, v2;
	v3 =	vmul.f32 v5, v12;
	v5 =	vld.idx.msk [tilespmem:v6+s12+$0x0], $0xffff;
	v6 =	vor.u32 $0x1E, v1  }
0x22e: {  	v12 =	vld.idx.msk [tilespmem:v8+s11+$0x0], $0xffff  }
0x22f: {  	v2 =	vadd.f32 v3, v2;
	v3 =	vmul.f32 v7, v13;
	v7 =	vld.idx.msk [tilespmem:v8+s12+$0x0], $0xffff;
	v8 =	vor.u32 $0x1F, v1  }
0x230: {  	v13 =	vld.idx.msk [tilespmem:v9+s11+$0x0], $0xffff  }
0x231: {  	v2 =	vadd.f32 v3, v2;
	v3 =	vmul.f32 v4, v10;
	v4 =	vld.idx.msk [tilespmem:v9+s12+$0x0], $0xffff;
	v9 =	vor.u32 $0x20, v1  }
0x232: {  	v10 =	vld.idx.msk [tilespmem:v6+s11+$0x0], $0xffff  }
0x233: {  	v2 =	vadd.f32 v3, v2;
	v3 =	vmul.f32 v5, v11;
	v5 =	vld.idx.msk [tilespmem:v6+s12+$0x0], $0xffff;
	v6 =	vor.u32 $0x21, v1  }
0x234: {  	v11 =	vld.idx.msk [tilespmem:v8+s11+$0x0], $0xffff  }
0x235: {  	v2 =	vadd.f32 v3, v2;
	v3 =	vmul.f32 v7, v12;
	v7 =	vld.idx.msk [tilespmem:v8+s12+$0x0], $0xffff;
	v8 =	vor.u32 $0x22, v1  }
0x236: {  	v12 =	vld.idx.msk [tilespmem:v9+s11+$0x0], $0xffff  }
0x237: {  	v2 =	vadd.f32 v3, v2;
	v3 =	vmul.f32 v4, v13;
	v4 =	vld.idx.msk [tilespmem:v9+s12+$0x0], $0xffff;
	v9 =	vor.u32 $0x23, v1  }
0x238: {  	v13 =	vld.idx.msk [tilespmem:v6+s11+$0x0], $0xffff  }
0x239: {  	v2 =	vadd.f32 v3, v2;
	v3 =	vmul.f32 v5, v10;
	v5 =	vld.idx.msk [tilespmem:v6+s12+$0x0], $0xffff;
	v6 =	vor.u32 $0x24, v1  }
0x23a: {  	v10 =	vld.idx.msk [tilespmem:v8+s11+$0x0], $0xffff  }
0x23b: {  	v2 =	vadd.f32 v3, v2;
	v3 =	vmul.f32 v7, v11;
	v7 =	vld.idx.msk [tilespmem:v8+s12+$0x0], $0xffff;
	v8 =	vor.u32 $0x25, v1  }
0x23c: {  	v11 =	vld.idx.msk [tilespmem:v9+s11+$0x0], $0xffff  }
0x23d: {  	v2 =	vadd.f32 v3, v2;
	v3 =	vmul.f32 v4, v12;
	v4 =	vld.idx.msk [tilespmem:v9+s12+$0x0], $0xffff;
	v9 =	vor.u32 $0x26, v1  }
0x23e: {  	v12 =	vld.idx.msk [tilespmem:v6+s11+$0x0], $0xffff  }
0x23f: {  	v2 =	vadd.f32 v3, v2;
	v3 =	vmul.f32 v5, v13;
	v5 =	vld.idx.msk [tilespmem:v6+s12+$0x0], $0xffff;
	v6 =	vor.u32 $0x27, v1  }
0x240: {  	v13 =	vld.idx.msk [tilespmem:v8+s11+$0x0], $0xffff  }
0x241: {  	v2 =	vadd.f32 v3, v2;
	v3 =	vmul.f32 v7, v10;
	v7 =	vld.idx.msk [tilespmem:v8+s12+$0x0], $0xffff;
	v8 =	vor.u32 $0x28, v1  }
0x242: {  	v10 =	vld.idx.msk [tilespmem:v9+s11+$0x0], $0xffff  }
0x243: {  	v2 =	vadd.f32 v3, v2;
	v3 =	vmul.f32 v4, v11;
	v4 =	vld.idx.msk [tilespmem:v9+s12+$0x0], $0xffff;
	v9 =	vor.u32 $0x29, v1  }
0x244: {  	v11 =	vld.idx.msk [tilespmem:v6+s11+$0x0], $0xffff  }
0x245: {  	v2 =	vadd.f32 v3, v2;
	v3 =	vmul.f32 v5, v12;
	v5 =	vld.idx.msk [tilespmem:v6+s12+$0x0], $0xffff;
	v6 =	vor.u32 $0x2A, v1  }
0x246: {  	v12 =	vld.idx.msk [tilespmem:v8+s11+$0x0], $0xffff  }
0x247: {  	v2 =	vadd.f32 v3, v2;
	v3 =	vmul.f32 v7, v13;
	v7 =	vld.idx.msk [tilespmem:v8+s12+$0x0], $0xffff;
	v8 =	vor.u32 $0x2B, v1  }
0x248: {  	v13 =	vld.idx.msk [tilespmem:v9+s11+$0x0], $0xffff  }
0x249: {  	v2 =	vadd.f32 v3, v2;
	v3 =	vmul.f32 v4, v10;
	v4 =	vld.idx.msk [tilespmem:v9+s12+$0x0], $0xffff;
	v9 =	vor.u32 $0x2C, v1  }
0x24a: {  	v10 =	vld.idx.msk [tilespmem:v6+s11+$0x0], $0xffff  }
0x24b: {  	v2 =	vadd.f32 v3, v2;
	v3 =	vmul.f32 v5, v11;
	v5 =	vld.idx.msk [tilespmem:v6+s12+$0x0], $0xffff;
	v6 =	vor.u32 $0x2D, v1  }
0x24c: {  	v11 =	vld.idx.msk [tilespmem:v8+s11+$0x0], $0xffff  }
0x24d: {  	v2 =	vadd.f32 v3, v2;
	v3 =	vmul.f32 v7, v12;
	v7 =	vld.idx.msk [tilespmem:v8+s12+$0x0], $0xffff;
	v8 =	vor.u32 $0x2E, v1  }
0x24e: {  	v12 =	vld.idx.msk [tilespmem:v9+s11+$0x0], $0xffff  }
0x24f: {  	v2 =	vadd.f32 v3, v2;
	v3 =	vmul.f32 v4, v13;
	v4 =	vld.idx.msk [tilespmem:v9+s12+$0x0], $0xffff;
	v9 =	vor.u32 $0x2F, v1  }
0x250: {  	v13 =	vld.idx.msk [tilespmem:v6+s11+$0x0], $0xffff  }
0x251: {  	v2 =	vadd.f32 v3, v2;
	v3 =	vmul.f32 v5, v10;
	v5 =	vld.idx.msk [tilespmem:v6+s12+$0x0], $0xffff;
	v6 =	vor.u32 $0x30, v1  }
0x252: {  	v10 =	vld.idx.msk [tilespmem:v8+s11+$0x0], $0xffff  }
0x253: {  	v2 =	vadd.f32 v3, v2;
	v3 =	vmul.f32 v7, v11;
	v7 =	vld.idx.msk [tilespmem:v8+s12+$0x0], $0xffff;
	v8 =	vor.u32 $0x31, v1  }
0x254: {  	v11 =	vld.idx.msk [tilespmem:v9+s11+$0x0], $0xffff  }
0x255: {  	v2 =	vadd.f32 v3, v2;
	v3 =	vmul.f32 v4, v12;
	v4 =	vld.idx.msk [tilespmem:v9+s12+$0x0], $0xffff;
	v9 =	vor.u32 $0x32, v1  }
0x256: {  	v12 =	vld.idx.msk [tilespmem:v6+s11+$0x0], $0xffff  }
0x257: {  	v2 =	vadd.f32 v3, v2;
	v3 =	vmul.f32 v5, v13;
	v5 =	vld.idx.msk [tilespmem:v6+s12+$0x0], $0xffff;
	v6 =	vor.u32 $0x33, v1  }
0x258: {  	v13 =	vld.idx.msk [tilespmem:v8+s11+$0x0], $0xffff  }
0x259: {  	v2 =	vadd.f32 v3, v2;
	v3 =	vmul.f32 v7, v10;
	v7 =	vld.idx.msk [tilespmem:v8+s12+$0x0], $0xffff;
	v8 =	vor.u32 $0x34, v1  }
0x25a: {  	v10 =	vld.idx.msk [tilespmem:v9+s11+$0x0], $0xffff  }
0x25b: {  	v2 =	vadd.f32 v3, v2;
	v3 =	vmul.f32 v4, v11;
	v4 =	vld.idx.msk [tilespmem:v9+s12+$0x0], $0xffff;
	v9 =	vor.u32 $0x35, v1  }
0x25c: {  	v11 =	vld.idx.msk [tilespmem:v6+s11+$0x0], $0xffff  }
0x25d: {  	v2 =	vadd.f32 v3, v2;
	v3 =	vmul.f32 v5, v12;
	v5 =	vld.idx.msk [tilespmem:v6+s12+$0x0], $0xffff;
	v6 =	vor.u32 $0x36, v1  }
0x25e: {  	v12 =	vld.idx.msk [tilespmem:v8+s11+$0x0], $0xffff  }
0x25f: {  	v2 =	vadd.f32 v3, v2;
	v3 =	vmul.f32 v7, v13;
	v7 =	vld.idx.msk [tilespmem:v8+s12+$0x0], $0xffff;
	v8 =	vor.u32 $0x37, v1  }
0x260: {  	v13 =	vld.idx.msk [tilespmem:v9+s11+$0x0], $0xffff  }
0x261: {  	v2 =	vadd.f32 v3, v2;
	v3 =	vmul.f32 v4, v10;
	v4 =	vld.idx.msk [tilespmem:v9+s12+$0x0], $0xffff;
	v9 =	vor.u32 $0x38, v1  }
0x262: {  	v10 =	vld.idx.msk [tilespmem:v6+s11+$0x0], $0xffff  }
0x263: {  	v2 =	vadd.f32 v3, v2;
	v3 =	vmul.f32 v5, v11;
	v5 =	vld.idx.msk [tilespmem:v6+s12+$0x0], $0xffff;
	v6 =	vor.u32 $0x39, v1  }
0x264: {  	v11 =	vld.idx.msk [tilespmem:v8+s11+$0x0], $0xffff  }
0x265: {  	v2 =	vadd.f32 v3, v2;
	v3 =	vmul.f32 v7, v12;
	v7 =	vld.idx.msk [tilespmem:v8+s12+$0x0], $0xffff;
	v8 =	vor.u32 $0x3A, v1  }
0x266: {  	v12 =	vld.idx.msk [tilespmem:v9+s11+$0x0], $0xffff  }
0x267: {  	v2 =	vadd.f32 v3, v2;
	v3 =	vmul.f32 v4, v13;
	v4 =	vld.idx.msk [tilespmem:v9+s12+$0x0], $0xffff;
	v9 =	vor.u32 $0x3B, v1  }
0x268: {  	v13 =	vld.idx.msk [tilespmem:v6+s11+$0x0], $0xffff  }
0x269: {  	v2 =	vadd.f32 v3, v2;
	v3 =	vmul.f32 v5, v10;
	v5 =	vld.idx.msk [tilespmem:v6+s12+$0x0], $0xffff;
	v6 =	vor.u32 $0x3C, v1  }
0x26a: {  	v10 =	vld.idx.msk [tilespmem:v8+s11+$0x0], $0xffff  }
0x26b: {  	v2 =	vadd.f32 v3, v2;
	v3 =	vmul.f32 v7, v11;
	v7 =	vld.idx.msk [tilespmem:v8+s12+$0x0], $0xffff;
	v8 =	vor.u32 $0x3D, v1  }
0x26c: {  	v11 =	vld.idx.msk [tilespmem:v9+s11+$0x0], $0xffff  }
0x26d: {  	v2 =	vadd.f32 v3, v2;
	v3 =	vmul.f32 v4, v12;
	v4 =	vld.idx.msk [tilespmem:v9+s12+$0x0], $0xffff;
	v9 =	vor.u32 $0x3E, v1  }
0x26e: {  	v12 =	vld.idx.msk [tilespmem:v6+s11+$0x0], $0xffff  }
0x26f: {  	v1 =	vor.u32 $0x3F, v1;
	v2 =	vadd.f32 v3, v2;
	v3 =	vmul.f32 v5, v13;
	v5 =	vld.idx.msk [tilespmem:v6+s12+$0x0], $0xffff  }
0x270: {  	v6 =	vld.idx.msk [tilespmem:v8+s11+$0x0], $0xffff  }
0x271: {  	v2 =	vadd.f32 v3, v2;
	v3 =	vmul.f32 v7, v10;
	v7 =	vld.idx.msk [tilespmem:v8+s12+$0x0], $0xffff  }
0x272: {  	v8 =	vld.idx.msk [tilespmem:v9+s11+$0x0], $0xffff  }
0x273: {  	v3 =	vadd.f32 v3, v2;
	v4 =	vmul.f32 v4, v11;
	v9 =	vld.idx.msk [tilespmem:v9+s12+$0x0], $0xffff  }
0x274: {  	v2 =	vld.idx.msk [tilespmem:v1+s11+$0x0], $0xffff  }
0x275: {  	v4 =	vadd.f32 v4, v3;
	v5 =	vmul.f32 v5, v12;
	v3 =	vld.idx.msk [tilespmem:v1+s12+$0x0], $0xffff  }
.Ltmp2:
0x276: {  	(pc) =	sbr.rel @p0 .LBB2_6-.Ltmp2, $3  }
0x277: {  	v1 =	vadd.f32 v5, v4;
	v4 =	vmul.f32 v7, v6;
	_ =	sdelay $0x1  }
0x278: {  	v6 =	vmov s16;
	v4 =	vadd.f32 v4, v1;
	v5 =	vmul.f32 v9, v8  }
0x279: {  	s16 =	sadd.s32 $0x10, s16;
	v1 =	vshll.u32 v6, $0x7  }
0x27a: {  	v1 =	vor.u32 v0, v1;
	v4 =	vadd.f32 v5, v4;
	v2 =	vmul.f32 v3, v2;
	_ =	sdelay $0x1  }
0x27b: {  	v3 =	vor.u32 $0x1, v1;
	v2 =	vadd.f32 v2, v4  }
0x27c: {  	s15 =	sadd.s32 $0x10, s15  }
0x27d: {  	v31 =	vor.u32 $0x2, v1;
	[tilespmem:s15+$0x0] =	vst v2  }
0x27e: {  	v2 =	vld.idx.msk [tilespmem:v1+s12+$0x0], $0xffff  }
0x27f: {  	v6 =	vor.u32 $0x3, v1;
	v32 =	vld.idx.msk [tilespmem:v1+s11+$0x0], $0xffff  }
0x280: {  	v7 =	vld.idx.msk [tilespmem:v3+s11+$0x0], $0xffff  }
0x281: {  	v8 =	vor.u32 $0x4, v1;
	v3 =	vld.idx.msk [tilespmem:v3+s12+$0x0], $0xffff  }
0x282: {  	v9 =	vld.idx.msk [tilespmem:v31+s11+$0x0], $0xffff  }
0x283: {  	v10 =	vor.u32 $0x5, v1;
	v4 =	vld.idx.msk [tilespmem:v31+s12+$0x0], $0xffff  }
0x284: {  	v11 =	vld.idx.msk [tilespmem:v6+s11+$0x0], $0xffff;
	v2 =	vmul.f32 v2, v32  }
0x285: {  	v34 =	vor.u32 $0x6, v1;
	v33 =	vld.idx.msk [tilespmem:v6+s12+$0x0], $0xffff  }
0x286: {  	v12 =	vld.idx.msk [tilespmem:v8+s11+$0x0], $0xffff;
	v3 =	vmul.f32 v3, v7;
	v2 =	vadd.f32 $0.0e+00, v2  }
0x287: {  	v36 =	vor.u32 $0x7, v1;
	v35 =	vld.idx.msk [tilespmem:v8+s12+$0x0], $0xffff  }
0x288: {  	v13 =	vld.idx.msk [tilespmem:v10+s11+$0x0], $0xffff;
	v2 =	vadd.f32 v3, v2;
	v3 =	vmul.f32 v4, v9  }
0x289: {  	v38 =	vor.u32 $0x8, v1;
	v37 =	vld.idx.msk [tilespmem:v10+s12+$0x0], $0xffff  }
0x28a: {  	v39 =	vld.idx.msk [tilespmem:v34+s11+$0x0], $0xffff;
	v2 =	vadd.f32 v3, v2;
	v3 =	vmul.f32 v33, v11  }
0x28b: {  	v41 =	vor.u32 $0x9, v1;
	v40 =	vld.idx.msk [tilespmem:v34+s12+$0x0], $0xffff  }
0x28c: {  	v42 =	vld.idx.msk [tilespmem:v36+s11+$0x0], $0xffff;
	v2 =	vadd.f32 v3, v2;
	v3 =	vmul.f32 v35, v12  }
0x28d: {  	v44 =	vor.u32 $0xA, v1;
	v43 =	vld.idx.msk [tilespmem:v36+s12+$0x0], $0xffff  }
0x28e: {  	v45 =	vld.idx.msk [tilespmem:v38+s11+$0x0], $0xffff;
	v2 =	vadd.f32 v3, v2;
	v3 =	vmul.f32 v37, v13  }
0x28f: {  	v47 =	vor.u32 $0xB, v1;
	v46 =	vld.idx.msk [tilespmem:v38+s12+$0x0], $0xffff  }
0x290: {  	v48 =	vld.idx.msk [tilespmem:v41+s11+$0x0], $0xffff;
	v2 =	vadd.f32 v3, v2;
	v3 =	vmul.f32 v40, v39  }
0x291: {  	v50 =	vor.u32 $0xC, v1;
	v49 =	vld.idx.msk [tilespmem:v41+s12+$0x0], $0xffff  }
0x292: {  	v51 =	vld.idx.msk [tilespmem:v44+s11+$0x0], $0xffff;
	v2 =	vadd.f32 v3, v2;
	v3 =	vmul.f32 v43, v42  }
0x293: {  	v53 =	vor.u32 $0xD, v1;
	v52 =	vld.idx.msk [tilespmem:v44+s12+$0x0], $0xffff  }
0x294: {  	v54 =	vld.idx.msk [tilespmem:v47+s11+$0x0], $0xffff;
	v2 =	vadd.f32 v3, v2;
	v3 =	vmul.f32 v46, v45  }
0x295: {  	v56 =	vor.u32 $0xE, v1;
	v55 =	vld.idx.msk [tilespmem:v47+s12+$0x0], $0xffff  }
0x296: {  	v57 =	vld.idx.msk [tilespmem:v50+s11+$0x0], $0xffff;
	v2 =	vadd.f32 v3, v2;
	v3 =	vmul.f32 v49, v48  }
0x297: {  	v59 =	vor.u32 $0xF, v1;
	v58 =	vld.idx.msk [tilespmem:v50+s12+$0x0], $0xffff  }
0x298: {  	v60 =	vld.idx.msk [tilespmem:v53+s11+$0x0], $0xffff;
	v2 =	vadd.f32 v3, v2;
	v3 =	vmul.f32 v52, v51  }
0x299: {  	v62 =	vor.u32 $0x10, v1;
	v61 =	vld.idx.msk [tilespmem:v53+s12+$0x0], $0xffff  }
0x29a: {  	v63 =	vld.idx.msk [tilespmem:v56+s11+$0x0], $0xffff;
	v2 =	vadd.f32 v3, v2;
	v3 =	vmul.f32 v55, v54  }
0x29b: {  	v17 =	vor.u32 $0x11, v1;
	v16 =	vld.idx.msk [tilespmem:v56+s12+$0x0], $0xffff  }
0x29c: {  	v18 =	vld.idx.msk [tilespmem:v59+s11+$0x0], $0xffff;
	v2 =	vadd.f32 v3, v2;
	v3 =	vmul.f32 v58, v57  }
0x29d: {  	v20 =	vor.u32 $0x12, v1;
	v19 =	vld.idx.msk [tilespmem:v59+s12+$0x0], $0xffff  }
0x29e: {  	v21 =	vld.idx.msk [tilespmem:v62+s11+$0x0], $0xffff;
	v2 =	vadd.f32 v3, v2;
	v3 =	vmul.f32 v61, v60  }
0x29f: {  	v23 =	vor.u32 $0x13, v1;
	v22 =	vld.idx.msk [tilespmem:v62+s12+$0x0], $0xffff  }
0x2a0: {  	v24 =	vld.idx.msk [tilespmem:v17+s11+$0x0], $0xffff;
	v2 =	vadd.f32 v3, v2;
	v3 =	vmul.f32 v16, v63  }
0x2a1: {  	v26 =	vor.u32 $0x14, v1;
	v25 =	vld.idx.msk [tilespmem:v17+s12+$0x0], $0xffff  }
0x2a2: {  	v27 =	vld.idx.msk [tilespmem:v20+s11+$0x0], $0xffff;
	v2 =	vadd.f32 v3, v2;
	v3 =	vmul.f32 v19, v18  }
0x2a3: {  	v29 =	vor.u32 $0x15, v1;
	v28 =	vld.idx.msk [tilespmem:v20+s12+$0x0], $0xffff  }
0x2a4: {  	v30 =	vld.idx.msk [tilespmem:v23+s11+$0x0], $0xffff;
	v2 =	vadd.f32 v3, v2;
	v3 =	vmul.f32 v22, v21  }
0x2a5: {  	v31 =	vld.idx.msk [tilespmem:v23+s12+$0x0], $0xffff;
	v32 =	vor.u32 $0x16, v1  }
0x2a6: {  	v34 =	vld.idx.msk [tilespmem:v26+s12+$0x0], $0xffff;
	v2 =	vadd.f32 v3, v2;
	v3 =	vmul.f32 v25, v24  }
0x2a7: {  	v33 =	vld.idx.msk [tilespmem:v26+s11+$0x0], $0xffff;
	v35 =	vor.u32 $0x17, v1  }
0x2a8: {  	v36 =	vld.idx.msk [tilespmem:v29+s11+$0x0], $0xffff;
	v2 =	vadd.f32 v3, v2;
	v3 =	vmul.f32 v28, v27  }
0x2a9: {  	v38 =	vor.u32 $0x18, v1;
	v37 =	vld.idx.msk [tilespmem:v29+s12+$0x0], $0xffff  }
0x2aa: {  	v39 =	vld.idx.msk [tilespmem:v32+s11+$0x0], $0xffff;
	v2 =	vadd.f32 v3, v2;
	v3 =	vmul.f32 v31, v30  }
0x2ab: {  	v41 =	vor.u32 $0x19, v1;
	v40 =	vld.idx.msk [tilespmem:v32+s12+$0x0], $0xffff  }
0x2ac: {  	v42 =	vld.idx.msk [tilespmem:v35+s11+$0x0], $0xffff;
	v2 =	vadd.f32 v3, v2;
	v3 =	vmul.f32 v34, v33  }
0x2ad: {  	v44 =	vor.u32 $0x1A, v1;
	v43 =	vld.idx.msk [tilespmem:v35+s12+$0x0], $0xffff  }
0x2ae: {  	v45 =	vld.idx.msk [tilespmem:v38+s11+$0x0], $0xffff;
	v2 =	vadd.f32 v3, v2;
	v3 =	vmul.f32 v37, v36  }
0x2af: {  	v47 =	vor.u32 $0x1B, v1;
	v46 =	vld.idx.msk [tilespmem:v38+s12+$0x0], $0xffff  }
0x2b0: {  	v48 =	vld.idx.msk [tilespmem:v41+s11+$0x0], $0xffff;
	v2 =	vadd.f32 v3, v2;
	v3 =	vmul.f32 v40, v39  }
0x2b1: {  	v50 =	vor.u32 $0x1C, v1;
	v49 =	vld.idx.msk [tilespmem:v41+s12+$0x0], $0xffff  }
0x2b2: {  	v51 =	vld.idx.msk [tilespmem:v44+s11+$0x0], $0xffff;
	v2 =	vadd.f32 v3, v2;
	v3 =	vmul.f32 v43, v42  }
0x2b3: {  	v53 =	vor.u32 $0x1D, v1;
	v52 =	vld.idx.msk [tilespmem:v44+s12+$0x0], $0xffff  }
0x2b4: {  	v54 =	vld.idx.msk [tilespmem:v47+s11+$0x0], $0xffff;
	v2 =	vadd.f32 v3, v2;
	v3 =	vmul.f32 v46, v45  }
0x2b5: {  	v56 =	vor.u32 $0x1E, v1;
	v55 =	vld.idx.msk [tilespmem:v47+s12+$0x0], $0xffff  }
0x2b6: {  	v57 =	vld.idx.msk [tilespmem:v50+s11+$0x0], $0xffff;
	v2 =	vadd.f32 v3, v2;
	v3 =	vmul.f32 v49, v48  }
0x2b7: {  	v59 =	vor.u32 $0x1F, v1;
	v58 =	vld.idx.msk [tilespmem:v50+s12+$0x0], $0xffff  }
0x2b8: {  	v60 =	vld.idx.msk [tilespmem:v53+s11+$0x0], $0xffff;
	v2 =	vadd.f32 v3, v2;
	v3 =	vmul.f32 v52, v51  }
0x2b9: {  	v62 =	vor.u32 $0x20, v1;
	v61 =	vld.idx.msk [tilespmem:v53+s12+$0x0], $0xffff  }
0x2ba: {  	v63 =	vld.idx.msk [tilespmem:v56+s11+$0x0], $0xffff;
	v2 =	vadd.f32 v3, v2;
	v3 =	vmul.f32 v55, v54  }
0x2bb: {  	v17 =	vor.u32 $0x21, v1;
	v16 =	vld.idx.msk [tilespmem:v56+s12+$0x0], $0xffff  }
0x2bc: {  	v18 =	vld.idx.msk [tilespmem:v59+s11+$0x0], $0xffff;
	v2 =	vadd.f32 v3, v2;
	v3 =	vmul.f32 v58, v57  }
0x2bd: {  	v20 =	vor.u32 $0x22, v1;
	v19 =	vld.idx.msk [tilespmem:v59+s12+$0x0], $0xffff  }
0x2be: {  	v21 =	vld.idx.msk [tilespmem:v62+s11+$0x0], $0xffff;
	v2 =	vadd.f32 v3, v2;
	v3 =	vmul.f32 v61, v60  }
0x2bf: {  	v23 =	vor.u32 $0x23, v1;
	v22 =	vld.idx.msk [tilespmem:v62+s12+$0x0], $0xffff  }
0x2c0: {  	v24 =	vld.idx.msk [tilespmem:v17+s11+$0x0], $0xffff;
	v2 =	vadd.f32 v3, v2;
	v3 =	vmul.f32 v16, v63  }
0x2c1: {  	v26 =	vor.u32 $0x24, v1;
	v25 =	vld.idx.msk [tilespmem:v17+s12+$0x0], $0xffff  }
0x2c2: {  	v27 =	vld.idx.msk [tilespmem:v20+s11+$0x0], $0xffff;
	v2 =	vadd.f32 v3, v2;
	v3 =	vmul.f32 v19, v18  }
0x2c3: {  	v29 =	vor.u32 $0x25, v1;
	v28 =	vld.idx.msk [tilespmem:v20+s12+$0x0], $0xffff  }
0x2c4: {  	v30 =	vld.idx.msk [tilespmem:v23+s11+$0x0], $0xffff;
	v2 =	vadd.f32 v3, v2;
	v3 =	vmul.f32 v22, v21  }
0x2c5: {  	v32 =	vor.u32 $0x26, v1;
	v31 =	vld.idx.msk [tilespmem:v23+s12+$0x0], $0xffff  }
0x2c6: {  	v33 =	vld.idx.msk [tilespmem:v26+s11+$0x0], $0xffff;
	v2 =	vadd.f32 v3, v2;
	v3 =	vmul.f32 v25, v24  }
0x2c7: {  	v35 =	vor.u32 $0x27, v1;
	v34 =	vld.idx.msk [tilespmem:v26+s12+$0x0], $0xffff  }
0x2c8: {  	v36 =	vld.idx.msk [tilespmem:v29+s11+$0x0], $0xffff;
	v2 =	vadd.f32 v3, v2;
	v3 =	vmul.f32 v28, v27  }
0x2c9: {  	v38 =	vor.u32 $0x28, v1;
	v37 =	vld.idx.msk [tilespmem:v29+s12+$0x0], $0xffff  }
0x2ca: {  	v39 =	vld.idx.msk [tilespmem:v32+s11+$0x0], $0xffff;
	v2 =	vadd.f32 v3, v2;
	v3 =	vmul.f32 v31, v30  }
0x2cb: {  	v41 =	vor.u32 $0x29, v1;
	v40 =	vld.idx.msk [tilespmem:v32+s12+$0x0], $0xffff  }
0x2cc: {  	v42 =	vld.idx.msk [tilespmem:v35+s11+$0x0], $0xffff;
	v2 =	vadd.f32 v3, v2;
	v3 =	vmul.f32 v34, v33  }
0x2cd: {  	v44 =	vor.u32 $0x2A, v1;
	v43 =	vld.idx.msk [tilespmem:v35+s12+$0x0], $0xffff  }
0x2ce: {  	v45 =	vld.idx.msk [tilespmem:v38+s11+$0x0], $0xffff;
	v2 =	vadd.f32 v3, v2;
	v3 =	vmul.f32 v37, v36  }
0x2cf: {  	v47 =	vor.u32 $0x2B, v1;
	v46 =	vld.idx.msk [tilespmem:v38+s12+$0x0], $0xffff  }
0x2d0: {  	v48 =	vld.idx.msk [tilespmem:v41+s11+$0x0], $0xffff;
	v2 =	vadd.f32 v3, v2;
	v3 =	vmul.f32 v40, v39  }
0x2d1: {  	v50 =	vor.u32 $0x2C, v1;
	v49 =	vld.idx.msk [tilespmem:v41+s12+$0x0], $0xffff  }
0x2d2: {  	v51 =	vld.idx.msk [tilespmem:v44+s11+$0x0], $0xffff;
	v2 =	vadd.f32 v3, v2;
	v3 =	vmul.f32 v43, v42  }
0x2d3: {  	v53 =	vor.u32 $0x2D, v1;
	v52 =	vld.idx.msk [tilespmem:v44+s12+$0x0], $0xffff  }
0x2d4: {  	v54 =	vld.idx.msk [tilespmem:v47+s11+$0x0], $0xffff;
	v2 =	vadd.f32 v3, v2;
	v3 =	vmul.f32 v46, v45  }
0x2d5: {  	v56 =	vor.u32 $0x2E, v1;
	v55 =	vld.idx.msk [tilespmem:v47+s12+$0x0], $0xffff  }
0x2d6: {  	v57 =	vld.idx.msk [tilespmem:v50+s11+$0x0], $0xffff;
	v2 =	vadd.f32 v3, v2;
	v3 =	vmul.f32 v49, v48  }
0x2d7: {  	v59 =	vor.u32 $0x2F, v1;
	v58 =	vld.idx.msk [tilespmem:v50+s12+$0x0], $0xffff  }
0x2d8: {  	v60 =	vld.idx.msk [tilespmem:v53+s11+$0x0], $0xffff;
	v2 =	vadd.f32 v3, v2;
	v3 =	vmul.f32 v52, v51  }
0x2d9: {  	v62 =	vor.u32 $0x30, v1;
	v61 =	vld.idx.msk [tilespmem:v53+s12+$0x0], $0xffff  }
0x2da: {  	v63 =	vld.idx.msk [tilespmem:v56+s11+$0x0], $0xffff;
	v2 =	vadd.f32 v3, v2;
	v3 =	vmul.f32 v55, v54  }
0x2db: {  	v17 =	vor.u32 $0x31, v1;
	v16 =	vld.idx.msk [tilespmem:v56+s12+$0x0], $0xffff  }
0x2dc: {  	v18 =	vld.idx.msk [tilespmem:v59+s11+$0x0], $0xffff;
	v2 =	vadd.f32 v3, v2;
	v3 =	vmul.f32 v58, v57  }
0x2dd: {  	v20 =	vor.u32 $0x32, v1;
	v19 =	vld.idx.msk [tilespmem:v59+s12+$0x0], $0xffff  }
0x2de: {  	v21 =	vld.idx.msk [tilespmem:v62+s11+$0x0], $0xffff;
	v2 =	vadd.f32 v3, v2;
	v3 =	vmul.f32 v61, v60  }
0x2df: {  	v23 =	vor.u32 $0x33, v1;
	v22 =	vld.idx.msk [tilespmem:v62+s12+$0x0], $0xffff  }
0x2e0: {  	v24 =	vld.idx.msk [tilespmem:v17+s11+$0x0], $0xffff;
	v2 =	vadd.f32 v3, v2;
	v3 =	vmul.f32 v16, v63  }
0x2e1: {  	v26 =	vor.u32 $0x34, v1;
	v25 =	vld.idx.msk [tilespmem:v17+s12+$0x0], $0xffff  }
0x2e2: {  	v27 =	vld.idx.msk [tilespmem:v20+s11+$0x0], $0xffff;
	v2 =	vadd.f32 v3, v2;
	v3 =	vmul.f32 v19, v18  }
0x2e3: {  	v29 =	vor.u32 $0x35, v1;
	v28 =	vld.idx.msk [tilespmem:v20+s12+$0x0], $0xffff  }
0x2e4: {  	v30 =	vld.idx.msk [tilespmem:v23+s11+$0x0], $0xffff;
	v2 =	vadd.f32 v3, v2;
	v3 =	vmul.f32 v22, v21  }
0x2e5: {  	v32 =	vor.u32 $0x36, v1;
	v31 =	vld.idx.msk [tilespmem:v23+s12+$0x0], $0xffff  }
0x2e6: {  	v33 =	vld.idx.msk [tilespmem:v26+s11+$0x0], $0xffff;
	v2 =	vadd.f32 v3, v2;
	v3 =	vmul.f32 v25, v24  }
0x2e7: {  	v35 =	vor.u32 $0x37, v1;
	v34 =	vld.idx.msk [tilespmem:v26+s12+$0x0], $0xffff  }
0x2e8: {  	v36 =	vld.idx.msk [tilespmem:v29+s11+$0x0], $0xffff;
	v2 =	vadd.f32 v3, v2;
	v3 =	vmul.f32 v28, v27  }
0x2e9: {  	v38 =	vor.u32 $0x38, v1;
	v37 =	vld.idx.msk [tilespmem:v29+s12+$0x0], $0xffff  }
0x2ea: {  	v39 =	vld.idx.msk [tilespmem:v32+s11+$0x0], $0xffff;
	v2 =	vadd.f32 v3, v2;
	v3 =	vmul.f32 v31, v30  }
0x2eb: {  	v41 =	vor.u32 $0x39, v1;
	v40 =	vld.idx.msk [tilespmem:v32+s12+$0x0], $0xffff  }
0x2ec: {  	v42 =	vld.idx.msk [tilespmem:v35+s11+$0x0], $0xffff;
	v2 =	vadd.f32 v3, v2;
	v3 =	vmul.f32 v34, v33  }
0x2ed: {  	v44 =	vor.u32 $0x3A, v1;
	v43 =	vld.idx.msk [tilespmem:v35+s12+$0x0], $0xffff  }
0x2ee: {  	v45 =	vld.idx.msk [tilespmem:v38+s11+$0x0], $0xffff;
	v2 =	vadd.f32 v3, v2;
	v3 =	vmul.f32 v37, v36  }
0x2ef: {  	v47 =	vor.u32 $0x3B, v1;
	v46 =	vld.idx.msk [tilespmem:v38+s12+$0x0], $0xffff  }
0x2f0: {  	v48 =	vld.idx.msk [tilespmem:v41+s11+$0x0], $0xffff;
	v2 =	vadd.f32 v3, v2;
	v3 =	vmul.f32 v40, v39  }
0x2f1: {  	v50 =	vor.u32 $0x3C, v1;
	v49 =	vld.idx.msk [tilespmem:v41+s12+$0x0], $0xffff  }
0x2f2: {  	v51 =	vld.idx.msk [tilespmem:v44+s11+$0x0], $0xffff;
	v2 =	vadd.f32 v3, v2;
	v3 =	vmul.f32 v43, v42  }
0x2f3: {  	v53 =	vor.u32 $0x3D, v1;
	v52 =	vld.idx.msk [tilespmem:v44+s12+$0x0], $0xffff  }
0x2f4: {  	v54 =	vld.idx.msk [tilespmem:v47+s11+$0x0], $0xffff;
	v2 =	vadd.f32 v3, v2;
	v3 =	vmul.f32 v46, v45  }
0x2f5: {  	v56 =	vor.u32 $0x3E, v1;
	v55 =	vld.idx.msk [tilespmem:v47+s12+$0x0], $0xffff  }
0x2f6: {  	v57 =	vld.idx.msk [tilespmem:v50+s11+$0x0], $0xffff;
	v2 =	vadd.f32 v3, v2;
	v3 =	vmul.f32 v49, v48  }
0x2f7: {  	v1 =	vor.u32 $0x3F, v1;
	v58 =	vld.idx.msk [tilespmem:v50+s12+$0x0], $0xffff  }
0x2f8: {  	v59 =	vld.idx.msk [tilespmem:v53+s11+$0x0], $0xffff;
	v2 =	vadd.f32 v3, v2;
	v3 =	vmul.f32 v52, v51  }
0x2f9: {  	v60 =	vld.idx.msk [tilespmem:v53+s12+$0x0], $0xffff  }
0x2fa: {  	v62 =	vld.idx.msk [tilespmem:v56+s12+$0x0], $0xffff;
	v2 =	vadd.f32 v3, v2;
	v3 =	vmul.f32 v55, v54  }
0x2fb: {  	v61 =	vld.idx.msk [tilespmem:v56+s11+$0x0], $0xffff  }
0x2fc: {  	v63 =	vld.idx.msk [tilespmem:v1+s11+$0x0], $0xffff;
	v2 =	vadd.f32 v3, v2;
	v3 =	vmul.f32 v58, v57  }
0x2fd: {  	v1 =	vld.idx.msk [tilespmem:v1+s12+$0x0], $0xffff  }
0x2fe: {  	v2 =	vadd.f32 v3, v2;
	v3 =	vmul.f32 v60, v59;
	_ =	sdelay $0x1  }
0x2ff: {  	v2 =	vadd.f32 v3, v2;
	v3 =	vmul.f32 v62, v61;
	_ =	sdelay $0x1  }
0x300: {  	v1 =	vmul.f32 v1, v63;
	v2 =	vadd.f32 v3, v2;
	_ =	sdelay $0x1  }
0x301: {  	v1 =	vadd.f32 v1, v2  }
0x302: {  	s0 =	sadd.s32 $0x10, s15  }
0x303: {  	s6 =	simm.s32 $0x100;
	[tilespmem:s0+$0x0] =	vst v1  }
0x304: {  	s7 =	simm.s32 $0x300;
	v1 =	vld [tilespmem:s6+$0x0]  }
0x305: {  	v3 =	vld [tilespmem:s7+$0x0];
	_ =	sdelay $0x3  }
0x306: {  	v2 =	vshll.u32 v1, $0x4  }
0x307: {  	v1 =	vshll.u32 v3, $0x4;
	(v2sf) =	vpush v2, $0x0  }
0x308: {  	(v2sf) =	vpush v1, $0x0  }
0x309: {  	(v2sf) =	vpush v2, $0x1;
	_ =	sdelay $0x2  }
0x30a: {  	(v2sf) =	vpush v1, $0x1;
	_ =	sdelay $0x1  }
0x30b: {  	(v2sf) =	vpush v2, $0x2;
	_ =	sdelay $0x1  }
0x30c: {  	(v2sf) =	vpush v1, $0x2;
	_ =	sdelay $0x1  }
0x30d: {  	s16 =	simm.s32 $0x2000;
	(v2sf) =	vpush v2, $0x3  }
0x30e: {  	s3 =	simm.s32 $0x8400;
	s2 =	simm.s32 $0x680;
	s1 =	simm.s32 $0x880  }
0x30f: {  	s4 =	simm.s32 $0x400;
	s13 =	simm.s32 $0x480;
	s20 =	simm.s32 $0x8480  }
0x310: {  	s22 =	simm.s32 $0x500;
	s25 =	simm.s32 $0x8500;
	s31 =	simm.s32 $0x8600  }
0x311: {  	s15 =	simm.s32 $0x0;
	s0 =	simm.s32 $0x8900;
	s5 =	spop (v2sf);
	(v2sf) =	vpush v1, $0x3  }
0x312: {  	s6 =	simm.s32 $0x600;
	s5 =	sand.u32 $0x1FFFFFF0, s5;
	s8 =	spop (v2sf)  }
0x313: {  	(v2sf) =	vpush v2, $0x4;
	s5 =	sadd.s32 s18, s5;
	s8 =	sand.u32 $0x1FFFFFF0, s8;
	s9 =	spop (v2sf)  }
0x314: {  	(v2sf) =	vpush v1, $0x4;
	[tilespmem:s4], [sflag:$0x1] =	stream.linear.gather [hbm4b:s5+s10], $0x80, $0x38;
	[tilespmem:$0x10600] =	vst v63  }
0x315: {  	s7 =	simm.s32 $0x580;
	s5 =	sadd.s32 s14, s8;
	s8 =	sand.u32 $0x1FFFFFF0, s9  }
0x316: {  	s4 =	simm.s32 $0x8580;
	s9 =	spop (v2sf);
	(v2sf) =	vpush v2, $0x5;
	s17 =	sadd.s32 s18, s8  }
0x317: {  	[tilespmem:s3], [sflag:$0x1] =	stream.linear.gather [hbm4b:s5+s10], $0x80, $0x38;
	[tilespmem:$0x10600] =	vst v63  }
0x318: {  	s19 =	sand.u32 $0x1FFFFFF0, s9;
	s21 =	spop (v2sf);
	s9 =	simm.s32 $0x8A00  }
0x319: {  	(v2sf) =	vpush v1, $0x5;
	[tilespmem:s13], [sflag:$0x1] =	stream.linear.gather [hbm4b:s17+s10], $0x80, $0x38;
	[tilespmem:$0x10600] =	vst v63  }
0x31a: {  	s8 =	sadd.s32 s14, s19;
	s5 =	sand.u32 $0x1FFFFFF0, s21;
	s23 =	spop (v2sf)  }
0x31b: {  	(v2sf) =	vpush v2, $0x6;
	[tilespmem:s20], [sflag:$0x1] =	stream.linear.gather [hbm4b:s8+s10], $0x80, $0x38;
	[tilespmem:$0x10600] =	vst v63  }
0x31c: {  	s5 =	sadd.s32 s18, s5;
	s24 =	spop (v2sf);
	s8 =	sand.u32 $0x1FFFFFF0, s23  }
0x31d: {  	(v2sf) =	vpush v1, $0x6;
	[tilespmem:s22], [sflag:$0x1] =	stream.linear.gather [hbm4b:s5+s10], $0x80, $0x38;
	[tilespmem:$0x10600] =	vst v63  }
0x31e: {  	s21 =	simm.s32 $0x8680;
	s28 =	sand.u32 $0x1FFFFFF0, s24;
	s26 =	sadd.s32 s14, s8  }
0x31f: {  	[tilespmem:s25], [sflag:$0x1] =	stream.linear.gather [hbm4b:s26+s10], $0x80, $0x38;
	[tilespmem:$0x10600] =	vst v63  }
0x320: {  	s17 =	simm.s32 $0xA80;
	s30 =	sadd.s32 s18, s28;
	s29 =	spop (v2sf)  }
0x321: {  	(v2sf) =	vpush v2, $0x7;
	[tilespmem:s7], [sflag:$0x1] =	stream.linear.gather [hbm4b:s30+s10], $0x80, $0x38;
	[tilespmem:$0x10600] =	vst v63  }
0x322: {  	s23 =	simm.s32 $0x700;
	s3 =	sand.u32 $0x1FFFFFF0, s29;
	s8 =	spop (v2sf)  }
0x323: {  	(v2sf) =	vpush v1, $0x7;
	s3 =	sadd.s32 s14, s3;
	s7 =	sand.u32 $0x1FFFFFF0, s8;
	s13 =	spop (v2sf)  }
0x324: {  	(v2sf) =	vpush v2, $0x8;
	[tilespmem:s4], [sflag:$0x1] =	stream.linear.gather [hbm4b:s3+s10], $0x80, $0x38;
	[tilespmem:$0x10600] =	vst v63  }
0x325: {  	s19 =	sadd.s32 s18, s7;
	s20 =	sand.u32 $0x1FFFFFF0, s13;
	s22 =	spop (v2sf)  }
0x326: {  	(v2sf) =	vpush v1, $0x8;
	s7 =	simm.s32 $0x8A80;
	s4 =	sadd.s32 s14, s20;
	s24 =	sand.u32 $0x1FFFFFF0, s22  }
0x327: {  	(v2sf) =	vpush v2, $0x9;
	[tilespmem:s6], [sflag:$0x1] =	stream.linear.gather [hbm4b:s19+s10], $0x80, $0x38;
	[tilespmem:$0x10600] =	vst v63  }
0x328: {  	s25 =	spop (v2sf);
	s22 =	simm.s32 $0x8780;
	s5 =	sadd.s32 s18, s24  }
0x329: {  	(v2sf) =	vpush v1, $0x9;
	[tilespmem:s31], [sflag:$0x1] =	stream.linear.gather [hbm4b:s4+s10], $0x80, $0x38;
	[tilespmem:$0x10600] =	vst v63  }
0x32a: {  	s6 =	sand.u32 $0x1FFFFFF0, s25;
	s26 =	spop (v2sf);
	s19 =	simm.s32 $0x780;
	(v2sf) =	vpush v2, $0xA  }
0x32b: {  	[tilespmem:s2], [sflag:$0x1] =	stream.linear.gather [hbm4b:s5+s10], $0x80, $0x38;
	[tilespmem:$0x10600] =	vst v63  }
0x32c: {  	s28 =	sadd.s32 s14, s6;
	s29 =	sand.u32 $0x1FFFFFF0, s26;
	s30 =	spop (v2sf);
	(v2sf) =	vpush v1, $0xA  }
0x32d: {  	[tilespmem:s21], [sflag:$0x1] =	stream.linear.gather [hbm4b:s28+s10], $0x80, $0x38;
	[tilespmem:$0x10600] =	vst v63  }
0x32e: {  	s24 =	simm.s32 $0x800;
	s31 =	sadd.s32 s18, s29;
	s3 =	sand.u32 $0x1FFFFFF0, s30  }
0x32f: {  	[tilespmem:s23], [sflag:$0x1] =	stream.linear.gather [hbm4b:s31+s10], $0x80, $0x38;
	[tilespmem:$0x10600] =	vst v63  }
0x330: {  	s6 =	simm.s32 $0x8700;
	s3 =	sadd.s32 s14, s3;
	s8 =	spop (v2sf)  }
0x331: {  	[tilespmem:s6], [sflag:$0x1] =	stream.linear.gather [hbm4b:s3+s10], $0x80, $0x38;
	[tilespmem:$0x10600] =	vst v63  }
0x332: {  	s2 =	simm.s32 $0x8980;
	(v2sf) =	vpush v2, $0xB;
	s5 =	sand.u32 $0x1FFFFFF0, s8;
	s13 =	spop (v2sf)  }
0x333: {  	s28 =	simm.s32 $0x8800;
	s20 =	sadd.s32 s18, s5;
	s23 =	spop (v2sf)  }
0x334: {  	(v2sf) =	vpush v1, $0xB;
	[tilespmem:s19], [sflag:$0x1] =	stream.linear.gather [hbm4b:s20+s10], $0x80, $0x38;
	[tilespmem:$0x10600] =	vst v63  }
0x335: {  	s31 =	simm.s32 $0x8880;
	s21 =	sand.u32 $0x1FFFFFF0, s13;
	s25 =	spop (v2sf)  }
0x336: {  	s5 =	sadd.s32 s14, s21;
	s4 =	sand.u32 $0x1FFFFFF0, s23;
	s26 =	spop (v2sf)  }
0x337: {  	(v2sf) =	vpush v2, $0xC;
	[tilespmem:s22], [sflag:$0x1] =	stream.linear.gather [hbm4b:s5+s10], $0x80, $0x38;
	[tilespmem:$0x10600] =	vst v63  }
0x338: {  	s8 =	simm.s32 $0x900;
	s4 =	sadd.s32 s18, s4;
	s6 =	spop (v2sf)  }
0x339: {  	(v2sf) =	vpush v1, $0xC;
	s5 =	sand.u32 $0x1FFFFFF0, s25;
	s30 =	sand.u32 $0x1FFFFFF0, s26;
	s13 =	spop (v2sf)  }
0x33a: {  	[tilespmem:s24], [sflag:$0x1] =	stream.linear.gather [hbm4b:s4+s10], $0x80, $0x38;
	[tilespmem:$0x10600] =	vst v63  }
0x33b: {  	s26 =	simm.s32 $0x980;
	s29 =	sadd.s32 s14, s5;
	s19 =	spop (v2sf)  }
0x33c: {  	[tilespmem:s28], [sflag:$0x1] =	stream.linear.gather [hbm4b:s29+s10], $0x80, $0x38;
	[tilespmem:$0x10600] =	vst v63  }
0x33d: {  	s5 =	sadd.s32 s18, s30;
	s4 =	sand.u32 $0x1FFFFFF0, s6;
	s21 =	sand.u32 $0x1FFFFFF0, s19  }
0x33e: {  	[tilespmem:s1], [sflag:$0x1] =	stream.linear.gather [hbm4b:s5+s10], $0x80, $0x38;
	[tilespmem:$0x10600] =	vst v63  }
0x33f: {  	s4 =	sadd.s32 s14, s4;
	s23 =	sadd.s32 s14, s21;
	s5 =	sand.u32 $0x1FFFFFF0, s13  }
0x340: {  	[tilespmem:s31], [sflag:$0x1] =	stream.linear.gather [hbm4b:s4+s10], $0x80, $0x38;
	[tilespmem:$0x10600] =	vst v63  }
0x341: {  	s21 =	simm.s32 $0x310;
	s20 =	sadd.s32 s18, s5;
	s22 =	spop (v2sf)  }
0x342: {  	[tilespmem:s8], [sflag:$0x1] =	stream.linear.gather [hbm4b:s20+s10], $0x80, $0x38;
	[tilespmem:$0x10600] =	vst v63  }
0x343: {  	s20 =	simm.s32 $0x110;
	s24 =	sand.u32 $0x1FFFFFF0, s22;
	s25 =	spop (v2sf)  }
0x344: {  	(v2sf) =	vpush v2, $0xD;
	[tilespmem:s0], [sflag:$0x1] =	stream.linear.gather [hbm4b:s23+s10], $0x80, $0x38;
	[tilespmem:$0x10600] =	vst v63  }
0x345: {  	(v2sf) =	vpush v1, $0xD;
	s22 =	simm.s32 $0x8B00;
	s28 =	sadd.s32 s18, s24;
	s29 =	sand.u32 $0x1FFFFFF0, s25  }
0x346: {  	s24 =	simm.s32 $0xA00;
	(v2sf) =	vpush v2, $0xE;
	s23 =	simm.s32 $0xB00;
	s31 =	spop (v2sf)  }
0x347: {  	(v2sf) =	vpush v1, $0xE;
	[tilespmem:s26], [sflag:$0x1] =	stream.linear.gather [hbm4b:s28+s10], $0x80, $0x38;
	[tilespmem:$0x10600] =	vst v63  }
0x348: {  	s30 =	sadd.s32 s14, s29;
	(v2sf) =	vpush v2, $0xF;
	s0 =	sand.u32 $0x1FFFFFF0, s31;
	s1 =	spop (v2sf)  }
0x349: {  	(v2sf) =	vpush v1, $0xF;
	[tilespmem:s2], [sflag:$0x1] =	stream.linear.gather [hbm4b:s30+s10], $0x80, $0x38;
	[tilespmem:$0x10600] =	vst v63  }
.LBB2_8:
0x34a: {  	_ =	sdelay $0x4  }
0x34b: {  	s0 =	sadd.s32 s18, s0;
	s1 =	sand.u32 $0x1FFFFFF0, s1  }
0x34c: {  	[tilespmem:s24], [sflag:$0x1] =	stream.linear.gather [hbm4b:s0+s10], $0x80, $0x38;
	[tilespmem:$0x10600] =	vst v63  }
0x34d: {  	s29 =	sadd.s32 s14, s1  }
0x34e: {  	[tilespmem:s9], [sflag:$0x1] =	stream.linear.gather [hbm4b:s29+s10], $0x80, $0x38;
	[tilespmem:$0x10600] =	vst v63  }
0x34f: {  	s2 =	spop (v2sf)  }
0x350: {  	s30 =	sand.u32 $0x1FFFFFF0, s2;
	s31 =	spop (v2sf)  }
0x351: {  	s1 =	sadd.s32 s18, s30;
	s2 =	sand.u32 $0x1FFFFFF0, s31;
	s3 =	spop (v2sf)  }
0x352: {  	[tilespmem:s17], [sflag:$0x1] =	stream.linear.gather [hbm4b:s1+s10], $0x80, $0x38;
	[tilespmem:$0x10600] =	vst v63  }
0x353: {  	s4 =	sadd.s32 s14, s2;
	s5 =	sand.u32 $0x1FFFFFF0, s3;
	s6 =	spop (v2sf)  }
0x354: {  	[tilespmem:s7], [sflag:$0x1] =	stream.linear.gather [hbm4b:s4+s10], $0x80, $0x38;
	[tilespmem:$0x10600] =	vst v63  }
0x355: {  	s8 =	sand.u32 $0x1FFFFFF0, s6;
	s9 =	spop (v2sf);
	s7 =	sadd.s32 s18, s5  }
0x356: {  	[tilespmem:s23], [sflag:$0x1] =	stream.linear.gather [hbm4b:s7+s10], $0x80, $0x38;
	[tilespmem:$0x10600] =	vst v63  }
0x357: {  	s13 =	sadd.s32 s14, s8;
	s17 =	sand.u32 $0x1FFFFFF0, s9;
	s19 =	spop (v2sf)  }
0x358: {  	[tilespmem:s22], [sflag:$0x1] =	stream.linear.gather [hbm4b:s13+s10], $0x80, $0x38;
	[tilespmem:$0x10600] =	vst v63  }
0x359: {  	s1 =	sadd.s32 s18, s17;
	s2 =	sand.u32 $0x1FFFFFF0, s19;
	s23 =	sadd.s32 $0xB80, s15  }
0x35a: {  	[tilespmem:s23], [sflag:$0x1] =	stream.linear.gather [hbm4b:s1+s10], $0x80, $0x38;
	[tilespmem:$0x10600] =	vst v63  }
0x35b: {  	s24 =	sadd.s32 $0x8B80, s15;
	s25 =	sadd.s32 s14, s2  }
0x35c: {  	[tilespmem:s24], [sflag:$0x1] =	stream.linear.gather [hbm4b:s25+s10], $0x80, $0x38;
	[tilespmem:$0x10600] =	vst v63  }
0x35d: {  	v1 =	vld [tilespmem:s20+$0x0]  }
0x35e: {  	v3 =	vld [tilespmem:s21+$0x0];
	_ =	sdelay $0x3  }
0x35f: {  	v2 =	vshll.u32 v1, $0x4  }
0x360: {  	s26 =	smov.u32 s16;
	v1 =	vshll.u32 v3, $0x4;
	(v2sf) =	vpush v2, $0x0  }
0x361: {  	p0 =	sne.s32 s16, $0x1E000;
	s15 =	sshra.s32 s26, $0x2;
	(v2sf) =	vpush v1, $0x0  }
0x362: {  	s16 =	sadd.s32 $0x2000, s16;
	s19 =	simm.s32 $0x0;
	s0 =	sadd.s32 $0x680, s15;
	(v2sf) =	vpush v2, $0x1  }
0x363: {  	s28 =	sadd.s32 $0x880, s15;
	s14 =	sadd.s32 $0x600, s15;
	s29 =	sadd.s32 $0x8900, s15  }
0x364: {  	s3 =	sadd.s32 $0x580, s15;
	s2 =	sadd.s32 $0x8580, s15;
	[dreg:$0x16] =	wrdreg s0  }
0x365: {  	s5 =	sadd.s32 $0x8A00, s15;
	s17 =	sadd.s32 $0x500, s15;
	[dreg:$0xc] =	wrdreg s28;
	(v2sf) =	vpush v1, $0x1  }
0x366: {  	s26 =	sadd.s32 $0x8480, s15;
	s30 =	sadd.s32 $0x8980, s15;
	[dreg:$0x8] =	wrdreg s29  }
0x367: {  	s4 =	sadd.s32 $0x8500, s15;
	s31 =	sadd.s32 $0x8880, s15;
	[dreg:$0xa] =	wrdreg s30;
	(v2sf) =	vpush v2, $0x2  }
0x368: {  	s9 =	sadd.s32 $0x8680, s15;
	s18 =	sadd.s32 $0x8800, s15;
	[dreg:$0x10] =	wrdreg s31  }
0x369: {  	s8 =	sadd.s32 $0x700, s15;
	s6 =	sadd.s32 $0x8A80, s15;
	[dreg:$0x12] =	wrdreg s18;
	(v2sf) =	vpush v1, $0x2  }
0x36a: {  	s7 =	sadd.s32 $0x8700, s15;
	s13 =	sadd.s32 $0x900, s15;
	s0 =	rddreg [dreg:$0x5]  }
0x36b: {  	s28 =	sadd.s32 $0x400, s15;
	s22 =	sadd.s32 $0x8780, s15;
	[dreg:$0xe] =	wrdreg s13  }
0x36c: {  	s29 =	sadd.s32 $0x480, s15;
	s13 =	sadd.s32 $0x780, s15;
	[dreg:$0x18] =	wrdreg s22;
	(v2sf) =	vpush v2, $0x3  }
0x36d: {  	s22 =	sadd.s32 $0x8B00, s15;
	s1 =	sadd.s32 $0xA80, s15;
	s23 =	sadd.s32 $0x800, s15  }
0x36e: {  	[dreg:$0x14] =	wrdreg s23;
	s23 =	sadd.s32 $0xB00, s15;
	s25 =	sadd.s32 $0x8400, s15;
	(v2sf) =	vpush v1, $0x3  }
0x36f: {  	s10 =	sadd.s32 $0x8600, s15;
	s24 =	sadd.s32 $0xA00, s15;
	s31 =	spop (v2sf)  }
0x370: {  	s20 =	sadd.s32 $0x10, s20;
	s30 =	sand.u32 $0x1FFFFFF0, s31;
	s18 =	spop (v2sf)  }
0x371: {  	s21 =	sadd.s32 $0x10, s21;
	(v2sf) =	vpush v2, $0x4;
	s30 =	sadd.s32 s0, s30;
	s0 =	spop (v2sf)  }
0x372: {  	[tilespmem:s28], [sflag:$0x1] =	stream.linear.gather [hbm4b:s30+s19], $0x80, $0x38;
	[tilespmem:$0x10600] =	vst v63  }
0x373: {  	s18 =	sand.u32 $0x1FFFFFF0, s18;
	s30 =	rddreg [dreg:$0x6];
	s0 =	sand.u32 $0x1FFFFFF0, s0  }
0x374: {  	s28 =	spop (v2sf);
	s18 =	sadd.s32 s30, s18;
	s30 =	rddreg [dreg:$0x5]  }
0x375: {  	(v2sf) =	vpush v1, $0x4;
	[tilespmem:s25], [sflag:$0x1] =	stream.linear.gather [hbm4b:s18+s19], $0x80, $0x38;
	[tilespmem:$0x10600] =	vst v63  }
0x376: {  	(v2sf) =	vpush v2, $0x5;
	s0 =	sadd.s32 s30, s0;
	s25 =	sand.u32 $0x1FFFFFF0, s28;
	s28 =	spop (v2sf)  }
0x377: {  	[tilespmem:s29], [sflag:$0x1] =	stream.linear.gather [hbm4b:s0+s19], $0x80, $0x38;
	[tilespmem:$0x10600] =	vst v63  }
0x378: {  	(v2sf) =	vpush v1, $0x5;
	s30 =	rddreg [dreg:$0x6];
	s28 =	sand.u32 $0x1FFFFFF0, s28;
	s29 =	spop (v2sf)  }
0x379: {  	s0 =	sadd.s32 s30, s25;
	s30 =	rddreg [dreg:$0x5];
	s25 =	sand.u32 $0x1FFFFFF0, s29  }
0x37a: {  	(v2sf) =	vpush v2, $0x6;
	[tilespmem:s26], [sflag:$0x1] =	stream.linear.gather [hbm4b:s0+s19], $0x80, $0x38;
	[tilespmem:$0x10600] =	vst v63  }
0x37b: {  	s0 =	sadd.s32 s30, s28;
	s26 =	spop (v2sf);
	s28 =	rddreg [dreg:$0x6]  }
0x37c: {  	(v2sf) =	vpush v1, $0x6;
	[tilespmem:s17], [sflag:$0x1] =	stream.linear.gather [hbm4b:s0+s19], $0x80, $0x38;
	[tilespmem:$0x10600] =	vst v63  }
0x37d: {  	s31 =	sadd.s32 $0x980, s15;
	s30 =	spop (v2sf);
	s0 =	sadd.s32 s28, s25  }
0x37e: {  	(v2sf) =	vpush v2, $0x7;
	[tilespmem:s4], [sflag:$0x1] =	stream.linear.gather [hbm4b:s0+s19], $0x80, $0x38;
	[tilespmem:$0x10600] =	vst v63  }
0x37f: {  	s29 =	sand.u32 $0x1FFFFFF0, s26;
	s17 =	sand.u32 $0x1FFFFFF0, s30;
	s4 =	rddreg [dreg:$0x5]  }
0x380: {  	(v2sf) =	vpush v1, $0x7;
	s18 =	spop (v2sf);
	s25 =	rddreg [dreg:$0x6];
	s0 =	sadd.s32 s4, s29  }
0x381: {  	[tilespmem:s3], [sflag:$0x1] =	stream.linear.gather [hbm4b:s0+s19], $0x80, $0x38;
	[tilespmem:$0x10600] =	vst v63  }
0x382: {  	s26 =	sand.u32 $0x1FFFFFF0, s18;
	s29 =	rddreg [dreg:$0x5];
	s0 =	sadd.s32 s25, s17  }
0x383: {  	[tilespmem:s2], [sflag:$0x1] =	stream.linear.gather [hbm4b:s0+s19], $0x80, $0x38;
	[tilespmem:$0x10600] =	vst v63  }
0x384: {  	s17 =	smov.u32 s1;
	s28 =	spop (v2sf);
	s0 =	sadd.s32 s29, s26  }
0x385: {  	(v2sf) =	vpush v2, $0x8;
	s30 =	sand.u32 $0x1FFFFFF0, s28;
	s1 =	spop (v2sf);
	s26 =	rddreg [dreg:$0x5]  }
0x386: {  	[tilespmem:s14], [sflag:$0x1] =	stream.linear.gather [hbm4b:s0+s19], $0x80, $0x38;
	[tilespmem:$0x10600] =	vst v63  }
0x387: {  	(v2sf) =	vpush v1, $0x8;
	s18 =	sand.u32 $0x1FFFFFF0, s1;
	s25 =	spop (v2sf);
	s14 =	rddreg [dreg:$0x6]  }
0x388: {  	(v2sf) =	vpush v2, $0x9;
	s0 =	sadd.s32 s26, s18;
	s28 =	sand.u32 $0x1FFFFFF0, s25;
	s18 =	rddreg [dreg:$0x5]  }
0x389: {  	s4 =	sadd.s32 s14, s30;
	s29 =	spop (v2sf);
	s30 =	rddreg [dreg:$0x16]  }
0x38a: {  	(v2sf) =	vpush v1, $0x9;
	[tilespmem:s10], [sflag:$0x1] =	stream.linear.gather [hbm4b:s4+s19], $0x80, $0x38;
	[tilespmem:$0x10600] =	vst v63  }
0x38b: {  	s2 =	sadd.s32 s14, s28;
	s10 =	simm.s32 $0x0;
	s19 =	spop (v2sf)  }
0x38c: {  	(v2sf) =	vpush v2, $0xA;
	[tilespmem:s30], [sflag:$0x1] =	stream.linear.gather [hbm4b:s0+s10], $0x80, $0x38;
	[tilespmem:$0x10600] =	vst v63  }
0x38d: {  	s4 =	sand.u32 $0x1FFFFFF0, s29;
	s26 =	sand.u32 $0x1FFFFFF0, s19;
	s28 =	spop (v2sf)  }
0x38e: {  	[tilespmem:s9], [sflag:$0x1] =	stream.linear.gather [hbm4b:s2+s10], $0x80, $0x38;
	[tilespmem:$0x10600] =	vst v63  }
0x38f: {  	s25 =	sadd.s32 s18, s4;
	s29 =	sadd.s32 s14, s26;
	s1 =	spop (v2sf)  }
0x390: {  	(v2sf) =	vpush v1, $0xA;
	s9 =	smov.u32 s5;
	s30 =	sand.u32 $0x1FFFFFF0, s28;
	s5 =	sand.u32 $0x1FFFFFF0, s1  }
0x391: {  	[tilespmem:s8], [sflag:$0x1] =	stream.linear.gather [hbm4b:s25+s10], $0x80, $0x38;
	[tilespmem:$0x10600] =	vst v63  }
0x392: {  	(v2sf) =	vpush v2, $0xB;
	s4 =	sadd.s32 s18, s30;
	s30 =	rddreg [dreg:$0x14];
	s8 =	sadd.s32 s14, s5  }
0x393: {  	[tilespmem:s7], [sflag:$0x1] =	stream.linear.gather [hbm4b:s29+s10], $0x80, $0x38;
	[tilespmem:$0x10600] =	vst v63  }
0x394: {  	(v2sf) =	vpush v1, $0xB;
	s25 =	rddreg [dreg:$0x18];
	s7 =	smov.u32 s6;
	s6 =	spop (v2sf)  }
0x395: {  	[tilespmem:s13], [sflag:$0x1] =	stream.linear.gather [hbm4b:s4+s10], $0x80, $0x38;
	[tilespmem:$0x10600] =	vst v63  }
0x396: {  	s13 =	sand.u32 $0x1FFFFFF0, s6;
	s19 =	spop (v2sf);
	s6 =	rddreg [dreg:$0x12]  }
0x397: {  	(v2sf) =	vpush v2, $0xC;
	s26 =	sadd.s32 s18, s13;
	s28 =	sand.u32 $0x1FFFFFF0, s19;
	s29 =	spop (v2sf)  }
0x398: {  	[tilespmem:s25], [sflag:$0x1] =	stream.linear.gather [hbm4b:s8+s10], $0x80, $0x38;
	[tilespmem:$0x10600] =	vst v63  }
0x399: {  	(v2sf) =	vpush v1, $0xC;
	s2 =	sadd.s32 s14, s28;
	s4 =	sand.u32 $0x1FFFFFF0, s29;
	s5 =	spop (v2sf)  }
0x39a: {  	[tilespmem:s30], [sflag:$0x1] =	stream.linear.gather [hbm4b:s26+s10], $0x80, $0x38;
	[tilespmem:$0x10600] =	vst v63  }
0x39b: {  	s25 =	rddreg [dreg:$0xc];
	s13 =	sand.u32 $0x1FFFFFF0, s5;
	s19 =	spop (v2sf)  }
0x39c: {  	[tilespmem:s6], [sflag:$0x1] =	stream.linear.gather [hbm4b:s2+s10], $0x80, $0x38;
	[tilespmem:$0x10600] =	vst v63  }
0x39d: {  	s8 =	sadd.s32 s18, s4;
	s26 =	sadd.s32 s14, s13;
	s28 =	sand.u32 $0x1FFFFFF0, s19  }
0x39e: {  	[tilespmem:s25], [sflag:$0x1] =	stream.linear.gather [hbm4b:s8+s10], $0x80, $0x38;
	[tilespmem:$0x10600] =	vst v63  }
0x39f: {  	s30 =	rddreg [dreg:$0x10];
	s29 =	spop (v2sf);
	s3 =	sadd.s32 s18, s28  }
0x3a0: {  	[tilespmem:s30], [sflag:$0x1] =	stream.linear.gather [hbm4b:s26+s10], $0x80, $0x38;
	[tilespmem:$0x10600] =	vst v63  }
0x3a1: {  	s6 =	rddreg [dreg:$0xe];
	s4 =	sand.u32 $0x1FFFFFF0, s29;
	s5 =	spop (v2sf)  }
0x3a2: {  	[tilespmem:s6], [sflag:$0x1] =	stream.linear.gather [hbm4b:s3+s10], $0x80, $0x38;
	[tilespmem:$0x10600] =	vst v63  }
0x3a3: {  	s8 =	sadd.s32 s14, s4;
	s25 =	rddreg [dreg:$0x8];
	s19 =	spop (v2sf)  }
0x3a4: {  	(v2sf) =	vpush v2, $0xD;
	[tilespmem:s25], [sflag:$0x1] =	stream.linear.gather [hbm4b:s8+s10], $0x80, $0x38;
	[tilespmem:$0x10600] =	vst v63  }
.Ltmp3:
0x3a5: {  	(v2sf) =	vpush v1, $0xD;
	s13 =	sand.u32 $0x1FFFFFF0, s5;
	s28 =	sand.u32 $0x1FFFFFF0, s19;
	(pc) =	sbr.rel @p0 .LBB2_8-.Ltmp3, $4  }
0x3a6: {  	(v2sf) =	vpush v2, $0xE;
	s26 =	sadd.s32 s18, s13;
	s30 =	sadd.s32 s14, s28;
	s29 =	spop (v2sf)  }
0x3a7: {  	(v2sf) =	vpush v1, $0xE;
	[tilespmem:s31], [sflag:$0x1] =	stream.linear.gather [hbm4b:s26+s10], $0x80, $0x38;
	[tilespmem:$0x10600] =	vst v63  }
0x3a8: {  	(v2sf) =	vpush v2, $0xF;
	s0 =	sand.u32 $0x1FFFFFF0, s29;
	s1 =	spop (v2sf);
	s31 =	rddreg [dreg:$0xa]  }
0x3a9: {  	(v2sf) =	vpush v1, $0xF;
	[tilespmem:s31], [sflag:$0x1] =	stream.linear.gather [hbm4b:s30+s10], $0x80, $0x38;
	[tilespmem:$0x10600] =	vst v63  }
0x3aa: {  	_ =	sdelay $0x4  }
0x3ab: {  	s0 =	sadd.s32 s18, s0;
	s1 =	sand.u32 $0x1FFFFFF0, s1  }
0x3ac: {  	[tilespmem:s24], [sflag:$0x1] =	stream.linear.gather [hbm4b:s0+s10], $0x80, $0x38;
	[tilespmem:$0x10600] =	vst v63  }
0x3ad: {  	s4 =	sadd.s32 s14, s1  }
0x3ae: {  	[tilespmem:s9], [sflag:$0x1] =	stream.linear.gather [hbm4b:s4+s10], $0x80, $0x38;
	[tilespmem:$0x10600] =	vst v63  }
0x3af: {  	s2 =	spop (v2sf)  }
0x3b0: {  	s5 =	sand.u32 $0x1FFFFFF0, s2;
	s6 =	spop (v2sf)  }
0x3b1: {  	s8 =	sadd.s32 s18, s5;
	s9 =	sand.u32 $0x1FFFFFF0, s6;
	s13 =	spop (v2sf)  }
0x3b2: {  	[tilespmem:s17], [sflag:$0x1] =	stream.linear.gather [hbm4b:s8+s10], $0x80, $0x38;
	[tilespmem:$0x10600] =	vst v63  }
0x3b3: {  	s16 =	sadd.s32 s14, s9;
	s17 =	sand.u32 $0x1FFFFFF0, s13;
	s19 =	spop (v2sf)  }
0x3b4: {  	[tilespmem:s7], [sflag:$0x1] =	stream.linear.gather [hbm4b:s16+s10], $0x80, $0x38;
	[tilespmem:$0x10600] =	vst v63  }
0x3b5: {  	s20 =	sadd.s32 s18, s17;
	s21 =	sand.u32 $0x1FFFFFF0, s19;
	s24 =	spop (v2sf)  }
0x3b6: {  	[tilespmem:s23], [sflag:$0x1] =	stream.linear.gather [hbm4b:s20+s10], $0x80, $0x38;
	[tilespmem:$0x10600] =	vst v63  }
0x3b7: {  	s25 =	sadd.s32 s14, s21;
	s26 =	sand.u32 $0x1FFFFFF0, s24;
	s28 =	spop (v2sf)  }
0x3b8: {  	[tilespmem:s22], [sflag:$0x1] =	stream.linear.gather [hbm4b:s25+s10], $0x80, $0x38;
	[tilespmem:$0x10600] =	vst v63  }
0x3b9: {  	s29 =	sadd.s32 $0xB80, s15;
	s1 =	sadd.s32 s18, s26;
	s2 =	sand.u32 $0x1FFFFFF0, s28  }
0x3ba: {  	[tilespmem:s29], [sflag:$0x1] =	stream.linear.gather [hbm4b:s1+s10], $0x80, $0x38;
	[tilespmem:$0x10600] =	vst v63  }
0x3bb: {  	s30 =	sadd.s32 $0x8B80, s15;
	s31 =	sadd.s32 s14, s2;
	s1 =	simm.s32 $0x1  }
0x3bc: {  	[tilespmem:s30], [sflag:$0x1] =	stream.linear.gather [hbm4b:s31+s10], $0x80, $0x38;
	[tilespmem:$0x10600] =	vst v63  }
0x3bd: {  	_ =	swait.ge [sflag:s1], $0x80  }
0x3be: {  	[sflag:s1] =	ssyncset.done $0x0  }
0x3bf: {  	[sflag:s1] =	ssyncadd.s32 $0xFFFFFF80  }
0x3c0: {  	_ =	swait.ge [sflag:s1], $0x80  }
0x3c1: {  	s0 =	simm.s32 $0xFF;
	[sflag:s1] =	ssyncset.done $0x0  }
.LBB2_10:
0x3c2: {  	p0 =	sne.s32 s0, $0x1;
	s0 =	sadd.s32 $0xFFFFFFFF, s0;
	[sflag:s1] =	ssyncadd.s32 $0xFFFFFF80  }
.Ltmp4:
0x3c3: {  	_ =	swait.ge [sflag:s1], $0x80;
	(pc) =	sbr.rel @p0 .LBB2_10-.Ltmp4, $4  }
0x3c4: {  	[sflag:s1] =	ssyncset.done $0x0  }
0x3c5: {  	[sflag:s1] =	ssyncadd.s32 $0xFFFFFF80  }
0x3c6: {  	_ =	swait.ge [sflag:s1], $0x80  }
0x3c7: {  	[sflag:s1] =	ssyncset.done $0x0  }
0x3c8: {  	s16 =	simm.s32 $0x0  }
0x3c9: {  	v1 =	vmov s16  }
0x3ca: {  	v1 =	vshll.u32 v1, $0x7  }
0x3cb: {  	v1 =	vor.u32 v0, v1;
	_ =	sdelay $0x1  }
0x3cc: {  	v2 =	vor.u32 $0x1, v1;
	_ =	sdelay $0x1  }
0x3cd: {  	[sflag:s1] =	ssyncadd.s32 $0xFFFFFF80;
	v3 =	vor.u32 $0x2, v1  }
0x3ce: {  	v4 =	vld.idx.msk [tilespmem:v1+s12+$0x0], $0xffff  }
0x3cf: {  	v6 =	vor.u32 $0x3, v1;
	v5 =	vld.idx.msk [tilespmem:v1+s11+$0x0], $0xffff  }
0x3d0: {  	v7 =	vld.idx.msk [tilespmem:v2+s11+$0x0], $0xffff  }
0x3d1: {  	v8 =	vor.u32 $0x4, v1;
	v2 =	vld.idx.msk [tilespmem:v2+s12+$0x0], $0xffff  }
0x3d2: {  	v9 =	vld.idx.msk [tilespmem:v3+s11+$0x0], $0xffff  }
0x3d3: {  	v10 =	vor.u32 $0x5, v1;
	v3 =	vld.idx.msk [tilespmem:v3+s12+$0x0], $0xffff  }
0x3d4: {  	v11 =	vld.idx.msk [tilespmem:v6+s11+$0x0], $0xffff;
	v4 =	vmul.f32 v4, v5  }
0x3d5: {  	v5 =	vld.idx.msk [tilespmem:v6+s12+$0x0], $0xffff;
	v6 =	vor.u32 $0x6, v1  }
0x3d6: {  	v12 =	vld.idx.msk [tilespmem:v8+s11+$0x0], $0xffff;
	v2 =	vmul.f32 v2, v7;
	v4 =	vadd.f32 $0.0e+00, v4  }
0x3d7: {  	v18 =	vor.u32 $0x7, v1;
	v7 =	vld.idx.msk [tilespmem:v8+s12+$0x0], $0xffff  }
0x3d8: {  	v13 =	vld.idx.msk [tilespmem:v10+s11+$0x0], $0xffff;
	v3 =	vmul.f32 v3, v9;
	v2 =	vadd.f32 v2, v4  }
0x3d9: {  	v19 =	vor.u32 $0x8, v1;
	v4 =	vld.idx.msk [tilespmem:v10+s12+$0x0], $0xffff  }
0x3da: {  	v20 =	vld.idx.msk [tilespmem:v6+s11+$0x0], $0xffff;
	v2 =	vadd.f32 v3, v2;
	v3 =	vmul.f32 v5, v11  }
0x3db: {  	v5 =	vld.idx.msk [tilespmem:v6+s12+$0x0], $0xffff;
	v6 =	vor.u32 $0x9, v1  }
0x3dc: {  	v21 =	vld.idx.msk [tilespmem:v18+s11+$0x0], $0xffff;
	v2 =	vadd.f32 v3, v2;
	v3 =	vmul.f32 v7, v12  }
0x3dd: {  	v22 =	vor.u32 $0xA, v1;
	v7 =	vld.idx.msk [tilespmem:v18+s12+$0x0], $0xffff  }
0x3de: {  	v23 =	vld.idx.msk [tilespmem:v19+s11+$0x0], $0xffff;
	v2 =	vadd.f32 v3, v2;
	v3 =	vmul.f32 v4, v13  }
0x3df: {  	v24 =	vor.u32 $0xB, v1;
	v4 =	vld.idx.msk [tilespmem:v19+s12+$0x0], $0xffff  }
0x3e0: {  	v25 =	vld.idx.msk [tilespmem:v6+s11+$0x0], $0xffff;
	v2 =	vadd.f32 v3, v2;
	v3 =	vmul.f32 v5, v20  }
0x3e1: {  	v5 =	vld.idx.msk [tilespmem:v6+s12+$0x0], $0xffff;
	v6 =	vor.u32 $0xC, v1  }
0x3e2: {  	v26 =	vld.idx.msk [tilespmem:v22+s11+$0x0], $0xffff;
	v2 =	vadd.f32 v3, v2;
	v3 =	vmul.f32 v7, v21  }
0x3e3: {  	v27 =	vor.u32 $0xD, v1;
	v7 =	vld.idx.msk [tilespmem:v22+s12+$0x0], $0xffff  }
0x3e4: {  	v28 =	vld.idx.msk [tilespmem:v24+s11+$0x0], $0xffff;
	v2 =	vadd.f32 v3, v2;
	v3 =	vmul.f32 v4, v23  }
0x3e5: {  	v29 =	vor.u32 $0xE, v1;
	v4 =	vld.idx.msk [tilespmem:v24+s12+$0x0], $0xffff  }
0x3e6: {  	v30 =	vld.idx.msk [tilespmem:v6+s11+$0x0], $0xffff;
	v2 =	vadd.f32 v3, v2;
	v3 =	vmul.f32 v5, v25  }
0x3e7: {  	v5 =	vld.idx.msk [tilespmem:v6+s12+$0x0], $0xffff;
	v6 =	vor.u32 $0xF, v1  }
0x3e8: {  	v31 =	vld.idx.msk [tilespmem:v27+s11+$0x0], $0xffff;
	v2 =	vadd.f32 v3, v2;
	v3 =	vmul.f32 v7, v26  }
0x3e9: {  	v32 =	vor.u32 $0x10, v1;
	v7 =	vld.idx.msk [tilespmem:v27+s12+$0x0], $0xffff  }
0x3ea: {  	v33 =	vld.idx.msk [tilespmem:v29+s11+$0x0], $0xffff;
	v2 =	vadd.f32 v3, v2;
	v3 =	vmul.f32 v4, v28  }
0x3eb: {  	v34 =	vor.u32 $0x11, v1;
	v4 =	vld.idx.msk [tilespmem:v29+s12+$0x0], $0xffff  }
0x3ec: {  	v35 =	vld.idx.msk [tilespmem:v6+s11+$0x0], $0xffff;
	v2 =	vadd.f32 v3, v2;
	v3 =	vmul.f32 v5, v30  }
0x3ed: {  	v5 =	vld.idx.msk [tilespmem:v6+s12+$0x0], $0xffff;
	v6 =	vor.u32 $0x12, v1  }
0x3ee: {  	v36 =	vld.idx.msk [tilespmem:v32+s11+$0x0], $0xffff;
	v2 =	vadd.f32 v3, v2;
	v3 =	vmul.f32 v7, v31  }
0x3ef: {  	v37 =	vor.u32 $0x13, v1;
	v7 =	vld.idx.msk [tilespmem:v32+s12+$0x0], $0xffff  }
0x3f0: {  	v38 =	vld.idx.msk [tilespmem:v34+s11+$0x0], $0xffff;
	v2 =	vadd.f32 v3, v2;
	v3 =	vmul.f32 v4, v33  }
0x3f1: {  	v39 =	vor.u32 $0x14, v1;
	v4 =	vld.idx.msk [tilespmem:v34+s12+$0x0], $0xffff  }
0x3f2: {  	v40 =	vld.idx.msk [tilespmem:v6+s11+$0x0], $0xffff;
	v2 =	vadd.f32 v3, v2;
	v3 =	vmul.f32 v5, v35  }
0x3f3: {  	v5 =	vld.idx.msk [tilespmem:v6+s12+$0x0], $0xffff;
	v6 =	vor.u32 $0x15, v1  }
0x3f4: {  	v41 =	vld.idx.msk [tilespmem:v37+s11+$0x0], $0xffff;
	v2 =	vadd.f32 v3, v2;
	v3 =	vmul.f32 v7, v36  }
0x3f5: {  	v42 =	vor.u32 $0x16, v1;
	v7 =	vld.idx.msk [tilespmem:v37+s12+$0x0], $0xffff  }
0x3f6: {  	v43 =	vld.idx.msk [tilespmem:v39+s11+$0x0], $0xffff;
	v2 =	vadd.f32 v3, v2;
	v3 =	vmul.f32 v4, v38  }
0x3f7: {  	v44 =	vor.u32 $0x17, v1;
	v4 =	vld.idx.msk [tilespmem:v39+s12+$0x0], $0xffff  }
0x3f8: {  	v45 =	vld.idx.msk [tilespmem:v6+s11+$0x0], $0xffff;
	v2 =	vadd.f32 v3, v2;
	v3 =	vmul.f32 v5, v40  }
0x3f9: {  	v5 =	vld.idx.msk [tilespmem:v6+s12+$0x0], $0xffff;
	v6 =	vor.u32 $0x18, v1  }
0x3fa: {  	v46 =	vld.idx.msk [tilespmem:v42+s11+$0x0], $0xffff;
	v2 =	vadd.f32 v3, v2;
	v3 =	vmul.f32 v7, v41  }
0x3fb: {  	v47 =	vor.u32 $0x19, v1;
	v7 =	vld.idx.msk [tilespmem:v42+s12+$0x0], $0xffff  }
0x3fc: {  	v48 =	vld.idx.msk [tilespmem:v44+s11+$0x0], $0xffff;
	v2 =	vadd.f32 v3, v2;
	v3 =	vmul.f32 v4, v43  }
0x3fd: {  	v49 =	vor.u32 $0x1A, v1;
	v4 =	vld.idx.msk [tilespmem:v44+s12+$0x0], $0xffff  }
0x3fe: {  	v50 =	vld.idx.msk [tilespmem:v6+s11+$0x0], $0xffff;
	v2 =	vadd.f32 v3, v2;
	v3 =	vmul.f32 v5, v45  }
0x3ff: {  	v5 =	vld.idx.msk [tilespmem:v6+s12+$0x0], $0xffff;
	v6 =	vor.u32 $0x1B, v1  }
0x400: {  	v51 =	vld.idx.msk [tilespmem:v47+s11+$0x0], $0xffff;
	v2 =	vadd.f32 v3, v2;
	v3 =	vmul.f32 v7, v46  }
0x401: {  	v52 =	vor.u32 $0x1C, v1;
	v7 =	vld.idx.msk [tilespmem:v47+s12+$0x0], $0xffff  }
0x402: {  	v53 =	vld.idx.msk [tilespmem:v49+s11+$0x0], $0xffff;
	v2 =	vadd.f32 v3, v2;
	v3 =	vmul.f32 v4, v48  }
0x403: {  	v54 =	vor.u32 $0x1D, v1;
	v4 =	vld.idx.msk [tilespmem:v49+s12+$0x0], $0xffff  }
0x404: {  	v55 =	vld.idx.msk [tilespmem:v6+s11+$0x0], $0xffff;
	v2 =	vadd.f32 v3, v2;
	v3 =	vmul.f32 v5, v50  }
0x405: {  	v5 =	vld.idx.msk [tilespmem:v6+s12+$0x0], $0xffff;
	v6 =	vor.u32 $0x1E, v1  }
0x406: {  	v56 =	vld.idx.msk [tilespmem:v52+s11+$0x0], $0xffff;
	v2 =	vadd.f32 v3, v2;
	v3 =	vmul.f32 v7, v51  }
0x407: {  	v57 =	vor.u32 $0x1F, v1;
	v7 =	vld.idx.msk [tilespmem:v52+s12+$0x0], $0xffff  }
0x408: {  	v58 =	vld.idx.msk [tilespmem:v54+s11+$0x0], $0xffff;
	v2 =	vadd.f32 v3, v2;
	v3 =	vmul.f32 v4, v53  }
0x409: {  	v59 =	vor.u32 $0x20, v1;
	v4 =	vld.idx.msk [tilespmem:v54+s12+$0x0], $0xffff  }
0x40a: {  	v60 =	vld.idx.msk [tilespmem:v6+s11+$0x0], $0xffff;
	v2 =	vadd.f32 v3, v2;
	v3 =	vmul.f32 v5, v55  }
0x40b: {  	v5 =	vld.idx.msk [tilespmem:v6+s12+$0x0], $0xffff;
	v6 =	vor.u32 $0x21, v1  }
0x40c: {  	v61 =	vld.idx.msk [tilespmem:v57+s11+$0x0], $0xffff;
	v2 =	vadd.f32 v3, v2;
	v3 =	vmul.f32 v7, v56  }
0x40d: {  	v62 =	vor.u32 $0x22, v1;
	v7 =	vld.idx.msk [tilespmem:v57+s12+$0x0], $0xffff  }
0x40e: {  	v63 =	vld.idx.msk [tilespmem:v59+s11+$0x0], $0xffff;
	v2 =	vadd.f32 v3, v2;
	v3 =	vmul.f32 v4, v58  }
0x40f: {  	v16 =	vor.u32 $0x23, v1;
	v4 =	vld.idx.msk [tilespmem:v59+s12+$0x0], $0xffff  }
0x410: {  	v17 =	vld.idx.msk [tilespmem:v6+s11+$0x0], $0xffff;
	v2 =	vadd.f32 v3, v2;
	v3 =	vmul.f32 v5, v60  }
0x411: {  	v5 =	vld.idx.msk [tilespmem:v6+s12+$0x0], $0xffff;
	v6 =	vor.u32 $0x24, v1  }
0x412: {  	v18 =	vld.idx.msk [tilespmem:v62+s11+$0x0], $0xffff;
	v2 =	vadd.f32 v3, v2;
	v3 =	vmul.f32 v7, v61  }
0x413: {  	v19 =	vor.u32 $0x25, v1;
	v7 =	vld.idx.msk [tilespmem:v62+s12+$0x0], $0xffff  }
0x414: {  	v20 =	vld.idx.msk [tilespmem:v16+s11+$0x0], $0xffff;
	v2 =	vadd.f32 v3, v2;
	v3 =	vmul.f32 v4, v63  }
0x415: {  	v21 =	vor.u32 $0x26, v1;
	v4 =	vld.idx.msk [tilespmem:v16+s12+$0x0], $0xffff  }
0x416: {  	v22 =	vld.idx.msk [tilespmem:v6+s11+$0x0], $0xffff;
	v2 =	vadd.f32 v3, v2;
	v3 =	vmul.f32 v5, v17  }
0x417: {  	v5 =	vld.idx.msk [tilespmem:v6+s12+$0x0], $0xffff;
	v6 =	vor.u32 $0x27, v1  }
0x418: {  	v23 =	vld.idx.msk [tilespmem:v19+s11+$0x0], $0xffff;
	v2 =	vadd.f32 v3, v2;
	v3 =	vmul.f32 v7, v18  }
0x419: {  	v24 =	vor.u32 $0x28, v1;
	v7 =	vld.idx.msk [tilespmem:v19+s12+$0x0], $0xffff  }
0x41a: {  	v25 =	vld.idx.msk [tilespmem:v21+s11+$0x0], $0xffff;
	v2 =	vadd.f32 v3, v2;
	v3 =	vmul.f32 v4, v20  }
0x41b: {  	v26 =	vor.u32 $0x29, v1;
	v4 =	vld.idx.msk [tilespmem:v21+s12+$0x0], $0xffff  }
0x41c: {  	v27 =	vld.idx.msk [tilespmem:v6+s11+$0x0], $0xffff;
	v2 =	vadd.f32 v3, v2;
	v3 =	vmul.f32 v5, v22  }
0x41d: {  	v5 =	vld.idx.msk [tilespmem:v6+s12+$0x0], $0xffff;
	v6 =	vor.u32 $0x2A, v1  }
0x41e: {  	v28 =	vld.idx.msk [tilespmem:v24+s11+$0x0], $0xffff;
	v2 =	vadd.f32 v3, v2;
	v3 =	vmul.f32 v7, v23  }
0x41f: {  	v29 =	vor.u32 $0x2B, v1;
	v7 =	vld.idx.msk [tilespmem:v24+s12+$0x0], $0xffff  }
0x420: {  	v30 =	vld.idx.msk [tilespmem:v26+s11+$0x0], $0xffff;
	v2 =	vadd.f32 v3, v2;
	v3 =	vmul.f32 v4, v25  }
0x421: {  	v31 =	vor.u32 $0x2C, v1;
	v4 =	vld.idx.msk [tilespmem:v26+s12+$0x0], $0xffff  }
0x422: {  	v32 =	vld.idx.msk [tilespmem:v6+s11+$0x0], $0xffff;
	v2 =	vadd.f32 v3, v2;
	v3 =	vmul.f32 v5, v27  }
0x423: {  	v5 =	vld.idx.msk [tilespmem:v6+s12+$0x0], $0xffff;
	v6 =	vor.u32 $0x2D, v1  }
0x424: {  	v33 =	vld.idx.msk [tilespmem:v29+s11+$0x0], $0xffff;
	v2 =	vadd.f32 v3, v2;
	v3 =	vmul.f32 v7, v28  }
0x425: {  	v34 =	vor.u32 $0x2E, v1;
	v7 =	vld.idx.msk [tilespmem:v29+s12+$0x0], $0xffff  }
0x426: {  	v35 =	vld.idx.msk [tilespmem:v31+s11+$0x0], $0xffff;
	v2 =	vadd.f32 v3, v2;
	v3 =	vmul.f32 v4, v30  }
0x427: {  	v36 =	vor.u32 $0x2F, v1;
	v4 =	vld.idx.msk [tilespmem:v31+s12+$0x0], $0xffff  }
0x428: {  	v37 =	vld.idx.msk [tilespmem:v6+s11+$0x0], $0xffff;
	v2 =	vadd.f32 v3, v2;
	v3 =	vmul.f32 v5, v32  }
0x429: {  	v5 =	vld.idx.msk [tilespmem:v6+s12+$0x0], $0xffff;
	v6 =	vor.u32 $0x30, v1  }
0x42a: {  	v38 =	vld.idx.msk [tilespmem:v34+s11+$0x0], $0xffff;
	v2 =	vadd.f32 v3, v2;
	v3 =	vmul.f32 v7, v33  }
0x42b: {  	v39 =	vor.u32 $0x31, v1;
	v7 =	vld.idx.msk [tilespmem:v34+s12+$0x0], $0xffff  }
0x42c: {  	v40 =	vld.idx.msk [tilespmem:v36+s11+$0x0], $0xffff;
	v2 =	vadd.f32 v3, v2;
	v3 =	vmul.f32 v4, v35  }
0x42d: {  	v41 =	vor.u32 $0x32, v1;
	v4 =	vld.idx.msk [tilespmem:v36+s12+$0x0], $0xffff  }
0x42e: {  	v42 =	vld.idx.msk [tilespmem:v6+s11+$0x0], $0xffff;
	v2 =	vadd.f32 v3, v2;
	v3 =	vmul.f32 v5, v37  }
0x42f: {  	v5 =	vld.idx.msk [tilespmem:v6+s12+$0x0], $0xffff;
	v6 =	vor.u32 $0x33, v1  }
0x430: {  	v43 =	vld.idx.msk [tilespmem:v39+s11+$0x0], $0xffff;
	v2 =	vadd.f32 v3, v2;
	v3 =	vmul.f32 v7, v38  }
0x431: {  	v44 =	vor.u32 $0x34, v1;
	v7 =	vld.idx.msk [tilespmem:v39+s12+$0x0], $0xffff  }
0x432: {  	v45 =	vld.idx.msk [tilespmem:v41+s11+$0x0], $0xffff;
	v2 =	vadd.f32 v3, v2;
	v3 =	vmul.f32 v4, v40  }
0x433: {  	v46 =	vor.u32 $0x35, v1;
	v4 =	vld.idx.msk [tilespmem:v41+s12+$0x0], $0xffff  }
0x434: {  	v47 =	vld.idx.msk [tilespmem:v6+s11+$0x0], $0xffff;
	v2 =	vadd.f32 v3, v2;
	v3 =	vmul.f32 v5, v42  }
0x435: {  	v5 =	vld.idx.msk [tilespmem:v6+s12+$0x0], $0xffff;
	v6 =	vor.u32 $0x36, v1  }
0x436: {  	v48 =	vld.idx.msk [tilespmem:v44+s11+$0x0], $0xffff;
	v2 =	vadd.f32 v3, v2;
	v3 =	vmul.f32 v7, v43  }
0x437: {  	v49 =	vor.u32 $0x37, v1;
	v7 =	vld.idx.msk [tilespmem:v44+s12+$0x0], $0xffff  }
0x438: {  	v50 =	vld.idx.msk [tilespmem:v46+s11+$0x0], $0xffff;
	v2 =	vadd.f32 v3, v2;
	v3 =	vmul.f32 v4, v45  }
0x439: {  	v51 =	vor.u32 $0x38, v1;
	v4 =	vld.idx.msk [tilespmem:v46+s12+$0x0], $0xffff  }
0x43a: {  	v52 =	vld.idx.msk [tilespmem:v6+s11+$0x0], $0xffff;
	v2 =	vadd.f32 v3, v2;
	v3 =	vmul.f32 v5, v47  }
0x43b: {  	v5 =	vld.idx.msk [tilespmem:v6+s12+$0x0], $0xffff;
	v6 =	vor.u32 $0x39, v1  }
0x43c: {  	v53 =	vld.idx.msk [tilespmem:v49+s11+$0x0], $0xffff;
	v2 =	vadd.f32 v3, v2;
	v3 =	vmul.f32 v7, v48  }
0x43d: {  	v54 =	vor.u32 $0x3A, v1;
	v7 =	vld.idx.msk [tilespmem:v49+s12+$0x0], $0xffff  }
0x43e: {  	v55 =	vld.idx.msk [tilespmem:v51+s11+$0x0], $0xffff;
	v2 =	vadd.f32 v3, v2;
	v3 =	vmul.f32 v4, v50  }
0x43f: {  	v56 =	vor.u32 $0x3B, v1;
	v4 =	vld.idx.msk [tilespmem:v51+s12+$0x0], $0xffff  }
0x440: {  	v57 =	vld.idx.msk [tilespmem:v6+s11+$0x0], $0xffff;
	v2 =	vadd.f32 v3, v2;
	v3 =	vmul.f32 v5, v52  }
0x441: {  	v5 =	vld.idx.msk [tilespmem:v6+s12+$0x0], $0xffff;
	v6 =	vor.u32 $0x3C, v1  }
0x442: {  	v58 =	vld.idx.msk [tilespmem:v54+s11+$0x0], $0xffff;
	v2 =	vadd.f32 v3, v2;
	v3 =	vmul.f32 v7, v53  }
0x443: {  	v7 =	vld.idx.msk [tilespmem:v54+s12+$0x0], $0xffff  }
0x444: {  	v60 =	vld.idx.msk [tilespmem:v56+s11+$0x0], $0xffff;
	v2 =	vadd.f32 v3, v2;
	v3 =	vmul.f32 v4, v55  }
0x445: {  	v59 =	vor.u32 $0x3D, v1;
	v4 =	vld.idx.msk [tilespmem:v56+s12+$0x0], $0xffff  }
0x446: {  	v62 =	vld.idx.msk [tilespmem:v6+s11+$0x0], $0xffff;
	v2 =	vadd.f32 v3, v2;
	v3 =	vmul.f32 v5, v57  }
0x447: {  	v61 =	vor.u32 $0x3E, v1;
	v5 =	vld.idx.msk [tilespmem:v6+s12+$0x0], $0xffff  }
0x448: {  	v2 =	vadd.f32 v3, v2;
	v3 =	vmul.f32 v7, v58  }
0x449: {  	v1 =	vor.u32 $0x3F, v1  }
0x44a: {  	v6 =	vld.idx.msk [tilespmem:v59+s11+$0x0], $0xffff;
	v2 =	vadd.f32 v3, v2;
	v3 =	vmul.f32 v4, v60  }
0x44b: {  	v7 =	vld.idx.msk [tilespmem:v59+s12+$0x0], $0xffff  }
0x44c: {  	v63 =	vld.idx.msk [tilespmem:v61+s11+$0x0], $0xffff;
	v2 =	vadd.f32 v3, v2;
	v3 =	vmul.f32 v5, v62  }
0x44d: {  	v9 =	vld.idx.msk [tilespmem:v61+s12+$0x0], $0xffff  }
0x44e: {  	v4 =	vadd.f32 v3, v2;
	v2 =	vld.idx.msk [tilespmem:v1+s11+$0x0], $0xffff  }
0x44f: {  	v3 =	vld.idx.msk [tilespmem:v1+s12+$0x0], $0xffff  }
0x450: {  	v5 =	vmul.f32 v7, v6  }
0x451: {  	s15 =	simm.s32 $0x10  }
0x452: {  	v6 =	vmov s15;
	v4 =	vadd.f32 v5, v4;
	v5 =	vmul.f32 v9, v63  }
0x453: {  	s17 =	simm.s32 $0x20;
	s2 =	simm.s32 $0x2;
	v1 =	vshll.u32 v6, $0x7  }
.LBB2_12:
0x454: {  	p0 =	sne.s32 s17, $0xF0;
	v1 =	vor.u32 v0, v1;
	v4 =	vadd.f32 v5, v4;
	v2 =	vmul.f32 v3, v2;
	_ =	sdelay $0x1  }
0x455: {  	v3 =	vor.u32 $0x1, v1;
	v2 =	vadd.f32 v2, v4  }
0x456: {  	s0 =	sand.u32 $0xF0, s16;
	s16 =	smov.u32 s15;
	s15 =	smov.u32 s17  }
0x457: {  	v4 =	vor.u32 $0x2, v1;
	[tilespmem:s0+$0x10500] =	vst v2  }
0x458: {  	v2 =	vld.idx.msk [tilespmem:v1+s12+$0x0], $0xffff  }
0x459: {  	v6 =	vor.u32 $0x3, v1;
	v5 =	vld.idx.msk [tilespmem:v1+s11+$0x0], $0xffff  }
0x45a: {  	v7 =	vld.idx.msk [tilespmem:v3+s11+$0x0], $0xffff  }
0x45b: {  	v8 =	vor.u32 $0x4, v1;
	v3 =	vld.idx.msk [tilespmem:v3+s12+$0x0], $0xffff  }
0x45c: {  	v9 =	vld.idx.msk [tilespmem:v4+s11+$0x0], $0xffff  }
0x45d: {  	v10 =	vor.u32 $0x5, v1;
	v4 =	vld.idx.msk [tilespmem:v4+s12+$0x0], $0xffff  }
0x45e: {  	v11 =	vld.idx.msk [tilespmem:v6+s11+$0x0], $0xffff  }
0x45f: {  	v2 =	vmul.f32 v2, v5;
	v5 =	vld.idx.msk [tilespmem:v6+s12+$0x0], $0xffff;
	v6 =	vor.u32 $0x6, v1  }
0x460: {  	v12 =	vld.idx.msk [tilespmem:v8+s11+$0x0], $0xffff  }
0x461: {  	v2 =	vadd.f32 $0.0e+00, v2;
	v3 =	vmul.f32 v3, v7;
	v7 =	vld.idx.msk [tilespmem:v8+s12+$0x0], $0xffff;
	v8 =	vor.u32 $0x7, v1  }
0x462: {  	v13 =	vld.idx.msk [tilespmem:v10+s11+$0x0], $0xffff  }
0x463: {  	v2 =	vadd.f32 v3, v2;
	v3 =	vmul.f32 v4, v9;
	v9 =	vor.u32 $0x8, v1;
	v4 =	vld.idx.msk [tilespmem:v10+s12+$0x0], $0xffff  }
0x464: {  	v10 =	vld.idx.msk [tilespmem:v6+s11+$0x0], $0xffff  }
0x465: {  	v2 =	vadd.f32 v3, v2;
	v3 =	vmul.f32 v5, v11;
	v5 =	vld.idx.msk [tilespmem:v6+s12+$0x0], $0xffff;
	v6 =	vor.u32 $0x9, v1  }
0x466: {  	v11 =	vld.idx.msk [tilespmem:v8+s11+$0x0], $0xffff  }
0x467: {  	v2 =	vadd.f32 v3, v2;
	v3 =	vmul.f32 v7, v12;
	v7 =	vld.idx.msk [tilespmem:v8+s12+$0x0], $0xffff;
	v8 =	vor.u32 $0xA, v1  }
0x468: {  	v12 =	vld.idx.msk [tilespmem:v9+s11+$0x0], $0xffff  }
0x469: {  	v2 =	vadd.f32 v3, v2;
	v3 =	vmul.f32 v4, v13;
	v4 =	vld.idx.msk [tilespmem:v9+s12+$0x0], $0xffff;
	v9 =	vor.u32 $0xB, v1  }
0x46a: {  	v13 =	vld.idx.msk [tilespmem:v6+s11+$0x0], $0xffff  }
0x46b: {  	v2 =	vadd.f32 v3, v2;
	v3 =	vmul.f32 v5, v10;
	v5 =	vld.idx.msk [tilespmem:v6+s12+$0x0], $0xffff;
	v6 =	vor.u32 $0xC, v1  }
0x46c: {  	v10 =	vld.idx.msk [tilespmem:v8+s11+$0x0], $0xffff  }
0x46d: {  	v2 =	vadd.f32 v3, v2;
	v3 =	vmul.f32 v7, v11;
	v7 =	vld.idx.msk [tilespmem:v8+s12+$0x0], $0xffff;
	v8 =	vor.u32 $0xD, v1  }
0x46e: {  	v11 =	vld.idx.msk [tilespmem:v9+s11+$0x0], $0xffff  }
0x46f: {  	v2 =	vadd.f32 v3, v2;
	v3 =	vmul.f32 v4, v12;
	v4 =	vld.idx.msk [tilespmem:v9+s12+$0x0], $0xffff;
	v9 =	vor.u32 $0xE, v1  }
0x470: {  	v12 =	vld.idx.msk [tilespmem:v6+s11+$0x0], $0xffff  }
0x471: {  	v2 =	vadd.f32 v3, v2;
	v3 =	vmul.f32 v5, v13;
	v5 =	vld.idx.msk [tilespmem:v6+s12+$0x0], $0xffff;
	v6 =	vor.u32 $0xF, v1  }
0x472: {  	v13 =	vld.idx.msk [tilespmem:v8+s11+$0x0], $0xffff  }
0x473: {  	v2 =	vadd.f32 v3, v2;
	v3 =	vmul.f32 v7, v10;
	v7 =	vld.idx.msk [tilespmem:v8+s12+$0x0], $0xffff;
	v8 =	vor.u32 $0x10, v1  }
0x474: {  	v10 =	vld.idx.msk [tilespmem:v9+s11+$0x0], $0xffff  }
0x475: {  	v2 =	vadd.f32 v3, v2;
	v3 =	vmul.f32 v4, v11;
	v4 =	vld.idx.msk [tilespmem:v9+s12+$0x0], $0xffff;
	v9 =	vor.u32 $0x11, v1  }
0x476: {  	v11 =	vld.idx.msk [tilespmem:v6+s11+$0x0], $0xffff  }
0x477: {  	v2 =	vadd.f32 v3, v2;
	v3 =	vmul.f32 v5, v12;
	v5 =	vld.idx.msk [tilespmem:v6+s12+$0x0], $0xffff;
	v6 =	vor.u32 $0x12, v1  }
0x478: {  	v12 =	vld.idx.msk [tilespmem:v8+s11+$0x0], $0xffff  }
0x479: {  	v2 =	vadd.f32 v3, v2;
	v3 =	vmul.f32 v7, v13;
	v7 =	vld.idx.msk [tilespmem:v8+s12+$0x0], $0xffff;
	v8 =	vor.u32 $0x13, v1  }
0x47a: {  	v13 =	vld.idx.msk [tilespmem:v9+s11+$0x0], $0xffff  }
0x47b: {  	v2 =	vadd.f32 v3, v2;
	v3 =	vmul.f32 v4, v10;
	v4 =	vld.idx.msk [tilespmem:v9+s12+$0x0], $0xffff;
	v9 =	vor.u32 $0x14, v1  }
0x47c: {  	v10 =	vld.idx.msk [tilespmem:v6+s11+$0x0], $0xffff  }
0x47d: {  	v2 =	vadd.f32 v3, v2;
	v3 =	vmul.f32 v5, v11;
	v5 =	vld.idx.msk [tilespmem:v6+s12+$0x0], $0xffff;
	v6 =	vor.u32 $0x15, v1  }
0x47e: {  	v11 =	vld.idx.msk [tilespmem:v8+s11+$0x0], $0xffff  }
0x47f: {  	v2 =	vadd.f32 v3, v2;
	v3 =	vmul.f32 v7, v12;
	v7 =	vld.idx.msk [tilespmem:v8+s12+$0x0], $0xffff;
	v8 =	vor.u32 $0x16, v1  }
0x480: {  	v12 =	vld.idx.msk [tilespmem:v9+s11+$0x0], $0xffff  }
0x481: {  	v2 =	vadd.f32 v3, v2;
	v3 =	vmul.f32 v4, v13;
	v4 =	vld.idx.msk [tilespmem:v9+s12+$0x0], $0xffff;
	v9 =	vor.u32 $0x17, v1  }
0x482: {  	v13 =	vld.idx.msk [tilespmem:v6+s11+$0x0], $0xffff  }
0x483: {  	v2 =	vadd.f32 v3, v2;
	v3 =	vmul.f32 v5, v10;
	v5 =	vld.idx.msk [tilespmem:v6+s12+$0x0], $0xffff;
	v6 =	vor.u32 $0x18, v1  }
0x484: {  	v10 =	vld.idx.msk [tilespmem:v8+s11+$0x0], $0xffff  }
0x485: {  	v2 =	vadd.f32 v3, v2;
	v3 =	vmul.f32 v7, v11;
	v7 =	vld.idx.msk [tilespmem:v8+s12+$0x0], $0xffff;
	v8 =	vor.u32 $0x19, v1  }
0x486: {  	v11 =	vld.idx.msk [tilespmem:v9+s11+$0x0], $0xffff  }
0x487: {  	v2 =	vadd.f32 v3, v2;
	v3 =	vmul.f32 v4, v12;
	v4 =	vld.idx.msk [tilespmem:v9+s12+$0x0], $0xffff;
	v9 =	vor.u32 $0x1A, v1  }
0x488: {  	v12 =	vld.idx.msk [tilespmem:v6+s11+$0x0], $0xffff  }
0x489: {  	v2 =	vadd.f32 v3, v2;
	v3 =	vmul.f32 v5, v13;
	v5 =	vld.idx.msk [tilespmem:v6+s12+$0x0], $0xffff;
	v6 =	vor.u32 $0x1B, v1  }
0x48a: {  	v13 =	vld.idx.msk [tilespmem:v8+s11+$0x0], $0xffff  }
0x48b: {  	v2 =	vadd.f32 v3, v2;
	v3 =	vmul.f32 v7, v10;
	v7 =	vld.idx.msk [tilespmem:v8+s12+$0x0], $0xffff;
	v8 =	vor.u32 $0x1C, v1  }
0x48c: {  	v10 =	vld.idx.msk [tilespmem:v9+s11+$0x0], $0xffff  }
0x48d: {  	v2 =	vadd.f32 v3, v2;
	v3 =	vmul.f32 v4, v11;
	v4 =	vld.idx.msk [tilespmem:v9+s12+$0x0], $0xffff;
	v9 =	vor.u32 $0x1D, v1  }
0x48e: {  	v11 =	vld.idx.msk [tilespmem:v6+s11+$0x0], $0xffff  }
0x48f: {  	v2 =	vadd.f32 v3, v2;
	v3 =	vmul.f32 v5, v12;
	v5 =	vld.idx.msk [tilespmem:v6+s12+$0x0], $0xffff;
	v6 =	vor.u32 $0x1E, v1  }
0x490: {  	v12 =	vld.idx.msk [tilespmem:v8+s11+$0x0], $0xffff  }
0x491: {  	v2 =	vadd.f32 v3, v2;
	v3 =	vmul.f32 v7, v13;
	v7 =	vld.idx.msk [tilespmem:v8+s12+$0x0], $0xffff;
	v8 =	vor.u32 $0x1F, v1  }
0x492: {  	v13 =	vld.idx.msk [tilespmem:v9+s11+$0x0], $0xffff  }
0x493: {  	v2 =	vadd.f32 v3, v2;
	v3 =	vmul.f32 v4, v10;
	v4 =	vld.idx.msk [tilespmem:v9+s12+$0x0], $0xffff;
	v9 =	vor.u32 $0x20, v1  }
0x494: {  	v10 =	vld.idx.msk [tilespmem:v6+s11+$0x0], $0xffff  }
0x495: {  	v2 =	vadd.f32 v3, v2;
	v3 =	vmul.f32 v5, v11;
	v5 =	vld.idx.msk [tilespmem:v6+s12+$0x0], $0xffff;
	v6 =	vor.u32 $0x21, v1  }
0x496: {  	v11 =	vld.idx.msk [tilespmem:v8+s11+$0x0], $0xffff  }
0x497: {  	v2 =	vadd.f32 v3, v2;
	v3 =	vmul.f32 v7, v12;
	v7 =	vld.idx.msk [tilespmem:v8+s12+$0x0], $0xffff;
	v8 =	vor.u32 $0x22, v1  }
0x498: {  	v12 =	vld.idx.msk [tilespmem:v9+s11+$0x0], $0xffff  }
0x499: {  	v2 =	vadd.f32 v3, v2;
	v3 =	vmul.f32 v4, v13;
	v4 =	vld.idx.msk [tilespmem:v9+s12+$0x0], $0xffff;
	v9 =	vor.u32 $0x23, v1  }
0x49a: {  	v13 =	vld.idx.msk [tilespmem:v6+s11+$0x0], $0xffff  }
0x49b: {  	v2 =	vadd.f32 v3, v2;
	v3 =	vmul.f32 v5, v10;
	v5 =	vld.idx.msk [tilespmem:v6+s12+$0x0], $0xffff;
	v6 =	vor.u32 $0x24, v1  }
0x49c: {  	v10 =	vld.idx.msk [tilespmem:v8+s11+$0x0], $0xffff  }
0x49d: {  	v2 =	vadd.f32 v3, v2;
	v3 =	vmul.f32 v7, v11;
	v7 =	vld.idx.msk [tilespmem:v8+s12+$0x0], $0xffff;
	v8 =	vor.u32 $0x25, v1  }
0x49e: {  	v11 =	vld.idx.msk [tilespmem:v9+s11+$0x0], $0xffff  }
0x49f: {  	v2 =	vadd.f32 v3, v2;
	v3 =	vmul.f32 v4, v12;
	v4 =	vld.idx.msk [tilespmem:v9+s12+$0x0], $0xffff;
	v9 =	vor.u32 $0x26, v1  }
0x4a0: {  	v12 =	vld.idx.msk [tilespmem:v6+s11+$0x0], $0xffff  }
0x4a1: {  	v2 =	vadd.f32 v3, v2;
	v3 =	vmul.f32 v5, v13;
	v5 =	vld.idx.msk [tilespmem:v6+s12+$0x0], $0xffff;
	v6 =	vor.u32 $0x27, v1  }
0x4a2: {  	v13 =	vld.idx.msk [tilespmem:v8+s11+$0x0], $0xffff  }
0x4a3: {  	v2 =	vadd.f32 v3, v2;
	v3 =	vmul.f32 v7, v10;
	v7 =	vld.idx.msk [tilespmem:v8+s12+$0x0], $0xffff;
	v8 =	vor.u32 $0x28, v1  }
0x4a4: {  	v10 =	vld.idx.msk [tilespmem:v9+s11+$0x0], $0xffff  }
0x4a5: {  	v2 =	vadd.f32 v3, v2;
	v3 =	vmul.f32 v4, v11;
	v4 =	vld.idx.msk [tilespmem:v9+s12+$0x0], $0xffff;
	v9 =	vor.u32 $0x29, v1  }
0x4a6: {  	v11 =	vld.idx.msk [tilespmem:v6+s11+$0x0], $0xffff  }
0x4a7: {  	v2 =	vadd.f32 v3, v2;
	v3 =	vmul.f32 v5, v12;
	v5 =	vld.idx.msk [tilespmem:v6+s12+$0x0], $0xffff;
	v6 =	vor.u32 $0x2A, v1  }
0x4a8: {  	v12 =	vld.idx.msk [tilespmem:v8+s11+$0x0], $0xffff  }
0x4a9: {  	v2 =	vadd.f32 v3, v2;
	v3 =	vmul.f32 v7, v13;
	v7 =	vld.idx.msk [tilespmem:v8+s12+$0x0], $0xffff;
	v8 =	vor.u32 $0x2B, v1  }
0x4aa: {  	v13 =	vld.idx.msk [tilespmem:v9+s11+$0x0], $0xffff  }
0x4ab: {  	v2 =	vadd.f32 v3, v2;
	v3 =	vmul.f32 v4, v10;
	v4 =	vld.idx.msk [tilespmem:v9+s12+$0x0], $0xffff;
	v9 =	vor.u32 $0x2C, v1  }
0x4ac: {  	v10 =	vld.idx.msk [tilespmem:v6+s11+$0x0], $0xffff  }
0x4ad: {  	v2 =	vadd.f32 v3, v2;
	v3 =	vmul.f32 v5, v11;
	v5 =	vld.idx.msk [tilespmem:v6+s12+$0x0], $0xffff;
	v6 =	vor.u32 $0x2D, v1  }
0x4ae: {  	v11 =	vld.idx.msk [tilespmem:v8+s11+$0x0], $0xffff  }
0x4af: {  	v2 =	vadd.f32 v3, v2;
	v3 =	vmul.f32 v7, v12;
	v7 =	vld.idx.msk [tilespmem:v8+s12+$0x0], $0xffff;
	v8 =	vor.u32 $0x2E, v1  }
0x4b0: {  	v12 =	vld.idx.msk [tilespmem:v9+s11+$0x0], $0xffff  }
0x4b1: {  	v2 =	vadd.f32 v3, v2;
	v3 =	vmul.f32 v4, v13;
	v4 =	vld.idx.msk [tilespmem:v9+s12+$0x0], $0xffff;
	v9 =	vor.u32 $0x2F, v1  }
0x4b2: {  	v13 =	vld.idx.msk [tilespmem:v6+s11+$0x0], $0xffff  }
0x4b3: {  	v2 =	vadd.f32 v3, v2;
	v3 =	vmul.f32 v5, v10;
	v5 =	vld.idx.msk [tilespmem:v6+s12+$0x0], $0xffff;
	v6 =	vor.u32 $0x30, v1  }
0x4b4: {  	v10 =	vld.idx.msk [tilespmem:v8+s11+$0x0], $0xffff  }
0x4b5: {  	v2 =	vadd.f32 v3, v2;
	v3 =	vmul.f32 v7, v11;
	v7 =	vld.idx.msk [tilespmem:v8+s12+$0x0], $0xffff;
	v8 =	vor.u32 $0x31, v1  }
0x4b6: {  	v11 =	vld.idx.msk [tilespmem:v9+s11+$0x0], $0xffff  }
0x4b7: {  	v2 =	vadd.f32 v3, v2;
	v3 =	vmul.f32 v4, v12;
	v4 =	vld.idx.msk [tilespmem:v9+s12+$0x0], $0xffff;
	v9 =	vor.u32 $0x32, v1  }
0x4b8: {  	v12 =	vld.idx.msk [tilespmem:v6+s11+$0x0], $0xffff  }
0x4b9: {  	v2 =	vadd.f32 v3, v2;
	v3 =	vmul.f32 v5, v13;
	v5 =	vld.idx.msk [tilespmem:v6+s12+$0x0], $0xffff;
	v6 =	vor.u32 $0x33, v1  }
0x4ba: {  	v13 =	vld.idx.msk [tilespmem:v8+s11+$0x0], $0xffff  }
0x4bb: {  	v2 =	vadd.f32 v3, v2;
	v3 =	vmul.f32 v7, v10;
	v7 =	vld.idx.msk [tilespmem:v8+s12+$0x0], $0xffff;
	v8 =	vor.u32 $0x34, v1  }
0x4bc: {  	v10 =	vld.idx.msk [tilespmem:v9+s11+$0x0], $0xffff  }
0x4bd: {  	v2 =	vadd.f32 v3, v2;
	v3 =	vmul.f32 v4, v11;
	v4 =	vld.idx.msk [tilespmem:v9+s12+$0x0], $0xffff;
	v9 =	vor.u32 $0x35, v1  }
0x4be: {  	v11 =	vld.idx.msk [tilespmem:v6+s11+$0x0], $0xffff  }
0x4bf: {  	v2 =	vadd.f32 v3, v2;
	v3 =	vmul.f32 v5, v12;
	v5 =	vld.idx.msk [tilespmem:v6+s12+$0x0], $0xffff;
	v6 =	vor.u32 $0x36, v1  }
0x4c0: {  	v12 =	vld.idx.msk [tilespmem:v8+s11+$0x0], $0xffff  }
0x4c1: {  	v2 =	vadd.f32 v3, v2;
	v3 =	vmul.f32 v7, v13;
	v7 =	vld.idx.msk [tilespmem:v8+s12+$0x0], $0xffff;
	v8 =	vor.u32 $0x37, v1  }
0x4c2: {  	v13 =	vld.idx.msk [tilespmem:v9+s11+$0x0], $0xffff  }
0x4c3: {  	v2 =	vadd.f32 v3, v2;
	v3 =	vmul.f32 v4, v10;
	v4 =	vld.idx.msk [tilespmem:v9+s12+$0x0], $0xffff;
	v9 =	vor.u32 $0x38, v1  }
0x4c4: {  	v10 =	vld.idx.msk [tilespmem:v6+s11+$0x0], $0xffff  }
0x4c5: {  	v2 =	vadd.f32 v3, v2;
	v3 =	vmul.f32 v5, v11;
	v5 =	vld.idx.msk [tilespmem:v6+s12+$0x0], $0xffff;
	v6 =	vor.u32 $0x39, v1  }
0x4c6: {  	v11 =	vld.idx.msk [tilespmem:v8+s11+$0x0], $0xffff  }
0x4c7: {  	v2 =	vadd.f32 v3, v2;
	v3 =	vmul.f32 v7, v12;
	v7 =	vld.idx.msk [tilespmem:v8+s12+$0x0], $0xffff;
	v8 =	vor.u32 $0x3A, v1  }
0x4c8: {  	v12 =	vld.idx.msk [tilespmem:v9+s11+$0x0], $0xffff  }
0x4c9: {  	v2 =	vadd.f32 v3, v2;
	v3 =	vmul.f32 v4, v13;
	v4 =	vld.idx.msk [tilespmem:v9+s12+$0x0], $0xffff;
	v9 =	vor.u32 $0x3B, v1  }
0x4ca: {  	v13 =	vld.idx.msk [tilespmem:v6+s11+$0x0], $0xffff  }
0x4cb: {  	v2 =	vadd.f32 v3, v2;
	v3 =	vmul.f32 v5, v10;
	v5 =	vld.idx.msk [tilespmem:v6+s12+$0x0], $0xffff;
	v6 =	vor.u32 $0x3C, v1  }
0x4cc: {  	v10 =	vld.idx.msk [tilespmem:v8+s11+$0x0], $0xffff  }
0x4cd: {  	v2 =	vadd.f32 v3, v2;
	v3 =	vmul.f32 v7, v11;
	v7 =	vld.idx.msk [tilespmem:v8+s12+$0x0], $0xffff;
	v8 =	vor.u32 $0x3D, v1  }
0x4ce: {  	v11 =	vld.idx.msk [tilespmem:v9+s11+$0x0], $0xffff  }
0x4cf: {  	v2 =	vadd.f32 v3, v2;
	v3 =	vmul.f32 v4, v12;
	v4 =	vld.idx.msk [tilespmem:v9+s12+$0x0], $0xffff;
	v9 =	vor.u32 $0x3E, v1  }
0x4d0: {  	v12 =	vld.idx.msk [tilespmem:v6+s11+$0x0], $0xffff  }
0x4d1: {  	v1 =	vor.u32 $0x3F, v1;
	v2 =	vadd.f32 v3, v2;
	v3 =	vmul.f32 v5, v13;
	v5 =	vld.idx.msk [tilespmem:v6+s12+$0x0], $0xffff  }
0x4d2: {  	v6 =	vld.idx.msk [tilespmem:v8+s11+$0x0], $0xffff  }
0x4d3: {  	v2 =	vadd.f32 v3, v2;
	v3 =	vmul.f32 v7, v10;
	v7 =	vld.idx.msk [tilespmem:v8+s12+$0x0], $0xffff  }
0x4d4: {  	v8 =	vld.idx.msk [tilespmem:v9+s11+$0x0], $0xffff  }
0x4d5: {  	v3 =	vadd.f32 v3, v2;
	v4 =	vmul.f32 v4, v11;
	v9 =	vld.idx.msk [tilespmem:v9+s12+$0x0], $0xffff  }
0x4d6: {  	v2 =	vld.idx.msk [tilespmem:v1+s11+$0x0], $0xffff  }
0x4d7: {  	v4 =	vadd.f32 v4, v3;
	v5 =	vmul.f32 v5, v12;
	v3 =	vld.idx.msk [tilespmem:v1+s12+$0x0], $0xffff  }
.Ltmp5:
0x4d8: {  	(pc) =	sbr.rel @p0 .LBB2_12-.Ltmp5, $3  }
0x4d9: {  	v1 =	vadd.f32 v5, v4;
	v4 =	vmul.f32 v7, v6;
	_ =	sdelay $0x1  }
0x4da: {  	v6 =	vmov s17;
	v4 =	vadd.f32 v4, v1;
	v5 =	vmul.f32 v9, v8  }
0x4db: {  	s17 =	sadd.s32 $0x10, s17;
	v1 =	vshll.u32 v6, $0x7  }
0x4dc: {  	v1 =	vor.u32 v0, v1;
	v4 =	vadd.f32 v5, v4;
	v2 =	vmul.f32 v3, v2;
	_ =	sdelay $0x1  }
0x4dd: {  	v3 =	vor.u32 $0x1, v1;
	v2 =	vadd.f32 v2, v4  }
0x4de: {  	s0 =	sand.u32 $0xF0, s16  }
0x4df: {  	v31 =	vor.u32 $0x2, v1;
	[tilespmem:s0+$0x10500] =	vst v2  }
0x4e0: {  	v2 =	vld.idx.msk [tilespmem:v1+s12+$0x0], $0xffff  }
0x4e1: {  	v6 =	vor.u32 $0x3, v1;
	v32 =	vld.idx.msk [tilespmem:v1+s11+$0x0], $0xffff  }
0x4e2: {  	v7 =	vld.idx.msk [tilespmem:v3+s11+$0x0], $0xffff  }
0x4e3: {  	v8 =	vor.u32 $0x4, v1;
	v3 =	vld.idx.msk [tilespmem:v3+s12+$0x0], $0xffff  }
0x4e4: {  	v9 =	vld.idx.msk [tilespmem:v31+s11+$0x0], $0xffff  }
0x4e5: {  	v10 =	vor.u32 $0x5, v1;
	v4 =	vld.idx.msk [tilespmem:v31+s12+$0x0], $0xffff  }
0x4e6: {  	v11 =	vld.idx.msk [tilespmem:v6+s11+$0x0], $0xffff;
	v2 =	vmul.f32 v2, v32  }
0x4e7: {  	v34 =	vor.u32 $0x6, v1;
	v33 =	vld.idx.msk [tilespmem:v6+s12+$0x0], $0xffff  }
0x4e8: {  	v12 =	vld.idx.msk [tilespmem:v8+s11+$0x0], $0xffff;
	v3 =	vmul.f32 v3, v7;
	v2 =	vadd.f32 $0.0e+00, v2  }
0x4e9: {  	v36 =	vor.u32 $0x7, v1;
	v35 =	vld.idx.msk [tilespmem:v8+s12+$0x0], $0xffff  }
0x4ea: {  	v13 =	vld.idx.msk [tilespmem:v10+s11+$0x0], $0xffff;
	v2 =	vadd.f32 v3, v2;
	v3 =	vmul.f32 v4, v9  }
0x4eb: {  	v38 =	vor.u32 $0x8, v1;
	v37 =	vld.idx.msk [tilespmem:v10+s12+$0x0], $0xffff  }
0x4ec: {  	v39 =	vld.idx.msk [tilespmem:v34+s11+$0x0], $0xffff;
	v2 =	vadd.f32 v3, v2;
	v3 =	vmul.f32 v33, v11  }
0x4ed: {  	v41 =	vor.u32 $0x9, v1;
	v40 =	vld.idx.msk [tilespmem:v34+s12+$0x0], $0xffff  }
0x4ee: {  	v42 =	vld.idx.msk [tilespmem:v36+s11+$0x0], $0xffff;
	v2 =	vadd.f32 v3, v2;
	v3 =	vmul.f32 v35, v12  }
0x4ef: {  	v44 =	vor.u32 $0xA, v1;
	v43 =	vld.idx.msk [tilespmem:v36+s12+$0x0], $0xffff  }
0x4f0: {  	v45 =	vld.idx.msk [tilespmem:v38+s11+$0x0], $0xffff;
	v2 =	vadd.f32 v3, v2;
	v3 =	vmul.f32 v37, v13  }
0x4f1: {  	v47 =	vor.u32 $0xB, v1;
	v46 =	vld.idx.msk [tilespmem:v38+s12+$0x0], $0xffff  }
0x4f2: {  	v48 =	vld.idx.msk [tilespmem:v41+s11+$0x0], $0xffff;
	v2 =	vadd.f32 v3, v2;
	v3 =	vmul.f32 v40, v39  }
0x4f3: {  	v50 =	vor.u32 $0xC, v1;
	v49 =	vld.idx.msk [tilespmem:v41+s12+$0x0], $0xffff  }
0x4f4: {  	v51 =	vld.idx.msk [tilespmem:v44+s11+$0x0], $0xffff;
	v2 =	vadd.f32 v3, v2;
	v3 =	vmul.f32 v43, v42  }
0x4f5: {  	v53 =	vor.u32 $0xD, v1;
	v52 =	vld.idx.msk [tilespmem:v44+s12+$0x0], $0xffff  }
0x4f6: {  	v54 =	vld.idx.msk [tilespmem:v47+s11+$0x0], $0xffff;
	v2 =	vadd.f32 v3, v2;
	v3 =	vmul.f32 v46, v45  }
0x4f7: {  	v56 =	vor.u32 $0xE, v1;
	v55 =	vld.idx.msk [tilespmem:v47+s12+$0x0], $0xffff  }
0x4f8: {  	v57 =	vld.idx.msk [tilespmem:v50+s11+$0x0], $0xffff;
	v2 =	vadd.f32 v3, v2;
	v3 =	vmul.f32 v49, v48  }
0x4f9: {  	v59 =	vor.u32 $0xF, v1;
	v58 =	vld.idx.msk [tilespmem:v50+s12+$0x0], $0xffff  }
0x4fa: {  	v60 =	vld.idx.msk [tilespmem:v53+s11+$0x0], $0xffff;
	v2 =	vadd.f32 v3, v2;
	v3 =	vmul.f32 v52, v51  }
0x4fb: {  	v62 =	vor.u32 $0x10, v1;
	v61 =	vld.idx.msk [tilespmem:v53+s12+$0x0], $0xffff  }
0x4fc: {  	v63 =	vld.idx.msk [tilespmem:v56+s11+$0x0], $0xffff;
	v2 =	vadd.f32 v3, v2;
	v3 =	vmul.f32 v55, v54  }
0x4fd: {  	v17 =	vor.u32 $0x11, v1;
	v16 =	vld.idx.msk [tilespmem:v56+s12+$0x0], $0xffff  }
0x4fe: {  	v18 =	vld.idx.msk [tilespmem:v59+s11+$0x0], $0xffff;
	v2 =	vadd.f32 v3, v2;
	v3 =	vmul.f32 v58, v57  }
0x4ff: {  	v20 =	vor.u32 $0x12, v1;
	v19 =	vld.idx.msk [tilespmem:v59+s12+$0x0], $0xffff  }
0x500: {  	v21 =	vld.idx.msk [tilespmem:v62+s11+$0x0], $0xffff;
	v2 =	vadd.f32 v3, v2;
	v3 =	vmul.f32 v61, v60  }
0x501: {  	v23 =	vor.u32 $0x13, v1;
	v22 =	vld.idx.msk [tilespmem:v62+s12+$0x0], $0xffff  }
0x502: {  	v24 =	vld.idx.msk [tilespmem:v17+s11+$0x0], $0xffff;
	v2 =	vadd.f32 v3, v2;
	v3 =	vmul.f32 v16, v63  }
0x503: {  	v26 =	vor.u32 $0x14, v1;
	v25 =	vld.idx.msk [tilespmem:v17+s12+$0x0], $0xffff  }
0x504: {  	v27 =	vld.idx.msk [tilespmem:v20+s11+$0x0], $0xffff;
	v2 =	vadd.f32 v3, v2;
	v3 =	vmul.f32 v19, v18  }
0x505: {  	v29 =	vor.u32 $0x15, v1;
	v28 =	vld.idx.msk [tilespmem:v20+s12+$0x0], $0xffff  }
0x506: {  	v30 =	vld.idx.msk [tilespmem:v23+s11+$0x0], $0xffff;
	v2 =	vadd.f32 v3, v2;
	v3 =	vmul.f32 v22, v21  }
0x507: {  	v31 =	vld.idx.msk [tilespmem:v23+s12+$0x0], $0xffff;
	v32 =	vor.u32 $0x16, v1  }
0x508: {  	v34 =	vld.idx.msk [tilespmem:v26+s12+$0x0], $0xffff;
	v2 =	vadd.f32 v3, v2;
	v3 =	vmul.f32 v25, v24  }
0x509: {  	v33 =	vld.idx.msk [tilespmem:v26+s11+$0x0], $0xffff;
	v35 =	vor.u32 $0x17, v1  }
0x50a: {  	v36 =	vld.idx.msk [tilespmem:v29+s11+$0x0], $0xffff;
	v2 =	vadd.f32 v3, v2;
	v3 =	vmul.f32 v28, v27  }
0x50b: {  	v38 =	vor.u32 $0x18, v1;
	v37 =	vld.idx.msk [tilespmem:v29+s12+$0x0], $0xffff  }
0x50c: {  	v39 =	vld.idx.msk [tilespmem:v32+s11+$0x0], $0xffff;
	v2 =	vadd.f32 v3, v2;
	v3 =	vmul.f32 v31, v30  }
0x50d: {  	v41 =	vor.u32 $0x19, v1;
	v40 =	vld.idx.msk [tilespmem:v32+s12+$0x0], $0xffff  }
0x50e: {  	v42 =	vld.idx.msk [tilespmem:v35+s11+$0x0], $0xffff;
	v2 =	vadd.f32 v3, v2;
	v3 =	vmul.f32 v34, v33  }
0x50f: {  	v44 =	vor.u32 $0x1A, v1;
	v43 =	vld.idx.msk [tilespmem:v35+s12+$0x0], $0xffff  }
0x510: {  	v45 =	vld.idx.msk [tilespmem:v38+s11+$0x0], $0xffff;
	v2 =	vadd.f32 v3, v2;
	v3 =	vmul.f32 v37, v36  }
0x511: {  	v47 =	vor.u32 $0x1B, v1;
	v46 =	vld.idx.msk [tilespmem:v38+s12+$0x0], $0xffff  }
0x512: {  	v48 =	vld.idx.msk [tilespmem:v41+s11+$0x0], $0xffff;
	v2 =	vadd.f32 v3, v2;
	v3 =	vmul.f32 v40, v39  }
0x513: {  	v50 =	vor.u32 $0x1C, v1;
	v49 =	vld.idx.msk [tilespmem:v41+s12+$0x0], $0xffff  }
0x514: {  	v51 =	vld.idx.msk [tilespmem:v44+s11+$0x0], $0xffff;
	v2 =	vadd.f32 v3, v2;
	v3 =	vmul.f32 v43, v42  }
0x515: {  	v53 =	vor.u32 $0x1D, v1;
	v52 =	vld.idx.msk [tilespmem:v44+s12+$0x0], $0xffff  }
0x516: {  	v54 =	vld.idx.msk [tilespmem:v47+s11+$0x0], $0xffff;
	v2 =	vadd.f32 v3, v2;
	v3 =	vmul.f32 v46, v45  }
0x517: {  	v56 =	vor.u32 $0x1E, v1;
	v55 =	vld.idx.msk [tilespmem:v47+s12+$0x0], $0xffff  }
0x518: {  	v57 =	vld.idx.msk [tilespmem:v50+s11+$0x0], $0xffff;
	v2 =	vadd.f32 v3, v2;
	v3 =	vmul.f32 v49, v48  }
0x519: {  	v59 =	vor.u32 $0x1F, v1;
	v58 =	vld.idx.msk [tilespmem:v50+s12+$0x0], $0xffff  }
0x51a: {  	v60 =	vld.idx.msk [tilespmem:v53+s11+$0x0], $0xffff;
	v2 =	vadd.f32 v3, v2;
	v3 =	vmul.f32 v52, v51  }
0x51b: {  	v62 =	vor.u32 $0x20, v1;
	v61 =	vld.idx.msk [tilespmem:v53+s12+$0x0], $0xffff  }
0x51c: {  	v63 =	vld.idx.msk [tilespmem:v56+s11+$0x0], $0xffff;
	v2 =	vadd.f32 v3, v2;
	v3 =	vmul.f32 v55, v54  }
0x51d: {  	v17 =	vor.u32 $0x21, v1;
	v16 =	vld.idx.msk [tilespmem:v56+s12+$0x0], $0xffff  }
0x51e: {  	v18 =	vld.idx.msk [tilespmem:v59+s11+$0x0], $0xffff;
	v2 =	vadd.f32 v3, v2;
	v3 =	vmul.f32 v58, v57  }
0x51f: {  	v20 =	vor.u32 $0x22, v1;
	v19 =	vld.idx.msk [tilespmem:v59+s12+$0x0], $0xffff  }
0x520: {  	v21 =	vld.idx.msk [tilespmem:v62+s11+$0x0], $0xffff;
	v2 =	vadd.f32 v3, v2;
	v3 =	vmul.f32 v61, v60  }
0x521: {  	v23 =	vor.u32 $0x23, v1;
	v22 =	vld.idx.msk [tilespmem:v62+s12+$0x0], $0xffff  }
0x522: {  	v24 =	vld.idx.msk [tilespmem:v17+s11+$0x0], $0xffff;
	v2 =	vadd.f32 v3, v2;
	v3 =	vmul.f32 v16, v63  }
0x523: {  	v26 =	vor.u32 $0x24, v1;
	v25 =	vld.idx.msk [tilespmem:v17+s12+$0x0], $0xffff  }
0x524: {  	v27 =	vld.idx.msk [tilespmem:v20+s11+$0x0], $0xffff;
	v2 =	vadd.f32 v3, v2;
	v3 =	vmul.f32 v19, v18  }
0x525: {  	v29 =	vor.u32 $0x25, v1;
	v28 =	vld.idx.msk [tilespmem:v20+s12+$0x0], $0xffff  }
0x526: {  	v30 =	vld.idx.msk [tilespmem:v23+s11+$0x0], $0xffff;
	v2 =	vadd.f32 v3, v2;
	v3 =	vmul.f32 v22, v21  }
0x527: {  	v32 =	vor.u32 $0x26, v1;
	v31 =	vld.idx.msk [tilespmem:v23+s12+$0x0], $0xffff  }
0x528: {  	v33 =	vld.idx.msk [tilespmem:v26+s11+$0x0], $0xffff;
	v2 =	vadd.f32 v3, v2;
	v3 =	vmul.f32 v25, v24  }
0x529: {  	v35 =	vor.u32 $0x27, v1;
	v34 =	vld.idx.msk [tilespmem:v26+s12+$0x0], $0xffff  }
0x52a: {  	v36 =	vld.idx.msk [tilespmem:v29+s11+$0x0], $0xffff;
	v2 =	vadd.f32 v3, v2;
	v3 =	vmul.f32 v28, v27  }
0x52b: {  	v38 =	vor.u32 $0x28, v1;
	v37 =	vld.idx.msk [tilespmem:v29+s12+$0x0], $0xffff  }
0x52c: {  	v39 =	vld.idx.msk [tilespmem:v32+s11+$0x0], $0xffff;
	v2 =	vadd.f32 v3, v2;
	v3 =	vmul.f32 v31, v30  }
0x52d: {  	v41 =	vor.u32 $0x29, v1;
	v40 =	vld.idx.msk [tilespmem:v32+s12+$0x0], $0xffff  }
0x52e: {  	v42 =	vld.idx.msk [tilespmem:v35+s11+$0x0], $0xffff;
	v2 =	vadd.f32 v3, v2;
	v3 =	vmul.f32 v34, v33  }
0x52f: {  	v44 =	vor.u32 $0x2A, v1;
	v43 =	vld.idx.msk [tilespmem:v35+s12+$0x0], $0xffff  }
0x530: {  	v45 =	vld.idx.msk [tilespmem:v38+s11+$0x0], $0xffff;
	v2 =	vadd.f32 v3, v2;
	v3 =	vmul.f32 v37, v36  }
0x531: {  	v47 =	vor.u32 $0x2B, v1;
	v46 =	vld.idx.msk [tilespmem:v38+s12+$0x0], $0xffff  }
0x532: {  	v48 =	vld.idx.msk [tilespmem:v41+s11+$0x0], $0xffff;
	v2 =	vadd.f32 v3, v2;
	v3 =	vmul.f32 v40, v39  }
0x533: {  	v50 =	vor.u32 $0x2C, v1;
	v49 =	vld.idx.msk [tilespmem:v41+s12+$0x0], $0xffff  }
0x534: {  	v51 =	vld.idx.msk [tilespmem:v44+s11+$0x0], $0xffff;
	v2 =	vadd.f32 v3, v2;
	v3 =	vmul.f32 v43, v42  }
0x535: {  	v53 =	vor.u32 $0x2D, v1;
	v52 =	vld.idx.msk [tilespmem:v44+s12+$0x0], $0xffff  }
0x536: {  	v54 =	vld.idx.msk [tilespmem:v47+s11+$0x0], $0xffff;
	v2 =	vadd.f32 v3, v2;
	v3 =	vmul.f32 v46, v45  }
0x537: {  	v56 =	vor.u32 $0x2E, v1;
	v55 =	vld.idx.msk [tilespmem:v47+s12+$0x0], $0xffff  }
0x538: {  	v57 =	vld.idx.msk [tilespmem:v50+s11+$0x0], $0xffff;
	v2 =	vadd.f32 v3, v2;
	v3 =	vmul.f32 v49, v48  }
0x539: {  	v59 =	vor.u32 $0x2F, v1;
	v58 =	vld.idx.msk [tilespmem:v50+s12+$0x0], $0xffff  }
0x53a: {  	v60 =	vld.idx.msk [tilespmem:v53+s11+$0x0], $0xffff;
	v2 =	vadd.f32 v3, v2;
	v3 =	vmul.f32 v52, v51  }
0x53b: {  	v62 =	vor.u32 $0x30, v1;
	v61 =	vld.idx.msk [tilespmem:v53+s12+$0x0], $0xffff  }
0x53c: {  	v63 =	vld.idx.msk [tilespmem:v56+s11+$0x0], $0xffff;
	v2 =	vadd.f32 v3, v2;
	v3 =	vmul.f32 v55, v54  }
0x53d: {  	v17 =	vor.u32 $0x31, v1;
	v16 =	vld.idx.msk [tilespmem:v56+s12+$0x0], $0xffff  }
0x53e: {  	v18 =	vld.idx.msk [tilespmem:v59+s11+$0x0], $0xffff;
	v2 =	vadd.f32 v3, v2;
	v3 =	vmul.f32 v58, v57  }
0x53f: {  	v20 =	vor.u32 $0x32, v1;
	v19 =	vld.idx.msk [tilespmem:v59+s12+$0x0], $0xffff  }
0x540: {  	v21 =	vld.idx.msk [tilespmem:v62+s11+$0x0], $0xffff;
	v2 =	vadd.f32 v3, v2;
	v3 =	vmul.f32 v61, v60  }
0x541: {  	v23 =	vor.u32 $0x33, v1;
	v22 =	vld.idx.msk [tilespmem:v62+s12+$0x0], $0xffff  }
0x542: {  	v24 =	vld.idx.msk [tilespmem:v17+s11+$0x0], $0xffff;
	v2 =	vadd.f32 v3, v2;
	v3 =	vmul.f32 v16, v63  }
0x543: {  	v26 =	vor.u32 $0x34, v1;
	v25 =	vld.idx.msk [tilespmem:v17+s12+$0x0], $0xffff  }
0x544: {  	v27 =	vld.idx.msk [tilespmem:v20+s11+$0x0], $0xffff;
	v2 =	vadd.f32 v3, v2;
	v3 =	vmul.f32 v19, v18  }
0x545: {  	v29 =	vor.u32 $0x35, v1;
	v28 =	vld.idx.msk [tilespmem:v20+s12+$0x0], $0xffff  }
0x546: {  	v30 =	vld.idx.msk [tilespmem:v23+s11+$0x0], $0xffff;
	v2 =	vadd.f32 v3, v2;
	v3 =	vmul.f32 v22, v21  }
0x547: {  	v32 =	vor.u32 $0x36, v1;
	v31 =	vld.idx.msk [tilespmem:v23+s12+$0x0], $0xffff  }
0x548: {  	v33 =	vld.idx.msk [tilespmem:v26+s11+$0x0], $0xffff;
	v2 =	vadd.f32 v3, v2;
	v3 =	vmul.f32 v25, v24  }
0x549: {  	v35 =	vor.u32 $0x37, v1;
	v34 =	vld.idx.msk [tilespmem:v26+s12+$0x0], $0xffff  }
0x54a: {  	v36 =	vld.idx.msk [tilespmem:v29+s11+$0x0], $0xffff;
	v2 =	vadd.f32 v3, v2;
	v3 =	vmul.f32 v28, v27  }
0x54b: {  	v38 =	vor.u32 $0x38, v1;
	v37 =	vld.idx.msk [tilespmem:v29+s12+$0x0], $0xffff  }
0x54c: {  	v39 =	vld.idx.msk [tilespmem:v32+s11+$0x0], $0xffff;
	v2 =	vadd.f32 v3, v2;
	v3 =	vmul.f32 v31, v30  }
0x54d: {  	v41 =	vor.u32 $0x39, v1;
	v40 =	vld.idx.msk [tilespmem:v32+s12+$0x0], $0xffff  }
0x54e: {  	v42 =	vld.idx.msk [tilespmem:v35+s11+$0x0], $0xffff;
	v2 =	vadd.f32 v3, v2;
	v3 =	vmul.f32 v34, v33  }
0x54f: {  	v44 =	vor.u32 $0x3A, v1;
	v43 =	vld.idx.msk [tilespmem:v35+s12+$0x0], $0xffff  }
0x550: {  	v45 =	vld.idx.msk [tilespmem:v38+s11+$0x0], $0xffff;
	v2 =	vadd.f32 v3, v2;
	v3 =	vmul.f32 v37, v36  }
0x551: {  	v47 =	vor.u32 $0x3B, v1;
	v46 =	vld.idx.msk [tilespmem:v38+s12+$0x0], $0xffff  }
0x552: {  	v48 =	vld.idx.msk [tilespmem:v41+s11+$0x0], $0xffff;
	v2 =	vadd.f32 v3, v2;
	v3 =	vmul.f32 v40, v39  }
0x553: {  	v50 =	vor.u32 $0x3C, v1;
	v49 =	vld.idx.msk [tilespmem:v41+s12+$0x0], $0xffff  }
0x554: {  	v51 =	vld.idx.msk [tilespmem:v44+s11+$0x0], $0xffff;
	v2 =	vadd.f32 v3, v2;
	v3 =	vmul.f32 v43, v42  }
0x555: {  	v53 =	vor.u32 $0x3D, v1;
	v52 =	vld.idx.msk [tilespmem:v44+s12+$0x0], $0xffff  }
0x556: {  	v54 =	vld.idx.msk [tilespmem:v47+s11+$0x0], $0xffff;
	v2 =	vadd.f32 v3, v2;
	v3 =	vmul.f32 v46, v45  }
0x557: {  	v56 =	vor.u32 $0x3E, v1;
	v55 =	vld.idx.msk [tilespmem:v47+s12+$0x0], $0xffff  }
0x558: {  	v57 =	vld.idx.msk [tilespmem:v50+s11+$0x0], $0xffff;
	v2 =	vadd.f32 v3, v2;
	v3 =	vmul.f32 v49, v48  }
0x559: {  	v1 =	vor.u32 $0x3F, v1;
	v58 =	vld.idx.msk [tilespmem:v50+s12+$0x0], $0xffff  }
0x55a: {  	v59 =	vld.idx.msk [tilespmem:v53+s11+$0x0], $0xffff;
	v2 =	vadd.f32 v3, v2;
	v3 =	vmul.f32 v52, v51  }
0x55b: {  	v60 =	vld.idx.msk [tilespmem:v53+s12+$0x0], $0xffff  }
0x55c: {  	v62 =	vld.idx.msk [tilespmem:v56+s12+$0x0], $0xffff;
	v2 =	vadd.f32 v3, v2;
	v3 =	vmul.f32 v55, v54  }
0x55d: {  	v61 =	vld.idx.msk [tilespmem:v56+s11+$0x0], $0xffff  }
0x55e: {  	v63 =	vld.idx.msk [tilespmem:v1+s11+$0x0], $0xffff;
	v2 =	vadd.f32 v3, v2;
	v3 =	vmul.f32 v58, v57  }
0x55f: {  	v1 =	vld.idx.msk [tilespmem:v1+s12+$0x0], $0xffff  }
0x560: {  	v2 =	vadd.f32 v3, v2;
	v3 =	vmul.f32 v60, v59;
	_ =	sdelay $0x1  }
0x561: {  	v2 =	vadd.f32 v3, v2;
	v3 =	vmul.f32 v62, v61;
	_ =	sdelay $0x1  }
0x562: {  	v1 =	vmul.f32 v1, v63;
	v2 =	vadd.f32 v3, v2;
	_ =	sdelay $0x1  }
0x563: {  	v1 =	vadd.f32 v1, v2  }
0x564: {  	s28 =	sand.u32 $0xF0, s15  }
0x565: {  	s29 =	rddreg [dreg:$0x1b];
	s1 =	simm.s32 $0x10400;
	[tilespmem:s28+$0x10500] =	vst v1  }
0x566: {  	[hbm4b:s29+s10] =	stream.linear.scatter [tilespmem:s1], [sflag:$0x2], $0x200, $0x38;
	[tilespmem:$0x10600] =	vst v63  }
0x567: {  	_ =	swait.ge [sflag:s2], $0x200  }
0x568: {  	s30 =	rddreg [dreg:$0x1d]  }
0x569: {  	s31 =	rddreg [dreg:$0x1c];
	s1 =	sadd.s32 $0x1, s30  }
0x56a: {  	p0 =	sne.s32 s1, s31  }
.Ltmp6:
0x56b: {  	_ = 	snop;
	(pc) =	sbr.rel @p0 .LBB2_1-.Ltmp6, $3  }
0x56c: {  	_ =	sdelay $0x1  }
0x56d: {  	[sflag:s2] =	ssyncset.done $0x0  }
0x56e: {  	[sflag:s2] =	ssyncadd.s32 $0xFFFFFE00  }
0x56f: {  	_ =	sfence.sel $0x180000  }
0x570: {  	[bflag:$0x0] =	sbarrier.arrive $0xFFFF  }
0x571: {  	_ =	strace $0x90000047  }
0x572: {  	s0 =	stileid.u32;
	[bflag:$0x2] =	sbarrier.arrive $0xFFFF  }
0x573: {  	p0 =	sne.s32 s0, $0x0;
	s0 =	rddreg [dreg:$0x4]  }
0x574: {  	s0 =	sadd.s32 @!p0 $0x100000, s0  }
0x575: {  	[sflag:s0] =	ssyncadd.tile.s32 @!p0 $0x1;
	_ =	shalt  }
.Lfunc_end2:
_tile_overlayer_lowered:
.L_overlay_start_2:
0x576: {  	(tag) =	ssettag $0x2  }
0x577: {  	s0 =	rddreg [dreg:$0x0];
	s2 =	stileid.u32  }
0x578: {  	s1 =	rddreg [dreg:$0x1];
	p0 =	sne.s32 s2, $0x0  }
0x579: {  	s3 =	rddreg [dreg:$0x2];
	[bflag:$0x3] =	sbarrier.arrive $0xFFFF;
	s2 =	simm.s32 @!p0 $0x1C02  }
0x57a: {  	[timem:s3], [sflag:s2] =	dma.local @!p0 [hbm:s0], s1  }
0x57b: {  	s0 =	simm.s32 @!p0 $0x2  }
0x57c: {  	_ =	swait.ge @!p0 [sflag:s0], s1  }
0x57d: {  	s1 =	ssub.s32 @!p0 $0x0, s1;
	[sflag:s0] =	ssyncset.done @!p0 $0x0  }
0x57e: {  	[sflag:s0] =	ssyncadd.s32 @!p0 s1  }
0x57f: {  	[bflag:$0x3] =	sbarrier.arrive $0xFFFF  }
0x580: {  	_ =	shalt  }

</sc_bundles>
